<compile_context>
chip_gen: v7x
topology: tpu7x:2x2x1
jax: 0.10.2.dev20260603
libtpu: 0.0.44.dev20260713+nightly
codegen_flags: <defaults>
</compile_context>

<pallas_src>
import functools

import jax
import jax.numpy as jnp
from jax import lax
from jax.experimental import pallas as pl
from jax.experimental.pallas import tpu as pltpu
from jax.experimental.pallas import tpu_sc as plsc

_N = 10000
_E = 320000
_G = 16
_D = 128
_DOUT = 64

_NC = 2
_NS = 16
_NW = _NC * _NS
_NP = 10240

_KC = 128
_NCH = 80
_EW = _NCH * _KC
_EPAD = _NW * _EW

_BLK = 1000
_NB = _N // _BLK
_POFF = 0


def _make_propagate(gather=True):
    rps = _NP // _NS
    zr = 80
    mesh = plsc.VectorSubcoreMesh(core_axis_name="c", subcore_axis_name="s")

    scratch = [
        pltpu.VMEM((_NCH, _KC), jnp.int32),
        pltpu.VMEM((_KC,), jnp.int32),
        pltpu.VMEM((_KC, _D), jnp.float32),
        pltpu.VMEM_SHARED((_NP, _D), jnp.float32),
        pltpu.SemaphoreType.DMA,
    ]
    if gather:
        scratch = ([pltpu.VMEM((_NCH, _KC), jnp.int32),
                    pltpu.VMEM((_KC,), jnp.int32)] + scratch)

    @functools.partial(
        pl.kernel, mesh=mesh,
        out_type=jax.ShapeDtypeStruct((2 * _NP, _D), jnp.float32),
        scratch_types=scratch,
    )
    def prop(*args):
        if gather:
            (src2, dst2, t_hbm, out, sidx, sbuf, didx, dbuf, r0, acc,
             sem) = args
        else:
            (dst2, out, didx, dbuf, r0, acc, sem) = args

        cid = lax.axis_index("c")
        sid = lax.axis_index("s")
        wid = cid * _NS + sid

        zvec = jnp.zeros((16,), jnp.float32)

        def zb_body(i, carry):
            for j in range(_D // 16):
                r0[i, pl.ds(j * 16, 16)] = zvec
            return carry

        lax.fori_loop(0, zr, zb_body, 0)
        row0 = sid * rps
        for j in range(rps // zr):
            pltpu.sync_copy(r0.at[pl.ds(0, zr)],
                            acc.at[pl.ds(row0 + j * zr, zr)])

        if gather:
            pltpu.sync_copy(src2.at[pl.ds(wid * _NCH, _NCH)], sidx)
        pltpu.sync_copy(dst2.at[pl.ds(wid * _NCH, _NCH)], didx)

        if not gather:
            ovec = jnp.ones((16,), jnp.float32)

            def ones_body(i, carry):
                for j in range(_D // 16):
                    r0[i, pl.ds(j * 16, 16)] = ovec
                return carry

            lax.fori_loop(0, _KC, ones_body, 0)

        plsc.subcore_barrier()

        def body(c, carry):
            if gather:
                for j in range(_KC // 16):
                    sbuf[pl.ds(j * 16, 16)] = sidx[c, pl.ds(j * 16, 16)]
                pltpu.async_copy(t_hbm.at[sbuf], r0, sem).wait()
            for j in range(_KC // 16):
                dbuf[pl.ds(j * 16, 16)] = didx[c, pl.ds(j * 16, 16)]
            pltpu.sync_copy(r0, acc.at[dbuf], add=True)
            return carry

        lax.fori_loop(0, _NCH, body, 0)

        plsc.subcore_barrier()

        pltpu.sync_copy(acc.at[pl.ds(row0, rps)],
                        out.at[pl.ds(cid * _NP + row0, rps)])

    return prop


_prop = _make_propagate(gather=True)
_degprop = _make_propagate(gather=False)


def _tca(p0d, p1d, x, w):

    def body(p0_ref, p1_ref, x_ref, w_ref, t_ref, dis_ref):
        deg = p0_ref[0, :, 0:1] + p1_ref[0, :, 0:1] + 1.0
        dis = lax.rsqrt(deg)
        h = jnp.dot(x_ref[...], w_ref[...], preferred_element_type=jnp.float32)
        t_ref[...] = h * dis
        dis_ref[...] = jnp.broadcast_to(dis, (dis_ref.shape[0], 8))

    return pl.pallas_call(
        body,
        grid=(_NB,),
        in_specs=[
            pl.BlockSpec((1, _BLK, _D), lambda i: (0, i, 0)),
            pl.BlockSpec((1, _BLK, _D), lambda i: (1, i, 0)),
            pl.BlockSpec((_BLK, _D), lambda i: (i, 0)),
            pl.BlockSpec((_D, _D), lambda i: (0, 0)),
        ],
        out_specs=[
            pl.BlockSpec((_BLK, _D), lambda i: (i, 0)),
            pl.BlockSpec((_BLK, 8), lambda i: (i, 0)),
        ],
        out_shape=[
            jax.ShapeDtypeStruct((_NP, _D), jnp.float32),
            jax.ShapeDtypeStruct((_N, 8), jnp.float32),
        ],
    )(p0d, p1d, x, w)


def _tcb(p0, p1, t, dis, b, w):

    def body(p0_ref, p1_ref, t_ref, dis_ref, b_ref, w_ref, out_ref):
        dis = dis_ref[:, 0:1]
        h = jnp.maximum((p0_ref[0] + p1_ref[0] + t_ref[...]) * dis
                        + b_ref[...], 0.0)
        out_ref[...] = jnp.dot(h, w_ref[...],
                               preferred_element_type=jnp.float32) * dis

    return pl.pallas_call(
        body,
        grid=(_NB,),
        in_specs=[
            pl.BlockSpec((1, _BLK, _D), lambda i: (0, i, 0)),
            pl.BlockSpec((1, _BLK, _D), lambda i: (1, i, 0)),
            pl.BlockSpec((_BLK, _D), lambda i: (i, 0)),
            pl.BlockSpec((_BLK, 8), lambda i: (i, 0)),
            pl.BlockSpec((1, _D), lambda i: (0, 0)),
            pl.BlockSpec((_D, _D), lambda i: (0, 0)),
        ],
        out_specs=pl.BlockSpec((_BLK, _D), lambda i: (i, 0)),
        out_shape=jax.ShapeDtypeStruct((_NP, _D), jnp.float32),
    )(p0, p1, t, dis, b, w)


def _tcc(p0, p1, t, dis, b, batch3, hlr, std, wf1a, w_hlr, w_std, bf1, wf2, bf2):

    def body(p0_ref, p1_ref, t_ref, dis_ref, b_ref, batch_ref, hlr_ref,
             std_ref, wf1_ref, whlr_ref, wstd_ref, bf1_ref, wf2_ref, bf2_ref,
             out_ref, s_acc, c_acc):
        i = pl.program_id(0)

        @pl.when(i == 0)
        def _():
            s_acc[...] = jnp.zeros_like(s_acc)
            c_acc[...] = jnp.zeros_like(c_acc)

        h = jnp.maximum((p0_ref[0] + p1_ref[0] + t_ref[...])
                        * dis_ref[:, 0:1] + b_ref[...], 0.0)
        bb = batch_ref[0, 0, :]
        iota = lax.broadcasted_iota(jnp.int32, (_BLK, _G), 1)
        oh = (bb[:, None] == iota).astype(jnp.float32)
        s_acc[...] += lax.dot_general(
            oh, h, dimension_numbers=(((0,), (0,)), ((), ())),
            preferred_element_type=jnp.float32)
        c_acc[...] += jnp.broadcast_to(jnp.sum(oh, axis=0)[:, None],
                                       (_G, _D))

        @pl.when(i == _NB - 1)
        def _():
            g = s_acc[...] / jnp.maximum(c_acc[...], 1.0)
            z = (jnp.dot(g, wf1_ref[...], preferred_element_type=jnp.float32)
                 + hlr_ref[...] * whlr_ref[...]
                 + std_ref[...] * wstd_ref[...] + bf1_ref[...])
            z = jnp.maximum(z, 0.0)
            out_ref[...] = (jnp.dot(z, wf2_ref[...],
                                    preferred_element_type=jnp.float32)
                            + bf2_ref[...])

    return pl.pallas_call(
        body,
        grid=(_NB,),
        in_specs=[
            pl.BlockSpec((1, _BLK, _D), lambda i: (0, i, 0)),
            pl.BlockSpec((1, _BLK, _D), lambda i: (1, i, 0)),
            pl.BlockSpec((_BLK, _D), lambda i: (i, 0)),
            pl.BlockSpec((_BLK, 8), lambda i: (i, 0)),
            pl.BlockSpec((1, _D), lambda i: (0, 0)),
            pl.BlockSpec((1, 1, _BLK), lambda i: (i, 0, 0)),
            pl.BlockSpec((_G, 1), lambda i: (0, 0)),
            pl.BlockSpec((_G, 1), lambda i: (0, 0)),
            pl.BlockSpec((_D, _D), lambda i: (0, 0)),
            pl.BlockSpec((1, _D), lambda i: (0, 0)),
            pl.BlockSpec((1, _D), lambda i: (0, 0)),
            pl.BlockSpec((1, _D), lambda i: (0, 0)),
            pl.BlockSpec((_D, _DOUT), lambda i: (0, 0)),
            pl.BlockSpec((1, _DOUT), lambda i: (0, 0)),
        ],
        out_specs=pl.BlockSpec((_G, _DOUT), lambda i: (0, 0)),
        out_shape=jax.ShapeDtypeStruct((_G, _DOUT), jnp.float32),
        scratch_shapes=[
            pltpu.VMEM((_G, _D), jnp.float32),
            pltpu.VMEM((_G, _D), jnp.float32),
        ],
    )(p0, p1, t, dis, b, batch3, hlr, std, wf1a, w_hlr, w_std, bf1, wf2, bf2)


def kernel(x, edge_index, batch, hlr, std, W1, b1, W2, b2, W3, b3,
           Wf1, bf1, Wf2, bf2):
    ppw = _EW - _E // _NW
    pad_src = jnp.broadcast_to(jnp.arange(ppw, dtype=jnp.int32)[None, :],
                               (_NW, ppw))
    pad_dst = jnp.full((_NW, ppw), _N, jnp.int32)
    src2 = jnp.concatenate(
        [edge_index[0].reshape(_NW, _E // _NW), pad_src],
        axis=1).reshape(_NW * _NCH, _KC)
    dst2 = jnp.concatenate(
        [edge_index[1].reshape(_NW, _E // _NW), pad_dst],
        axis=1).reshape(_NW * _NCH, _KC)

    pdeg = _degprop(dst2)

    pd = pdeg.reshape(2, _NP, _D)
    t1, dis = _tca(pd, pd, x, W1)

    p = _prop(src2, dst2, t1).reshape(2, _NP, _D)
    t2 = _tcb(p, p, t1, dis, b1.reshape(1, _D), W2)

    p = _prop(src2, dst2, t2).reshape(2, _NP, _D)
    t3 = _tcb(p, p, t2, dis, b2.reshape(1, _D), W3)

    p = _prop(src2, dst2, t3).reshape(2, _NP, _D)
    out = _tcc(p, p, t3, dis, b3.reshape(1, _D),
               batch.reshape(_NB, 1, _BLK), hlr, std,
               Wf1[:_D], Wf1[_D:_D + 1], Wf1[_D + 1:_D + 2],
               bf1.reshape(1, _D), Wf2, bf2.reshape(1, _DOUT))
    return out

# --- scband reference (transcript-rebuilt; emitter-appended) ---
"""Pipeline reference for scband-graph-nn-56581899158174 (READ-ONLY COPY).

The authoritative reference and input builder live on the scoring server;
editing this copy changes nothing except your own understanding.
"""

import jax, jax.numpy as jnp
import numpy as np

N_NODES = 10000
N_EDGES = 320000
N_GRAPHS = 16
D_IN = 128
D_HID = 128
D_OUT = 64


def setup_inputs(seed: int = 0) -> dict:
    key = jax.random.key(seed)
    ks = jax.random.split(key, 20)
    x = jax.random.normal(ks[0], (N_NODES, D_IN), dtype=jnp.float32)
    edge_index = jax.random.randint(ks[1], (2, N_EDGES), 0, N_NODES, dtype=jnp.int32)
    batch = jnp.sort(jax.random.randint(ks[2], (N_NODES,), 0, N_GRAPHS, dtype=jnp.int32))
    hlr = jax.random.normal(ks[3], (N_GRAPHS, 1), dtype=jnp.float32)
    std = jax.random.uniform(ks[4], (N_GRAPHS, 1), dtype=jnp.float32)
    # GCN layer weights (3 layers)
    W1 = jax.random.normal(ks[5], (D_IN, D_HID), dtype=jnp.float32) * 0.05
    b1 = jnp.zeros((D_HID,), dtype=jnp.float32)
    W2 = jax.random.normal(ks[6], (D_HID, D_HID), dtype=jnp.float32) * 0.05
    b2 = jnp.zeros((D_HID,), dtype=jnp.float32)
    W3 = jax.random.normal(ks[7], (D_HID, D_HID), dtype=jnp.float32) * 0.05
    b3 = jnp.zeros((D_HID,), dtype=jnp.float32)
    # FC layers: first takes hidden + 2 (hlr, std)
    Wf1 = jax.random.normal(ks[8], (D_HID + 2, D_HID), dtype=jnp.float32) * 0.05
    bf1 = jnp.zeros((D_HID,), dtype=jnp.float32)
    Wf2 = jax.random.normal(ks[9], (D_HID, D_OUT), dtype=jnp.float32) * 0.05
    bf2 = jnp.zeros((D_OUT,), dtype=jnp.float32)
    return {"x": x, "edge_index": edge_index, "batch": batch, "hlr": hlr, "std": std,
            "W1": W1, "b1": b1, "W2": W2, "b2": b2, "W3": W3, "b3": b3,
            "Wf1": Wf1, "bf1": bf1, "Wf2": Wf2, "bf2": bf2}


def _gcn_conv(x, edge_index, W, b):
    # Faithful GCNConv: add self loops, symmetric normalization, linear transform, scatter-add aggregation
    src = edge_index[0]
    dst = edge_index[1]
    loop = jnp.arange(N_NODES, dtype=src.dtype)
    src = jnp.concatenate([src, loop])
    dst = jnp.concatenate([dst, loop])
    deg = jnp.zeros((N_NODES,), dtype=x.dtype).at[dst].add(1.0)
    deg_inv_sqrt = jnp.where(deg > 0, 1.0 / jnp.sqrt(deg), 0.0)
    norm = deg_inv_sqrt[src] * deg_inv_sqrt[dst]
    h = x @ W
    msg = h[src] * norm[:, None]
    out = jnp.zeros((N_NODES, h.shape[1]), dtype=x.dtype).at[dst].add(msg)
    return out + b


def _global_mean_pool(h, batch):
    sums = jax.ops.segment_sum(h, batch, num_segments=N_GRAPHS)
    counts = jax.ops.segment_sum(jnp.ones((h.shape[0],), dtype=h.dtype), batch, num_segments=N_GRAPHS)
    return sums / jnp.maximum(counts, 1.0)[:, None]


def reference(x, edge_index, batch, hlr, std, W1, b1, W2, b2, W3, b3, Wf1, bf1, Wf2, bf2):
    h = jax.nn.relu(_gcn_conv(x, edge_index, W1, b1))
    h = jax.nn.relu(_gcn_conv(h, edge_index, W2, b2))
    h = jax.nn.relu(_gcn_conv(h, edge_index, W3, b3))
    g = _global_mean_pool(h, batch)
    g = jnp.concatenate([g, hlr, std], axis=1)
    g = jax.nn.relu(g @ Wf1 + bf1)
    out = g @ Wf2 + bf2
    return out

if __name__ == "__main__":
    import jax
    _d = setup_inputs()
    print(jax.jit(kernel)(*tuple(_d.values())))

</pallas_src>

<mosaic_0001>
#map = affine_map<(d0, d1) -> (0, 0)>
module attributes {stable_mosaic.version = 14 : i64} {
  func.func @prop(%arg0: i32, %arg1: i32, %arg2: memref<2560x128xi32, #tpu.memory_space<hbm>>, %arg3: memref<2560x128xi32, #tpu.memory_space<hbm>>, %arg4: memref<10240x128xf32, #tpu.memory_space<hbm>>, %arg5: memref<20480x128xf32, #tpu.memory_space<hbm>>, %arg6: memref<80x128xi32, #tpu.memory_space<vmem>>, %arg7: memref<128xi32, #tpu.memory_space<vmem>>, %arg8: memref<80x128xi32, #tpu.memory_space<vmem>>, %arg9: memref<128xi32, #tpu.memory_space<vmem>>, %arg10: memref<128x128xf32, #tpu.memory_space<vmem>>, %arg11: memref<10240x128xf32, #tpu.memory_space<vmem_shared>>, %arg12: memref<!tpu.dma_semaphore, #tpu.memory_space<semaphore_mem>>) attributes {dimension_semantics = [#tpu.dimension_semantics<core_parallel>, #tpu.dimension_semantics<subcore_parallel>], iteration_bounds = array<i64: 2, 16>, scalar_prefetch = 0 : i64, scratch_operands = 7 : i64, tpu.core_type = #tpu.core_type<sc_vector_subcore>, window_params = [{transform_indices = #map}, {transform_indices = #map}, {transform_indices = #map}, {transform_indices = #map}]} {
    %mul3A = arith.constant 16 : i32
    %mul3A_0 = arith.muli %arg0, %mul3A : i32
    %add3A = arith.addi %mul3A_0, %arg1 : i32
    %broadcast_in_dim3A = arith.constant 0.000000e+00 : f32
    %broadcast_in_dim3A_1 = vector.broadcast %broadcast_in_dim3A : f32 to vector<16xf32>
    %scan3A = arith.constant 0 : i32
    %scan3A_2 = arith.constant 0 : i32
    %scan3A_3 = arith.constant 80 : i32
    %scan3A_4 = arith.addi %scan3A_2, %scan3A_3 : i32
    %scan3A_5 = arith.constant 1 : i32
    scf.for %scan3A_39 = %scan3A_2 to %scan3A_4 step %scan3A_5  : i32 {
      %swap3A = arith.index_cast %scan3A_39 : i32 to index
      %swap3A_40 = arith.constant 0 : index
      %swap3A_41 = tpu.vector_load %arg10[%swap3A, %swap3A_40] {strides = array<i32>} : memref<128x128xf32, #tpu.memory_space<vmem>>, vector<1x16xf32>,
      %swap3A_42 = vector.shape_cast %swap3A_41 : vector<1x16xf32> to vector<16xf32>
      %swap3A_43 = vector.shape_cast %broadcast_in_dim3A_1 : vector<16xf32> to vector<1x16xf32>
      tpu.vector_store %arg10[%swap3A, %swap3A_40], %swap3A_43 {strides = array<i32>} : memref<128x128xf32, #tpu.memory_space<vmem>>, vector<1x16xf32>,
      %swap3A_44 = arith.index_cast %scan3A_39 : i32 to index
      %swap3A_45 = arith.constant 16 : index
      %swap3A_46 = tpu.vector_load %arg10[%swap3A_44, %swap3A_45] {strides = array<i32>} : memref<128x128xf32, #tpu.memory_space<vmem>>, vector<1x16xf32>,
      %swap3A_47 = vector.shape_cast %swap3A_46 : vector<1x16xf32> to vector<16xf32>
      %swap3A_48 = vector.shape_cast %broadcast_in_dim3A_1 : vector<16xf32> to vector<1x16xf32>
      tpu.vector_store %arg10[%swap3A_44, %swap3A_45], %swap3A_48 {strides = array<i32>} : memref<128x128xf32, #tpu.memory_space<vmem>>, vector<1x16xf32>,
      %swap3A_49 = arith.index_cast %scan3A_39 : i32 to index
      %swap3A_50 = arith.constant 32 : index
      %swap3A_51 = tpu.vector_load %arg10[%swap3A_49, %swap3A_50] {strides = array<i32>} : memref<128x128xf32, #tpu.memory_space<vmem>>, vector<1x16xf32>,
      %swap3A_52 = vector.shape_cast %swap3A_51 : vector<1x16xf32> to vector<16xf32>
      %swap3A_53 = vector.shape_cast %broadcast_in_dim3A_1 : vector<16xf32> to vector<1x16xf32>
      tpu.vector_store %arg10[%swap3A_49, %swap3A_50], %swap3A_53 {strides = array<i32>} : memref<128x128xf32, #tpu.memory_space<vmem>>, vector<1x16xf32>,
      %swap3A_54 = arith.index_cast %scan3A_39 : i32 to index
      %swap3A_55 = arith.constant 48 : index
      %swap3A_56 = tpu.vector_load %arg10[%swap3A_54, %swap3A_55] {strides = array<i32>} : memref<128x128xf32, #tpu.memory_space<vmem>>, vector<1x16xf32>,
      %swap3A_57 = vector.shape_cast %swap3A_56 : vector<1x16xf32> to vector<16xf32>
      %swap3A_58 = vector.shape_cast %broadcast_in_dim3A_1 : vector<16xf32> to vector<1x16xf32>
      tpu.vector_store %arg10[%swap3A_54, %swap3A_55], %swap3A_58 {strides = array<i32>} : memref<128x128xf32, #tpu.memory_space<vmem>>, vector<1x16xf32>,
      %swap3A_59 = arith.index_cast %scan3A_39 : i32 to index
      %swap3A_60 = arith.constant 64 : index
      %swap3A_61 = tpu.vector_load %arg10[%swap3A_59, %swap3A_60] {strides = array<i32>} : memref<128x128xf32, #tpu.memory_space<vmem>>, vector<1x16xf32>,
      %swap3A_62 = vector.shape_cast %swap3A_61 : vector<1x16xf32> to vector<16xf32>
      %swap3A_63 = vector.shape_cast %broadcast_in_dim3A_1 : vector<16xf32> to vector<1x16xf32>
      tpu.vector_store %arg10[%swap3A_59, %swap3A_60], %swap3A_63 {strides = array<i32>} : memref<128x128xf32, #tpu.memory_space<vmem>>, vector<1x16xf32>,
      %swap3A_64 = arith.index_cast %scan3A_39 : i32 to index
      %swap3A_65 = arith.constant 80 : index
      %swap3A_66 = tpu.vector_load %arg10[%swap3A_64, %swap3A_65] {strides = array<i32>} : memref<128x128xf32, #tpu.memory_space<vmem>>, vector<1x16xf32>,
      %swap3A_67 = vector.shape_cast %swap3A_66 : vector<1x16xf32> to vector<16xf32>
      %swap3A_68 = vector.shape_cast %broadcast_in_dim3A_1 : vector<16xf32> to vector<1x16xf32>
      tpu.vector_store %arg10[%swap3A_64, %swap3A_65], %swap3A_68 {strides = array<i32>} : memref<128x128xf32, #tpu.memory_space<vmem>>, vector<1x16xf32>,
      %swap3A_69 = arith.index_cast %scan3A_39 : i32 to index
      %swap3A_70 = arith.constant 96 : index
      %swap3A_71 = tpu.vector_load %arg10[%swap3A_69, %swap3A_70] {strides = array<i32>} : memref<128x128xf32, #tpu.memory_space<vmem>>, vector<1x16xf32>,
      %swap3A_72 = vector.shape_cast %swap3A_71 : vector<1x16xf32> to vector<16xf32>
      %swap3A_73 = vector.shape_cast %broadcast_in_dim3A_1 : vector<16xf32> to vector<1x16xf32>
      tpu.vector_store %arg10[%swap3A_69, %swap3A_70], %swap3A_73 {strides = array<i32>} : memref<128x128xf32, #tpu.memory_space<vmem>>, vector<1x16xf32>,
      %swap3A_74 = arith.index_cast %scan3A_39 : i32 to index
      %swap3A_75 = arith.constant 112 : index
      %swap3A_76 = tpu.vector_load %arg10[%swap3A_74, %swap3A_75] {strides = array<i32>} : memref<128x128xf32, #tpu.memory_space<vmem>>, vector<1x16xf32>,
      %swap3A_77 = vector.shape_cast %swap3A_76 : vector<1x16xf32> to vector<16xf32>
      %swap3A_78 = vector.shape_cast %broadcast_in_dim3A_1 : vector<16xf32> to vector<1x16xf32>
      tpu.vector_store %arg10[%swap3A_74, %swap3A_75], %swap3A_78 {strides = array<i32>} : memref<128x128xf32, #tpu.memory_space<vmem>>, vector<1x16xf32>,
    }
    %scan3A_6 = arith.constant 80 : i32
    %mul3A_7 = arith.constant 640 : i32
    %mul3A_8 = arith.muli %arg1, %mul3A_7 : i32
    %add3A_9 = arith.constant 0 : i32
    %add3A_10 = arith.addi %mul3A_8, %add3A_9 : i32
    "tpu.region"() ({
      %run_scoped3A = tpu.sem_alloc : memref<!tpu.dma_semaphore, #tpu.memory_space<semaphore_mem>>
      %dma_start3A = arith.constant 0 : i32
      %dma_start3A_39 = arith.constant 0 : i32
      %dma_start3A_40 = tpu.memref_slice %arg10[%dma_start3A, %dma_start3A_39] : memref<128x128xf32, #tpu.memory_space<vmem>> -> memref<80x128xf32, #tpu.memory_space<vmem>>
      %dma_start3A_41 = arith.constant 0 : i32
      %dma_start3A_42 = tpu.memref_slice %arg11[%add3A_10, %dma_start3A_41] : memref<10240x128xf32, #tpu.memory_space<vmem_shared>> -> memref<80x128xf32, #tpu.memory_space<vmem_shared>>
      %dma_start3A_43 = arith.constant 0 : i32
      %dma_start3A_44 = tpu.memref_slice %arg11[%add3A_10, %dma_start3A_43] : memref<10240x128xf32, #tpu.memory_space<vmem_shared>> -> memref<80x128xf32, #tpu.memory_space<vmem_shared>>
      %dma_start3A_45 = arith.constant 0 : i32
      %dma_start3A_46 = arith.constant 0 : i32
      %dma_start3A_47 = tpu.memref_slice %arg10[%dma_start3A_45, %dma_start3A_46] : memref<128x128xf32, #tpu.memory_space<vmem>> -> memref<80x128xf32, #tpu.memory_space<vmem>>
      tpu.enqueue_dma source(%dma_start3A_47 : memref<80x128xf32, #tpu.memory_space<vmem>>) target(%dma_start3A_44 : memref<80x128xf32, #tpu.memory_space<vmem_shared>>) target_semaphore(%run_scoped3A : memref<!tpu.dma_semaphore, #tpu.memory_space<semaphore_mem>>)
      %dma_wait3A = arith.constant 0 : i32
      %dma_wait3A_48 = arith.constant 0 : i32
      %dma_wait3A_49 = tpu.memref_slice %arg10[%dma_wait3A, %dma_wait3A_48] : memref<128x128xf32, #tpu.memory_space<vmem>> -> memref<80x128xf32, #tpu.memory_space<vmem>>
      %dma_wait3A_50 = arith.constant 0 : i32
      %dma_wait3A_51 = tpu.memref_slice %arg11[%add3A_10, %dma_wait3A_50] : memref<10240x128xf32, #tpu.memory_space<vmem_shared>> -> memref<80x128xf32, #tpu.memory_space<vmem_shared>>
      %dma_wait3A_52 = arith.constant 0 : i32
      %dma_wait3A_53 = tpu.memref_slice %arg11[%add3A_10, %dma_wait3A_52] : memref<10240x128xf32, #tpu.memory_space<vmem_shared>> -> memref<80x128xf32, #tpu.memory_space<vmem_shared>>
      %dma_wait3A_54 = arith.constant 0 : i32
      %dma_wait3A_55 = arith.constant 0 : i32
      %dma_wait3A_56 = tpu.memref_slice %arg10[%dma_wait3A_54, %dma_wait3A_55] : memref<128x128xf32, #tpu.memory_space<vmem>> -> memref<80x128xf32, #tpu.memory_space<vmem>>
      tpu.wait_dma2 semaphore(%run_scoped3A : memref<!tpu.dma_semaphore, #tpu.memory_space<semaphore_mem>>) src(%dma_wait3A_56 : memref<80x128xf32, #tpu.memory_space<vmem>>) dst(%dma_wait3A_53 : memref<80x128xf32, #tpu.memory_space<vmem_shared>>)
      tpu.yield
    }) : () -> ()
    %add3A_11 = arith.constant 80 : i32
    %add3A_12 = arith.addi %mul3A_8, %add3A_11 : i32
    "tpu.region"() ({
      %run_scoped3A = tpu.sem_alloc : memref<!tpu.dma_semaphore, #tpu.memory_space<semaphore_mem>>
      %dma_start3A = arith.constant 0 : i32
      %dma_start3A_39 = arith.constant 0 : i32
      %dma_start3A_40 = tpu.memref_slice %arg10[%dma_start3A, %dma_start3A_39] : memref<128x128xf32, #tpu.memory_space<vmem>> -> memref<80x128xf32, #tpu.memory_space<vmem>>
      %dma_start3A_41 = arith.constant 0 : i32
      %dma_start3A_42 = tpu.memref_slice %arg11[%add3A_12, %dma_start3A_41] : memref<10240x128xf32, #tpu.memory_space<vmem_shared>> -> memref<80x128xf32, #tpu.memory_space<vmem_shared>>
      %dma_start3A_43 = arith.constant 0 : i32
      %dma_start3A_44 = tpu.memref_slice %arg11[%add3A_12, %dma_start3A_43] : memref<10240x128xf32, #tpu.memory_space<vmem_shared>> -> memref<80x128xf32, #tpu.memory_space<vmem_shared>>
      %dma_start3A_45 = arith.constant 0 : i32
      %dma_start3A_46 = arith.constant 0 : i32
      %dma_start3A_47 = tpu.memref_slice %arg10[%dma_start3A_45, %dma_start3A_46] : memref<128x128xf32, #tpu.memory_space<vmem>> -> memref<80x128xf32, #tpu.memory_space<vmem>>
      tpu.enqueue_dma source(%dma_start3A_47 : memref<80x128xf32, #tpu.memory_space<vmem>>) target(%dma_start3A_44 : memref<80x128xf32, #tpu.memory_space<vmem_shared>>) target_semaphore(%run_scoped3A : memref<!tpu.dma_semaphore, #tpu.memory_space<semaphore_mem>>)
      %dma_wait3A = arith.constant 0 : i32
      %dma_wait3A_48 = arith.constant 0 : i32
      %dma_wait3A_49 = tpu.memref_slice %arg10[%dma_wait3A, %dma_wait3A_48] : memref<128x128xf32, #tpu.memory_space<vmem>> -> memref<80x128xf32, #tpu.memory_space<vmem>>
      %dma_wait3A_50 = arith.constant 0 : i32
      %dma_wait3A_51 = tpu.memref_slice %arg11[%add3A_12, %dma_wait3A_50] : memref<10240x128xf32, #tpu.memory_space<vmem_shared>> -> memref<80x128xf32, #tpu.memory_space<vmem_shared>>
      %dma_wait3A_52 = arith.constant 0 : i32
      %dma_wait3A_53 = tpu.memref_slice %arg11[%add3A_12, %dma_wait3A_52] : memref<10240x128xf32, #tpu.memory_space<vmem_shared>> -> memref<80x128xf32, #tpu.memory_space<vmem_shared>>
      %dma_wait3A_54 = arith.constant 0 : i32
      %dma_wait3A_55 = arith.constant 0 : i32
      %dma_wait3A_56 = tpu.memref_slice %arg10[%dma_wait3A_54, %dma_wait3A_55] : memref<128x128xf32, #tpu.memory_space<vmem>> -> memref<80x128xf32, #tpu.memory_space<vmem>>
      tpu.wait_dma2 semaphore(%run_scoped3A : memref<!tpu.dma_semaphore, #tpu.memory_space<semaphore_mem>>) src(%dma_wait3A_56 : memref<80x128xf32, #tpu.memory_space<vmem>>) dst(%dma_wait3A_53 : memref<80x128xf32, #tpu.memory_space<vmem_shared>>)
      tpu.yield
    }) : () -> ()
    %add3A_13 = arith.constant 160 : i32
    %add3A_14 = arith.addi %mul3A_8, %add3A_13 : i32
    "tpu.region"() ({
      %run_scoped3A = tpu.sem_alloc : memref<!tpu.dma_semaphore, #tpu.memory_space<semaphore_mem>>
      %dma_start3A = arith.constant 0 : i32
      %dma_start3A_39 = arith.constant 0 : i32
      %dma_start3A_40 = tpu.memref_slice %arg10[%dma_start3A, %dma_start3A_39] : memref<128x128xf32, #tpu.memory_space<vmem>> -> memref<80x128xf32, #tpu.memory_space<vmem>>
      %dma_start3A_41 = arith.constant 0 : i32
      %dma_start3A_42 = tpu.memref_slice %arg11[%add3A_14, %dma_start3A_41] : memref<10240x128xf32, #tpu.memory_space<vmem_shared>> -> memref<80x128xf32, #tpu.memory_space<vmem_shared>>
      %dma_start3A_43 = arith.constant 0 : i32
      %dma_start3A_44 = tpu.memref_slice %arg11[%add3A_14, %dma_start3A_43] : memref<10240x128xf32, #tpu.memory_space<vmem_shared>> -> memref<80x128xf32, #tpu.memory_space<vmem_shared>>
      %dma_start3A_45 = arith.constant 0 : i32
      %dma_start3A_46 = arith.constant 0 : i32
      %dma_start3A_47 = tpu.memref_slice %arg10[%dma_start3A_45, %dma_start3A_46] : memref<128x128xf32, #tpu.memory_space<vmem>> -> memref<80x128xf32, #tpu.memory_space<vmem>>
      tpu.enqueue_dma source(%dma_start3A_47 : memref<80x128xf32, #tpu.memory_space<vmem>>) target(%dma_start3A_44 : memref<80x128xf32, #tpu.memory_space<vmem_shared>>) target_semaphore(%run_scoped3A : memref<!tpu.dma_semaphore, #tpu.memory_space<semaphore_mem>>)
      %dma_wait3A = arith.constant 0 : i32
      %dma_wait3A_48 = arith.constant 0 : i32
      %dma_wait3A_49 = tpu.memref_slice %arg10[%dma_wait3A, %dma_wait3A_48] : memref<128x128xf32, #tpu.memory_space<vmem>> -> memref<80x128xf32, #tpu.memory_space<vmem>>
      %dma_wait3A_50 = arith.constant 0 : i32
      %dma_wait3A_51 = tpu.memref_slice %arg11[%add3A_14, %dma_wait3A_50] : memref<10240x128xf32, #tpu.memory_space<vmem_shared>> -> memref<80x128xf32, #tpu.memory_space<vmem_shared>>
      %dma_wait3A_52 = arith.constant 0 : i32
      %dma_wait3A_53 = tpu.memref_slice %arg11[%add3A_14, %dma_wait3A_52] : memref<10240x128xf32, #tpu.memory_space<vmem_shared>> -> memref<80x128xf32, #tpu.memory_space<vmem_shared>>
      %dma_wait3A_54 = arith.constant 0 : i32
      %dma_wait3A_55 = arith.constant 0 : i32
      %dma_wait3A_56 = tpu.memref_slice %arg10[%dma_wait3A_54, %dma_wait3A_55] : memref<128x128xf32, #tpu.memory_space<vmem>> -> memref<80x128xf32, #tpu.memory_space<vmem>>
      tpu.wait_dma2 semaphore(%run_scoped3A : memref<!tpu.dma_semaphore, #tpu.memory_space<semaphore_mem>>) src(%dma_wait3A_56 : memref<80x128xf32, #tpu.memory_space<vmem>>) dst(%dma_wait3A_53 : memref<80x128xf32, #tpu.memory_space<vmem_shared>>)
      tpu.yield
    }) : () -> ()
    %add3A_15 = arith.constant 240 : i32
    %add3A_16 = arith.addi %mul3A_8, %add3A_15 : i32
    "tpu.region"() ({
      %run_scoped3A = tpu.sem_alloc : memref<!tpu.dma_semaphore, #tpu.memory_space<semaphore_mem>>
      %dma_start3A = arith.constant 0 : i32
      %dma_start3A_39 = arith.constant 0 : i32
      %dma_start3A_40 = tpu.memref_slice %arg10[%dma_start3A, %dma_start3A_39] : memref<128x128xf32, #tpu.memory_space<vmem>> -> memref<80x128xf32, #tpu.memory_space<vmem>>
      %dma_start3A_41 = arith.constant 0 : i32
      %dma_start3A_42 = tpu.memref_slice %arg11[%add3A_16, %dma_start3A_41] : memref<10240x128xf32, #tpu.memory_space<vmem_shared>> -> memref<80x128xf32, #tpu.memory_space<vmem_shared>>
      %dma_start3A_43 = arith.constant 0 : i32
      %dma_start3A_44 = tpu.memref_slice %arg11[%add3A_16, %dma_start3A_43] : memref<10240x128xf32, #tpu.memory_space<vmem_shared>> -> memref<80x128xf32, #tpu.memory_space<vmem_shared>>
      %dma_start3A_45 = arith.constant 0 : i32
      %dma_start3A_46 = arith.constant 0 : i32
      %dma_start3A_47 = tpu.memref_slice %arg10[%dma_start3A_45, %dma_start3A_46] : memref<128x128xf32, #tpu.memory_space<vmem>> -> memref<80x128xf32, #tpu.memory_space<vmem>>
      tpu.enqueue_dma source(%dma_start3A_47 : memref<80x128xf32, #tpu.memory_space<vmem>>) target(%dma_start3A_44 : memref<80x128xf32, #tpu.memory_space<vmem_shared>>) target_semaphore(%run_scoped3A : memref<!tpu.dma_semaphore, #tpu.memory_space<semaphore_mem>>)
      %dma_wait3A = arith.constant 0 : i32
      %dma_wait3A_48 = arith.constant 0 : i32
      %dma_wait3A_49 = tpu.memref_slice %arg10[%dma_wait3A, %dma_wait3A_48] : memref<128x128xf32, #tpu.memory_space<vmem>> -> memref<80x128xf32, #tpu.memory_space<vmem>>
      %dma_wait3A_50 = arith.constant 0 : i32
      %dma_wait3A_51 = tpu.memref_slice %arg11[%add3A_16, %dma_wait3A_50] : memref<10240x128xf32, #tpu.memory_space<vmem_shared>> -> memref<80x128xf32, #tpu.memory_space<vmem_shared>>
      %dma_wait3A_52 = arith.constant 0 : i32
      %dma_wait3A_53 = tpu.memref_slice %arg11[%add3A_16, %dma_wait3A_52] : memref<10240x128xf32, #tpu.memory_space<vmem_shared>> -> memref<80x128xf32, #tpu.memory_space<vmem_shared>>
      %dma_wait3A_54 = arith.constant 0 : i32
      %dma_wait3A_55 = arith.constant 0 : i32
      %dma_wait3A_56 = tpu.memref_slice %arg10[%dma_wait3A_54, %dma_wait3A_55] : memref<128x128xf32, #tpu.memory_space<vmem>> -> memref<80x128xf32, #tpu.memory_space<vmem>>
      tpu.wait_dma2 semaphore(%run_scoped3A : memref<!tpu.dma_semaphore, #tpu.memory_space<semaphore_mem>>) src(%dma_wait3A_56 : memref<80x128xf32, #tpu.memory_space<vmem>>) dst(%dma_wait3A_53 : memref<80x128xf32, #tpu.memory_space<vmem_shared>>)
      tpu.yield
    }) : () -> ()
    %add3A_17 = arith.constant 320 : i32
    %add3A_18 = arith.addi %mul3A_8, %add3A_17 : i32
    "tpu.region"() ({
      %run_scoped3A = tpu.sem_alloc : memref<!tpu.dma_semaphore, #tpu.memory_space<semaphore_mem>>
      %dma_start3A = arith.constant 0 : i32
      %dma_start3A_39 = arith.constant 0 : i32
      %dma_start3A_40 = tpu.memref_slice %arg10[%dma_start3A, %dma_start3A_39] : memref<128x128xf32, #tpu.memory_space<vmem>> -> memref<80x128xf32, #tpu.memory_space<vmem>>
      %dma_start3A_41 = arith.constant 0 : i32
      %dma_start3A_42 = tpu.memref_slice %arg11[%add3A_18, %dma_start3A_41] : memref<10240x128xf32, #tpu.memory_space<vmem_shared>> -> memref<80x128xf32, #tpu.memory_space<vmem_shared>>
      %dma_start3A_43 = arith.constant 0 : i32
      %dma_start3A_44 = tpu.memref_slice %arg11[%add3A_18, %dma_start3A_43] : memref<10240x128xf32, #tpu.memory_space<vmem_shared>> -> memref<80x128xf32, #tpu.memory_space<vmem_shared>>
      %dma_start3A_45 = arith.constant 0 : i32
      %dma_start3A_46 = arith.constant 0 : i32
      %dma_start3A_47 = tpu.memref_slice %arg10[%dma_start3A_45, %dma_start3A_46] : memref<128x128xf32, #tpu.memory_space<vmem>> -> memref<80x128xf32, #tpu.memory_space<vmem>>
      tpu.enqueue_dma source(%dma_start3A_47 : memref<80x128xf32, #tpu.memory_space<vmem>>) target(%dma_start3A_44 : memref<80x128xf32, #tpu.memory_space<vmem_shared>>) target_semaphore(%run_scoped3A : memref<!tpu.dma_semaphore, #tpu.memory_space<semaphore_mem>>)
      %dma_wait3A = arith.constant 0 : i32
      %dma_wait3A_48 = arith.constant 0 : i32
      %dma_wait3A_49 = tpu.memref_slice %arg10[%dma_wait3A, %dma_wait3A_48] : memref<128x128xf32, #tpu.memory_space<vmem>> -> memref<80x128xf32, #tpu.memory_space<vmem>>
      %dma_wait3A_50 = arith.constant 0 : i32
      %dma_wait3A_51 = tpu.memref_slice %arg11[%add3A_18, %dma_wait3A_50] : memref<10240x128xf32, #tpu.memory_space<vmem_shared>> -> memref<80x128xf32, #tpu.memory_space<vmem_shared>>
      %dma_wait3A_52 = arith.constant 0 : i32
      %dma_wait3A_53 = tpu.memref_slice %arg11[%add3A_18, %dma_wait3A_52] : memref<10240x128xf32, #tpu.memory_space<vmem_shared>> -> memref<80x128xf32, #tpu.memory_space<vmem_shared>>
      %dma_wait3A_54 = arith.constant 0 : i32
      %dma_wait3A_55 = arith.constant 0 : i32
      %dma_wait3A_56 = tpu.memref_slice %arg10[%dma_wait3A_54, %dma_wait3A_55] : memref<128x128xf32, #tpu.memory_space<vmem>> -> memref<80x128xf32, #tpu.memory_space<vmem>>
      tpu.wait_dma2 semaphore(%run_scoped3A : memref<!tpu.dma_semaphore, #tpu.memory_space<semaphore_mem>>) src(%dma_wait3A_56 : memref<80x128xf32, #tpu.memory_space<vmem>>) dst(%dma_wait3A_53 : memref<80x128xf32, #tpu.memory_space<vmem_shared>>)
      tpu.yield
    }) : () -> ()
    %add3A_19 = arith.constant 400 : i32
    %add3A_20 = arith.addi %mul3A_8, %add3A_19 : i32
    "tpu.region"() ({
      %run_scoped3A = tpu.sem_alloc : memref<!tpu.dma_semaphore, #tpu.memory_space<semaphore_mem>>
      %dma_start3A = arith.constant 0 : i32
      %dma_start3A_39 = arith.constant 0 : i32
      %dma_start3A_40 = tpu.memref_slice %arg10[%dma_start3A, %dma_start3A_39] : memref<128x128xf32, #tpu.memory_space<vmem>> -> memref<80x128xf32, #tpu.memory_space<vmem>>
      %dma_start3A_41 = arith.constant 0 : i32
      %dma_start3A_42 = tpu.memref_slice %arg11[%add3A_20, %dma_start3A_41] : memref<10240x128xf32, #tpu.memory_space<vmem_shared>> -> memref<80x128xf32, #tpu.memory_space<vmem_shared>>
      %dma_start3A_43 = arith.constant 0 : i32
      %dma_start3A_44 = tpu.memref_slice %arg11[%add3A_20, %dma_start3A_43] : memref<10240x128xf32, #tpu.memory_space<vmem_shared>> -> memref<80x128xf32, #tpu.memory_space<vmem_shared>>
      %dma_start3A_45 = arith.constant 0 : i32
      %dma_start3A_46 = arith.constant 0 : i32
      %dma_start3A_47 = tpu.memref_slice %arg10[%dma_start3A_45, %dma_start3A_46] : memref<128x128xf32, #tpu.memory_space<vmem>> -> memref<80x128xf32, #tpu.memory_space<vmem>>
      tpu.enqueue_dma source(%dma_start3A_47 : memref<80x128xf32, #tpu.memory_space<vmem>>) target(%dma_start3A_44 : memref<80x128xf32, #tpu.memory_space<vmem_shared>>) target_semaphore(%run_scoped3A : memref<!tpu.dma_semaphore, #tpu.memory_space<semaphore_mem>>)
      %dma_wait3A = arith.constant 0 : i32
      %dma_wait3A_48 = arith.constant 0 : i32
      %dma_wait3A_49 = tpu.memref_slice %arg10[%dma_wait3A, %dma_wait3A_48] : memref<128x128xf32, #tpu.memory_space<vmem>> -> memref<80x128xf32, #tpu.memory_space<vmem>>
      %dma_wait3A_50 = arith.constant 0 : i32
      %dma_wait3A_51 = tpu.memref_slice %arg11[%add3A_20, %dma_wait3A_50] : memref<10240x128xf32, #tpu.memory_space<vmem_shared>> -> memref<80x128xf32, #tpu.memory_space<vmem_shared>>
      %dma_wait3A_52 = arith.constant 0 : i32
      %dma_wait3A_53 = tpu.memref_slice %arg11[%add3A_20, %dma_wait3A_52] : memref<10240x128xf32, #tpu.memory_space<vmem_shared>> -> memref<80x128xf32, #tpu.memory_space<vmem_shared>>
      %dma_wait3A_54 = arith.constant 0 : i32
      %dma_wait3A_55 = arith.constant 0 : i32
      %dma_wait3A_56 = tpu.memref_slice %arg10[%dma_wait3A_54, %dma_wait3A_55] : memref<128x128xf32, #tpu.memory_space<vmem>> -> memref<80x128xf32, #tpu.memory_space<vmem>>
      tpu.wait_dma2 semaphore(%run_scoped3A : memref<!tpu.dma_semaphore, #tpu.memory_space<semaphore_mem>>) src(%dma_wait3A_56 : memref<80x128xf32, #tpu.memory_space<vmem>>) dst(%dma_wait3A_53 : memref<80x128xf32, #tpu.memory_space<vmem_shared>>)
      tpu.yield
    }) : () -> ()
    %add3A_21 = arith.constant 480 : i32
    %add3A_22 = arith.addi %mul3A_8, %add3A_21 : i32
    "tpu.region"() ({
      %run_scoped3A = tpu.sem_alloc : memref<!tpu.dma_semaphore, #tpu.memory_space<semaphore_mem>>
      %dma_start3A = arith.constant 0 : i32
      %dma_start3A_39 = arith.constant 0 : i32
      %dma_start3A_40 = tpu.memref_slice %arg10[%dma_start3A, %dma_start3A_39] : memref<128x128xf32, #tpu.memory_space<vmem>> -> memref<80x128xf32, #tpu.memory_space<vmem>>
      %dma_start3A_41 = arith.constant 0 : i32
      %dma_start3A_42 = tpu.memref_slice %arg11[%add3A_22, %dma_start3A_41] : memref<10240x128xf32, #tpu.memory_space<vmem_shared>> -> memref<80x128xf32, #tpu.memory_space<vmem_shared>>
      %dma_start3A_43 = arith.constant 0 : i32
      %dma_start3A_44 = tpu.memref_slice %arg11[%add3A_22, %dma_start3A_43] : memref<10240x128xf32, #tpu.memory_space<vmem_shared>> -> memref<80x128xf32, #tpu.memory_space<vmem_shared>>
      %dma_start3A_45 = arith.constant 0 : i32
      %dma_start3A_46 = arith.constant 0 : i32
      %dma_start3A_47 = tpu.memref_slice %arg10[%dma_start3A_45, %dma_start3A_46] : memref<128x128xf32, #tpu.memory_space<vmem>> -> memref<80x128xf32, #tpu.memory_space<vmem>>
      tpu.enqueue_dma source(%dma_start3A_47 : memref<80x128xf32, #tpu.memory_space<vmem>>) target(%dma_start3A_44 : memref<80x128xf32, #tpu.memory_space<vmem_shared>>) target_semaphore(%run_scoped3A : memref<!tpu.dma_semaphore, #tpu.memory_space<semaphore_mem>>)
      %dma_wait3A = arith.constant 0 : i32
      %dma_wait3A_48 = arith.constant 0 : i32
      %dma_wait3A_49 = tpu.memref_slice %arg10[%dma_wait3A, %dma_wait3A_48] : memref<128x128xf32, #tpu.memory_space<vmem>> -> memref<80x128xf32, #tpu.memory_space<vmem>>
      %dma_wait3A_50 = arith.constant 0 : i32
      %dma_wait3A_51 = tpu.memref_slice %arg11[%add3A_22, %dma_wait3A_50] : memref<10240x128xf32, #tpu.memory_space<vmem_shared>> -> memref<80x128xf32, #tpu.memory_space<vmem_shared>>
      %dma_wait3A_52 = arith.constant 0 : i32
      %dma_wait3A_53 = tpu.memref_slice %arg11[%add3A_22, %dma_wait3A_52] : memref<10240x128xf32, #tpu.memory_space<vmem_shared>> -> memref<80x128xf32, #tpu.memory_space<vmem_shared>>
      %dma_wait3A_54 = arith.constant 0 : i32
      %dma_wait3A_55 = arith.constant 0 : i32
      %dma_wait3A_56 = tpu.memref_slice %arg10[%dma_wait3A_54, %dma_wait3A_55] : memref<128x128xf32, #tpu.memory_space<vmem>> -> memref<80x128xf32, #tpu.memory_space<vmem>>
      tpu.wait_dma2 semaphore(%run_scoped3A : memref<!tpu.dma_semaphore, #tpu.memory_space<semaphore_mem>>) src(%dma_wait3A_56 : memref<80x128xf32, #tpu.memory_space<vmem>>) dst(%dma_wait3A_53 : memref<80x128xf32, #tpu.memory_space<vmem_shared>>)
      tpu.yield
    }) : () -> ()
    %add3A_23 = arith.constant 560 : i32
    %add3A_24 = arith.addi %mul3A_8, %add3A_23 : i32
    "tpu.region"() ({
      %run_scoped3A = tpu.sem_alloc : memref<!tpu.dma_semaphore, #tpu.memory_space<semaphore_mem>>
      %dma_start3A = arith.constant 0 : i32
      %dma_start3A_39 = arith.constant 0 : i32
      %dma_start3A_40 = tpu.memref_slice %arg10[%dma_start3A, %dma_start3A_39] : memref<128x128xf32, #tpu.memory_space<vmem>> -> memref<80x128xf32, #tpu.memory_space<vmem>>
      %dma_start3A_41 = arith.constant 0 : i32
      %dma_start3A_42 = tpu.memref_slice %arg11[%add3A_24, %dma_start3A_41] : memref<10240x128xf32, #tpu.memory_space<vmem_shared>> -> memref<80x128xf32, #tpu.memory_space<vmem_shared>>
      %dma_start3A_43 = arith.constant 0 : i32
      %dma_start3A_44 = tpu.memref_slice %arg11[%add3A_24, %dma_start3A_43] : memref<10240x128xf32, #tpu.memory_space<vmem_shared>> -> memref<80x128xf32, #tpu.memory_space<vmem_shared>>
      %dma_start3A_45 = arith.constant 0 : i32
      %dma_start3A_46 = arith.constant 0 : i32
      %dma_start3A_47 = tpu.memref_slice %arg10[%dma_start3A_45, %dma_start3A_46] : memref<128x128xf32, #tpu.memory_space<vmem>> -> memref<80x128xf32, #tpu.memory_space<vmem>>
      tpu.enqueue_dma source(%dma_start3A_47 : memref<80x128xf32, #tpu.memory_space<vmem>>) target(%dma_start3A_44 : memref<80x128xf32, #tpu.memory_space<vmem_shared>>) target_semaphore(%run_scoped3A : memref<!tpu.dma_semaphore, #tpu.memory_space<semaphore_mem>>)
      %dma_wait3A = arith.constant 0 : i32
      %dma_wait3A_48 = arith.constant 0 : i32
      %dma_wait3A_49 = tpu.memref_slice %arg10[%dma_wait3A, %dma_wait3A_48] : memref<128x128xf32, #tpu.memory_space<vmem>> -> memref<80x128xf32, #tpu.memory_space<vmem>>
      %dma_wait3A_50 = arith.constant 0 : i32
      %dma_wait3A_51 = tpu.memref_slice %arg11[%add3A_24, %dma_wait3A_50] : memref<10240x128xf32, #tpu.memory_space<vmem_shared>> -> memref<80x128xf32, #tpu.memory_space<vmem_shared>>
      %dma_wait3A_52 = arith.constant 0 : i32
      %dma_wait3A_53 = tpu.memref_slice %arg11[%add3A_24, %dma_wait3A_52] : memref<10240x128xf32, #tpu.memory_space<vmem_shared>> -> memref<80x128xf32, #tpu.memory_space<vmem_shared>>
      %dma_wait3A_54 = arith.constant 0 : i32
      %dma_wait3A_55 = arith.constant 0 : i32
      %dma_wait3A_56 = tpu.memref_slice %arg10[%dma_wait3A_54, %dma_wait3A_55] : memref<128x128xf32, #tpu.memory_space<vmem>> -> memref<80x128xf32, #tpu.memory_space<vmem>>
      tpu.wait_dma2 semaphore(%run_scoped3A : memref<!tpu.dma_semaphore, #tpu.memory_space<semaphore_mem>>) src(%dma_wait3A_56 : memref<80x128xf32, #tpu.memory_space<vmem>>) dst(%dma_wait3A_53 : memref<80x128xf32, #tpu.memory_space<vmem_shared>>)
      tpu.yield
    }) : () -> ()
    %mul3A_25 = arith.constant 80 : i32
    %mul3A_26 = arith.muli %add3A, %mul3A_25 : i32
    "tpu.region"() ({
      %run_scoped3A = tpu.sem_alloc : memref<!tpu.dma_semaphore, #tpu.memory_space<semaphore_mem>>
      %dma_start3A = arith.constant 0 : i32
      %dma_start3A_39 = tpu.memref_slice %arg2[%mul3A_26, %dma_start3A] : memref<2560x128xi32, #tpu.memory_space<hbm>> -> memref<80x128xi32, #tpu.memory_space<hbm>>
      %dma_start3A_40 = arith.constant 0 : i32
      %dma_start3A_41 = tpu.memref_slice %arg2[%mul3A_26, %dma_start3A_40] : memref<2560x128xi32, #tpu.memory_space<hbm>> -> memref<80x128xi32, #tpu.memory_space<hbm>>
      tpu.enqueue_dma source(%dma_start3A_41 : memref<80x128xi32, #tpu.memory_space<hbm>>) target(%arg6 : memref<80x128xi32, #tpu.memory_space<vmem>>) target_semaphore(%run_scoped3A : memref<!tpu.dma_semaphore, #tpu.memory_space<semaphore_mem>>)
      %dma_wait3A = arith.constant 0 : i32
      %dma_wait3A_42 = tpu.memref_slice %arg2[%mul3A_26, %dma_wait3A] : memref<2560x128xi32, #tpu.memory_space<hbm>> -> memref<80x128xi32, #tpu.memory_space<hbm>>
      %dma_wait3A_43 = arith.constant 0 : i32
      %dma_wait3A_44 = tpu.memref_slice %arg2[%mul3A_26, %dma_wait3A_43] : memref<2560x128xi32, #tpu.memory_space<hbm>> -> memref<80x128xi32, #tpu.memory_space<hbm>>
      tpu.wait_dma2 semaphore(%run_scoped3A : memref<!tpu.dma_semaphore, #tpu.memory_space<semaphore_mem>>) src(%dma_wait3A_44 : memref<80x128xi32, #tpu.memory_space<hbm>>) dst(%arg6 : memref<80x128xi32, #tpu.memory_space<vmem>>)
      tpu.yield
    }) : () -> ()
    %mul3A_27 = arith.constant 80 : i32
    %mul3A_28 = arith.muli %add3A, %mul3A_27 : i32
    "tpu.region"() ({
      %run_scoped3A = tpu.sem_alloc : memref<!tpu.dma_semaphore, #tpu.memory_space<semaphore_mem>>
      %dma_start3A = arith.constant 0 : i32
      %dma_start3A_39 = tpu.memref_slice %arg3[%mul3A_28, %dma_start3A] : memref<2560x128xi32, #tpu.memory_space<hbm>> -> memref<80x128xi32, #tpu.memory_space<hbm>>
      %dma_start3A_40 = arith.constant 0 : i32
      %dma_start3A_41 = tpu.memref_slice %arg3[%mul3A_28, %dma_start3A_40] : memref<2560x128xi32, #tpu.memory_space<hbm>> -> memref<80x128xi32, #tpu.memory_space<hbm>>
      tpu.enqueue_dma source(%dma_start3A_41 : memref<80x128xi32, #tpu.memory_space<hbm>>) target(%arg8 : memref<80x128xi32, #tpu.memory_space<vmem>>) target_semaphore(%run_scoped3A : memref<!tpu.dma_semaphore, #tpu.memory_space<semaphore_mem>>)
      %dma_wait3A = arith.constant 0 : i32
      %dma_wait3A_42 = tpu.memref_slice %arg3[%mul3A_28, %dma_wait3A] : memref<2560x128xi32, #tpu.memory_space<hbm>> -> memref<80x128xi32, #tpu.memory_space<hbm>>
      %dma_wait3A_43 = arith.constant 0 : i32
      %dma_wait3A_44 = tpu.memref_slice %arg3[%mul3A_28, %dma_wait3A_43] : memref<2560x128xi32, #tpu.memory_space<hbm>> -> memref<80x128xi32, #tpu.memory_space<hbm>>
      tpu.wait_dma2 semaphore(%run_scoped3A : memref<!tpu.dma_semaphore, #tpu.memory_space<semaphore_mem>>) src(%dma_wait3A_44 : memref<80x128xi32, #tpu.memory_space<hbm>>) dst(%arg8 : memref<80x128xi32, #tpu.memory_space<vmem>>)
      tpu.yield
    }) : () -> ()
    %barrier3A = arith.constant 0 : index
    tpu.barrier barrier_id(%barrier3A)
    %scan3A_29 = arith.constant 0 : i32
    %scan3A_30 = arith.constant 0 : i32
    %scan3A_31 = arith.constant 80 : i32
    %scan3A_32 = arith.addi %scan3A_30, %scan3A_31 : i32
    %scan3A_33 = arith.constant 1 : i32
    scf.for %scan3A_39 = %scan3A_30 to %scan3A_32 step %scan3A_33  : i32 {
      %get3A = arith.index_cast %scan3A_39 : i32 to index
      %get3A_40 = arith.constant 0 : index
      %get3A_41 = tpu.vector_load %arg6[%get3A, %get3A_40] {strides = array<i32>} : memref<80x128xi32, #tpu.memory_space<vmem>>, vector<1x16xi32>,
      %get3A_42 = vector.shape_cast %get3A_41 : vector<1x16xi32> to vector<16xi32>
      %swap3A = arith.constant 0 : index
      %swap3A_43 = tpu.vector_load %arg7[%swap3A] {strides = array<i32>} : memref<128xi32, #tpu.memory_space<vmem>>, vector<16xi32>,
      %swap3A_44 = vector.shape_cast %swap3A_43 : vector<16xi32> to vector<16xi32>
      %swap3A_45 = vector.shape_cast %get3A_42 : vector<16xi32> to vector<16xi32>
      tpu.vector_store %arg7[%swap3A], %swap3A_45 {strides = array<i32>} : memref<128xi32, #tpu.memory_space<vmem>>, vector<16xi32>,
      %get3A_46 = arith.index_cast %scan3A_39 : i32 to index
      %get3A_47 = arith.constant 16 : index
      %get3A_48 = tpu.vector_load %arg6[%get3A_46, %get3A_47] {strides = array<i32>} : memref<80x128xi32, #tpu.memory_space<vmem>>, vector<1x16xi32>,
      %get3A_49 = vector.shape_cast %get3A_48 : vector<1x16xi32> to vector<16xi32>
      %swap3A_50 = arith.constant 16 : index
      %swap3A_51 = tpu.vector_load %arg7[%swap3A_50] {strides = array<i32>} : memref<128xi32, #tpu.memory_space<vmem>>, vector<16xi32>,
      %swap3A_52 = vector.shape_cast %swap3A_51 : vector<16xi32> to vector<16xi32>
      %swap3A_53 = vector.shape_cast %get3A_49 : vector<16xi32> to vector<16xi32>
      tpu.vector_store %arg7[%swap3A_50], %swap3A_53 {strides = array<i32>} : memref<128xi32, #tpu.memory_space<vmem>>, vector<16xi32>,
      %get3A_54 = arith.index_cast %scan3A_39 : i32 to index
      %get3A_55 = arith.constant 32 : index
      %get3A_56 = tpu.vector_load %arg6[%get3A_54, %get3A_55] {strides = array<i32>} : memref<80x128xi32, #tpu.memory_space<vmem>>, vector<1x16xi32>,
      %get3A_57 = vector.shape_cast %get3A_56 : vector<1x16xi32> to vector<16xi32>
      %swap3A_58 = arith.constant 32 : index
      %swap3A_59 = tpu.vector_load %arg7[%swap3A_58] {strides = array<i32>} : memref<128xi32, #tpu.memory_space<vmem>>, vector<16xi32>,
      %swap3A_60 = vector.shape_cast %swap3A_59 : vector<16xi32> to vector<16xi32>
      %swap3A_61 = vector.shape_cast %get3A_57 : vector<16xi32> to vector<16xi32>
      tpu.vector_store %arg7[%swap3A_58], %swap3A_61 {strides = array<i32>} : memref<128xi32, #tpu.memory_space<vmem>>, vector<16xi32>,
      %get3A_62 = arith.index_cast %scan3A_39 : i32 to index
      %get3A_63 = arith.constant 48 : index
      %get3A_64 = tpu.vector_load %arg6[%get3A_62, %get3A_63] {strides = array<i32>} : memref<80x128xi32, #tpu.memory_space<vmem>>, vector<1x16xi32>,
      %get3A_65 = vector.shape_cast %get3A_64 : vector<1x16xi32> to vector<16xi32>
      %swap3A_66 = arith.constant 48 : index
      %swap3A_67 = tpu.vector_load %arg7[%swap3A_66] {strides = array<i32>} : memref<128xi32, #tpu.memory_space<vmem>>, vector<16xi32>,
      %swap3A_68 = vector.shape_cast %swap3A_67 : vector<16xi32> to vector<16xi32>
      %swap3A_69 = vector.shape_cast %get3A_65 : vector<16xi32> to vector<16xi32>
      tpu.vector_store %arg7[%swap3A_66], %swap3A_69 {strides = array<i32>} : memref<128xi32, #tpu.memory_space<vmem>>, vector<16xi32>,
      %get3A_70 = arith.index_cast %scan3A_39 : i32 to index
      %get3A_71 = arith.constant 64 : index
      %get3A_72 = tpu.vector_load %arg6[%get3A_70, %get3A_71] {strides = array<i32>} : memref<80x128xi32, #tpu.memory_space<vmem>>, vector<1x16xi32>,
      %get3A_73 = vector.shape_cast %get3A_72 : vector<1x16xi32> to vector<16xi32>
      %swap3A_74 = arith.constant 64 : index
      %swap3A_75 = tpu.vector_load %arg7[%swap3A_74] {strides = array<i32>} : memref<128xi32, #tpu.memory_space<vmem>>, vector<16xi32>,
      %swap3A_76 = vector.shape_cast %swap3A_75 : vector<16xi32> to vector<16xi32>
      %swap3A_77 = vector.shape_cast %get3A_73 : vector<16xi32> to vector<16xi32>
      tpu.vector_store %arg7[%swap3A_74], %swap3A_77 {strides = array<i32>} : memref<128xi32, #tpu.memory_space<vmem>>, vector<16xi32>,
      %get3A_78 = arith.index_cast %scan3A_39 : i32 to index
      %get3A_79 = arith.constant 80 : index
      %get3A_80 = tpu.vector_load %arg6[%get3A_78, %get3A_79] {strides = array<i32>} : memref<80x128xi32, #tpu.memory_space<vmem>>, vector<1x16xi32>,
      %get3A_81 = vector.shape_cast %get3A_80 : vector<1x16xi32> to vector<16xi32>
      %swap3A_82 = arith.constant 80 : index
      %swap3A_83 = tpu.vector_load %arg7[%swap3A_82] {strides = array<i32>} : memref<128xi32, #tpu.memory_space<vmem>>, vector<16xi32>,
      %swap3A_84 = vector.shape_cast %swap3A_83 : vector<16xi32> to vector<16xi32>
      %swap3A_85 = vector.shape_cast %get3A_81 : vector<16xi32> to vector<16xi32>
      tpu.vector_store %arg7[%swap3A_82], %swap3A_85 {strides = array<i32>} : memref<128xi32, #tpu.memory_space<vmem>>, vector<16xi32>,
      %get3A_86 = arith.index_cast %scan3A_39 : i32 to index
      %get3A_87 = arith.constant 96 : index
      %get3A_88 = tpu.vector_load %arg6[%get3A_86, %get3A_87] {strides = array<i32>} : memref<80x128xi32, #tpu.memory_space<vmem>>, vector<1x16xi32>,
      %get3A_89 = vector.shape_cast %get3A_88 : vector<1x16xi32> to vector<16xi32>
      %swap3A_90 = arith.constant 96 : index
      %swap3A_91 = tpu.vector_load %arg7[%swap3A_90] {strides = array<i32>} : memref<128xi32, #tpu.memory_space<vmem>>, vector<16xi32>,
      %swap3A_92 = vector.shape_cast %swap3A_91 : vector<16xi32> to vector<16xi32>
      %swap3A_93 = vector.shape_cast %get3A_89 : vector<16xi32> to vector<16xi32>
      tpu.vector_store %arg7[%swap3A_90], %swap3A_93 {strides = array<i32>} : memref<128xi32, #tpu.memory_space<vmem>>, vector<16xi32>,
      %get3A_94 = arith.index_cast %scan3A_39 : i32 to index
      %get3A_95 = arith.constant 112 : index
      %get3A_96 = tpu.vector_load %arg6[%get3A_94, %get3A_95] {strides = array<i32>} : memref<80x128xi32, #tpu.memory_space<vmem>>, vector<1x16xi32>,
      %get3A_97 = vector.shape_cast %get3A_96 : vector<1x16xi32> to vector<16xi32>
      %swap3A_98 = arith.constant 112 : index
      %swap3A_99 = tpu.vector_load %arg7[%swap3A_98] {strides = array<i32>} : memref<128xi32, #tpu.memory_space<vmem>>, vector<16xi32>,
      %swap3A_100 = vector.shape_cast %swap3A_99 : vector<16xi32> to vector<16xi32>
      %swap3A_101 = vector.shape_cast %get3A_97 : vector<16xi32> to vector<16xi32>
      tpu.vector_store %arg7[%swap3A_98], %swap3A_101 {strides = array<i32>} : memref<128xi32, #tpu.memory_space<vmem>>, vector<16xi32>,
      %dma_start3A = arith.constant 0 : i32
      %dma_start3A_102 = arith.constant 0 : i32
      %dma_start3A_103 = tpu.memref_slice %arg4[%dma_start3A, %dma_start3A_102] : memref<10240x128xf32, #tpu.memory_space<hbm>> -> memref<10240x128xf32, #tpu.memory_space<hbm>>
      tpu.enqueue_indirect_dma source(%dma_start3A_103 : memref<10240x128xf32, #tpu.memory_space<hbm>>) target(%arg10 : memref<128x128xf32, #tpu.memory_space<vmem>>) offsets(%arg7 : memref<128xi32, #tpu.memory_space<vmem>>) semaphore(%arg12 : memref<!tpu.dma_semaphore, #tpu.memory_space<semaphore_mem>>)
      %dma_wait3A = arith.constant 0 : i32
      %dma_wait3A_104 = arith.constant 0 : i32
      %dma_wait3A_105 = tpu.memref_slice %arg4[%dma_wait3A, %dma_wait3A_104] : memref<10240x128xf32, #tpu.memory_space<hbm>> -> memref<10240x128xf32, #tpu.memory_space<hbm>>
      tpu.wait_indirect_dma semaphore(%arg12 : memref<!tpu.dma_semaphore, #tpu.memory_space<semaphore_mem>>) src(%dma_wait3A_105 : memref<10240x128xf32, #tpu.memory_space<hbm>>) dst(%arg10 : memref<128x128xf32, #tpu.memory_space<vmem>>)
      %get3A_106 = arith.index_cast %scan3A_39 : i32 to index
      %get3A_107 = arith.constant 0 : index
      %get3A_108 = tpu.vector_load %arg8[%get3A_106, %get3A_107] {strides = array<i32>} : memref<80x128xi32, #tpu.memory_space<vmem>>, vector<1x16xi32>,
      %get3A_109 = vector.shape_cast %get3A_108 : vector<1x16xi32> to vector<16xi32>
      %swap3A_110 = arith.constant 0 : index
      %swap3A_111 = tpu.vector_load %arg9[%swap3A_110] {strides = array<i32>} : memref<128xi32, #tpu.memory_space<vmem>>, vector<16xi32>,
      %swap3A_112 = vector.shape_cast %swap3A_111 : vector<16xi32> to vector<16xi32>
      %swap3A_113 = vector.shape_cast %get3A_109 : vector<16xi32> to vector<16xi32>
      tpu.vector_store %arg9[%swap3A_110], %swap3A_113 {strides = array<i32>} : memref<128xi32, #tpu.memory_space<vmem>>, vector<16xi32>,
      %get3A_114 = arith.index_cast %scan3A_39 : i32 to index
      %get3A_115 = arith.constant 16 : index
      %get3A_116 = tpu.vector_load %arg8[%get3A_114, %get3A_115] {strides = array<i32>} : memref<80x128xi32, #tpu.memory_space<vmem>>, vector<1x16xi32>,
      %get3A_117 = vector.shape_cast %get3A_116 : vector<1x16xi32> to vector<16xi32>
      %swap3A_118 = arith.constant 16 : index
      %swap3A_119 = tpu.vector_load %arg9[%swap3A_118] {strides = array<i32>} : memref<128xi32, #tpu.memory_space<vmem>>, vector<16xi32>,
      %swap3A_120 = vector.shape_cast %swap3A_119 : vector<16xi32> to vector<16xi32>
      %swap3A_121 = vector.shape_cast %get3A_117 : vector<16xi32> to vector<16xi32>
      tpu.vector_store %arg9[%swap3A_118], %swap3A_121 {strides = array<i32>} : memref<128xi32, #tpu.memory_space<vmem>>, vector<16xi32>,
      %get3A_122 = arith.index_cast %scan3A_39 : i32 to index
      %get3A_123 = arith.constant 32 : index
      %get3A_124 = tpu.vector_load %arg8[%get3A_122, %get3A_123] {strides = array<i32>} : memref<80x128xi32, #tpu.memory_space<vmem>>, vector<1x16xi32>,
      %get3A_125 = vector.shape_cast %get3A_124 : vector<1x16xi32> to vector<16xi32>
      %swap3A_126 = arith.constant 32 : index
      %swap3A_127 = tpu.vector_load %arg9[%swap3A_126] {strides = array<i32>} : memref<128xi32, #tpu.memory_space<vmem>>, vector<16xi32>,
      %swap3A_128 = vector.shape_cast %swap3A_127 : vector<16xi32> to vector<16xi32>
      %swap3A_129 = vector.shape_cast %get3A_125 : vector<16xi32> to vector<16xi32>
      tpu.vector_store %arg9[%swap3A_126], %swap3A_129 {strides = array<i32>} : memref<128xi32, #tpu.memory_space<vmem>>, vector<16xi32>,
      %get3A_130 = arith.index_cast %scan3A_39 : i32 to index
      %get3A_131 = arith.constant 48 : index
      %get3A_132 = tpu.vector_load %arg8[%get3A_130, %get3A_131] {strides = array<i32>} : memref<80x128xi32, #tpu.memory_space<vmem>>, vector<1x16xi32>,
      %get3A_133 = vector.shape_cast %get3A_132 : vector<1x16xi32> to vector<16xi32>
      %swap3A_134 = arith.constant 48 : index
      %swap3A_135 = tpu.vector_load %arg9[%swap3A_134] {strides = array<i32>} : memref<128xi32, #tpu.memory_space<vmem>>, vector<16xi32>,
      %swap3A_136 = vector.shape_cast %swap3A_135 : vector<16xi32> to vector<16xi32>
      %swap3A_137 = vector.shape_cast %get3A_133 : vector<16xi32> to vector<16xi32>
      tpu.vector_store %arg9[%swap3A_134], %swap3A_137 {strides = array<i32>} : memref<128xi32, #tpu.memory_space<vmem>>, vector<16xi32>,
      %get3A_138 = arith.index_cast %scan3A_39 : i32 to index
      %get3A_139 = arith.constant 64 : index
      %get3A_140 = tpu.vector_load %arg8[%get3A_138, %get3A_139] {strides = array<i32>} : memref<80x128xi32, #tpu.memory_space<vmem>>, vector<1x16xi32>,
      %get3A_141 = vector.shape_cast %get3A_140 : vector<1x16xi32> to vector<16xi32>
      %swap3A_142 = arith.constant 64 : index
      %swap3A_143 = tpu.vector_load %arg9[%swap3A_142] {strides = array<i32>} : memref<128xi32, #tpu.memory_space<vmem>>, vector<16xi32>,
      %swap3A_144 = vector.shape_cast %swap3A_143 : vector<16xi32> to vector<16xi32>
      %swap3A_145 = vector.shape_cast %get3A_141 : vector<16xi32> to vector<16xi32>
      tpu.vector_store %arg9[%swap3A_142], %swap3A_145 {strides = array<i32>} : memref<128xi32, #tpu.memory_space<vmem>>, vector<16xi32>,
      %get3A_146 = arith.index_cast %scan3A_39 : i32 to index
      %get3A_147 = arith.constant 80 : index
      %get3A_148 = tpu.vector_load %arg8[%get3A_146, %get3A_147] {strides = array<i32>} : memref<80x128xi32, #tpu.memory_space<vmem>>, vector<1x16xi32>,
      %get3A_149 = vector.shape_cast %get3A_148 : vector<1x16xi32> to vector<16xi32>
      %swap3A_150 = arith.constant 80 : index
      %swap3A_151 = tpu.vector_load %arg9[%swap3A_150] {strides = array<i32>} : memref<128xi32, #tpu.memory_space<vmem>>, vector<16xi32>,
      %swap3A_152 = vector.shape_cast %swap3A_151 : vector<16xi32> to vector<16xi32>
      %swap3A_153 = vector.shape_cast %get3A_149 : vector<16xi32> to vector<16xi32>
      tpu.vector_store %arg9[%swap3A_150], %swap3A_153 {strides = array<i32>} : memref<128xi32, #tpu.memory_space<vmem>>, vector<16xi32>,
      %get3A_154 = arith.index_cast %scan3A_39 : i32 to index
      %get3A_155 = arith.constant 96 : index
      %get3A_156 = tpu.vector_load %arg8[%get3A_154, %get3A_155] {strides = array<i32>} : memref<80x128xi32, #tpu.memory_space<vmem>>, vector<1x16xi32>,
      %get3A_157 = vector.shape_cast %get3A_156 : vector<1x16xi32> to vector<16xi32>
      %swap3A_158 = arith.constant 96 : index
      %swap3A_159 = tpu.vector_load %arg9[%swap3A_158] {strides = array<i32>} : memref<128xi32, #tpu.memory_space<vmem>>, vector<16xi32>,
      %swap3A_160 = vector.shape_cast %swap3A_159 : vector<16xi32> to vector<16xi32>
      %swap3A_161 = vector.shape_cast %get3A_157 : vector<16xi32> to vector<16xi32>
      tpu.vector_store %arg9[%swap3A_158], %swap3A_161 {strides = array<i32>} : memref<128xi32, #tpu.memory_space<vmem>>, vector<16xi32>,
      %get3A_162 = arith.index_cast %scan3A_39 : i32 to index
      %get3A_163 = arith.constant 112 : index
      %get3A_164 = tpu.vector_load %arg8[%get3A_162, %get3A_163] {strides = array<i32>} : memref<80x128xi32, #tpu.memory_space<vmem>>, vector<1x16xi32>,
      %get3A_165 = vector.shape_cast %get3A_164 : vector<1x16xi32> to vector<16xi32>
      %swap3A_166 = arith.constant 112 : index
      %swap3A_167 = tpu.vector_load %arg9[%swap3A_166] {strides = array<i32>} : memref<128xi32, #tpu.memory_space<vmem>>, vector<16xi32>,
      %swap3A_168 = vector.shape_cast %swap3A_167 : vector<16xi32> to vector<16xi32>
      %swap3A_169 = vector.shape_cast %get3A_165 : vector<16xi32> to vector<16xi32>
      tpu.vector_store %arg9[%swap3A_166], %swap3A_169 {strides = array<i32>} : memref<128xi32, #tpu.memory_space<vmem>>, vector<16xi32>,
      "tpu.region"() ({
        %run_scoped3A = tpu.sem_alloc : memref<!tpu.dma_semaphore, #tpu.memory_space<semaphore_mem>>
        %dma_start3A_170 = arith.constant 0 : i32
        %dma_start3A_171 = arith.constant 0 : i32
        %dma_start3A_172 = tpu.memref_slice %arg11[%dma_start3A_170, %dma_start3A_171] : memref<10240x128xf32, #tpu.memory_space<vmem_shared>> -> memref<10240x128xf32, #tpu.memory_space<vmem_shared>>
        tpu.enqueue_indirect_dma source(%arg10 : memref<128x128xf32, #tpu.memory_space<vmem>>) target(%dma_start3A_172 : memref<10240x128xf32, #tpu.memory_space<vmem_shared>>) offsets(%arg9 : memref<128xi32, #tpu.memory_space<vmem>>) semaphore(%run_scoped3A : memref<!tpu.dma_semaphore, #tpu.memory_space<semaphore_mem>>) {add = true}
        %dma_wait3A_173 = arith.constant 0 : i32
        %dma_wait3A_174 = arith.constant 0 : i32
        %dma_wait3A_175 = tpu.memref_slice %arg11[%dma_wait3A_173, %dma_wait3A_174] : memref<10240x128xf32, #tpu.memory_space<vmem_shared>> -> memref<10240x128xf32, #tpu.memory_space<vmem_shared>>
        tpu.wait_indirect_dma semaphore(%run_scoped3A : memref<!tpu.dma_semaphore, #tpu.memory_space<semaphore_mem>>) src(%arg10 : memref<128x128xf32, #tpu.memory_space<vmem>>) dst(%dma_wait3A_175 : memref<10240x128xf32, #tpu.memory_space<vmem_shared>>)
        tpu.yield
      }) : () -> ()
    }
    %scan3A_34 = arith.constant 80 : i32
    %barrier3A_35 = arith.constant 0 : index
    tpu.barrier barrier_id(%barrier3A_35)
    %mul3A_36 = arith.constant 10240 : i32
    %mul3A_37 = arith.muli %arg0, %mul3A_36 : i32
    %add3A_38 = arith.addi %mul3A_37, %mul3A_8 : i32
    "tpu.region"() ({
      %run_scoped3A = tpu.sem_alloc : memref<!tpu.dma_semaphore, #tpu.memory_space<semaphore_mem>>
      %dma_start3A = arith.constant 0 : i32
      %dma_start3A_39 = tpu.memref_slice %arg5[%add3A_38, %dma_start3A] : memref<20480x128xf32, #tpu.memory_space<hbm>> -> memref<640x128xf32, #tpu.memory_space<hbm>>
      %dma_start3A_40 = arith.constant 0 : i32
      %dma_start3A_41 = tpu.memref_slice %arg11[%mul3A_8, %dma_start3A_40] : memref<10240x128xf32, #tpu.memory_space<vmem_shared>> -> memref<640x128xf32, #tpu.memory_space<vmem_shared>>
      tpu.enqueue_dma source(%dma_start3A_41 : memref<640x128xf32, #tpu.memory_space<vmem_shared>>) target(%dma_start3A_39 : memref<640x128xf32, #tpu.memory_space<hbm>>) target_semaphore(%run_scoped3A : memref<!tpu.dma_semaphore, #tpu.memory_space<semaphore_mem>>)
      %dma_wait3A = arith.constant 0 : i32
      %dma_wait3A_42 = tpu.memref_slice %arg5[%add3A_38, %dma_wait3A] : memref<20480x128xf32, #tpu.memory_space<hbm>> -> memref<640x128xf32, #tpu.memory_space<hbm>>
      %dma_wait3A_43 = arith.constant 0 : i32
      %dma_wait3A_44 = tpu.memref_slice %arg11[%mul3A_8, %dma_wait3A_43] : memref<10240x128xf32, #tpu.memory_space<vmem_shared>> -> memref<640x128xf32, #tpu.memory_space<vmem_shared>>
      tpu.wait_dma2 semaphore(%run_scoped3A : memref<!tpu.dma_semaphore, #tpu.memory_space<semaphore_mem>>) src(%dma_wait3A_44 : memref<640x128xf32, #tpu.memory_space<vmem_shared>>) dst(%dma_wait3A_42 : memref<640x128xf32, #tpu.memory_space<hbm>>)
      tpu.yield
    }) : () -> ()
    return
  }
}

#map = affine_map<(d0, d1) -> (0, 0)>
module attributes {stable_mosaic.version = 14 : i64} {
  func.func @prop(%arg0: i32, %arg1: i32, %arg2: memref<2560x128xi32, #tpu.memory_space<hbm>>, %arg3: memref<2560x128xi32, #tpu.memory_space<hbm>>, %arg4: memref<10240x128xf32, #tpu.memory_space<hbm>>, %arg5: memref<20480x128xf32, #tpu.memory_space<hbm>>, %arg6: memref<80x128xi32, #tpu.memory_space<vmem>>, %arg7: memref<128xi32, #tpu.memory_space<vmem>>, %arg8: memref<80x128xi32, #tpu.memory_space<vmem>>, %arg9: memref<128xi32, #tpu.memory_space<vmem>>, %arg10: memref<128x128xf32, #tpu.memory_space<vmem>>, %arg11: memref<10240x128xf32, #tpu.memory_space<vmem_shared>>, %arg12: memref<!tpu.dma_semaphore, #tpu.memory_space<semaphore_mem>>) attributes {dimension_semantics = [#tpu.dimension_semantics<core_parallel>, #tpu.dimension_semantics<subcore_parallel>], iteration_bounds = array<i64: 2, 16>, scalar_prefetch = 0 : i64, scratch_operands = 7 : i64, tpu.core_type = #tpu.core_type<sc_vector_subcore>, window_params = [{transform_indices = #map}, {transform_indices = #map}, {transform_indices = #map}, {transform_indices = #map}]} {
    %mul3A = arith.constant 16 : i32
    %mul3A_0 = arith.muli %arg0, %mul3A : i32
    %add3A = arith.addi %mul3A_0, %arg1 : i32
    %broadcast_in_dim3A = arith.constant 0.000000e+00 : f32
    %broadcast_in_dim3A_1 = vector.broadcast %broadcast_in_dim3A : f32 to vector<16xf32>
    %scan3A = arith.constant 0 : i32
    %scan3A_2 = arith.constant 0 : i32
    %scan3A_3 = arith.constant 80 : i32
    %scan3A_4 = arith.addi %scan3A_2, %scan3A_3 : i32
    %scan3A_5 = arith.constant 1 : i32
    scf.for %scan3A_39 = %scan3A_2 to %scan3A_4 step %scan3A_5  : i32 {
      %swap3A = arith.index_cast %scan3A_39 : i32 to index
      %swap3A_40 = arith.constant 0 : index
      %swap3A_41 = tpu.vector_load %arg10[%swap3A, %swap3A_40] {strides = array<i32>} : memref<128x128xf32, #tpu.memory_space<vmem>>, vector<1x16xf32>,
      %swap3A_42 = vector.shape_cast %swap3A_41 : vector<1x16xf32> to vector<16xf32>
      %swap3A_43 = vector.shape_cast %broadcast_in_dim3A_1 : vector<16xf32> to vector<1x16xf32>
      tpu.vector_store %arg10[%swap3A, %swap3A_40], %swap3A_43 {strides = array<i32>} : memref<128x128xf32, #tpu.memory_space<vmem>>, vector<1x16xf32>,
      %swap3A_44 = arith.index_cast %scan3A_39 : i32 to index
      %swap3A_45 = arith.constant 16 : index
      %swap3A_46 = tpu.vector_load %arg10[%swap3A_44, %swap3A_45] {strides = array<i32>} : memref<128x128xf32, #tpu.memory_space<vmem>>, vector<1x16xf32>,
      %swap3A_47 = vector.shape_cast %swap3A_46 : vector<1x16xf32> to vector<16xf32>
      %swap3A_48 = vector.shape_cast %broadcast_in_dim3A_1 : vector<16xf32> to vector<1x16xf32>
      tpu.vector_store %arg10[%swap3A_44, %swap3A_45], %swap3A_48 {strides = array<i32>} : memref<128x128xf32, #tpu.memory_space<vmem>>, vector<1x16xf32>,
      %swap3A_49 = arith.index_cast %scan3A_39 : i32 to index
      %swap3A_50 = arith.constant 32 : index
      %swap3A_51 = tpu.vector_load %arg10[%swap3A_49, %swap3A_50] {strides = array<i32>} : memref<128x128xf32, #tpu.memory_space<vmem>>, vector<1x16xf32>,
      %swap3A_52 = vector.shape_cast %swap3A_51 : vector<1x16xf32> to vector<16xf32>
      %swap3A_53 = vector.shape_cast %broadcast_in_dim3A_1 : vector<16xf32> to vector<1x16xf32>
      tpu.vector_store %arg10[%swap3A_49, %swap3A_50], %swap3A_53 {strides = array<i32>} : memref<128x128xf32, #tpu.memory_space<vmem>>, vector<1x16xf32>,
      %swap3A_54 = arith.index_cast %scan3A_39 : i32 to index
      %swap3A_55 = arith.constant 48 : index
      %swap3A_56 = tpu.vector_load %arg10[%swap3A_54, %swap3A_55] {strides = array<i32>} : memref<128x128xf32, #tpu.memory_space<vmem>>, vector<1x16xf32>,
      %swap3A_57 = vector.shape_cast %swap3A_56 : vector<1x16xf32> to vector<16xf32>
      %swap3A_58 = vector.shape_cast %broadcast_in_dim3A_1 : vector<16xf32> to vector<1x16xf32>
      tpu.vector_store %arg10[%swap3A_54, %swap3A_55], %swap3A_58 {strides = array<i32>} : memref<128x128xf32, #tpu.memory_space<vmem>>, vector<1x16xf32>,
      %swap3A_59 = arith.index_cast %scan3A_39 : i32 to index
      %swap3A_60 = arith.constant 64 : index
      %swap3A_61 = tpu.vector_load %arg10[%swap3A_59, %swap3A_60] {strides = array<i32>} : memref<128x128xf32, #tpu.memory_space<vmem>>, vector<1x16xf32>,
      %swap3A_62 = vector.shape_cast %swap3A_61 : vector<1x16xf32> to vector<16xf32>
      %swap3A_63 = vector.shape_cast %broadcast_in_dim3A_1 : vector<16xf32> to vector<1x16xf32>
      tpu.vector_store %arg10[%swap3A_59, %swap3A_60], %swap3A_63 {strides = array<i32>} : memref<128x128xf32, #tpu.memory_space<vmem>>, vector<1x16xf32>,
      %swap3A_64 = arith.index_cast %scan3A_39 : i32 to index
      %swap3A_65 = arith.constant 80 : index
      %swap3A_66 = tpu.vector_load %arg10[%swap3A_64, %swap3A_65] {strides = array<i32>} : memref<128x128xf32, #tpu.memory_space<vmem>>, vector<1x16xf32>,
      %swap3A_67 = vector.shape_cast %swap3A_66 : vector<1x16xf32> to vector<16xf32>
      %swap3A_68 = vector.shape_cast %broadcast_in_dim3A_1 : vector<16xf32> to vector<1x16xf32>
      tpu.vector_store %arg10[%swap3A_64, %swap3A_65], %swap3A_68 {strides = array<i32>} : memref<128x128xf32, #tpu.memory_space<vmem>>, vector<1x16xf32>,
      %swap3A_69 = arith.index_cast %scan3A_39 : i32 to index
      %swap3A_70 = arith.constant 96 : index
      %swap3A_71 = tpu.vector_load %arg10[%swap3A_69, %swap3A_70] {strides = array<i32>} : memref<128x128xf32, #tpu.memory_space<vmem>>, vector<1x16xf32>,
      %swap3A_72 = vector.shape_cast %swap3A_71 : vector<1x16xf32> to vector<16xf32>
      %swap3A_73 = vector.shape_cast %broadcast_in_dim3A_1 : vector<16xf32> to vector<1x16xf32>
      tpu.vector_store %arg10[%swap3A_69, %swap3A_70], %swap3A_73 {strides = array<i32>} : memref<128x128xf32, #tpu.memory_space<vmem>>, vector<1x16xf32>,
      %swap3A_74 = arith.index_cast %scan3A_39 : i32 to index
      %swap3A_75 = arith.constant 112 : index
      %swap3A_76 = tpu.vector_load %arg10[%swap3A_74, %swap3A_75] {strides = array<i32>} : memref<128x128xf32, #tpu.memory_space<vmem>>, vector<1x16xf32>,
      %swap3A_77 = vector.shape_cast %swap3A_76 : vector<1x16xf32> to vector<16xf32>
      %swap3A_78 = vector.shape_cast %broadcast_in_dim3A_1 : vector<16xf32> to vector<1x16xf32>
      tpu.vector_store %arg10[%swap3A_74, %swap3A_75], %swap3A_78 {strides = array<i32>} : memref<128x128xf32, #tpu.memory_space<vmem>>, vector<1x16xf32>,
    }
    %scan3A_6 = arith.constant 80 : i32
    %mul3A_7 = arith.constant 640 : i32
    %mul3A_8 = arith.muli %arg1, %mul3A_7 : i32
    %add3A_9 = arith.constant 0 : i32
    %add3A_10 = arith.addi %mul3A_8, %add3A_9 : i32
    "tpu.region"() ({
      %run_scoped3A = tpu.sem_alloc : memref<!tpu.dma_semaphore, #tpu.memory_space<semaphore_mem>>
      %dma_start3A = arith.constant 0 : i32
      %dma_start3A_39 = arith.constant 0 : i32
      %dma_start3A_40 = tpu.memref_slice %arg10[%dma_start3A, %dma_start3A_39] : memref<128x128xf32, #tpu.memory_space<vmem>> -> memref<80x128xf32, #tpu.memory_space<vmem>>
      %dma_start3A_41 = arith.constant 0 : i32
      %dma_start3A_42 = tpu.memref_slice %arg11[%add3A_10, %dma_start3A_41] : memref<10240x128xf32, #tpu.memory_space<vmem_shared>> -> memref<80x128xf32, #tpu.memory_space<vmem_shared>>
      %dma_start3A_43 = arith.constant 0 : i32
      %dma_start3A_44 = tpu.memref_slice %arg11[%add3A_10, %dma_start3A_43] : memref<10240x128xf32, #tpu.memory_space<vmem_shared>> -> memref<80x128xf32, #tpu.memory_space<vmem_shared>>
      %dma_start3A_45 = arith.constant 0 : i32
      %dma_start3A_46 = arith.constant 0 : i32
      %dma_start3A_47 = tpu.memref_slice %arg10[%dma_start3A_45, %dma_start3A_46] : memref<128x128xf32, #tpu.memory_space<vmem>> -> memref<80x128xf32, #tpu.memory_space<vmem>>
      tpu.enqueue_dma source(%dma_start3A_47 : memref<80x128xf32, #tpu.memory_space<vmem>>) target(%dma_start3A_44 : memref<80x128xf32, #tpu.memory_space<vmem_shared>>) target_semaphore(%run_scoped3A : memref<!tpu.dma_semaphore, #tpu.memory_space<semaphore_mem>>)
      %dma_wait3A = arith.constant 0 : i32
      %dma_wait3A_48 = arith.constant 0 : i32
      %dma_wait3A_49 = tpu.memref_slice %arg10[%dma_wait3A, %dma_wait3A_48] : memref<128x128xf32, #tpu.memory_space<vmem>> -> memref<80x128xf32, #tpu.memory_space<vmem>>
      %dma_wait3A_50 = arith.constant 0 : i32
      %dma_wait3A_51 = tpu.memref_slice %arg11[%add3A_10, %dma_wait3A_50] : memref<10240x128xf32, #tpu.memory_space<vmem_shared>> -> memref<80x128xf32, #tpu.memory_space<vmem_shared>>
      %dma_wait3A_52 = arith.constant 0 : i32
      %dma_wait3A_53 = tpu.memref_slice %arg11[%add3A_10, %dma_wait3A_52] : memref<10240x128xf32, #tpu.memory_space<vmem_shared>> -> memref<80x128xf32, #tpu.memory_space<vmem_shared>>
      %dma_wait3A_54 = arith.constant 0 : i32
      %dma_wait3A_55 = arith.constant 0 : i32
      %dma_wait3A_56 = tpu.memref_slice %arg10[%dma_wait3A_54, %dma_wait3A_55] : memref<128x128xf32, #tpu.memory_space<vmem>> -> memref<80x128xf32, #tpu.memory_space<vmem>>
      tpu.wait_dma2 semaphore(%run_scoped3A : memref<!tpu.dma_semaphore, #tpu.memory_space<semaphore_mem>>) src(%dma_wait3A_56 : memref<80x128xf32, #tpu.memory_space<vmem>>) dst(%dma_wait3A_53 : memref<80x128xf32, #tpu.memory_space<vmem_shared>>)
      tpu.yield
    }) : () -> ()
    %add3A_11 = arith.constant 80 : i32
    %add3A_12 = arith.addi %mul3A_8, %add3A_11 : i32
    "tpu.region"() ({
      %run_scoped3A = tpu.sem_alloc : memref<!tpu.dma_semaphore, #tpu.memory_space<semaphore_mem>>
      %dma_start3A = arith.constant 0 : i32
      %dma_start3A_39 = arith.constant 0 : i32
      %dma_start3A_40 = tpu.memref_slice %arg10[%dma_start3A, %dma_start3A_39] : memref<128x128xf32, #tpu.memory_space<vmem>> -> memref<80x128xf32, #tpu.memory_space<vmem>>
      %dma_start3A_41 = arith.constant 0 : i32
      %dma_start3A_42 = tpu.memref_slice %arg11[%add3A_12, %dma_start3A_41] : memref<10240x128xf32, #tpu.memory_space<vmem_shared>> -> memref<80x128xf32, #tpu.memory_space<vmem_shared>>
      %dma_start3A_43 = arith.constant 0 : i32
      %dma_start3A_44 = tpu.memref_slice %arg11[%add3A_12, %dma_start3A_43] : memref<10240x128xf32, #tpu.memory_space<vmem_shared>> -> memref<80x128xf32, #tpu.memory_space<vmem_shared>>
      %dma_start3A_45 = arith.constant 0 : i32
      %dma_start3A_46 = arith.constant 0 : i32
      %dma_start3A_47 = tpu.memref_slice %arg10[%dma_start3A_45, %dma_start3A_46] : memref<128x128xf32, #tpu.memory_space<vmem>> -> memref<80x128xf32, #tpu.memory_space<vmem>>
      tpu.enqueue_dma source(%dma_start3A_47 : memref<80x128xf32, #tpu.memory_space<vmem>>) target(%dma_start3A_44 : memref<80x128xf32, #tpu.memory_space<vmem_shared>>) target_semaphore(%run_scoped3A : memref<!tpu.dma_semaphore, #tpu.memory_space<semaphore_mem>>)
      %dma_wait3A = arith.constant 0 : i32
      %dma_wait3A_48 = arith.constant 0 : i32
      %dma_wait3A_49 = tpu.memref_slice %arg10[%dma_wait3A, %dma_wait3A_48] : memref<128x128xf32, #tpu.memory_space<vmem>> -> memref<80x128xf32, #tpu.memory_space<vmem>>
      %dma_wait3A_50 = arith.constant 0 : i32
      %dma_wait3A_51 = tpu.memref_slice %arg11[%add3A_12, %dma_wait3A_50] : memref<10240x128xf32, #tpu.memory_space<vmem_shared>> -> memref<80x128xf32, #tpu.memory_space<vmem_shared>>
      %dma_wait3A_52 = arith.constant 0 : i32
      %dma_wait3A_53 = tpu.memref_slice %arg11[%add3A_12, %dma_wait3A_52] : memref<10240x128xf32, #tpu.memory_space<vmem_shared>> -> memref<80x128xf32, #tpu.memory_space<vmem_shared>>
      %dma_wait3A_54 = arith.constant 0 : i32
      %dma_wait3A_55 = arith.constant 0 : i32
      %dma_wait3A_56 = tpu.memref_slice %arg10[%dma_wait3A_54, %dma_wait3A_55] : memref<128x128xf32, #tpu.memory_space<vmem>> -> memref<80x128xf32, #tpu.memory_space<vmem>>
      tpu.wait_dma2 semaphore(%run_scoped3A : memref<!tpu.dma_semaphore, #tpu.memory_space<semaphore_mem>>) src(%dma_wait3A_56 : memref<80x128xf32, #tpu.memory_space<vmem>>) dst(%dma_wait3A_53 : memref<80x128xf32, #tpu.memory_space<vmem_shared>>)
      tpu.yield
    }) : () -> ()
    %add3A_13 = arith.constant 160 : i32
    %add3A_14 = arith.addi %mul3A_8, %add3A_13 : i32
    "tpu.region"() ({
      %run_scoped3A = tpu.sem_alloc : memref<!tpu.dma_semaphore, #tpu.memory_space<semaphore_mem>>
      %dma_start3A = arith.constant 0 : i32
      %dma_start3A_39 = arith.constant 0 : i32
      %dma_start3A_40 = tpu.memref_slice %arg10[%dma_start3A, %dma_start3A_39] : memref<128x128xf32, #tpu.memory_space<vmem>> -> memref<80x128xf32, #tpu.memory_space<vmem>>
      %dma_start3A_41 = arith.constant 0 : i32
      %dma_start3A_42 = tpu.memref_slice %arg11[%add3A_14, %dma_start3A_41] : memref<10240x128xf32, #tpu.memory_space<vmem_shared>> -> memref<80x128xf32, #tpu.memory_space<vmem_shared>>
      %dma_start3A_43 = arith.constant 0 : i32
      %dma_start3A_44 = tpu.memref_slice %arg11[%add3A_14, %dma_start3A_43] : memref<10240x128xf32, #tpu.memory_space<vmem_shared>> -> memref<80x128xf32, #tpu.memory_space<vmem_shared>>
      %dma_start3A_45 = arith.constant 0 : i32
      %dma_start3A_46 = arith.constant 0 : i32
      %dma_start3A_47 = tpu.memref_slice %arg10[%dma_start3A_45, %dma_start3A_46] : memref<128x128xf32, #tpu.memory_space<vmem>> -> memref<80x128xf32, #tpu.memory_space<vmem>>
      tpu.enqueue_dma source(%dma_start3A_47 : memref<80x128xf32, #tpu.memory_space<vmem>>) target(%dma_start3A_44 : memref<80x128xf32, #tpu.memory_space<vmem_shared>>) target_semaphore(%run_scoped3A : memref<!tpu.dma_semaphore, #tpu.memory_space<semaphore_mem>>)
      %dma_wait3A = arith.constant 0 : i32
      %dma_wait3A_48 = arith.constant 0 : i32
      %dma_wait3A_49 = tpu.memref_slice %arg10[%dma_wait3A, %dma_wait3A_48] : memref<128x128xf32, #tpu.memory_space<vmem>> -> memref<80x128xf32, #tpu.memory_space<vmem>>
      %dma_wait3A_50 = arith.constant 0 : i32
      %dma_wait3A_51 = tpu.memref_slice %arg11[%add3A_14, %dma_wait3A_50] : memref<10240x128xf32, #tpu.memory_space<vmem_shared>> -> memref<80x128xf32, #tpu.memory_space<vmem_shared>>
      %dma_wait3A_52 = arith.constant 0 : i32
      %dma_wait3A_53 = tpu.memref_slice %arg11[%add3A_14, %dma_wait3A_52] : memref<10240x128xf32, #tpu.memory_space<vmem_shared>> -> memref<80x128xf32, #tpu.memory_space<vmem_shared>>
      %dma_wait3A_54 = arith.constant 0 : i32
      %dma_wait3A_55 = arith.constant 0 : i32
      %dma_wait3A_56 = tpu.memref_slice %arg10[%dma_wait3A_54, %dma_wait3A_55] : memref<128x128xf32, #tpu.memory_space<vmem>> -> memref<80x128xf32, #tpu.memory_space<vmem>>
      tpu.wait_dma2 semaphore(%run_scoped3A : memref<!tpu.dma_semaphore, #tpu.memory_space<semaphore_mem>>) src(%dma_wait3A_56 : memref<80x128xf32, #tpu.memory_space<vmem>>) dst(%dma_wait3A_53 : memref<80x128xf32, #tpu.memory_space<vmem_shared>>)
      tpu.yield
    }) : () -> ()
    %add3A_15 = arith.constant 240 : i32
    %add3A_16 = arith.addi %mul3A_8, %add3A_15 : i32
    "tpu.region"() ({
      %run_scoped3A = tpu.sem_alloc : memref<!tpu.dma_semaphore, #tpu.memory_space<semaphore_mem>>
      %dma_start3A = arith.constant 0 : i32
      %dma_start3A_39 = arith.constant 0 : i32
      %dma_start3A_40 = tpu.memref_slice %arg10[%dma_start3A, %dma_start3A_39] : memref<128x128xf32, #tpu.memory_space<vmem>> -> memref<80x128xf32, #tpu.memory_space<vmem>>
      %dma_start3A_41 = arith.constant 0 : i32
      %dma_start3A_42 = tpu.memref_slice %arg11[%add3A_16, %dma_start3A_41] : memref<10240x128xf32, #tpu.memory_space<vmem_shared>> -> memref<80x128xf32, #tpu.memory_space<vmem_shared>>
      %dma_start3A_43 = arith.constant 0 : i32
      %dma_start3A_44 = tpu.memref_slice %arg11[%add3A_16, %dma_start3A_43] : memref<10240x128xf32, #tpu.memory_space<vmem_shared>> -> memref<80x128xf32, #tpu.memory_space<vmem_shared>>
      %dma_start3A_45 = arith.constant 0 : i32
      %dma_start3A_46 = arith.constant 0 : i32
      %dma_start3A_47 = tpu.memref_slice %arg10[%dma_start3A_45, %dma_start3A_46] : memref<128x128xf32, #tpu.memory_space<vmem>> -> memref<80x128xf32, #tpu.memory_space<vmem>>
      tpu.enqueue_dma source(%dma_start3A_47 : memref<80x128xf32, #tpu.memory_space<vmem>>) target(%dma_start3A_44 : memref<80x128xf32, #tpu.memory_space<vmem_shared>>) target_semaphore(%run_scoped3A : memref<!tpu.dma_semaphore, #tpu.memory_space<semaphore_mem>>)
      %dma_wait3A = arith.constant 0 : i32
      %dma_wait3A_48 = arith.constant 0 : i32
      %dma_wait3A_49 = tpu.memref_slice %arg10[%dma_wait3A, %dma_wait3A_48] : memref<128x128xf32, #tpu.memory_space<vmem>> -> memref<80x128xf32, #tpu.memory_space<vmem>>
      %dma_wait3A_50 = arith.constant 0 : i32
      %dma_wait3A_51 = tpu.memref_slice %arg11[%add3A_16, %dma_wait3A_50] : memref<10240x128xf32, #tpu.memory_space<vmem_shared>> -> memref<80x128xf32, #tpu.memory_space<vmem_shared>>
      %dma_wait3A_52 = arith.constant 0 : i32
      %dma_wait3A_53 = tpu.memref_slice %arg11[%add3A_16, %dma_wait3A_52] : memref<10240x128xf32, #tpu.memory_space<vmem_shared>> -> memref<80x128xf32, #tpu.memory_space<vmem_shared>>
      %dma_wait3A_54 = arith.constant 0 : i32
      %dma_wait3A_55 = arith.constant 0 : i32
      %dma_wait3A_56 = tpu.memref_slice %arg10[%dma_wait3A_54, %dma_wait3A_55] : memref<128x128xf32, #tpu.memory_space<vmem>> -> memref<80x128xf32, #tpu.memory_space<vmem>>
      tpu.wait_dma2 semaphore(%run_scoped3A : memref<!tpu.dma_semaphore, #tpu.memory_space<semaphore_mem>>) src(%dma_wait3A_56 : memref<80x128xf32, #tpu.memory_space<vmem>>) dst(%dma_wait3A_53 : memref<80x128xf32, #tpu.memory_space<vmem_shared>>)
      tpu.yield
    }) : () -> ()
    %add3A_17 = arith.constant 320 : i32
    %add3A_18 = arith.addi %mul3A_8, %add3A_17 : i32
    "tpu.region"() ({
      %run_scoped3A = tpu.sem_alloc : memref<!tpu.dma_semaphore, #tpu.memory_space<semaphore_mem>>
      %dma_start3A = arith.constant 0 : i32
      %dma_start3A_39 = arith.constant 0 : i32
      %dma_start3A_40 = tpu.memref_slice %arg10[%dma_start3A, %dma_start3A_39] : memref<128x128xf32, #tpu.memory_space<vmem>> -> memref<80x128xf32, #tpu.memory_space<vmem>>
      %dma_start3A_41 = arith.constant 0 : i32
      %dma_start3A_42 = tpu.memref_slice %arg11[%add3A_18, %dma_start3A_41] : memref<10240x128xf32, #tpu.memory_space<vmem_shared>> -> memref<80x128xf32, #tpu.memory_space<vmem_shared>>
      %dma_start3A_43 = arith.constant 0 : i32
      %dma_start3A_44 = tpu.memref_slice %arg11[%add3A_18, %dma_start3A_43] : memref<10240x128xf32, #tpu.memory_space<vmem_shared>> -> memref<80x128xf32, #tpu.memory_space<vmem_shared>>
      %dma_start3A_45 = arith.constant 0 : i32
      %dma_start3A_46 = arith.constant 0 : i32
      %dma_start3A_47 = tpu.memref_slice %arg10[%dma_start3A_45, %dma_start3A_46] : memref<128x128xf32, #tpu.memory_space<vmem>> -> memref<80x128xf32, #tpu.memory_space<vmem>>
      tpu.enqueue_dma source(%dma_start3A_47 : memref<80x128xf32, #tpu.memory_space<vmem>>) target(%dma_start3A_44 : memref<80x128xf32, #tpu.memory_space<vmem_shared>>) target_semaphore(%run_scoped3A : memref<!tpu.dma_semaphore, #tpu.memory_space<semaphore_mem>>)
      %dma_wait3A = arith.constant 0 : i32
      %dma_wait3A_48 = arith.constant 0 : i32
      %dma_wait3A_49 = tpu.memref_slice %arg10[%dma_wait3A, %dma_wait3A_48] : memref<128x128xf32, #tpu.memory_space<vmem>> -> memref<80x128xf32, #tpu.memory_space<vmem>>
      %dma_wait3A_50 = arith.constant 0 : i32
      %dma_wait3A_51 = tpu.memref_slice %arg11[%add3A_18, %dma_wait3A_50] : memref<10240x128xf32, #tpu.memory_space<vmem_shared>> -> memref<80x128xf32, #tpu.memory_space<vmem_shared>>
      %dma_wait3A_52 = arith.constant 0 : i32
      %dma_wait3A_53 = tpu.memref_slice %arg11[%add3A_18, %dma_wait3A_52] : memref<10240x128xf32, #tpu.memory_space<vmem_shared>> -> memref<80x128xf32, #tpu.memory_space<vmem_shared>>
      %dma_wait3A_54 = arith.constant 0 : i32
      %dma_wait3A_55 = arith.constant 0 : i32
      %dma_wait3A_56 = tpu.memref_slice %arg10[%dma_wait3A_54, %dma_wait3A_55] : memref<128x128xf32, #tpu.memory_space<vmem>> -> memref<80x128xf32, #tpu.memory_space<vmem>>
      tpu.wait_dma2 semaphore(%run_scoped3A : memref<!tpu.dma_semaphore, #tpu.memory_space<semaphore_mem>>) src(%dma_wait3A_56 : memref<80x128xf32, #tpu.memory_space<vmem>>) dst(%dma_wait3A_53 : memref<80x128xf32, #tpu.memory_space<vmem_shared>>)
      tpu.yield
    }) : () -> ()
    %add3A_19 = arith.constant 400 : i32
    %add3A_20 = arith.addi %mul3A_8, %add3A_19 : i32
    "tpu.region"() ({
      %run_scoped3A = tpu.sem_alloc : memref<!tpu.dma_semaphore, #tpu.memory_space<semaphore_mem>>
      %dma_start3A = arith.constant 0 : i32
      %dma_start3A_39 = arith.constant 0 : i32
      %dma_start3A_40 = tpu.memref_slice %arg10[%dma_start3A, %dma_start3A_39] : memref<128x128xf32, #tpu.memory_space<vmem>> -> memref<80x128xf32, #tpu.memory_space<vmem>>
      %dma_start3A_41 = arith.constant 0 : i32
      %dma_start3A_42 = tpu.memref_slice %arg11[%add3A_20, %dma_start3A_41] : memref<10240x128xf32, #tpu.memory_space<vmem_shared>> -> memref<80x128xf32, #tpu.memory_space<vmem_shared>>
      %dma_start3A_43 = arith.constant 0 : i32
      %dma_start3A_44 = tpu.memref_slice %arg11[%add3A_20, %dma_start3A_43] : memref<10240x128xf32, #tpu.memory_space<vmem_shared>> -> memref<80x128xf32, #tpu.memory_space<vmem_shared>>
      %dma_start3A_45 = arith.constant 0 : i32
      %dma_start3A_46 = arith.constant 0 : i32
      %dma_start3A_47 = tpu.memref_slice %arg10[%dma_start3A_45, %dma_start3A_46] : memref<128x128xf32, #tpu.memory_space<vmem>> -> memref<80x128xf32, #tpu.memory_space<vmem>>
      tpu.enqueue_dma source(%dma_start3A_47 : memref<80x128xf32, #tpu.memory_space<vmem>>) target(%dma_start3A_44 : memref<80x128xf32, #tpu.memory_space<vmem_shared>>) target_semaphore(%run_scoped3A : memref<!tpu.dma_semaphore, #tpu.memory_space<semaphore_mem>>)
      %dma_wait3A = arith.constant 0 : i32
      %dma_wait3A_48 = arith.constant 0 : i32
      %dma_wait3A_49 = tpu.memref_slice %arg10[%dma_wait3A, %dma_wait3A_48] : memref<128x128xf32, #tpu.memory_space<vmem>> -> memref<80x128xf32, #tpu.memory_space<vmem>>
      %dma_wait3A_50 = arith.constant 0 : i32
      %dma_wait3A_51 = tpu.memref_slice %arg11[%add3A_20, %dma_wait3A_50] : memref<10240x128xf32, #tpu.memory_space<vmem_shared>> -> memref<80x128xf32, #tpu.memory_space<vmem_shared>>
      %dma_wait3A_52 = arith.constant 0 : i32
      %dma_wait3A_53 = tpu.memref_slice %arg11[%add3A_20, %dma_wait3A_52] : memref<10240x128xf32, #tpu.memory_space<vmem_shared>> -> memref<80x128xf32, #tpu.memory_space<vmem_shared>>
      %dma_wait3A_54 = arith.constant 0 : i32
      %dma_wait3A_55 = arith.constant 0 : i32
      %dma_wait3A_56 = tpu.memref_slice %arg10[%dma_wait3A_54, %dma_wait3A_55] : memref<128x128xf32, #tpu.memory_space<vmem>> -> memref<80x128xf32, #tpu.memory_space<vmem>>
      tpu.wait_dma2 semaphore(%run_scoped3A : memref<!tpu.dma_semaphore, #tpu.memory_space<semaphore_mem>>) src(%dma_wait3A_56 : memref<80x128xf32, #tpu.memory_space<vmem>>) dst(%dma_wait3A_53 : memref<80x128xf32, #tpu.memory_space<vmem_shared>>)
      tpu.yield
    }) : () -> ()
    %add3A_21 = arith.constant 480 : i32
    %add3A_22 = arith.addi %mul3A_8, %add3A_21 : i32
    "tpu.region"() ({
      %run_scoped3A = tpu.sem_alloc : memref<!tpu.dma_semaphore, #tpu.memory_space<semaphore_mem>>
      %dma_start3A = arith.constant 0 : i32
      %dma_start3A_39 = arith.constant 0 : i32
      %dma_start3A_40 = tpu.memref_slice %arg10[%dma_start3A, %dma_start3A_39] : memref<128x128xf32, #tpu.memory_space<vmem>> -> memref<80x128xf32, #tpu.memory_space<vmem>>
      %dma_start3A_41 = arith.constant 0 : i32
      %dma_start3A_42 = tpu.memref_slice %arg11[%add3A_22, %dma_start3A_41] : memref<10240x128xf32, #tpu.memory_space<vmem_shared>> -> memref<80x128xf32, #tpu.memory_space<vmem_shared>>
      %dma_start3A_43 = arith.constant 0 : i32
      %dma_start3A_44 = tpu.memref_slice %arg11[%add3A_22, %dma_start3A_43] : memref<10240x128xf32, #tpu.memory_space<vmem_shared>> -> memref<80x128xf32, #tpu.memory_space<vmem_shared>>
      %dma_start3A_45 = arith.constant 0 : i32
      %dma_start3A_46 = arith.constant 0 : i32
      %dma_start3A_47 = tpu.memref_slice %arg10[%dma_start3A_45, %dma_start3A_46] : memref<128x128xf32, #tpu.memory_space<vmem>> -> memref<80x128xf32, #tpu.memory_space<vmem>>
      tpu.enqueue_dma source(%dma_start3A_47 : memref<80x128xf32, #tpu.memory_space<vmem>>) target(%dma_start3A_44 : memref<80x128xf32, #tpu.memory_space<vmem_shared>>) target_semaphore(%run_scoped3A : memref<!tpu.dma_semaphore, #tpu.memory_space<semaphore_mem>>)
      %dma_wait3A = arith.constant 0 : i32
      %dma_wait3A_48 = arith.constant 0 : i32
      %dma_wait3A_49 = tpu.memref_slice %arg10[%dma_wait3A, %dma_wait3A_48] : memref<128x128xf32, #tpu.memory_space<vmem>> -> memref<80x128xf32, #tpu.memory_space<vmem>>
      %dma_wait3A_50 = arith.constant 0 : i32
      %dma_wait3A_51 = tpu.memref_slice %arg11[%add3A_22, %dma_wait3A_50] : memref<10240x128xf32, #tpu.memory_space<vmem_shared>> -> memref<80x128xf32, #tpu.memory_space<vmem_shared>>
      %dma_wait3A_52 = arith.constant 0 : i32
      %dma_wait3A_53 = tpu.memref_slice %arg11[%add3A_22, %dma_wait3A_52] : memref<10240x128xf32, #tpu.memory_space<vmem_shared>> -> memref<80x128xf32, #tpu.memory_space<vmem_shared>>
      %dma_wait3A_54 = arith.constant 0 : i32
      %dma_wait3A_55 = arith.constant 0 : i32
      %dma_wait3A_56 = tpu.memref_slice %arg10[%dma_wait3A_54, %dma_wait3A_55] : memref<128x128xf32, #tpu.memory_space<vmem>> -> memref<80x128xf32, #tpu.memory_space<vmem>>
      tpu.wait_dma2 semaphore(%run_scoped3A : memref<!tpu.dma_semaphore, #tpu.memory_space<semaphore_mem>>) src(%dma_wait3A_56 : memref<80x128xf32, #tpu.memory_space<vmem>>) dst(%dma_wait3A_53 : memref<80x128xf32, #tpu.memory_space<vmem_shared>>)
      tpu.yield
    }) : () -> ()
    %add3A_23 = arith.constant 560 : i32
    %add3A_24 = arith.addi %mul3A_8, %add3A_23 : i32
    "tpu.region"() ({
      %run_scoped3A = tpu.sem_alloc : memref<!tpu.dma_semaphore, #tpu.memory_space<semaphore_mem>>
      %dma_start3A = arith.constant 0 : i32
      %dma_start3A_39 = arith.constant 0 : i32
      %dma_start3A_40 = tpu.memref_slice %arg10[%dma_start3A, %dma_start3A_39] : memref<128x128xf32, #tpu.memory_space<vmem>> -> memref<80x128xf32, #tpu.memory_space<vmem>>
      %dma_start3A_41 = arith.constant 0 : i32
      %dma_start3A_42 = tpu.memref_slice %arg11[%add3A_24, %dma_start3A_41] : memref<10240x128xf32, #tpu.memory_space<vmem_shared>> -> memref<80x128xf32, #tpu.memory_space<vmem_shared>>
      %dma_start3A_43 = arith.constant 0 : i32
      %dma_start3A_44 = tpu.memref_slice %arg11[%add3A_24, %dma_start3A_43] : memref<10240x128xf32, #tpu.memory_space<vmem_shared>> -> memref<80x128xf32, #tpu.memory_space<vmem_shared>>
      %dma_start3A_45 = arith.constant 0 : i32
      %dma_start3A_46 = arith.constant 0 : i32
      %dma_start3A_47 = tpu.memref_slice %arg10[%dma_start3A_45, %dma_start3A_46] : memref<128x128xf32, #tpu.memory_space<vmem>> -> memref<80x128xf32, #tpu.memory_space<vmem>>
      tpu.enqueue_dma source(%dma_start3A_47 : memref<80x128xf32, #tpu.memory_space<vmem>>) target(%dma_start3A_44 : memref<80x128xf32, #tpu.memory_space<vmem_shared>>) target_semaphore(%run_scoped3A : memref<!tpu.dma_semaphore, #tpu.memory_space<semaphore_mem>>)
      %dma_wait3A = arith.constant 0 : i32
      %dma_wait3A_48 = arith.constant 0 : i32
      %dma_wait3A_49 = tpu.memref_slice %arg10[%dma_wait3A, %dma_wait3A_48] : memref<128x128xf32, #tpu.memory_space<vmem>> -> memref<80x128xf32, #tpu.memory_space<vmem>>
      %dma_wait3A_50 = arith.constant 0 : i32
      %dma_wait3A_51 = tpu.memref_slice %arg11[%add3A_24, %dma_wait3A_50] : memref<10240x128xf32, #tpu.memory_space<vmem_shared>> -> memref<80x128xf32, #tpu.memory_space<vmem_shared>>
      %dma_wait3A_52 = arith.constant 0 : i32
      %dma_wait3A_53 = tpu.memref_slice %arg11[%add3A_24, %dma_wait3A_52] : memref<10240x128xf32, #tpu.memory_space<vmem_shared>> -> memref<80x128xf32, #tpu.memory_space<vmem_shared>>
      %dma_wait3A_54 = arith.constant 0 : i32
      %dma_wait3A_55 = arith.constant 0 : i32
      %dma_wait3A_56 = tpu.memref_slice %arg10[%dma_wait3A_54, %dma_wait3A_55] : memref<128x128xf32, #tpu.memory_space<vmem>> -> memref<80x128xf32, #tpu.memory_space<vmem>>
      tpu.wait_dma2 semaphore(%run_scoped3A : memref<!tpu.dma_semaphore, #tpu.memory_space<semaphore_mem>>) src(%dma_wait3A_56 : memref<80x128xf32, #tpu.memory_space<vmem>>) dst(%dma_wait3A_53 : memref<80x128xf32, #tpu.memory_space<vmem_shared>>)
      tpu.yield
    }) : () -> ()
    %mul3A_25 = arith.constant 80 : i32
    %mul3A_26 = arith.muli %add3A, %mul3A_25 : i32
    "tpu.region"() ({
      %run_scoped3A = tpu.sem_alloc : memref<!tpu.dma_semaphore, #tpu.memory_space<semaphore_mem>>
      %dma_start3A = arith.constant 0 : i32
      %dma_start3A_39 = tpu.memref_slice %arg2[%mul3A_26, %dma_start3A] : memref<2560x128xi32, #tpu.memory_space<hbm>> -> memref<80x128xi32, #tpu.memory_space<hbm>>
      %dma_start3A_40 = arith.constant 0 : i32
      %dma_start3A_41 = tpu.memref_slice %arg2[%mul3A_26, %dma_start3A_40] : memref<2560x128xi32, #tpu.memory_space<hbm>> -> memref<80x128xi32, #tpu.memory_space<hbm>>
      tpu.enqueue_dma source(%dma_start3A_41 : memref<80x128xi32, #tpu.memory_space<hbm>>) target(%arg6 : memref<80x128xi32, #tpu.memory_space<vmem>>) target_semaphore(%run_scoped3A : memref<!tpu.dma_semaphore, #tpu.memory_space<semaphore_mem>>)
      %dma_wait3A = arith.constant 0 : i32
      %dma_wait3A_42 = tpu.memref_slice %arg2[%mul3A_26, %dma_wait3A] : memref<2560x128xi32, #tpu.memory_space<hbm>> -> memref<80x128xi32, #tpu.memory_space<hbm>>
      %dma_wait3A_43 = arith.constant 0 : i32
      %dma_wait3A_44 = tpu.memref_slice %arg2[%mul3A_26, %dma_wait3A_43] : memref<2560x128xi32, #tpu.memory_space<hbm>> -> memref<80x128xi32, #tpu.memory_space<hbm>>
      tpu.wait_dma2 semaphore(%run_scoped3A : memref<!tpu.dma_semaphore, #tpu.memory_space<semaphore_mem>>) src(%dma_wait3A_44 : memref<80x128xi32, #tpu.memory_space<hbm>>) dst(%arg6 : memref<80x128xi32, #tpu.memory_space<vmem>>)
      tpu.yield
    }) : () -> ()
    %mul3A_27 = arith.constant 80 : i32
    %mul3A_28 = arith.muli %add3A, %mul3A_27 : i32
    "tpu.region"() ({
      %run_scoped3A = tpu.sem_alloc : memref<!tpu.dma_semaphore, #tpu.memory_space<semaphore_mem>>
      %dma_start3A = arith.constant 0 : i32
      %dma_start3A_39 = tpu.memref_slice %arg3[%mul3A_28, %dma_start3A] : memref<2560x128xi32, #tpu.memory_space<hbm>> -> memref<80x128xi32, #tpu.memory_space<hbm>>
      %dma_start3A_40 = arith.constant 0 : i32
      %dma_start3A_41 = tpu.memref_slice %arg3[%mul3A_28, %dma_start3A_40] : memref<2560x128xi32, #tpu.memory_space<hbm>> -> memref<80x128xi32, #tpu.memory_space<hbm>>
      tpu.enqueue_dma source(%dma_start3A_41 : memref<80x128xi32, #tpu.memory_space<hbm>>) target(%arg8 : memref<80x128xi32, #tpu.memory_space<vmem>>) target_semaphore(%run_scoped3A : memref<!tpu.dma_semaphore, #tpu.memory_space<semaphore_mem>>)
      %dma_wait3A = arith.constant 0 : i32
      %dma_wait3A_42 = tpu.memref_slice %arg3[%mul3A_28, %dma_wait3A] : memref<2560x128xi32, #tpu.memory_space<hbm>> -> memref<80x128xi32, #tpu.memory_space<hbm>>
      %dma_wait3A_43 = arith.constant 0 : i32
      %dma_wait3A_44 = tpu.memref_slice %arg3[%mul3A_28, %dma_wait3A_43] : memref<2560x128xi32, #tpu.memory_space<hbm>> -> memref<80x128xi32, #tpu.memory_space<hbm>>
      tpu.wait_dma2 semaphore(%run_scoped3A : memref<!tpu.dma_semaphore, #tpu.memory_space<semaphore_mem>>) src(%dma_wait3A_44 : memref<80x128xi32, #tpu.memory_space<hbm>>) dst(%arg8 : memref<80x128xi32, #tpu.memory_space<vmem>>)
      tpu.yield
    }) : () -> ()
    %barrier3A = arith.constant 0 : index
    tpu.barrier barrier_id(%barrier3A)
    %scan3A_29 = arith.constant 0 : i32
    %scan3A_30 = arith.constant 0 : i32
    %scan3A_31 = arith.constant 80 : i32
    %scan3A_32 = arith.addi %scan3A_30, %scan3A_31 : i32
    %scan3A_33 = arith.constant 1 : i32
    scf.for %scan3A_39 = %scan3A_30 to %scan3A_32 step %scan3A_33  : i32 {
      %get3A = arith.index_cast %scan3A_39 : i32 to index
      %get3A_40 = arith.constant 0 : index
      %get3A_41 = tpu.vector_load %arg6[%get3A, %get3A_40] {strides = array<i32>} : memref<80x128xi32, #tpu.memory_space<vmem>>, vector<1x16xi32>,
      %get3A_42 = vector.shape_cast %get3A_41 : vector<1x16xi32> to vector<16xi32>
      %swap3A = arith.constant 0 : index
      %swap3A_43 = tpu.vector_load %arg7[%swap3A] {strides = array<i32>} : memref<128xi32, #tpu.memory_space<vmem>>, vector<16xi32>,
      %swap3A_44 = vector.shape_cast %swap3A_43 : vector<16xi32> to vector<16xi32>
      %swap3A_45 = vector.shape_cast %get3A_42 : vector<16xi32> to vector<16xi32>
      tpu.vector_store %arg7[%swap3A], %swap3A_45 {strides = array<i32>} : memref<128xi32, #tpu.memory_space<vmem>>, vector<16xi32>,
      %get3A_46 = arith.index_cast %scan3A_39 : i32 to index
      %get3A_47 = arith.constant 16 : index
      %get3A_48 = tpu.vector_load %arg6[%get3A_46, %get3A_47] {strides = array<i32>} : memref<80x128xi32, #tpu.memory_space<vmem>>, vector<1x16xi32>,
      %get3A_49 = vector.shape_cast %get3A_48 : vector<1x16xi32> to vector<16xi32>
      %swap3A_50 = arith.constant 16 : index
      %swap3A_51 = tpu.vector_load %arg7[%swap3A_50] {strides = array<i32>} : memref<128xi32, #tpu.memory_space<vmem>>, vector<16xi32>,
      %swap3A_52 = vector.shape_cast %swap3A_51 : vector<16xi32> to vector<16xi32>
      %swap3A_53 = vector.shape_cast %get3A_49 : vector<16xi32> to vector<16xi32>
      tpu.vector_store %arg7[%swap3A_50], %swap3A_53 {strides = array<i32>} : memref<128xi32, #tpu.memory_space<vmem>>, vector<16xi32>,
      %get3A_54 = arith.index_cast %scan3A_39 : i32 to index
      %get3A_55 = arith.constant 32 : index
      %get3A_56 = tpu.vector_load %arg6[%get3A_54, %get3A_55] {strides = array<i32>} : memref<80x128xi32, #tpu.memory_space<vmem>>, vector<1x16xi32>,
      %get3A_57 = vector.shape_cast %get3A_56 : vector<1x16xi32> to vector<16xi32>
      %swap3A_58 = arith.constant 32 : index
      %swap3A_59 = tpu.vector_load %arg7[%swap3A_58] {strides = array<i32>} : memref<128xi32, #tpu.memory_space<vmem>>, vector<16xi32>,
      %swap3A_60 = vector.shape_cast %swap3A_59 : vector<16xi32> to vector<16xi32>
      %swap3A_61 = vector.shape_cast %get3A_57 : vector<16xi32> to vector<16xi32>
      tpu.vector_store %arg7[%swap3A_58], %swap3A_61 {strides = array<i32>} : memref<128xi32, #tpu.memory_space<vmem>>, vector<16xi32>,
      %get3A_62 = arith.index_cast %scan3A_39 : i32 to index
      %get3A_63 = arith.constant 48 : index
      %get3A_64 = tpu.vector_load %arg6[%get3A_62, %get3A_63] {strides = array<i32>} : memref<80x128xi32, #tpu.memory_space<vmem>>, vector<1x16xi32>,
      %get3A_65 = vector.shape_cast %get3A_64 : vector<1x16xi32> to vector<16xi32>
      %swap3A_66 = arith.constant 48 : index
      %swap3A_67 = tpu.vector_load %arg7[%swap3A_66] {strides = array<i32>} : memref<128xi32, #tpu.memory_space<vmem>>, vector<16xi32>,
      %swap3A_68 = vector.shape_cast %swap3A_67 : vector<16xi32> to vector<16xi32>
      %swap3A_69 = vector.shape_cast %get3A_65 : vector<16xi32> to vector<16xi32>
      tpu.vector_store %arg7[%swap3A_66], %swap3A_69 {strides = array<i32>} : memref<128xi32, #tpu.memory_space<vmem>>, vector<16xi32>,
      %get3A_70 = arith.index_cast %scan3A_39 : i32 to index
      %get3A_71 = arith.constant 64 : index
      %get3A_72 = tpu.vector_load %arg6[%get3A_70, %get3A_71] {strides = array<i32>} : memref<80x128xi32, #tpu.memory_space<vmem>>, vector<1x16xi32>,
      %get3A_73 = vector.shape_cast %get3A_72 : vector<1x16xi32> to vector<16xi32>
      %swap3A_74 = arith.constant 64 : index
      %swap3A_75 = tpu.vector_load %arg7[%swap3A_74] {strides = array<i32>} : memref<128xi32, #tpu.memory_space<vmem>>, vector<16xi32>,
      %swap3A_76 = vector.shape_cast %swap3A_75 : vector<16xi32> to vector<16xi32>
      %swap3A_77 = vector.shape_cast %get3A_73 : vector<16xi32> to vector<16xi32>
      tpu.vector_store %arg7[%swap3A_74], %swap3A_77 {strides = array<i32>} : memref<128xi32, #tpu.memory_space<vmem>>, vector<16xi32>,
      %get3A_78 = arith.index_cast %scan3A_39 : i32 to index
      %get3A_79 = arith.constant 80 : index
      %get3A_80 = tpu.vector_load %arg6[%get3A_78, %get3A_79] {strides = array<i32>} : memref<80x128xi32, #tpu.memory_space<vmem>>, vector<1x16xi32>,
      %get3A_81 = vector.shape_cast %get3A_80 : vector<1x16xi32> to vector<16xi32>
      %swap3A_82 = arith.constant 80 : index
      %swap3A_83 = tpu.vector_load %arg7[%swap3A_82] {strides = array<i32>} : memref<128xi32, #tpu.memory_space<vmem>>, vector<16xi32>,
      %swap3A_84 = vector.shape_cast %swap3A_83 : vector<16xi32> to vector<16xi32>
      %swap3A_85 = vector.shape_cast %get3A_81 : vector<16xi32> to vector<16xi32>
      tpu.vector_store %arg7[%swap3A_82], %swap3A_85 {strides = array<i32>} : memref<128xi32, #tpu.memory_space<vmem>>, vector<16xi32>,
      %get3A_86 = arith.index_cast %scan3A_39 : i32 to index
      %get3A_87 = arith.constant 96 : index
      %get3A_88 = tpu.vector_load %arg6[%get3A_86, %get3A_87] {strides = array<i32>} : memref<80x128xi32, #tpu.memory_space<vmem>>, vector<1x16xi32>,
      %get3A_89 = vector.shape_cast %get3A_88 : vector<1x16xi32> to vector<16xi32>
      %swap3A_90 = arith.constant 96 : index
      %swap3A_91 = tpu.vector_load %arg7[%swap3A_90] {strides = array<i32>} : memref<128xi32, #tpu.memory_space<vmem>>, vector<16xi32>,
      %swap3A_92 = vector.shape_cast %swap3A_91 : vector<16xi32> to vector<16xi32>
      %swap3A_93 = vector.shape_cast %get3A_89 : vector<16xi32> to vector<16xi32>
      tpu.vector_store %arg7[%swap3A_90], %swap3A_93 {strides = array<i32>} : memref<128xi32, #tpu.memory_space<vmem>>, vector<16xi32>,
      %get3A_94 = arith.index_cast %scan3A_39 : i32 to index
      %get3A_95 = arith.constant 112 : index
      %get3A_96 = tpu.vector_load %arg6[%get3A_94, %get3A_95] {strides = array<i32>} : memref<80x128xi32, #tpu.memory_space<vmem>>, vector<1x16xi32>,
      %get3A_97 = vector.shape_cast %get3A_96 : vector<1x16xi32> to vector<16xi32>
      %swap3A_98 = arith.constant 112 : index
      %swap3A_99 = tpu.vector_load %arg7[%swap3A_98] {strides = array<i32>} : memref<128xi32, #tpu.memory_space<vmem>>, vector<16xi32>,
      %swap3A_100 = vector.shape_cast %swap3A_99 : vector<16xi32> to vector<16xi32>
      %swap3A_101 = vector.shape_cast %get3A_97 : vector<16xi32> to vector<16xi32>
      tpu.vector_store %arg7[%swap3A_98], %swap3A_101 {strides = array<i32>} : memref<128xi32, #tpu.memory_space<vmem>>, vector<16xi32>,
      %dma_start3A = arith.constant 0 : i32
      %dma_start3A_102 = arith.constant 0 : i32
      %dma_start3A_103 = tpu.memref_slice %arg4[%dma_start3A, %dma_start3A_102] : memref<10240x128xf32, #tpu.memory_space<hbm>> -> memref<10240x128xf32, #tpu.memory_space<hbm>>
      tpu.enqueue_indirect_dma source(%dma_start3A_103 : memref<10240x128xf32, #tpu.memory_space<hbm>>) target(%arg10 : memref<128x128xf32, #tpu.memory_space<vmem>>) offsets(%arg7 : memref<128xi32, #tpu.memory_space<vmem>>) semaphore(%arg12 : memref<!tpu.dma_semaphore, #tpu.memory_space<semaphore_mem>>)
      %dma_wait3A = arith.constant 0 : i32
      %dma_wait3A_104 = arith.constant 0 : i32
      %dma_wait3A_105 = tpu.memref_slice %arg4[%dma_wait3A, %dma_wait3A_104] : memref<10240x128xf32, #tpu.memory_space<hbm>> -> memref<10240x128xf32, #tpu.memory_space<hbm>>
      tpu.wait_indirect_dma semaphore(%arg12 : memref<!tpu.dma_semaphore, #tpu.memory_space<semaphore_mem>>) src(%dma_wait3A_105 : memref<10240x128xf32, #tpu.memory_space<hbm>>) dst(%arg10 : memref<128x128xf32, #tpu.memory_space<vmem>>)
      %get3A_106 = arith.index_cast %scan3A_39 : i32 to index
      %get3A_107 = arith.constant 0 : index
      %get3A_108 = tpu.vector_load %arg8[%get3A_106, %get3A_107] {strides = array<i32>} : memref<80x128xi32, #tpu.memory_space<vmem>>, vector<1x16xi32>,
      %get3A_109 = vector.shape_cast %get3A_108 : vector<1x16xi32> to vector<16xi32>
      %swap3A_110 = arith.constant 0 : index
      %swap3A_111 = tpu.vector_load %arg9[%swap3A_110] {strides = array<i32>} : memref<128xi32, #tpu.memory_space<vmem>>, vector<16xi32>,
      %swap3A_112 = vector.shape_cast %swap3A_111 : vector<16xi32> to vector<16xi32>
      %swap3A_113 = vector.shape_cast %get3A_109 : vector<16xi32> to vector<16xi32>
      tpu.vector_store %arg9[%swap3A_110], %swap3A_113 {strides = array<i32>} : memref<128xi32, #tpu.memory_space<vmem>>, vector<16xi32>,
      %get3A_114 = arith.index_cast %scan3A_39 : i32 to index
      %get3A_115 = arith.constant 16 : index
      %get3A_116 = tpu.vector_load %arg8[%get3A_114, %get3A_115] {strides = array<i32>} : memref<80x128xi32, #tpu.memory_space<vmem>>, vector<1x16xi32>,
      %get3A_117 = vector.shape_cast %get3A_116 : vector<1x16xi32> to vector<16xi32>
      %swap3A_118 = arith.constant 16 : index
      %swap3A_119 = tpu.vector_load %arg9[%swap3A_118] {strides = array<i32>} : memref<128xi32, #tpu.memory_space<vmem>>, vector<16xi32>,
      %swap3A_120 = vector.shape_cast %swap3A_119 : vector<16xi32> to vector<16xi32>
      %swap3A_121 = vector.shape_cast %get3A_117 : vector<16xi32> to vector<16xi32>
      tpu.vector_store %arg9[%swap3A_118], %swap3A_121 {strides = array<i32>} : memref<128xi32, #tpu.memory_space<vmem>>, vector<16xi32>,
      %get3A_122 = arith.index_cast %scan3A_39 : i32 to index
      %get3A_123 = arith.constant 32 : index
      %get3A_124 = tpu.vector_load %arg8[%get3A_122, %get3A_123] {strides = array<i32>} : memref<80x128xi32, #tpu.memory_space<vmem>>, vector<1x16xi32>,
      %get3A_125 = vector.shape_cast %get3A_124 : vector<1x16xi32> to vector<16xi32>
      %swap3A_126 = arith.constant 32 : index
      %swap3A_127 = tpu.vector_load %arg9[%swap3A_126] {strides = array<i32>} : memref<128xi32, #tpu.memory_space<vmem>>, vector<16xi32>,
      %swap3A_128 = vector.shape_cast %swap3A_127 : vector<16xi32> to vector<16xi32>
      %swap3A_129 = vector.shape_cast %get3A_125 : vector<16xi32> to vector<16xi32>
      tpu.vector_store %arg9[%swap3A_126], %swap3A_129 {strides = array<i32>} : memref<128xi32, #tpu.memory_space<vmem>>, vector<16xi32>,
      %get3A_130 = arith.index_cast %scan3A_39 : i32 to index
      %get3A_131 = arith.constant 48 : index
      %get3A_132 = tpu.vector_load %arg8[%get3A_130, %get3A_131] {strides = array<i32>} : memref<80x128xi32, #tpu.memory_space<vmem>>, vector<1x16xi32>,
      %get3A_133 = vector.shape_cast %get3A_132 : vector<1x16xi32> to vector<16xi32>
      %swap3A_134 = arith.constant 48 : index
      %swap3A_135 = tpu.vector_load %arg9[%swap3A_134] {strides = array<i32>} : memref<128xi32, #tpu.memory_space<vmem>>, vector<16xi32>,
      %swap3A_136 = vector.shape_cast %swap3A_135 : vector<16xi32> to vector<16xi32>
      %swap3A_137 = vector.shape_cast %get3A_133 : vector<16xi32> to vector<16xi32>
      tpu.vector_store %arg9[%swap3A_134], %swap3A_137 {strides = array<i32>} : memref<128xi32, #tpu.memory_space<vmem>>, vector<16xi32>,
      %get3A_138 = arith.index_cast %scan3A_39 : i32 to index
      %get3A_139 = arith.constant 64 : index
      %get3A_140 = tpu.vector_load %arg8[%get3A_138, %get3A_139] {strides = array<i32>} : memref<80x128xi32, #tpu.memory_space<vmem>>, vector<1x16xi32>,
      %get3A_141 = vector.shape_cast %get3A_140 : vector<1x16xi32> to vector<16xi32>
      %swap3A_142 = arith.constant 64 : index
      %swap3A_143 = tpu.vector_load %arg9[%swap3A_142] {strides = array<i32>} : memref<128xi32, #tpu.memory_space<vmem>>, vector<16xi32>,
      %swap3A_144 = vector.shape_cast %swap3A_143 : vector<16xi32> to vector<16xi32>
      %swap3A_145 = vector.shape_cast %get3A_141 : vector<16xi32> to vector<16xi32>
      tpu.vector_store %arg9[%swap3A_142], %swap3A_145 {strides = array<i32>} : memref<128xi32, #tpu.memory_space<vmem>>, vector<16xi32>,
      %get3A_146 = arith.index_cast %scan3A_39 : i32 to index
      %get3A_147 = arith.constant 80 : index
      %get3A_148 = tpu.vector_load %arg8[%get3A_146, %get3A_147] {strides = array<i32>} : memref<80x128xi32, #tpu.memory_space<vmem>>, vector<1x16xi32>,
      %get3A_149 = vector.shape_cast %get3A_148 : vector<1x16xi32> to vector<16xi32>
      %swap3A_150 = arith.constant 80 : index
      %swap3A_151 = tpu.vector_load %arg9[%swap3A_150] {strides = array<i32>} : memref<128xi32, #tpu.memory_space<vmem>>, vector<16xi32>,
      %swap3A_152 = vector.shape_cast %swap3A_151 : vector<16xi32> to vector<16xi32>
      %swap3A_153 = vector.shape_cast %get3A_149 : vector<16xi32> to vector<16xi32>
      tpu.vector_store %arg9[%swap3A_150], %swap3A_153 {strides = array<i32>} : memref<128xi32, #tpu.memory_space<vmem>>, vector<16xi32>,
      %get3A_154 = arith.index_cast %scan3A_39 : i32 to index
      %get3A_155 = arith.constant 96 : index
      %get3A_156 = tpu.vector_load %arg8[%get3A_154, %get3A_155] {strides = array<i32>} : memref<80x128xi32, #tpu.memory_space<vmem>>, vector<1x16xi32>,
      %get3A_157 = vector.shape_cast %get3A_156 : vector<1x16xi32> to vector<16xi32>
      %swap3A_158 = arith.constant 96 : index
      %swap3A_159 = tpu.vector_load %arg9[%swap3A_158] {strides = array<i32>} : memref<128xi32, #tpu.memory_space<vmem>>, vector<16xi32>,
      %swap3A_160 = vector.shape_cast %swap3A_159 : vector<16xi32> to vector<16xi32>
      %swap3A_161 = vector.shape_cast %get3A_157 : vector<16xi32> to vector<16xi32>
      tpu.vector_store %arg9[%swap3A_158], %swap3A_161 {strides = array<i32>} : memref<128xi32, #tpu.memory_space<vmem>>, vector<16xi32>,
      %get3A_162 = arith.index_cast %scan3A_39 : i32 to index
      %get3A_163 = arith.constant 112 : index
      %get3A_164 = tpu.vector_load %arg8[%get3A_162, %get3A_163] {strides = array<i32>} : memref<80x128xi32, #tpu.memory_space<vmem>>, vector<1x16xi32>,
      %get3A_165 = vector.shape_cast %get3A_164 : vector<1x16xi32> to vector<16xi32>
      %swap3A_166 = arith.constant 112 : index
      %swap3A_167 = tpu.vector_load %arg9[%swap3A_166] {strides = array<i32>} : memref<128xi32, #tpu.memory_space<vmem>>, vector<16xi32>,
      %swap3A_168 = vector.shape_cast %swap3A_167 : vector<16xi32> to vector<16xi32>
      %swap3A_169 = vector.shape_cast %get3A_165 : vector<16xi32> to vector<16xi32>
      tpu.vector_store %arg9[%swap3A_166], %swap3A_169 {strides = array<i32>} : memref<128xi32, #tpu.memory_space<vmem>>, vector<16xi32>,
      "tpu.region"() ({
        %run_scoped3A = tpu.sem_alloc : memref<!tpu.dma_semaphore, #tpu.memory_space<semaphore_mem>>
        %dma_start3A_170 = arith.constant 0 : i32
        %dma_start3A_171 = arith.constant 0 : i32
        %dma_start3A_172 = tpu.memref_slice %arg11[%dma_start3A_170, %dma_start3A_171] : memref<10240x128xf32, #tpu.memory_space<vmem_shared>> -> memref<10240x128xf32, #tpu.memory_space<vmem_shared>>
        tpu.enqueue_indirect_dma source(%arg10 : memref<128x128xf32, #tpu.memory_space<vmem>>) target(%dma_start3A_172 : memref<10240x128xf32, #tpu.memory_space<vmem_shared>>) offsets(%arg9 : memref<128xi32, #tpu.memory_space<vmem>>) semaphore(%run_scoped3A : memref<!tpu.dma_semaphore, #tpu.memory_space<semaphore_mem>>) {add = true}
        %dma_wait3A_173 = arith.constant 0 : i32
        %dma_wait3A_174 = arith.constant 0 : i32
        %dma_wait3A_175 = tpu.memref_slice %arg11[%dma_wait3A_173, %dma_wait3A_174] : memref<10240x128xf32, #tpu.memory_space<vmem_shared>> -> memref<10240x128xf32, #tpu.memory_space<vmem_shared>>
        tpu.wait_indirect_dma semaphore(%run_scoped3A : memref<!tpu.dma_semaphore, #tpu.memory_space<semaphore_mem>>) src(%arg10 : memref<128x128xf32, #tpu.memory_space<vmem>>) dst(%dma_wait3A_175 : memref<10240x128xf32, #tpu.memory_space<vmem_shared>>)
        tpu.yield
      }) : () -> ()
    }
    %scan3A_34 = arith.constant 80 : i32
    %barrier3A_35 = arith.constant 0 : index
    tpu.barrier barrier_id(%barrier3A_35)
    %mul3A_36 = arith.constant 10240 : i32
    %mul3A_37 = arith.muli %arg0, %mul3A_36 : i32
    %add3A_38 = arith.addi %mul3A_37, %mul3A_8 : i32
    "tpu.region"() ({
      %run_scoped3A = tpu.sem_alloc : memref<!tpu.dma_semaphore, #tpu.memory_space<semaphore_mem>>
      %dma_start3A = arith.constant 0 : i32
      %dma_start3A_39 = tpu.memref_slice %arg5[%add3A_38, %dma_start3A] : memref<20480x128xf32, #tpu.memory_space<hbm>> -> memref<640x128xf32, #tpu.memory_space<hbm>>
      %dma_start3A_40 = arith.constant 0 : i32
      %dma_start3A_41 = tpu.memref_slice %arg11[%mul3A_8, %dma_start3A_40] : memref<10240x128xf32, #tpu.memory_space<vmem_shared>> -> memref<640x128xf32, #tpu.memory_space<vmem_shared>>
      tpu.enqueue_dma source(%dma_start3A_41 : memref<640x128xf32, #tpu.memory_space<vmem_shared>>) target(%dma_start3A_39 : memref<640x128xf32, #tpu.memory_space<hbm>>) target_semaphore(%run_scoped3A : memref<!tpu.dma_semaphore, #tpu.memory_space<semaphore_mem>>)
      %dma_wait3A = arith.constant 0 : i32
      %dma_wait3A_42 = tpu.memref_slice %arg5[%add3A_38, %dma_wait3A] : memref<20480x128xf32, #tpu.memory_space<hbm>> -> memref<640x128xf32, #tpu.memory_space<hbm>>
      %dma_wait3A_43 = arith.constant 0 : i32
      %dma_wait3A_44 = tpu.memref_slice %arg11[%mul3A_8, %dma_wait3A_43] : memref<10240x128xf32, #tpu.memory_space<vmem_shared>> -> memref<640x128xf32, #tpu.memory_space<vmem_shared>>
      tpu.wait_dma2 semaphore(%run_scoped3A : memref<!tpu.dma_semaphore, #tpu.memory_space<semaphore_mem>>) src(%dma_wait3A_44 : memref<640x128xf32, #tpu.memory_space<vmem_shared>>) dst(%dma_wait3A_42 : memref<640x128xf32, #tpu.memory_space<hbm>>)
      tpu.yield
    }) : () -> ()
    return
  }
}

#map = affine_map<(d0, d1) -> (0, 0)>
module attributes {stable_mosaic.version = 14 : i64} {
  func.func @prop(%arg0: i32, %arg1: i32, %arg2: memref<2560x128xi32, #tpu.memory_space<hbm>>, %arg3: memref<20480x128xf32, #tpu.memory_space<hbm>>, %arg4: memref<80x128xi32, #tpu.memory_space<vmem>>, %arg5: memref<128xi32, #tpu.memory_space<vmem>>, %arg6: memref<128x128xf32, #tpu.memory_space<vmem>>, %arg7: memref<10240x128xf32, #tpu.memory_space<vmem_shared>>, %arg8: memref<!tpu.dma_semaphore, #tpu.memory_space<semaphore_mem>>) attributes {dimension_semantics = [#tpu.dimension_semantics<core_parallel>, #tpu.dimension_semantics<subcore_parallel>], iteration_bounds = array<i64: 2, 16>, scalar_prefetch = 0 : i64, scratch_operands = 5 : i64, tpu.core_type = #tpu.core_type<sc_vector_subcore>, window_params = [{transform_indices = #map}, {transform_indices = #map}]} {
    %mul3A = arith.constant 16 : i32
    %mul3A_0 = arith.muli %arg0, %mul3A : i32
    %add3A = arith.addi %mul3A_0, %arg1 : i32
    %broadcast_in_dim3A = arith.constant 0.000000e+00 : f32
    %broadcast_in_dim3A_1 = vector.broadcast %broadcast_in_dim3A : f32 to vector<16xf32>
    %scan3A = arith.constant 0 : i32
    %scan3A_2 = arith.constant 0 : i32
    %scan3A_3 = arith.constant 80 : i32
    %scan3A_4 = arith.addi %scan3A_2, %scan3A_3 : i32
    %scan3A_5 = arith.constant 1 : i32
    scf.for %scan3A_45 = %scan3A_2 to %scan3A_4 step %scan3A_5  : i32 {
      %swap3A = arith.index_cast %scan3A_45 : i32 to index
      %swap3A_46 = arith.constant 0 : index
      %swap3A_47 = tpu.vector_load %arg6[%swap3A, %swap3A_46] {strides = array<i32>} : memref<128x128xf32, #tpu.memory_space<vmem>>, vector<1x16xf32>,
      %swap3A_48 = vector.shape_cast %swap3A_47 : vector<1x16xf32> to vector<16xf32>
      %swap3A_49 = vector.shape_cast %broadcast_in_dim3A_1 : vector<16xf32> to vector<1x16xf32>
      tpu.vector_store %arg6[%swap3A, %swap3A_46], %swap3A_49 {strides = array<i32>} : memref<128x128xf32, #tpu.memory_space<vmem>>, vector<1x16xf32>,
      %swap3A_50 = arith.index_cast %scan3A_45 : i32 to index
      %swap3A_51 = arith.constant 16 : index
      %swap3A_52 = tpu.vector_load %arg6[%swap3A_50, %swap3A_51] {strides = array<i32>} : memref<128x128xf32, #tpu.memory_space<vmem>>, vector<1x16xf32>,
      %swap3A_53 = vector.shape_cast %swap3A_52 : vector<1x16xf32> to vector<16xf32>
      %swap3A_54 = vector.shape_cast %broadcast_in_dim3A_1 : vector<16xf32> to vector<1x16xf32>
      tpu.vector_store %arg6[%swap3A_50, %swap3A_51], %swap3A_54 {strides = array<i32>} : memref<128x128xf32, #tpu.memory_space<vmem>>, vector<1x16xf32>,
      %swap3A_55 = arith.index_cast %scan3A_45 : i32 to index
      %swap3A_56 = arith.constant 32 : index
      %swap3A_57 = tpu.vector_load %arg6[%swap3A_55, %swap3A_56] {strides = array<i32>} : memref<128x128xf32, #tpu.memory_space<vmem>>, vector<1x16xf32>,
      %swap3A_58 = vector.shape_cast %swap3A_57 : vector<1x16xf32> to vector<16xf32>
      %swap3A_59 = vector.shape_cast %broadcast_in_dim3A_1 : vector<16xf32> to vector<1x16xf32>
      tpu.vector_store %arg6[%swap3A_55, %swap3A_56], %swap3A_59 {strides = array<i32>} : memref<128x128xf32, #tpu.memory_space<vmem>>, vector<1x16xf32>,
      %swap3A_60 = arith.index_cast %scan3A_45 : i32 to index
      %swap3A_61 = arith.constant 48 : index
      %swap3A_62 = tpu.vector_load %arg6[%swap3A_60, %swap3A_61] {strides = array<i32>} : memref<128x128xf32, #tpu.memory_space<vmem>>, vector<1x16xf32>,
      %swap3A_63 = vector.shape_cast %swap3A_62 : vector<1x16xf32> to vector<16xf32>
      %swap3A_64 = vector.shape_cast %broadcast_in_dim3A_1 : vector<16xf32> to vector<1x16xf32>
      tpu.vector_store %arg6[%swap3A_60, %swap3A_61], %swap3A_64 {strides = array<i32>} : memref<128x128xf32, #tpu.memory_space<vmem>>, vector<1x16xf32>,
      %swap3A_65 = arith.index_cast %scan3A_45 : i32 to index
      %swap3A_66 = arith.constant 64 : index
      %swap3A_67 = tpu.vector_load %arg6[%swap3A_65, %swap3A_66] {strides = array<i32>} : memref<128x128xf32, #tpu.memory_space<vmem>>, vector<1x16xf32>,
      %swap3A_68 = vector.shape_cast %swap3A_67 : vector<1x16xf32> to vector<16xf32>
      %swap3A_69 = vector.shape_cast %broadcast_in_dim3A_1 : vector<16xf32> to vector<1x16xf32>
      tpu.vector_store %arg6[%swap3A_65, %swap3A_66], %swap3A_69 {strides = array<i32>} : memref<128x128xf32, #tpu.memory_space<vmem>>, vector<1x16xf32>,
      %swap3A_70 = arith.index_cast %scan3A_45 : i32 to index
      %swap3A_71 = arith.constant 80 : index
      %swap3A_72 = tpu.vector_load %arg6[%swap3A_70, %swap3A_71] {strides = array<i32>} : memref<128x128xf32, #tpu.memory_space<vmem>>, vector<1x16xf32>,
      %swap3A_73 = vector.shape_cast %swap3A_72 : vector<1x16xf32> to vector<16xf32>
      %swap3A_74 = vector.shape_cast %broadcast_in_dim3A_1 : vector<16xf32> to vector<1x16xf32>
      tpu.vector_store %arg6[%swap3A_70, %swap3A_71], %swap3A_74 {strides = array<i32>} : memref<128x128xf32, #tpu.memory_space<vmem>>, vector<1x16xf32>,
      %swap3A_75 = arith.index_cast %scan3A_45 : i32 to index
      %swap3A_76 = arith.constant 96 : index
      %swap3A_77 = tpu.vector_load %arg6[%swap3A_75, %swap3A_76] {strides = array<i32>} : memref<128x128xf32, #tpu.memory_space<vmem>>, vector<1x16xf32>,
      %swap3A_78 = vector.shape_cast %swap3A_77 : vector<1x16xf32> to vector<16xf32>
      %swap3A_79 = vector.shape_cast %broadcast_in_dim3A_1 : vector<16xf32> to vector<1x16xf32>
      tpu.vector_store %arg6[%swap3A_75, %swap3A_76], %swap3A_79 {strides = array<i32>} : memref<128x128xf32, #tpu.memory_space<vmem>>, vector<1x16xf32>,
      %swap3A_80 = arith.index_cast %scan3A_45 : i32 to index
      %swap3A_81 = arith.constant 112 : index
      %swap3A_82 = tpu.vector_load %arg6[%swap3A_80, %swap3A_81] {strides = array<i32>} : memref<128x128xf32, #tpu.memory_space<vmem>>, vector<1x16xf32>,
      %swap3A_83 = vector.shape_cast %swap3A_82 : vector<1x16xf32> to vector<16xf32>
      %swap3A_84 = vector.shape_cast %broadcast_in_dim3A_1 : vector<16xf32> to vector<1x16xf32>
      tpu.vector_store %arg6[%swap3A_80, %swap3A_81], %swap3A_84 {strides = array<i32>} : memref<128x128xf32, #tpu.memory_space<vmem>>, vector<1x16xf32>,
    }
    %scan3A_6 = arith.constant 80 : i32
    %mul3A_7 = arith.constant 640 : i32
    %mul3A_8 = arith.muli %arg1, %mul3A_7 : i32
    %add3A_9 = arith.constant 0 : i32
    %add3A_10 = arith.addi %mul3A_8, %add3A_9 : i32
    "tpu.region"() ({
      %run_scoped3A = tpu.sem_alloc : memref<!tpu.dma_semaphore, #tpu.memory_space<semaphore_mem>>
      %dma_start3A = arith.constant 0 : i32
      %dma_start3A_45 = arith.constant 0 : i32
      %dma_start3A_46 = tpu.memref_slice %arg6[%dma_start3A, %dma_start3A_45] : memref<128x128xf32, #tpu.memory_space<vmem>> -> memref<80x128xf32, #tpu.memory_space<vmem>>
      %dma_start3A_47 = arith.constant 0 : i32
      %dma_start3A_48 = tpu.memref_slice %arg7[%add3A_10, %dma_start3A_47] : memref<10240x128xf32, #tpu.memory_space<vmem_shared>> -> memref<80x128xf32, #tpu.memory_space<vmem_shared>>
      %dma_start3A_49 = arith.constant 0 : i32
      %dma_start3A_50 = tpu.memref_slice %arg7[%add3A_10, %dma_start3A_49] : memref<10240x128xf32, #tpu.memory_space<vmem_shared>> -> memref<80x128xf32, #tpu.memory_space<vmem_shared>>
      %dma_start3A_51 = arith.constant 0 : i32
      %dma_start3A_52 = arith.constant 0 : i32
      %dma_start3A_53 = tpu.memref_slice %arg6[%dma_start3A_51, %dma_start3A_52] : memref<128x128xf32, #tpu.memory_space<vmem>> -> memref<80x128xf32, #tpu.memory_space<vmem>>
      tpu.enqueue_dma source(%dma_start3A_53 : memref<80x128xf32, #tpu.memory_space<vmem>>) target(%dma_start3A_50 : memref<80x128xf32, #tpu.memory_space<vmem_shared>>) target_semaphore(%run_scoped3A : memref<!tpu.dma_semaphore, #tpu.memory_space<semaphore_mem>>)
      %dma_wait3A = arith.constant 0 : i32
      %dma_wait3A_54 = arith.constant 0 : i32
      %dma_wait3A_55 = tpu.memref_slice %arg6[%dma_wait3A, %dma_wait3A_54] : memref<128x128xf32, #tpu.memory_space<vmem>> -> memref<80x128xf32, #tpu.memory_space<vmem>>
      %dma_wait3A_56 = arith.constant 0 : i32
      %dma_wait3A_57 = tpu.memref_slice %arg7[%add3A_10, %dma_wait3A_56] : memref<10240x128xf32, #tpu.memory_space<vmem_shared>> -> memref<80x128xf32, #tpu.memory_space<vmem_shared>>
      %dma_wait3A_58 = arith.constant 0 : i32
      %dma_wait3A_59 = tpu.memref_slice %arg7[%add3A_10, %dma_wait3A_58] : memref<10240x128xf32, #tpu.memory_space<vmem_shared>> -> memref<80x128xf32, #tpu.memory_space<vmem_shared>>
      %dma_wait3A_60 = arith.constant 0 : i32
      %dma_wait3A_61 = arith.constant 0 : i32
      %dma_wait3A_62 = tpu.memref_slice %arg6[%dma_wait3A_60, %dma_wait3A_61] : memref<128x128xf32, #tpu.memory_space<vmem>> -> memref<80x128xf32, #tpu.memory_space<vmem>>
      tpu.wait_dma2 semaphore(%run_scoped3A : memref<!tpu.dma_semaphore, #tpu.memory_space<semaphore_mem>>) src(%dma_wait3A_62 : memref<80x128xf32, #tpu.memory_space<vmem>>) dst(%dma_wait3A_59 : memref<80x128xf32, #tpu.memory_space<vmem_shared>>)
      tpu.yield
    }) : () -> ()
    %add3A_11 = arith.constant 80 : i32
    %add3A_12 = arith.addi %mul3A_8, %add3A_11 : i32
    "tpu.region"() ({
      %run_scoped3A = tpu.sem_alloc : memref<!tpu.dma_semaphore, #tpu.memory_space<semaphore_mem>>
      %dma_start3A = arith.constant 0 : i32
      %dma_start3A_45 = arith.constant 0 : i32
      %dma_start3A_46 = tpu.memref_slice %arg6[%dma_start3A, %dma_start3A_45] : memref<128x128xf32, #tpu.memory_space<vmem>> -> memref<80x128xf32, #tpu.memory_space<vmem>>
      %dma_start3A_47 = arith.constant 0 : i32
      %dma_start3A_48 = tpu.memref_slice %arg7[%add3A_12, %dma_start3A_47] : memref<10240x128xf32, #tpu.memory_space<vmem_shared>> -> memref<80x128xf32, #tpu.memory_space<vmem_shared>>
      %dma_start3A_49 = arith.constant 0 : i32
      %dma_start3A_50 = tpu.memref_slice %arg7[%add3A_12, %dma_start3A_49] : memref<10240x128xf32, #tpu.memory_space<vmem_shared>> -> memref<80x128xf32, #tpu.memory_space<vmem_shared>>
      %dma_start3A_51 = arith.constant 0 : i32
      %dma_start3A_52 = arith.constant 0 : i32
      %dma_start3A_53 = tpu.memref_slice %arg6[%dma_start3A_51, %dma_start3A_52] : memref<128x128xf32, #tpu.memory_space<vmem>> -> memref<80x128xf32, #tpu.memory_space<vmem>>
      tpu.enqueue_dma source(%dma_start3A_53 : memref<80x128xf32, #tpu.memory_space<vmem>>) target(%dma_start3A_50 : memref<80x128xf32, #tpu.memory_space<vmem_shared>>) target_semaphore(%run_scoped3A : memref<!tpu.dma_semaphore, #tpu.memory_space<semaphore_mem>>)
      %dma_wait3A = arith.constant 0 : i32
      %dma_wait3A_54 = arith.constant 0 : i32
      %dma_wait3A_55 = tpu.memref_slice %arg6[%dma_wait3A, %dma_wait3A_54] : memref<128x128xf32, #tpu.memory_space<vmem>> -> memref<80x128xf32, #tpu.memory_space<vmem>>
      %dma_wait3A_56 = arith.constant 0 : i32
      %dma_wait3A_57 = tpu.memref_slice %arg7[%add3A_12, %dma_wait3A_56] : memref<10240x128xf32, #tpu.memory_space<vmem_shared>> -> memref<80x128xf32, #tpu.memory_space<vmem_shared>>
      %dma_wait3A_58 = arith.constant 0 : i32
      %dma_wait3A_59 = tpu.memref_slice %arg7[%add3A_12, %dma_wait3A_58] : memref<10240x128xf32, #tpu.memory_space<vmem_shared>> -> memref<80x128xf32, #tpu.memory_space<vmem_shared>>
      %dma_wait3A_60 = arith.constant 0 : i32
      %dma_wait3A_61 = arith.constant 0 : i32
      %dma_wait3A_62 = tpu.memref_slice %arg6[%dma_wait3A_60, %dma_wait3A_61] : memref<128x128xf32, #tpu.memory_space<vmem>> -> memref<80x128xf32, #tpu.memory_space<vmem>>
      tpu.wait_dma2 semaphore(%run_scoped3A : memref<!tpu.dma_semaphore, #tpu.memory_space<semaphore_mem>>) src(%dma_wait3A_62 : memref<80x128xf32, #tpu.memory_space<vmem>>) dst(%dma_wait3A_59 : memref<80x128xf32, #tpu.memory_space<vmem_shared>>)
      tpu.yield
    }) : () -> ()
    %add3A_13 = arith.constant 160 : i32
    %add3A_14 = arith.addi %mul3A_8, %add3A_13 : i32
    "tpu.region"() ({
      %run_scoped3A = tpu.sem_alloc : memref<!tpu.dma_semaphore, #tpu.memory_space<semaphore_mem>>
      %dma_start3A = arith.constant 0 : i32
      %dma_start3A_45 = arith.constant 0 : i32
      %dma_start3A_46 = tpu.memref_slice %arg6[%dma_start3A, %dma_start3A_45] : memref<128x128xf32, #tpu.memory_space<vmem>> -> memref<80x128xf32, #tpu.memory_space<vmem>>
      %dma_start3A_47 = arith.constant 0 : i32
      %dma_start3A_48 = tpu.memref_slice %arg7[%add3A_14, %dma_start3A_47] : memref<10240x128xf32, #tpu.memory_space<vmem_shared>> -> memref<80x128xf32, #tpu.memory_space<vmem_shared>>
      %dma_start3A_49 = arith.constant 0 : i32
      %dma_start3A_50 = tpu.memref_slice %arg7[%add3A_14, %dma_start3A_49] : memref<10240x128xf32, #tpu.memory_space<vmem_shared>> -> memref<80x128xf32, #tpu.memory_space<vmem_shared>>
      %dma_start3A_51 = arith.constant 0 : i32
      %dma_start3A_52 = arith.constant 0 : i32
      %dma_start3A_53 = tpu.memref_slice %arg6[%dma_start3A_51, %dma_start3A_52] : memref<128x128xf32, #tpu.memory_space<vmem>> -> memref<80x128xf32, #tpu.memory_space<vmem>>
      tpu.enqueue_dma source(%dma_start3A_53 : memref<80x128xf32, #tpu.memory_space<vmem>>) target(%dma_start3A_50 : memref<80x128xf32, #tpu.memory_space<vmem_shared>>) target_semaphore(%run_scoped3A : memref<!tpu.dma_semaphore, #tpu.memory_space<semaphore_mem>>)
      %dma_wait3A = arith.constant 0 : i32
      %dma_wait3A_54 = arith.constant 0 : i32
      %dma_wait3A_55 = tpu.memref_slice %arg6[%dma_wait3A, %dma_wait3A_54] : memref<128x128xf32, #tpu.memory_space<vmem>> -> memref<80x128xf32, #tpu.memory_space<vmem>>
      %dma_wait3A_56 = arith.constant 0 : i32
      %dma_wait3A_57 = tpu.memref_slice %arg7[%add3A_14, %dma_wait3A_56] : memref<10240x128xf32, #tpu.memory_space<vmem_shared>> -> memref<80x128xf32, #tpu.memory_space<vmem_shared>>
      %dma_wait3A_58 = arith.constant 0 : i32
      %dma_wait3A_59 = tpu.memref_slice %arg7[%add3A_14, %dma_wait3A_58] : memref<10240x128xf32, #tpu.memory_space<vmem_shared>> -> memref<80x128xf32, #tpu.memory_space<vmem_shared>>
      %dma_wait3A_60 = arith.constant 0 : i32
      %dma_wait3A_61 = arith.constant 0 : i32
      %dma_wait3A_62 = tpu.memref_slice %arg6[%dma_wait3A_60, %dma_wait3A_61] : memref<128x128xf32, #tpu.memory_space<vmem>> -> memref<80x128xf32, #tpu.memory_space<vmem>>
      tpu.wait_dma2 semaphore(%run_scoped3A : memref<!tpu.dma_semaphore, #tpu.memory_space<semaphore_mem>>) src(%dma_wait3A_62 : memref<80x128xf32, #tpu.memory_space<vmem>>) dst(%dma_wait3A_59 : memref<80x128xf32, #tpu.memory_space<vmem_shared>>)
      tpu.yield
    }) : () -> ()
    %add3A_15 = arith.constant 240 : i32
    %add3A_16 = arith.addi %mul3A_8, %add3A_15 : i32
    "tpu.region"() ({
      %run_scoped3A = tpu.sem_alloc : memref<!tpu.dma_semaphore, #tpu.memory_space<semaphore_mem>>
      %dma_start3A = arith.constant 0 : i32
      %dma_start3A_45 = arith.constant 0 : i32
      %dma_start3A_46 = tpu.memref_slice %arg6[%dma_start3A, %dma_start3A_45] : memref<128x128xf32, #tpu.memory_space<vmem>> -> memref<80x128xf32, #tpu.memory_space<vmem>>
      %dma_start3A_47 = arith.constant 0 : i32
      %dma_start3A_48 = tpu.memref_slice %arg7[%add3A_16, %dma_start3A_47] : memref<10240x128xf32, #tpu.memory_space<vmem_shared>> -> memref<80x128xf32, #tpu.memory_space<vmem_shared>>
      %dma_start3A_49 = arith.constant 0 : i32
      %dma_start3A_50 = tpu.memref_slice %arg7[%add3A_16, %dma_start3A_49] : memref<10240x128xf32, #tpu.memory_space<vmem_shared>> -> memref<80x128xf32, #tpu.memory_space<vmem_shared>>
      %dma_start3A_51 = arith.constant 0 : i32
      %dma_start3A_52 = arith.constant 0 : i32
      %dma_start3A_53 = tpu.memref_slice %arg6[%dma_start3A_51, %dma_start3A_52] : memref<128x128xf32, #tpu.memory_space<vmem>> -> memref<80x128xf32, #tpu.memory_space<vmem>>
      tpu.enqueue_dma source(%dma_start3A_53 : memref<80x128xf32, #tpu.memory_space<vmem>>) target(%dma_start3A_50 : memref<80x128xf32, #tpu.memory_space<vmem_shared>>) target_semaphore(%run_scoped3A : memref<!tpu.dma_semaphore, #tpu.memory_space<semaphore_mem>>)
      %dma_wait3A = arith.constant 0 : i32
      %dma_wait3A_54 = arith.constant 0 : i32
      %dma_wait3A_55 = tpu.memref_slice %arg6[%dma_wait3A, %dma_wait3A_54] : memref<128x128xf32, #tpu.memory_space<vmem>> -> memref<80x128xf32, #tpu.memory_space<vmem>>
      %dma_wait3A_56 = arith.constant 0 : i32
      %dma_wait3A_57 = tpu.memref_slice %arg7[%add3A_16, %dma_wait3A_56] : memref<10240x128xf32, #tpu.memory_space<vmem_shared>> -> memref<80x128xf32, #tpu.memory_space<vmem_shared>>
      %dma_wait3A_58 = arith.constant 0 : i32
      %dma_wait3A_59 = tpu.memref_slice %arg7[%add3A_16, %dma_wait3A_58] : memref<10240x128xf32, #tpu.memory_space<vmem_shared>> -> memref<80x128xf32, #tpu.memory_space<vmem_shared>>
      %dma_wait3A_60 = arith.constant 0 : i32
      %dma_wait3A_61 = arith.constant 0 : i32
      %dma_wait3A_62 = tpu.memref_slice %arg6[%dma_wait3A_60, %dma_wait3A_61] : memref<128x128xf32, #tpu.memory_space<vmem>> -> memref<80x128xf32, #tpu.memory_space<vmem>>
      tpu.wait_dma2 semaphore(%run_scoped3A : memref<!tpu.dma_semaphore, #tpu.memory_space<semaphore_mem>>) src(%dma_wait3A_62 : memref<80x128xf32, #tpu.memory_space<vmem>>) dst(%dma_wait3A_59 : memref<80x128xf32, #tpu.memory_space<vmem_shared>>)
      tpu.yield
    }) : () -> ()
    %add3A_17 = arith.constant 320 : i32
    %add3A_18 = arith.addi %mul3A_8, %add3A_17 : i32
    "tpu.region"() ({
      %run_scoped3A = tpu.sem_alloc : memref<!tpu.dma_semaphore, #tpu.memory_space<semaphore_mem>>
      %dma_start3A = arith.constant 0 : i32
      %dma_start3A_45 = arith.constant 0 : i32
      %dma_start3A_46 = tpu.memref_slice %arg6[%dma_start3A, %dma_start3A_45] : memref<128x128xf32, #tpu.memory_space<vmem>> -> memref<80x128xf32, #tpu.memory_space<vmem>>
      %dma_start3A_47 = arith.constant 0 : i32
      %dma_start3A_48 = tpu.memref_slice %arg7[%add3A_18, %dma_start3A_47] : memref<10240x128xf32, #tpu.memory_space<vmem_shared>> -> memref<80x128xf32, #tpu.memory_space<vmem_shared>>
      %dma_start3A_49 = arith.constant 0 : i32
      %dma_start3A_50 = tpu.memref_slice %arg7[%add3A_18, %dma_start3A_49] : memref<10240x128xf32, #tpu.memory_space<vmem_shared>> -> memref<80x128xf32, #tpu.memory_space<vmem_shared>>
      %dma_start3A_51 = arith.constant 0 : i32
      %dma_start3A_52 = arith.constant 0 : i32
      %dma_start3A_53 = tpu.memref_slice %arg6[%dma_start3A_51, %dma_start3A_52] : memref<128x128xf32, #tpu.memory_space<vmem>> -> memref<80x128xf32, #tpu.memory_space<vmem>>
      tpu.enqueue_dma source(%dma_start3A_53 : memref<80x128xf32, #tpu.memory_space<vmem>>) target(%dma_start3A_50 : memref<80x128xf32, #tpu.memory_space<vmem_shared>>) target_semaphore(%run_scoped3A : memref<!tpu.dma_semaphore, #tpu.memory_space<semaphore_mem>>)
      %dma_wait3A = arith.constant 0 : i32
      %dma_wait3A_54 = arith.constant 0 : i32
      %dma_wait3A_55 = tpu.memref_slice %arg6[%dma_wait3A, %dma_wait3A_54] : memref<128x128xf32, #tpu.memory_space<vmem>> -> memref<80x128xf32, #tpu.memory_space<vmem>>
      %dma_wait3A_56 = arith.constant 0 : i32
      %dma_wait3A_57 = tpu.memref_slice %arg7[%add3A_18, %dma_wait3A_56] : memref<10240x128xf32, #tpu.memory_space<vmem_shared>> -> memref<80x128xf32, #tpu.memory_space<vmem_shared>>
      %dma_wait3A_58 = arith.constant 0 : i32
      %dma_wait3A_59 = tpu.memref_slice %arg7[%add3A_18, %dma_wait3A_58] : memref<10240x128xf32, #tpu.memory_space<vmem_shared>> -> memref<80x128xf32, #tpu.memory_space<vmem_shared>>
      %dma_wait3A_60 = arith.constant 0 : i32
      %dma_wait3A_61 = arith.constant 0 : i32
      %dma_wait3A_62 = tpu.memref_slice %arg6[%dma_wait3A_60, %dma_wait3A_61] : memref<128x128xf32, #tpu.memory_space<vmem>> -> memref<80x128xf32, #tpu.memory_space<vmem>>
      tpu.wait_dma2 semaphore(%run_scoped3A : memref<!tpu.dma_semaphore, #tpu.memory_space<semaphore_mem>>) src(%dma_wait3A_62 : memref<80x128xf32, #tpu.memory_space<vmem>>) dst(%dma_wait3A_59 : memref<80x128xf32, #tpu.memory_space<vmem_shared>>)
      tpu.yield
    }) : () -> ()
    %add3A_19 = arith.constant 400 : i32
    %add3A_20 = arith.addi %mul3A_8, %add3A_19 : i32
    "tpu.region"() ({
      %run_scoped3A = tpu.sem_alloc : memref<!tpu.dma_semaphore, #tpu.memory_space<semaphore_mem>>
      %dma_start3A = arith.constant 0 : i32
      %dma_start3A_45 = arith.constant 0 : i32
      %dma_start3A_46 = tpu.memref_slice %arg6[%dma_start3A, %dma_start3A_45] : memref<128x128xf32, #tpu.memory_space<vmem>> -> memref<80x128xf32, #tpu.memory_space<vmem>>
      %dma_start3A_47 = arith.constant 0 : i32
      %dma_start3A_48 = tpu.memref_slice %arg7[%add3A_20, %dma_start3A_47] : memref<10240x128xf32, #tpu.memory_space<vmem_shared>> -> memref<80x128xf32, #tpu.memory_space<vmem_shared>>
      %dma_start3A_49 = arith.constant 0 : i32
      %dma_start3A_50 = tpu.memref_slice %arg7[%add3A_20, %dma_start3A_49] : memref<10240x128xf32, #tpu.memory_space<vmem_shared>> -> memref<80x128xf32, #tpu.memory_space<vmem_shared>>
      %dma_start3A_51 = arith.constant 0 : i32
      %dma_start3A_52 = arith.constant 0 : i32
      %dma_start3A_53 = tpu.memref_slice %arg6[%dma_start3A_51, %dma_start3A_52] : memref<128x128xf32, #tpu.memory_space<vmem>> -> memref<80x128xf32, #tpu.memory_space<vmem>>
      tpu.enqueue_dma source(%dma_start3A_53 : memref<80x128xf32, #tpu.memory_space<vmem>>) target(%dma_start3A_50 : memref<80x128xf32, #tpu.memory_space<vmem_shared>>) target_semaphore(%run_scoped3A : memref<!tpu.dma_semaphore, #tpu.memory_space<semaphore_mem>>)
      %dma_wait3A = arith.constant 0 : i32
      %dma_wait3A_54 = arith.constant 0 : i32
      %dma_wait3A_55 = tpu.memref_slice %arg6[%dma_wait3A, %dma_wait3A_54] : memref<128x128xf32, #tpu.memory_space<vmem>> -> memref<80x128xf32, #tpu.memory_space<vmem>>
      %dma_wait3A_56 = arith.constant 0 : i32
      %dma_wait3A_57 = tpu.memref_slice %arg7[%add3A_20, %dma_wait3A_56] : memref<10240x128xf32, #tpu.memory_space<vmem_shared>> -> memref<80x128xf32, #tpu.memory_space<vmem_shared>>
      %dma_wait3A_58 = arith.constant 0 : i32
      %dma_wait3A_59 = tpu.memref_slice %arg7[%add3A_20, %dma_wait3A_58] : memref<10240x128xf32, #tpu.memory_space<vmem_shared>> -> memref<80x128xf32, #tpu.memory_space<vmem_shared>>
      %dma_wait3A_60 = arith.constant 0 : i32
      %dma_wait3A_61 = arith.constant 0 : i32
      %dma_wait3A_62 = tpu.memref_slice %arg6[%dma_wait3A_60, %dma_wait3A_61] : memref<128x128xf32, #tpu.memory_space<vmem>> -> memref<80x128xf32, #tpu.memory_space<vmem>>
      tpu.wait_dma2 semaphore(%run_scoped3A : memref<!tpu.dma_semaphore, #tpu.memory_space<semaphore_mem>>) src(%dma_wait3A_62 : memref<80x128xf32, #tpu.memory_space<vmem>>) dst(%dma_wait3A_59 : memref<80x128xf32, #tpu.memory_space<vmem_shared>>)
      tpu.yield
    }) : () -> ()
    %add3A_21 = arith.constant 480 : i32
    %add3A_22 = arith.addi %mul3A_8, %add3A_21 : i32
    "tpu.region"() ({
      %run_scoped3A = tpu.sem_alloc : memref<!tpu.dma_semaphore, #tpu.memory_space<semaphore_mem>>
      %dma_start3A = arith.constant 0 : i32
      %dma_start3A_45 = arith.constant 0 : i32
      %dma_start3A_46 = tpu.memref_slice %arg6[%dma_start3A, %dma_start3A_45] : memref<128x128xf32, #tpu.memory_space<vmem>> -> memref<80x128xf32, #tpu.memory_space<vmem>>
      %dma_start3A_47 = arith.constant 0 : i32
      %dma_start3A_48 = tpu.memref_slice %arg7[%add3A_22, %dma_start3A_47] : memref<10240x128xf32, #tpu.memory_space<vmem_shared>> -> memref<80x128xf32, #tpu.memory_space<vmem_shared>>
      %dma_start3A_49 = arith.constant 0 : i32
      %dma_start3A_50 = tpu.memref_slice %arg7[%add3A_22, %dma_start3A_49] : memref<10240x128xf32, #tpu.memory_space<vmem_shared>> -> memref<80x128xf32, #tpu.memory_space<vmem_shared>>
      %dma_start3A_51 = arith.constant 0 : i32
      %dma_start3A_52 = arith.constant 0 : i32
      %dma_start3A_53 = tpu.memref_slice %arg6[%dma_start3A_51, %dma_start3A_52] : memref<128x128xf32, #tpu.memory_space<vmem>> -> memref<80x128xf32, #tpu.memory_space<vmem>>
      tpu.enqueue_dma source(%dma_start3A_53 : memref<80x128xf32, #tpu.memory_space<vmem>>) target(%dma_start3A_50 : memref<80x128xf32, #tpu.memory_space<vmem_shared>>) target_semaphore(%run_scoped3A : memref<!tpu.dma_semaphore, #tpu.memory_space<semaphore_mem>>)
      %dma_wait3A = arith.constant 0 : i32
      %dma_wait3A_54 = arith.constant 0 : i32
      %dma_wait3A_55 = tpu.memref_slice %arg6[%dma_wait3A, %dma_wait3A_54] : memref<128x128xf32, #tpu.memory_space<vmem>> -> memref<80x128xf32, #tpu.memory_space<vmem>>
      %dma_wait3A_56 = arith.constant 0 : i32
      %dma_wait3A_57 = tpu.memref_slice %arg7[%add3A_22, %dma_wait3A_56] : memref<10240x128xf32, #tpu.memory_space<vmem_shared>> -> memref<80x128xf32, #tpu.memory_space<vmem_shared>>
      %dma_wait3A_58 = arith.constant 0 : i32
      %dma_wait3A_59 = tpu.memref_slice %arg7[%add3A_22, %dma_wait3A_58] : memref<10240x128xf32, #tpu.memory_space<vmem_shared>> -> memref<80x128xf32, #tpu.memory_space<vmem_shared>>
      %dma_wait3A_60 = arith.constant 0 : i32
      %dma_wait3A_61 = arith.constant 0 : i32
      %dma_wait3A_62 = tpu.memref_slice %arg6[%dma_wait3A_60, %dma_wait3A_61] : memref<128x128xf32, #tpu.memory_space<vmem>> -> memref<80x128xf32, #tpu.memory_space<vmem>>
      tpu.wait_dma2 semaphore(%run_scoped3A : memref<!tpu.dma_semaphore, #tpu.memory_space<semaphore_mem>>) src(%dma_wait3A_62 : memref<80x128xf32, #tpu.memory_space<vmem>>) dst(%dma_wait3A_59 : memref<80x128xf32, #tpu.memory_space<vmem_shared>>)
      tpu.yield
    }) : () -> ()
    %add3A_23 = arith.constant 560 : i32
    %add3A_24 = arith.addi %mul3A_8, %add3A_23 : i32
    "tpu.region"() ({
      %run_scoped3A = tpu.sem_alloc : memref<!tpu.dma_semaphore, #tpu.memory_space<semaphore_mem>>
      %dma_start3A = arith.constant 0 : i32
      %dma_start3A_45 = arith.constant 0 : i32
      %dma_start3A_46 = tpu.memref_slice %arg6[%dma_start3A, %dma_start3A_45] : memref<128x128xf32, #tpu.memory_space<vmem>> -> memref<80x128xf32, #tpu.memory_space<vmem>>
      %dma_start3A_47 = arith.constant 0 : i32
      %dma_start3A_48 = tpu.memref_slice %arg7[%add3A_24, %dma_start3A_47] : memref<10240x128xf32, #tpu.memory_space<vmem_shared>> -> memref<80x128xf32, #tpu.memory_space<vmem_shared>>
      %dma_start3A_49 = arith.constant 0 : i32
      %dma_start3A_50 = tpu.memref_slice %arg7[%add3A_24, %dma_start3A_49] : memref<10240x128xf32, #tpu.memory_space<vmem_shared>> -> memref<80x128xf32, #tpu.memory_space<vmem_shared>>
      %dma_start3A_51 = arith.constant 0 : i32
      %dma_start3A_52 = arith.constant 0 : i32
      %dma_start3A_53 = tpu.memref_slice %arg6[%dma_start3A_51, %dma_start3A_52] : memref<128x128xf32, #tpu.memory_space<vmem>> -> memref<80x128xf32, #tpu.memory_space<vmem>>
      tpu.enqueue_dma source(%dma_start3A_53 : memref<80x128xf32, #tpu.memory_space<vmem>>) target(%dma_start3A_50 : memref<80x128xf32, #tpu.memory_space<vmem_shared>>) target_semaphore(%run_scoped3A : memref<!tpu.dma_semaphore, #tpu.memory_space<semaphore_mem>>)
      %dma_wait3A = arith.constant 0 : i32
      %dma_wait3A_54 = arith.constant 0 : i32
      %dma_wait3A_55 = tpu.memref_slice %arg6[%dma_wait3A, %dma_wait3A_54] : memref<128x128xf32, #tpu.memory_space<vmem>> -> memref<80x128xf32, #tpu.memory_space<vmem>>
      %dma_wait3A_56 = arith.constant 0 : i32
      %dma_wait3A_57 = tpu.memref_slice %arg7[%add3A_24, %dma_wait3A_56] : memref<10240x128xf32, #tpu.memory_space<vmem_shared>> -> memref<80x128xf32, #tpu.memory_space<vmem_shared>>
      %dma_wait3A_58 = arith.constant 0 : i32
      %dma_wait3A_59 = tpu.memref_slice %arg7[%add3A_24, %dma_wait3A_58] : memref<10240x128xf32, #tpu.memory_space<vmem_shared>> -> memref<80x128xf32, #tpu.memory_space<vmem_shared>>
      %dma_wait3A_60 = arith.constant 0 : i32
      %dma_wait3A_61 = arith.constant 0 : i32
      %dma_wait3A_62 = tpu.memref_slice %arg6[%dma_wait3A_60, %dma_wait3A_61] : memref<128x128xf32, #tpu.memory_space<vmem>> -> memref<80x128xf32, #tpu.memory_space<vmem>>
      tpu.wait_dma2 semaphore(%run_scoped3A : memref<!tpu.dma_semaphore, #tpu.memory_space<semaphore_mem>>) src(%dma_wait3A_62 : memref<80x128xf32, #tpu.memory_space<vmem>>) dst(%dma_wait3A_59 : memref<80x128xf32, #tpu.memory_space<vmem_shared>>)
      tpu.yield
    }) : () -> ()
    %mul3A_25 = arith.constant 80 : i32
    %mul3A_26 = arith.muli %add3A, %mul3A_25 : i32
    "tpu.region"() ({
      %run_scoped3A = tpu.sem_alloc : memref<!tpu.dma_semaphore, #tpu.memory_space<semaphore_mem>>
      %dma_start3A = arith.constant 0 : i32
      %dma_start3A_45 = tpu.memref_slice %arg2[%mul3A_26, %dma_start3A] : memref<2560x128xi32, #tpu.memory_space<hbm>> -> memref<80x128xi32, #tpu.memory_space<hbm>>
      %dma_start3A_46 = arith.constant 0 : i32
      %dma_start3A_47 = tpu.memref_slice %arg2[%mul3A_26, %dma_start3A_46] : memref<2560x128xi32, #tpu.memory_space<hbm>> -> memref<80x128xi32, #tpu.memory_space<hbm>>
      tpu.enqueue_dma source(%dma_start3A_47 : memref<80x128xi32, #tpu.memory_space<hbm>>) target(%arg4 : memref<80x128xi32, #tpu.memory_space<vmem>>) target_semaphore(%run_scoped3A : memref<!tpu.dma_semaphore, #tpu.memory_space<semaphore_mem>>)
      %dma_wait3A = arith.constant 0 : i32
      %dma_wait3A_48 = tpu.memref_slice %arg2[%mul3A_26, %dma_wait3A] : memref<2560x128xi32, #tpu.memory_space<hbm>> -> memref<80x128xi32, #tpu.memory_space<hbm>>
      %dma_wait3A_49 = arith.constant 0 : i32
      %dma_wait3A_50 = tpu.memref_slice %arg2[%mul3A_26, %dma_wait3A_49] : memref<2560x128xi32, #tpu.memory_space<hbm>> -> memref<80x128xi32, #tpu.memory_space<hbm>>
      tpu.wait_dma2 semaphore(%run_scoped3A : memref<!tpu.dma_semaphore, #tpu.memory_space<semaphore_mem>>) src(%dma_wait3A_50 : memref<80x128xi32, #tpu.memory_space<hbm>>) dst(%arg4 : memref<80x128xi32, #tpu.memory_space<vmem>>)
      tpu.yield
    }) : () -> ()
    %broadcast_in_dim3A_27 = arith.constant 1.000000e+00 : f32
    %broadcast_in_dim3A_28 = vector.broadcast %broadcast_in_dim3A_27 : f32 to vector<16xf32>
    %scan3A_29 = arith.constant 0 : i32
    %scan3A_30 = arith.constant 0 : i32
    %scan3A_31 = arith.constant 128 : i32
    %scan3A_32 = arith.addi %scan3A_30, %scan3A_31 : i32
    %scan3A_33 = arith.constant 1 : i32
    scf.for %scan3A_45 = %scan3A_30 to %scan3A_32 step %scan3A_33  : i32 {
      %swap3A = arith.index_cast %scan3A_45 : i32 to index
      %swap3A_46 = arith.constant 0 : index
      %swap3A_47 = tpu.vector_load %arg6[%swap3A, %swap3A_46] {strides = array<i32>} : memref<128x128xf32, #tpu.memory_space<vmem>>, vector<1x16xf32>,
      %swap3A_48 = vector.shape_cast %swap3A_47 : vector<1x16xf32> to vector<16xf32>
      %swap3A_49 = vector.shape_cast %broadcast_in_dim3A_28 : vector<16xf32> to vector<1x16xf32>
      tpu.vector_store %arg6[%swap3A, %swap3A_46], %swap3A_49 {strides = array<i32>} : memref<128x128xf32, #tpu.memory_space<vmem>>, vector<1x16xf32>,
      %swap3A_50 = arith.index_cast %scan3A_45 : i32 to index
      %swap3A_51 = arith.constant 16 : index
      %swap3A_52 = tpu.vector_load %arg6[%swap3A_50, %swap3A_51] {strides = array<i32>} : memref<128x128xf32, #tpu.memory_space<vmem>>, vector<1x16xf32>,
      %swap3A_53 = vector.shape_cast %swap3A_52 : vector<1x16xf32> to vector<16xf32>
      %swap3A_54 = vector.shape_cast %broadcast_in_dim3A_28 : vector<16xf32> to vector<1x16xf32>
      tpu.vector_store %arg6[%swap3A_50, %swap3A_51], %swap3A_54 {strides = array<i32>} : memref<128x128xf32, #tpu.memory_space<vmem>>, vector<1x16xf32>,
      %swap3A_55 = arith.index_cast %scan3A_45 : i32 to index
      %swap3A_56 = arith.constant 32 : index
      %swap3A_57 = tpu.vector_load %arg6[%swap3A_55, %swap3A_56] {strides = array<i32>} : memref<128x128xf32, #tpu.memory_space<vmem>>, vector<1x16xf32>,
      %swap3A_58 = vector.shape_cast %swap3A_57 : vector<1x16xf32> to vector<16xf32>
      %swap3A_59 = vector.shape_cast %broadcast_in_dim3A_28 : vector<16xf32> to vector<1x16xf32>
      tpu.vector_store %arg6[%swap3A_55, %swap3A_56], %swap3A_59 {strides = array<i32>} : memref<128x128xf32, #tpu.memory_space<vmem>>, vector<1x16xf32>,
      %swap3A_60 = arith.index_cast %scan3A_45 : i32 to index
      %swap3A_61 = arith.constant 48 : index
      %swap3A_62 = tpu.vector_load %arg6[%swap3A_60, %swap3A_61] {strides = array<i32>} : memref<128x128xf32, #tpu.memory_space<vmem>>, vector<1x16xf32>,
      %swap3A_63 = vector.shape_cast %swap3A_62 : vector<1x16xf32> to vector<16xf32>
      %swap3A_64 = vector.shape_cast %broadcast_in_dim3A_28 : vector<16xf32> to vector<1x16xf32>
      tpu.vector_store %arg6[%swap3A_60, %swap3A_61], %swap3A_64 {strides = array<i32>} : memref<128x128xf32, #tpu.memory_space<vmem>>, vector<1x16xf32>,
      %swap3A_65 = arith.index_cast %scan3A_45 : i32 to index
      %swap3A_66 = arith.constant 64 : index
      %swap3A_67 = tpu.vector_load %arg6[%swap3A_65, %swap3A_66] {strides = array<i32>} : memref<128x128xf32, #tpu.memory_space<vmem>>, vector<1x16xf32>,
      %swap3A_68 = vector.shape_cast %swap3A_67 : vector<1x16xf32> to vector<16xf32>
      %swap3A_69 = vector.shape_cast %broadcast_in_dim3A_28 : vector<16xf32> to vector<1x16xf32>
      tpu.vector_store %arg6[%swap3A_65, %swap3A_66], %swap3A_69 {strides = array<i32>} : memref<128x128xf32, #tpu.memory_space<vmem>>, vector<1x16xf32>,
      %swap3A_70 = arith.index_cast %scan3A_45 : i32 to index
      %swap3A_71 = arith.constant 80 : index
      %swap3A_72 = tpu.vector_load %arg6[%swap3A_70, %swap3A_71] {strides = array<i32>} : memref<128x128xf32, #tpu.memory_space<vmem>>, vector<1x16xf32>,
      %swap3A_73 = vector.shape_cast %swap3A_72 : vector<1x16xf32> to vector<16xf32>
      %swap3A_74 = vector.shape_cast %broadcast_in_dim3A_28 : vector<16xf32> to vector<1x16xf32>
      tpu.vector_store %arg6[%swap3A_70, %swap3A_71], %swap3A_74 {strides = array<i32>} : memref<128x128xf32, #tpu.memory_space<vmem>>, vector<1x16xf32>,
      %swap3A_75 = arith.index_cast %scan3A_45 : i32 to index
      %swap3A_76 = arith.constant 96 : index
      %swap3A_77 = tpu.vector_load %arg6[%swap3A_75, %swap3A_76] {strides = array<i32>} : memref<128x128xf32, #tpu.memory_space<vmem>>, vector<1x16xf32>,
      %swap3A_78 = vector.shape_cast %swap3A_77 : vector<1x16xf32> to vector<16xf32>
      %swap3A_79 = vector.shape_cast %broadcast_in_dim3A_28 : vector<16xf32> to vector<1x16xf32>
      tpu.vector_store %arg6[%swap3A_75, %swap3A_76], %swap3A_79 {strides = array<i32>} : memref<128x128xf32, #tpu.memory_space<vmem>>, vector<1x16xf32>,
      %swap3A_80 = arith.index_cast %scan3A_45 : i32 to index
      %swap3A_81 = arith.constant 112 : index
      %swap3A_82 = tpu.vector_load %arg6[%swap3A_80, %swap3A_81] {strides = array<i32>} : memref<128x128xf32, #tpu.memory_space<vmem>>, vector<1x16xf32>,
      %swap3A_83 = vector.shape_cast %swap3A_82 : vector<1x16xf32> to vector<16xf32>
      %swap3A_84 = vector.shape_cast %broadcast_in_dim3A_28 : vector<16xf32> to vector<1x16xf32>
      tpu.vector_store %arg6[%swap3A_80, %swap3A_81], %swap3A_84 {strides = array<i32>} : memref<128x128xf32, #tpu.memory_space<vmem>>, vector<1x16xf32>,
    }
    %scan3A_34 = arith.constant 128 : i32
    %barrier3A = arith.constant 0 : index
    tpu.barrier barrier_id(%barrier3A)
    %scan3A_35 = arith.constant 0 : i32
    %scan3A_36 = arith.constant 0 : i32
    %scan3A_37 = arith.constant 80 : i32
    %scan3A_38 = arith.addi %scan3A_36, %scan3A_37 : i32
    %scan3A_39 = arith.constant 1 : i32
    scf.for %scan3A_45 = %scan3A_36 to %scan3A_38 step %scan3A_39  : i32 {
      %get3A = arith.index_cast %scan3A_45 : i32 to index
      %get3A_46 = arith.constant 0 : index
      %get3A_47 = tpu.vector_load %arg4[%get3A, %get3A_46] {strides = array<i32>} : memref<80x128xi32, #tpu.memory_space<vmem>>, vector<1x16xi32>,
      %get3A_48 = vector.shape_cast %get3A_47 : vector<1x16xi32> to vector<16xi32>
      %swap3A = arith.constant 0 : index
      %swap3A_49 = tpu.vector_load %arg5[%swap3A] {strides = array<i32>} : memref<128xi32, #tpu.memory_space<vmem>>, vector<16xi32>,
      %swap3A_50 = vector.shape_cast %swap3A_49 : vector<16xi32> to vector<16xi32>
      %swap3A_51 = vector.shape_cast %get3A_48 : vector<16xi32> to vector<16xi32>
      tpu.vector_store %arg5[%swap3A], %swap3A_51 {strides = array<i32>} : memref<128xi32, #tpu.memory_space<vmem>>, vector<16xi32>,
      %get3A_52 = arith.index_cast %scan3A_45 : i32 to index
      %get3A_53 = arith.constant 16 : index
      %get3A_54 = tpu.vector_load %arg4[%get3A_52, %get3A_53] {strides = array<i32>} : memref<80x128xi32, #tpu.memory_space<vmem>>, vector<1x16xi32>,
      %get3A_55 = vector.shape_cast %get3A_54 : vector<1x16xi32> to vector<16xi32>
      %swap3A_56 = arith.constant 16 : index
      %swap3A_57 = tpu.vector_load %arg5[%swap3A_56] {strides = array<i32>} : memref<128xi32, #tpu.memory_space<vmem>>, vector<16xi32>,
      %swap3A_58 = vector.shape_cast %swap3A_57 : vector<16xi32> to vector<16xi32>
      %swap3A_59 = vector.shape_cast %get3A_55 : vector<16xi32> to vector<16xi32>
      tpu.vector_store %arg5[%swap3A_56], %swap3A_59 {strides = array<i32>} : memref<128xi32, #tpu.memory_space<vmem>>, vector<16xi32>,
      %get3A_60 = arith.index_cast %scan3A_45 : i32 to index
      %get3A_61 = arith.constant 32 : index
      %get3A_62 = tpu.vector_load %arg4[%get3A_60, %get3A_61] {strides = array<i32>} : memref<80x128xi32, #tpu.memory_space<vmem>>, vector<1x16xi32>,
      %get3A_63 = vector.shape_cast %get3A_62 : vector<1x16xi32> to vector<16xi32>
      %swap3A_64 = arith.constant 32 : index
      %swap3A_65 = tpu.vector_load %arg5[%swap3A_64] {strides = array<i32>} : memref<128xi32, #tpu.memory_space<vmem>>, vector<16xi32>,
      %swap3A_66 = vector.shape_cast %swap3A_65 : vector<16xi32> to vector<16xi32>
      %swap3A_67 = vector.shape_cast %get3A_63 : vector<16xi32> to vector<16xi32>
      tpu.vector_store %arg5[%swap3A_64], %swap3A_67 {strides = array<i32>} : memref<128xi32, #tpu.memory_space<vmem>>, vector<16xi32>,
      %get3A_68 = arith.index_cast %scan3A_45 : i32 to index
      %get3A_69 = arith.constant 48 : index
      %get3A_70 = tpu.vector_load %arg4[%get3A_68, %get3A_69] {strides = array<i32>} : memref<80x128xi32, #tpu.memory_space<vmem>>, vector<1x16xi32>,
      %get3A_71 = vector.shape_cast %get3A_70 : vector<1x16xi32> to vector<16xi32>
      %swap3A_72 = arith.constant 48 : index
      %swap3A_73 = tpu.vector_load %arg5[%swap3A_72] {strides = array<i32>} : memref<128xi32, #tpu.memory_space<vmem>>, vector<16xi32>,
      %swap3A_74 = vector.shape_cast %swap3A_73 : vector<16xi32> to vector<16xi32>
      %swap3A_75 = vector.shape_cast %get3A_71 : vector<16xi32> to vector<16xi32>
      tpu.vector_store %arg5[%swap3A_72], %swap3A_75 {strides = array<i32>} : memref<128xi32, #tpu.memory_space<vmem>>, vector<16xi32>,
      %get3A_76 = arith.index_cast %scan3A_45 : i32 to index
      %get3A_77 = arith.constant 64 : index
      %get3A_78 = tpu.vector_load %arg4[%get3A_76, %get3A_77] {strides = array<i32>} : memref<80x128xi32, #tpu.memory_space<vmem>>, vector<1x16xi32>,
      %get3A_79 = vector.shape_cast %get3A_78 : vector<1x16xi32> to vector<16xi32>
      %swap3A_80 = arith.constant 64 : index
      %swap3A_81 = tpu.vector_load %arg5[%swap3A_80] {strides = array<i32>} : memref<128xi32, #tpu.memory_space<vmem>>, vector<16xi32>,
      %swap3A_82 = vector.shape_cast %swap3A_81 : vector<16xi32> to vector<16xi32>
      %swap3A_83 = vector.shape_cast %get3A_79 : vector<16xi32> to vector<16xi32>
      tpu.vector_store %arg5[%swap3A_80], %swap3A_83 {strides = array<i32>} : memref<128xi32, #tpu.memory_space<vmem>>, vector<16xi32>,
      %get3A_84 = arith.index_cast %scan3A_45 : i32 to index
      %get3A_85 = arith.constant 80 : index
      %get3A_86 = tpu.vector_load %arg4[%get3A_84, %get3A_85] {strides = array<i32>} : memref<80x128xi32, #tpu.memory_space<vmem>>, vector<1x16xi32>,
      %get3A_87 = vector.shape_cast %get3A_86 : vector<1x16xi32> to vector<16xi32>
      %swap3A_88 = arith.constant 80 : index
      %swap3A_89 = tpu.vector_load %arg5[%swap3A_88] {strides = array<i32>} : memref<128xi32, #tpu.memory_space<vmem>>, vector<16xi32>,
      %swap3A_90 = vector.shape_cast %swap3A_89 : vector<16xi32> to vector<16xi32>
      %swap3A_91 = vector.shape_cast %get3A_87 : vector<16xi32> to vector<16xi32>
      tpu.vector_store %arg5[%swap3A_88], %swap3A_91 {strides = array<i32>} : memref<128xi32, #tpu.memory_space<vmem>>, vector<16xi32>,
      %get3A_92 = arith.index_cast %scan3A_45 : i32 to index
      %get3A_93 = arith.constant 96 : index
      %get3A_94 = tpu.vector_load %arg4[%get3A_92, %get3A_93] {strides = array<i32>} : memref<80x128xi32, #tpu.memory_space<vmem>>, vector<1x16xi32>,
      %get3A_95 = vector.shape_cast %get3A_94 : vector<1x16xi32> to vector<16xi32>
      %swap3A_96 = arith.constant 96 : index
      %swap3A_97 = tpu.vector_load %arg5[%swap3A_96] {strides = array<i32>} : memref<128xi32, #tpu.memory_space<vmem>>, vector<16xi32>,
      %swap3A_98 = vector.shape_cast %swap3A_97 : vector<16xi32> to vector<16xi32>
      %swap3A_99 = vector.shape_cast %get3A_95 : vector<16xi32> to vector<16xi32>
      tpu.vector_store %arg5[%swap3A_96], %swap3A_99 {strides = array<i32>} : memref<128xi32, #tpu.memory_space<vmem>>, vector<16xi32>,
      %get3A_100 = arith.index_cast %scan3A_45 : i32 to index
      %get3A_101 = arith.constant 112 : index
      %get3A_102 = tpu.vector_load %arg4[%get3A_100, %get3A_101] {strides = array<i32>} : memref<80x128xi32, #tpu.memory_space<vmem>>, vector<1x16xi32>,
      %get3A_103 = vector.shape_cast %get3A_102 : vector<1x16xi32> to vector<16xi32>
      %swap3A_104 = arith.constant 112 : index
      %swap3A_105 = tpu.vector_load %arg5[%swap3A_104] {strides = array<i32>} : memref<128xi32, #tpu.memory_space<vmem>>, vector<16xi32>,
      %swap3A_106 = vector.shape_cast %swap3A_105 : vector<16xi32> to vector<16xi32>
      %swap3A_107 = vector.shape_cast %get3A_103 : vector<16xi32> to vector<16xi32>
      tpu.vector_store %arg5[%swap3A_104], %swap3A_107 {strides = array<i32>} : memref<128xi32, #tpu.memory_space<vmem>>, vector<16xi32>,
      "tpu.region"() ({
        %run_scoped3A = tpu.sem_alloc : memref<!tpu.dma_semaphore, #tpu.memory_space<semaphore_mem>>
        %dma_start3A = arith.constant 0 : i32
        %dma_start3A_108 = arith.constant 0 : i32
        %dma_start3A_109 = tpu.memref_slice %arg7[%dma_start3A, %dma_start3A_108] : memref<10240x128xf32, #tpu.memory_space<vmem_shared>> -> memref<10240x128xf32, #tpu.memory_space<vmem_shared>>
        tpu.enqueue_indirect_dma source(%arg6 : memref<128x128xf32, #tpu.memory_space<vmem>>) target(%dma_start3A_109 : memref<10240x128xf32, #tpu.memory_space<vmem_shared>>) offsets(%arg5 : memref<128xi32, #tpu.memory_space<vmem>>) semaphore(%run_scoped3A : memref<!tpu.dma_semaphore, #tpu.memory_space<semaphore_mem>>) {add = true}
        %dma_wait3A = arith.constant 0 : i32
        %dma_wait3A_110 = arith.constant 0 : i32
        %dma_wait3A_111 = tpu.memref_slice %arg7[%dma_wait3A, %dma_wait3A_110] : memref<10240x128xf32, #tpu.memory_space<vmem_shared>> -> memref<10240x128xf32, #tpu.memory_space<vmem_shared>>
        tpu.wait_indirect_dma semaphore(%run_scoped3A : memref<!tpu.dma_semaphore, #tpu.memory_space<semaphore_mem>>) src(%arg6 : memref<128x128xf32, #tpu.memory_space<vmem>>) dst(%dma_wait3A_111 : memref<10240x128xf32, #tpu.memory_space<vmem_shared>>)
        tpu.yield
      }) : () -> ()
    }
    %scan3A_40 = arith.constant 80 : i32
    %barrier3A_41 = arith.constant 0 : index
    tpu.barrier barrier_id(%barrier3A_41)
    %mul3A_42 = arith.constant 10240 : i32
    %mul3A_43 = arith.muli %arg0, %mul3A_42 : i32
    %add3A_44 = arith.addi %mul3A_43, %mul3A_8 : i32
    "tpu.region"() ({
      %run_scoped3A = tpu.sem_alloc : memref<!tpu.dma_semaphore, #tpu.memory_space<semaphore_mem>>
      %dma_start3A = arith.constant 0 : i32
      %dma_start3A_45 = tpu.memref_slice %arg3[%add3A_44, %dma_start3A] : memref<20480x128xf32, #tpu.memory_space<hbm>> -> memref<640x128xf32, #tpu.memory_space<hbm>>
      %dma_start3A_46 = arith.constant 0 : i32
      %dma_start3A_47 = tpu.memref_slice %arg7[%mul3A_8, %dma_start3A_46] : memref<10240x128xf32, #tpu.memory_space<vmem_shared>> -> memref<640x128xf32, #tpu.memory_space<vmem_shared>>
      tpu.enqueue_dma source(%dma_start3A_47 : memref<640x128xf32, #tpu.memory_space<vmem_shared>>) target(%dma_start3A_45 : memref<640x128xf32, #tpu.memory_space<hbm>>) target_semaphore(%run_scoped3A : memref<!tpu.dma_semaphore, #tpu.memory_space<semaphore_mem>>)
      %dma_wait3A = arith.constant 0 : i32
      %dma_wait3A_48 = tpu.memref_slice %arg3[%add3A_44, %dma_wait3A] : memref<20480x128xf32, #tpu.memory_space<hbm>> -> memref<640x128xf32, #tpu.memory_space<hbm>>
      %dma_wait3A_49 = arith.constant 0 : i32
      %dma_wait3A_50 = tpu.memref_slice %arg7[%mul3A_8, %dma_wait3A_49] : memref<10240x128xf32, #tpu.memory_space<vmem_shared>> -> memref<640x128xf32, #tpu.memory_space<vmem_shared>>
      tpu.wait_dma2 semaphore(%run_scoped3A : memref<!tpu.dma_semaphore, #tpu.memory_space<semaphore_mem>>) src(%dma_wait3A_50 : memref<640x128xf32, #tpu.memory_space<vmem_shared>>) dst(%dma_wait3A_48 : memref<640x128xf32, #tpu.memory_space<hbm>>)
      tpu.yield
    }) : () -> ()
    return
  }
}

#map = affine_map<(d0, d1) -> (0, 0)>
module attributes {stable_mosaic.version = 14 : i64} {
  func.func @prop(%arg0: i32, %arg1: i32, %arg2: memref<2560x128xi32, #tpu.memory_space<hbm>>, %arg3: memref<2560x128xi32, #tpu.memory_space<hbm>>, %arg4: memref<10240x128xf32, #tpu.memory_space<hbm>>, %arg5: memref<20480x128xf32, #tpu.memory_space<hbm>>, %arg6: memref<80x128xi32, #tpu.memory_space<vmem>>, %arg7: memref<128xi32, #tpu.memory_space<vmem>>, %arg8: memref<80x128xi32, #tpu.memory_space<vmem>>, %arg9: memref<128xi32, #tpu.memory_space<vmem>>, %arg10: memref<128x128xf32, #tpu.memory_space<vmem>>, %arg11: memref<10240x128xf32, #tpu.memory_space<vmem_shared>>, %arg12: memref<!tpu.dma_semaphore, #tpu.memory_space<semaphore_mem>>) attributes {dimension_semantics = [#tpu.dimension_semantics<core_parallel>, #tpu.dimension_semantics<subcore_parallel>], iteration_bounds = array<i64: 2, 16>, scalar_prefetch = 0 : i64, scratch_operands = 7 : i64, tpu.core_type = #tpu.core_type<sc_vector_subcore>, window_params = [{transform_indices = #map}, {transform_indices = #map}, {transform_indices = #map}, {transform_indices = #map}]} {
    %mul3A = arith.constant 16 : i32
    %mul3A_0 = arith.muli %arg0, %mul3A : i32
    %add3A = arith.addi %mul3A_0, %arg1 : i32
    %broadcast_in_dim3A = arith.constant 0.000000e+00 : f32
    %broadcast_in_dim3A_1 = vector.broadcast %broadcast_in_dim3A : f32 to vector<16xf32>
    %scan3A = arith.constant 0 : i32
    %scan3A_2 = arith.constant 0 : i32
    %scan3A_3 = arith.constant 80 : i32
    %scan3A_4 = arith.addi %scan3A_2, %scan3A_3 : i32
    %scan3A_5 = arith.constant 1 : i32
    scf.for %scan3A_39 = %scan3A_2 to %scan3A_4 step %scan3A_5  : i32 {
      %swap3A = arith.index_cast %scan3A_39 : i32 to index
      %swap3A_40 = arith.constant 0 : index
      %swap3A_41 = tpu.vector_load %arg10[%swap3A, %swap3A_40] {strides = array<i32>} : memref<128x128xf32, #tpu.memory_space<vmem>>, vector<1x16xf32>,
      %swap3A_42 = vector.shape_cast %swap3A_41 : vector<1x16xf32> to vector<16xf32>
      %swap3A_43 = vector.shape_cast %broadcast_in_dim3A_1 : vector<16xf32> to vector<1x16xf32>
      tpu.vector_store %arg10[%swap3A, %swap3A_40], %swap3A_43 {strides = array<i32>} : memref<128x128xf32, #tpu.memory_space<vmem>>, vector<1x16xf32>,
      %swap3A_44 = arith.index_cast %scan3A_39 : i32 to index
      %swap3A_45 = arith.constant 16 : index
      %swap3A_46 = tpu.vector_load %arg10[%swap3A_44, %swap3A_45] {strides = array<i32>} : memref<128x128xf32, #tpu.memory_space<vmem>>, vector<1x16xf32>,
      %swap3A_47 = vector.shape_cast %swap3A_46 : vector<1x16xf32> to vector<16xf32>
      %swap3A_48 = vector.shape_cast %broadcast_in_dim3A_1 : vector<16xf32> to vector<1x16xf32>
      tpu.vector_store %arg10[%swap3A_44, %swap3A_45], %swap3A_48 {strides = array<i32>} : memref<128x128xf32, #tpu.memory_space<vmem>>, vector<1x16xf32>,
      %swap3A_49 = arith.index_cast %scan3A_39 : i32 to index
      %swap3A_50 = arith.constant 32 : index
      %swap3A_51 = tpu.vector_load %arg10[%swap3A_49, %swap3A_50] {strides = array<i32>} : memref<128x128xf32, #tpu.memory_space<vmem>>, vector<1x16xf32>,
      %swap3A_52 = vector.shape_cast %swap3A_51 : vector<1x16xf32> to vector<16xf32>
      %swap3A_53 = vector.shape_cast %broadcast_in_dim3A_1 : vector<16xf32> to vector<1x16xf32>
      tpu.vector_store %arg10[%swap3A_49, %swap3A_50], %swap3A_53 {strides = array<i32>} : memref<128x128xf32, #tpu.memory_space<vmem>>, vector<1x16xf32>,
      %swap3A_54 = arith.index_cast %scan3A_39 : i32 to index
      %swap3A_55 = arith.constant 48 : index
      %swap3A_56 = tpu.vector_load %arg10[%swap3A_54, %swap3A_55] {strides = array<i32>} : memref<128x128xf32, #tpu.memory_space<vmem>>, vector<1x16xf32>,
      %swap3A_57 = vector.shape_cast %swap3A_56 : vector<1x16xf32> to vector<16xf32>
      %swap3A_58 = vector.shape_cast %broadcast_in_dim3A_1 : vector<16xf32> to vector<1x16xf32>
      tpu.vector_store %arg10[%swap3A_54, %swap3A_55], %swap3A_58 {strides = array<i32>} : memref<128x128xf32, #tpu.memory_space<vmem>>, vector<1x16xf32>,
      %swap3A_59 = arith.index_cast %scan3A_39 : i32 to index
      %swap3A_60 = arith.constant 64 : index
      %swap3A_61 = tpu.vector_load %arg10[%swap3A_59, %swap3A_60] {strides = array<i32>} : memref<128x128xf32, #tpu.memory_space<vmem>>, vector<1x16xf32>,
      %swap3A_62 = vector.shape_cast %swap3A_61 : vector<1x16xf32> to vector<16xf32>
      %swap3A_63 = vector.shape_cast %broadcast_in_dim3A_1 : vector<16xf32> to vector<1x16xf32>
      tpu.vector_store %arg10[%swap3A_59, %swap3A_60], %swap3A_63 {strides = array<i32>} : memref<128x128xf32, #tpu.memory_space<vmem>>, vector<1x16xf32>,
      %swap3A_64 = arith.index_cast %scan3A_39 : i32 to index
      %swap3A_65 = arith.constant 80 : index
      %swap3A_66 = tpu.vector_load %arg10[%swap3A_64, %swap3A_65] {strides = array<i32>} : memref<128x128xf32, #tpu.memory_space<vmem>>, vector<1x16xf32>,
      %swap3A_67 = vector.shape_cast %swap3A_66 : vector<1x16xf32> to vector<16xf32>
      %swap3A_68 = vector.shape_cast %broadcast_in_dim3A_1 : vector<16xf32> to vector<1x16xf32>
      tpu.vector_store %arg10[%swap3A_64, %swap3A_65], %swap3A_68 {strides = array<i32>} : memref<128x128xf32, #tpu.memory_space<vmem>>, vector<1x16xf32>,
      %swap3A_69 = arith.index_cast %scan3A_39 : i32 to index
      %swap3A_70 = arith.constant 96 : index
      %swap3A_71 = tpu.vector_load %arg10[%swap3A_69, %swap3A_70] {strides = array<i32>} : memref<128x128xf32, #tpu.memory_space<vmem>>, vector<1x16xf32>,
      %swap3A_72 = vector.shape_cast %swap3A_71 : vector<1x16xf32> to vector<16xf32>
      %swap3A_73 = vector.shape_cast %broadcast_in_dim3A_1 : vector<16xf32> to vector<1x16xf32>
      tpu.vector_store %arg10[%swap3A_69, %swap3A_70], %swap3A_73 {strides = array<i32>} : memref<128x128xf32, #tpu.memory_space<vmem>>, vector<1x16xf32>,
      %swap3A_74 = arith.index_cast %scan3A_39 : i32 to index
      %swap3A_75 = arith.constant 112 : index
      %swap3A_76 = tpu.vector_load %arg10[%swap3A_74, %swap3A_75] {strides = array<i32>} : memref<128x128xf32, #tpu.memory_space<vmem>>, vector<1x16xf32>,
      %swap3A_77 = vector.shape_cast %swap3A_76 : vector<1x16xf32> to vector<16xf32>
      %swap3A_78 = vector.shape_cast %broadcast_in_dim3A_1 : vector<16xf32> to vector<1x16xf32>
      tpu.vector_store %arg10[%swap3A_74, %swap3A_75], %swap3A_78 {strides = array<i32>} : memref<128x128xf32, #tpu.memory_space<vmem>>, vector<1x16xf32>,
    }
    %scan3A_6 = arith.constant 80 : i32
    %mul3A_7 = arith.constant 640 : i32
    %mul3A_8 = arith.muli %arg1, %mul3A_7 : i32
    %add3A_9 = arith.constant 0 : i32
    %add3A_10 = arith.addi %mul3A_8, %add3A_9 : i32
    "tpu.region"() ({
      %run_scoped3A = tpu.sem_alloc : memref<!tpu.dma_semaphore, #tpu.memory_space<semaphore_mem>>
      %dma_start3A = arith.constant 0 : i32
      %dma_start3A_39 = arith.constant 0 : i32
      %dma_start3A_40 = tpu.memref_slice %arg10[%dma_start3A, %dma_start3A_39] : memref<128x128xf32, #tpu.memory_space<vmem>> -> memref<80x128xf32, #tpu.memory_space<vmem>>
      %dma_start3A_41 = arith.constant 0 : i32
      %dma_start3A_42 = tpu.memref_slice %arg11[%add3A_10, %dma_start3A_41] : memref<10240x128xf32, #tpu.memory_space<vmem_shared>> -> memref<80x128xf32, #tpu.memory_space<vmem_shared>>
      %dma_start3A_43 = arith.constant 0 : i32
      %dma_start3A_44 = tpu.memref_slice %arg11[%add3A_10, %dma_start3A_43] : memref<10240x128xf32, #tpu.memory_space<vmem_shared>> -> memref<80x128xf32, #tpu.memory_space<vmem_shared>>
      %dma_start3A_45 = arith.constant 0 : i32
      %dma_start3A_46 = arith.constant 0 : i32
      %dma_start3A_47 = tpu.memref_slice %arg10[%dma_start3A_45, %dma_start3A_46] : memref<128x128xf32, #tpu.memory_space<vmem>> -> memref<80x128xf32, #tpu.memory_space<vmem>>
      tpu.enqueue_dma source(%dma_start3A_47 : memref<80x128xf32, #tpu.memory_space<vmem>>) target(%dma_start3A_44 : memref<80x128xf32, #tpu.memory_space<vmem_shared>>) target_semaphore(%run_scoped3A : memref<!tpu.dma_semaphore, #tpu.memory_space<semaphore_mem>>)
      %dma_wait3A = arith.constant 0 : i32
      %dma_wait3A_48 = arith.constant 0 : i32
      %dma_wait3A_49 = tpu.memref_slice %arg10[%dma_wait3A, %dma_wait3A_48] : memref<128x128xf32, #tpu.memory_space<vmem>> -> memref<80x128xf32, #tpu.memory_space<vmem>>
      %dma_wait3A_50 = arith.constant 0 : i32
      %dma_wait3A_51 = tpu.memref_slice %arg11[%add3A_10, %dma_wait3A_50] : memref<10240x128xf32, #tpu.memory_space<vmem_shared>> -> memref<80x128xf32, #tpu.memory_space<vmem_shared>>
      %dma_wait3A_52 = arith.constant 0 : i32
      %dma_wait3A_53 = tpu.memref_slice %arg11[%add3A_10, %dma_wait3A_52] : memref<10240x128xf32, #tpu.memory_space<vmem_shared>> -> memref<80x128xf32, #tpu.memory_space<vmem_shared>>
      %dma_wait3A_54 = arith.constant 0 : i32
      %dma_wait3A_55 = arith.constant 0 : i32
      %dma_wait3A_56 = tpu.memref_slice %arg10[%dma_wait3A_54, %dma_wait3A_55] : memref<128x128xf32, #tpu.memory_space<vmem>> -> memref<80x128xf32, #tpu.memory_space<vmem>>
      tpu.wait_dma2 semaphore(%run_scoped3A : memref<!tpu.dma_semaphore, #tpu.memory_space<semaphore_mem>>) src(%dma_wait3A_56 : memref<80x128xf32, #tpu.memory_space<vmem>>) dst(%dma_wait3A_53 : memref<80x128xf32, #tpu.memory_space<vmem_shared>>)
      tpu.yield
    }) : () -> ()
    %add3A_11 = arith.constant 80 : i32
    %add3A_12 = arith.addi %mul3A_8, %add3A_11 : i32
    "tpu.region"() ({
      %run_scoped3A = tpu.sem_alloc : memref<!tpu.dma_semaphore, #tpu.memory_space<semaphore_mem>>
      %dma_start3A = arith.constant 0 : i32
      %dma_start3A_39 = arith.constant 0 : i32
      %dma_start3A_40 = tpu.memref_slice %arg10[%dma_start3A, %dma_start3A_39] : memref<128x128xf32, #tpu.memory_space<vmem>> -> memref<80x128xf32, #tpu.memory_space<vmem>>
      %dma_start3A_41 = arith.constant 0 : i32
      %dma_start3A_42 = tpu.memref_slice %arg11[%add3A_12, %dma_start3A_41] : memref<10240x128xf32, #tpu.memory_space<vmem_shared>> -> memref<80x128xf32, #tpu.memory_space<vmem_shared>>
      %dma_start3A_43 = arith.constant 0 : i32
      %dma_start3A_44 = tpu.memref_slice %arg11[%add3A_12, %dma_start3A_43] : memref<10240x128xf32, #tpu.memory_space<vmem_shared>> -> memref<80x128xf32, #tpu.memory_space<vmem_shared>>
      %dma_start3A_45 = arith.constant 0 : i32
      %dma_start3A_46 = arith.constant 0 : i32
      %dma_start3A_47 = tpu.memref_slice %arg10[%dma_start3A_45, %dma_start3A_46] : memref<128x128xf32, #tpu.memory_space<vmem>> -> memref<80x128xf32, #tpu.memory_space<vmem>>
      tpu.enqueue_dma source(%dma_start3A_47 : memref<80x128xf32, #tpu.memory_space<vmem>>) target(%dma_start3A_44 : memref<80x128xf32, #tpu.memory_space<vmem_shared>>) target_semaphore(%run_scoped3A : memref<!tpu.dma_semaphore, #tpu.memory_space<semaphore_mem>>)
      %dma_wait3A = arith.constant 0 : i32
      %dma_wait3A_48 = arith.constant 0 : i32
      %dma_wait3A_49 = tpu.memref_slice %arg10[%dma_wait3A, %dma_wait3A_48] : memref<128x128xf32, #tpu.memory_space<vmem>> -> memref<80x128xf32, #tpu.memory_space<vmem>>
      %dma_wait3A_50 = arith.constant 0 : i32
      %dma_wait3A_51 = tpu.memref_slice %arg11[%add3A_12, %dma_wait3A_50] : memref<10240x128xf32, #tpu.memory_space<vmem_shared>> -> memref<80x128xf32, #tpu.memory_space<vmem_shared>>
      %dma_wait3A_52 = arith.constant 0 : i32
      %dma_wait3A_53 = tpu.memref_slice %arg11[%add3A_12, %dma_wait3A_52] : memref<10240x128xf32, #tpu.memory_space<vmem_shared>> -> memref<80x128xf32, #tpu.memory_space<vmem_shared>>
      %dma_wait3A_54 = arith.constant 0 : i32
      %dma_wait3A_55 = arith.constant 0 : i32
      %dma_wait3A_56 = tpu.memref_slice %arg10[%dma_wait3A_54, %dma_wait3A_55] : memref<128x128xf32, #tpu.memory_space<vmem>> -> memref<80x128xf32, #tpu.memory_space<vmem>>
      tpu.wait_dma2 semaphore(%run_scoped3A : memref<!tpu.dma_semaphore, #tpu.memory_space<semaphore_mem>>) src(%dma_wait3A_56 : memref<80x128xf32, #tpu.memory_space<vmem>>) dst(%dma_wait3A_53 : memref<80x128xf32, #tpu.memory_space<vmem_shared>>)
      tpu.yield
    }) : () -> ()
    %add3A_13 = arith.constant 160 : i32
    %add3A_14 = arith.addi %mul3A_8, %add3A_13 : i32
    "tpu.region"() ({
      %run_scoped3A = tpu.sem_alloc : memref<!tpu.dma_semaphore, #tpu.memory_space<semaphore_mem>>
      %dma_start3A = arith.constant 0 : i32
      %dma_start3A_39 = arith.constant 0 : i32
      %dma_start3A_40 = tpu.memref_slice %arg10[%dma_start3A, %dma_start3A_39] : memref<128x128xf32, #tpu.memory_space<vmem>> -> memref<80x128xf32, #tpu.memory_space<vmem>>
      %dma_start3A_41 = arith.constant 0 : i32
      %dma_start3A_42 = tpu.memref_slice %arg11[%add3A_14, %dma_start3A_41] : memref<10240x128xf32, #tpu.memory_space<vmem_shared>> -> memref<80x128xf32, #tpu.memory_space<vmem_shared>>
      %dma_start3A_43 = arith.constant 0 : i32
      %dma_start3A_44 = tpu.memref_slice %arg11[%add3A_14, %dma_start3A_43] : memref<10240x128xf32, #tpu.memory_space<vmem_shared>> -> memref<80x128xf32, #tpu.memory_space<vmem_shared>>
      %dma_start3A_45 = arith.constant 0 : i32
      %dma_start3A_46 = arith.constant 0 : i32
      %dma_start3A_47 = tpu.memref_slice %arg10[%dma_start3A_45, %dma_start3A_46] : memref<128x128xf32, #tpu.memory_space<vmem>> -> memref<80x128xf32, #tpu.memory_space<vmem>>
      tpu.enqueue_dma source(%dma_start3A_47 : memref<80x128xf32, #tpu.memory_space<vmem>>) target(%dma_start3A_44 : memref<80x128xf32, #tpu.memory_space<vmem_shared>>) target_semaphore(%run_scoped3A : memref<!tpu.dma_semaphore, #tpu.memory_space<semaphore_mem>>)
      %dma_wait3A = arith.constant 0 : i32
      %dma_wait3A_48 = arith.constant 0 : i32
      %dma_wait3A_49 = tpu.memref_slice %arg10[%dma_wait3A, %dma_wait3A_48] : memref<128x128xf32, #tpu.memory_space<vmem>> -> memref<80x128xf32, #tpu.memory_space<vmem>>
      %dma_wait3A_50 = arith.constant 0 : i32
      %dma_wait3A_51 = tpu.memref_slice %arg11[%add3A_14, %dma_wait3A_50] : memref<10240x128xf32, #tpu.memory_space<vmem_shared>> -> memref<80x128xf32, #tpu.memory_space<vmem_shared>>
      %dma_wait3A_52 = arith.constant 0 : i32
      %dma_wait3A_53 = tpu.memref_slice %arg11[%add3A_14, %dma_wait3A_52] : memref<10240x128xf32, #tpu.memory_space<vmem_shared>> -> memref<80x128xf32, #tpu.memory_space<vmem_shared>>
      %dma_wait3A_54 = arith.constant 0 : i32
      %dma_wait3A_55 = arith.constant 0 : i32
      %dma_wait3A_56 = tpu.memref_slice %arg10[%dma_wait3A_54, %dma_wait3A_55] : memref<128x128xf32, #tpu.memory_space<vmem>> -> memref<80x128xf32, #tpu.memory_space<vmem>>
      tpu.wait_dma2 semaphore(%run_scoped3A : memref<!tpu.dma_semaphore, #tpu.memory_space<semaphore_mem>>) src(%dma_wait3A_56 : memref<80x128xf32, #tpu.memory_space<vmem>>) dst(%dma_wait3A_53 : memref<80x128xf32, #tpu.memory_space<vmem_shared>>)
      tpu.yield
    }) : () -> ()
    %add3A_15 = arith.constant 240 : i32
    %add3A_16 = arith.addi %mul3A_8, %add3A_15 : i32
    "tpu.region"() ({
      %run_scoped3A = tpu.sem_alloc : memref<!tpu.dma_semaphore, #tpu.memory_space<semaphore_mem>>
      %dma_start3A = arith.constant 0 : i32
      %dma_start3A_39 = arith.constant 0 : i32
      %dma_start3A_40 = tpu.memref_slice %arg10[%dma_start3A, %dma_start3A_39] : memref<128x128xf32, #tpu.memory_space<vmem>> -> memref<80x128xf32, #tpu.memory_space<vmem>>
      %dma_start3A_41 = arith.constant 0 : i32
      %dma_start3A_42 = tpu.memref_slice %arg11[%add3A_16, %dma_start3A_41] : memref<10240x128xf32, #tpu.memory_space<vmem_shared>> -> memref<80x128xf32, #tpu.memory_space<vmem_shared>>
      %dma_start3A_43 = arith.constant 0 : i32
      %dma_start3A_44 = tpu.memref_slice %arg11[%add3A_16, %dma_start3A_43] : memref<10240x128xf32, #tpu.memory_space<vmem_shared>> -> memref<80x128xf32, #tpu.memory_space<vmem_shared>>
      %dma_start3A_45 = arith.constant 0 : i32
      %dma_start3A_46 = arith.constant 0 : i32
      %dma_start3A_47 = tpu.memref_slice %arg10[%dma_start3A_45, %dma_start3A_46] : memref<128x128xf32, #tpu.memory_space<vmem>> -> memref<80x128xf32, #tpu.memory_space<vmem>>
      tpu.enqueue_dma source(%dma_start3A_47 : memref<80x128xf32, #tpu.memory_space<vmem>>) target(%dma_start3A_44 : memref<80x128xf32, #tpu.memory_space<vmem_shared>>) target_semaphore(%run_scoped3A : memref<!tpu.dma_semaphore, #tpu.memory_space<semaphore_mem>>)
      %dma_wait3A = arith.constant 0 : i32
      %dma_wait3A_48 = arith.constant 0 : i32
      %dma_wait3A_49 = tpu.memref_slice %arg10[%dma_wait3A, %dma_wait3A_48] : memref<128x128xf32, #tpu.memory_space<vmem>> -> memref<80x128xf32, #tpu.memory_space<vmem>>
      %dma_wait3A_50 = arith.constant 0 : i32
      %dma_wait3A_51 = tpu.memref_slice %arg11[%add3A_16, %dma_wait3A_50] : memref<10240x128xf32, #tpu.memory_space<vmem_shared>> -> memref<80x128xf32, #tpu.memory_space<vmem_shared>>
      %dma_wait3A_52 = arith.constant 0 : i32
      %dma_wait3A_53 = tpu.memref_slice %arg11[%add3A_16, %dma_wait3A_52] : memref<10240x128xf32, #tpu.memory_space<vmem_shared>> -> memref<80x128xf32, #tpu.memory_space<vmem_shared>>
      %dma_wait3A_54 = arith.constant 0 : i32
      %dma_wait3A_55 = arith.constant 0 : i32
      %dma_wait3A_56 = tpu.memref_slice %arg10[%dma_wait3A_54, %dma_wait3A_55] : memref<128x128xf32, #tpu.memory_space<vmem>> -> memref<80x128xf32, #tpu.memory_space<vmem>>
      tpu.wait_dma2 semaphore(%run_scoped3A : memref<!tpu.dma_semaphore, #tpu.memory_space<semaphore_mem>>) src(%dma_wait3A_56 : memref<80x128xf32, #tpu.memory_space<vmem>>) dst(%dma_wait3A_53 : memref<80x128xf32, #tpu.memory_space<vmem_shared>>)
      tpu.yield
    }) : () -> ()
    %add3A_17 = arith.constant 320 : i32
    %add3A_18 = arith.addi %mul3A_8, %add3A_17 : i32
    "tpu.region"() ({
      %run_scoped3A = tpu.sem_alloc : memref<!tpu.dma_semaphore, #tpu.memory_space<semaphore_mem>>
      %dma_start3A = arith.constant 0 : i32
      %dma_start3A_39 = arith.constant 0 : i32
      %dma_start3A_40 = tpu.memref_slice %arg10[%dma_start3A, %dma_start3A_39] : memref<128x128xf32, #tpu.memory_space<vmem>> -> memref<80x128xf32, #tpu.memory_space<vmem>>
      %dma_start3A_41 = arith.constant 0 : i32
      %dma_start3A_42 = tpu.memref_slice %arg11[%add3A_18, %dma_start3A_41] : memref<10240x128xf32, #tpu.memory_space<vmem_shared>> -> memref<80x128xf32, #tpu.memory_space<vmem_shared>>
      %dma_start3A_43 = arith.constant 0 : i32
      %dma_start3A_44 = tpu.memref_slice %arg11[%add3A_18, %dma_start3A_43] : memref<10240x128xf32, #tpu.memory_space<vmem_shared>> -> memref<80x128xf32, #tpu.memory_space<vmem_shared>>
      %dma_start3A_45 = arith.constant 0 : i32
      %dma_start3A_46 = arith.constant 0 : i32
      %dma_start3A_47 = tpu.memref_slice %arg10[%dma_start3A_45, %dma_start3A_46] : memref<128x128xf32, #tpu.memory_space<vmem>> -> memref<80x128xf32, #tpu.memory_space<vmem>>
      tpu.enqueue_dma source(%dma_start3A_47 : memref<80x128xf32, #tpu.memory_space<vmem>>) target(%dma_start3A_44 : memref<80x128xf32, #tpu.memory_space<vmem_shared>>) target_semaphore(%run_scoped3A : memref<!tpu.dma_semaphore, #tpu.memory_space<semaphore_mem>>)
      %dma_wait3A = arith.constant 0 : i32
      %dma_wait3A_48 = arith.constant 0 : i32
      %dma_wait3A_49 = tpu.memref_slice %arg10[%dma_wait3A, %dma_wait3A_48] : memref<128x128xf32, #tpu.memory_space<vmem>> -> memref<80x128xf32, #tpu.memory_space<vmem>>
      %dma_wait3A_50 = arith.constant 0 : i32
      %dma_wait3A_51 = tpu.memref_slice %arg11[%add3A_18, %dma_wait3A_50] : memref<10240x128xf32, #tpu.memory_space<vmem_shared>> -> memref<80x128xf32, #tpu.memory_space<vmem_shared>>
      %dma_wait3A_52 = arith.constant 0 : i32
      %dma_wait3A_53 = tpu.memref_slice %arg11[%add3A_18, %dma_wait3A_52] : memref<10240x128xf32, #tpu.memory_space<vmem_shared>> -> memref<80x128xf32, #tpu.memory_space<vmem_shared>>
      %dma_wait3A_54 = arith.constant 0 : i32
      %dma_wait3A_55 = arith.constant 0 : i32
      %dma_wait3A_56 = tpu.memref_slice %arg10[%dma_wait3A_54, %dma_wait3A_55] : memref<128x128xf32, #tpu.memory_space<vmem>> -> memref<80x128xf32, #tpu.memory_space<vmem>>
      tpu.wait_dma2 semaphore(%run_scoped3A : memref<!tpu.dma_semaphore, #tpu.memory_space<semaphore_mem>>) src(%dma_wait3A_56 : memref<80x128xf32, #tpu.memory_space<vmem>>) dst(%dma_wait3A_53 : memref<80x128xf32, #tpu.memory_space<vmem_shared>>)
      tpu.yield
    }) : () -> ()
    %add3A_19 = arith.constant 400 : i32
    %add3A_20 = arith.addi %mul3A_8, %add3A_19 : i32
    "tpu.region"() ({
      %run_scoped3A = tpu.sem_alloc : memref<!tpu.dma_semaphore, #tpu.memory_space<semaphore_mem>>
      %dma_start3A = arith.constant 0 : i32
      %dma_start3A_39 = arith.constant 0 : i32
      %dma_start3A_40 = tpu.memref_slice %arg10[%dma_start3A, %dma_start3A_39] : memref<128x128xf32, #tpu.memory_space<vmem>> -> memref<80x128xf32, #tpu.memory_space<vmem>>
      %dma_start3A_41 = arith.constant 0 : i32
      %dma_start3A_42 = tpu.memref_slice %arg11[%add3A_20, %dma_start3A_41] : memref<10240x128xf32, #tpu.memory_space<vmem_shared>> -> memref<80x128xf32, #tpu.memory_space<vmem_shared>>
      %dma_start3A_43 = arith.constant 0 : i32
      %dma_start3A_44 = tpu.memref_slice %arg11[%add3A_20, %dma_start3A_43] : memref<10240x128xf32, #tpu.memory_space<vmem_shared>> -> memref<80x128xf32, #tpu.memory_space<vmem_shared>>
      %dma_start3A_45 = arith.constant 0 : i32
      %dma_start3A_46 = arith.constant 0 : i32
      %dma_start3A_47 = tpu.memref_slice %arg10[%dma_start3A_45, %dma_start3A_46] : memref<128x128xf32, #tpu.memory_space<vmem>> -> memref<80x128xf32, #tpu.memory_space<vmem>>
      tpu.enqueue_dma source(%dma_start3A_47 : memref<80x128xf32, #tpu.memory_space<vmem>>) target(%dma_start3A_44 : memref<80x128xf32, #tpu.memory_space<vmem_shared>>) target_semaphore(%run_scoped3A : memref<!tpu.dma_semaphore, #tpu.memory_space<semaphore_mem>>)
      %dma_wait3A = arith.constant 0 : i32
      %dma_wait3A_48 = arith.constant 0 : i32
      %dma_wait3A_49 = tpu.memref_slice %arg10[%dma_wait3A, %dma_wait3A_48] : memref<128x128xf32, #tpu.memory_space<vmem>> -> memref<80x128xf32, #tpu.memory_space<vmem>>
      %dma_wait3A_50 = arith.constant 0 : i32
      %dma_wait3A_51 = tpu.memref_slice %arg11[%add3A_20, %dma_wait3A_50] : memref<10240x128xf32, #tpu.memory_space<vmem_shared>> -> memref<80x128xf32, #tpu.memory_space<vmem_shared>>
      %dma_wait3A_52 = arith.constant 0 : i32
      %dma_wait3A_53 = tpu.memref_slice %arg11[%add3A_20, %dma_wait3A_52] : memref<10240x128xf32, #tpu.memory_space<vmem_shared>> -> memref<80x128xf32, #tpu.memory_space<vmem_shared>>
      %dma_wait3A_54 = arith.constant 0 : i32
      %dma_wait3A_55 = arith.constant 0 : i32
      %dma_wait3A_56 = tpu.memref_slice %arg10[%dma_wait3A_54, %dma_wait3A_55] : memref<128x128xf32, #tpu.memory_space<vmem>> -> memref<80x128xf32, #tpu.memory_space<vmem>>
      tpu.wait_dma2 semaphore(%run_scoped3A : memref<!tpu.dma_semaphore, #tpu.memory_space<semaphore_mem>>) src(%dma_wait3A_56 : memref<80x128xf32, #tpu.memory_space<vmem>>) dst(%dma_wait3A_53 : memref<80x128xf32, #tpu.memory_space<vmem_shared>>)
      tpu.yield
    }) : () -> ()
    %add3A_21 = arith.constant 480 : i32
    %add3A_22 = arith.addi %mul3A_8, %add3A_21 : i32
    "tpu.region"() ({
      %run_scoped3A = tpu.sem_alloc : memref<!tpu.dma_semaphore, #tpu.memory_space<semaphore_mem>>
      %dma_start3A = arith.constant 0 : i32
      %dma_start3A_39 = arith.constant 0 : i32
      %dma_start3A_40 = tpu.memref_slice %arg10[%dma_start3A, %dma_start3A_39] : memref<128x128xf32, #tpu.memory_space<vmem>> -> memref<80x128xf32, #tpu.memory_space<vmem>>
      %dma_start3A_41 = arith.constant 0 : i32
      %dma_start3A_42 = tpu.memref_slice %arg11[%add3A_22, %dma_start3A_41] : memref<10240x128xf32, #tpu.memory_space<vmem_shared>> -> memref<80x128xf32, #tpu.memory_space<vmem_shared>>
      %dma_start3A_43 = arith.constant 0 : i32
      %dma_start3A_44 = tpu.memref_slice %arg11[%add3A_22, %dma_start3A_43] : memref<10240x128xf32, #tpu.memory_space<vmem_shared>> -> memref<80x128xf32, #tpu.memory_space<vmem_shared>>
      %dma_start3A_45 = arith.constant 0 : i32
      %dma_start3A_46 = arith.constant 0 : i32
      %dma_start3A_47 = tpu.memref_slice %arg10[%dma_start3A_45, %dma_start3A_46] : memref<128x128xf32, #tpu.memory_space<vmem>> -> memref<80x128xf32, #tpu.memory_space<vmem>>
      tpu.enqueue_dma source(%dma_start3A_47 : memref<80x128xf32, #tpu.memory_space<vmem>>) target(%dma_start3A_44 : memref<80x128xf32, #tpu.memory_space<vmem_shared>>) target_semaphore(%run_scoped3A : memref<!tpu.dma_semaphore, #tpu.memory_space<semaphore_mem>>)
      %dma_wait3A = arith.constant 0 : i32
      %dma_wait3A_48 = arith.constant 0 : i32
      %dma_wait3A_49 = tpu.memref_slice %arg10[%dma_wait3A, %dma_wait3A_48] : memref<128x128xf32, #tpu.memory_space<vmem>> -> memref<80x128xf32, #tpu.memory_space<vmem>>
      %dma_wait3A_50 = arith.constant 0 : i32
      %dma_wait3A_51 = tpu.memref_slice %arg11[%add3A_22, %dma_wait3A_50] : memref<10240x128xf32, #tpu.memory_space<vmem_shared>> -> memref<80x128xf32, #tpu.memory_space<vmem_shared>>
      %dma_wait3A_52 = arith.constant 0 : i32
      %dma_wait3A_53 = tpu.memref_slice %arg11[%add3A_22, %dma_wait3A_52] : memref<10240x128xf32, #tpu.memory_space<vmem_shared>> -> memref<80x128xf32, #tpu.memory_space<vmem_shared>>
      %dma_wait3A_54 = arith.constant 0 : i32
      %dma_wait3A_55 = arith.constant 0 : i32
      %dma_wait3A_56 = tpu.memref_slice %arg10[%dma_wait3A_54, %dma_wait3A_55] : memref<128x128xf32, #tpu.memory_space<vmem>> -> memref<80x128xf32, #tpu.memory_space<vmem>>
      tpu.wait_dma2 semaphore(%run_scoped3A : memref<!tpu.dma_semaphore, #tpu.memory_space<semaphore_mem>>) src(%dma_wait3A_56 : memref<80x128xf32, #tpu.memory_space<vmem>>) dst(%dma_wait3A_53 : memref<80x128xf32, #tpu.memory_space<vmem_shared>>)
      tpu.yield
    }) : () -> ()
    %add3A_23 = arith.constant 560 : i32
    %add3A_24 = arith.addi %mul3A_8, %add3A_23 : i32
    "tpu.region"() ({
      %run_scoped3A = tpu.sem_alloc : memref<!tpu.dma_semaphore, #tpu.memory_space<semaphore_mem>>
      %dma_start3A = arith.constant 0 : i32
      %dma_start3A_39 = arith.constant 0 : i32
      %dma_start3A_40 = tpu.memref_slice %arg10[%dma_start3A, %dma_start3A_39] : memref<128x128xf32, #tpu.memory_space<vmem>> -> memref<80x128xf32, #tpu.memory_space<vmem>>
      %dma_start3A_41 = arith.constant 0 : i32
      %dma_start3A_42 = tpu.memref_slice %arg11[%add3A_24, %dma_start3A_41] : memref<10240x128xf32, #tpu.memory_space<vmem_shared>> -> memref<80x128xf32, #tpu.memory_space<vmem_shared>>
      %dma_start3A_43 = arith.constant 0 : i32
      %dma_start3A_44 = tpu.memref_slice %arg11[%add3A_24, %dma_start3A_43] : memref<10240x128xf32, #tpu.memory_space<vmem_shared>> -> memref<80x128xf32, #tpu.memory_space<vmem_shared>>
      %dma_start3A_45 = arith.constant 0 : i32
      %dma_start3A_46 = arith.constant 0 : i32
      %dma_start3A_47 = tpu.memref_slice %arg10[%dma_start3A_45, %dma_start3A_46] : memref<128x128xf32, #tpu.memory_space<vmem>> -> memref<80x128xf32, #tpu.memory_space<vmem>>
      tpu.enqueue_dma source(%dma_start3A_47 : memref<80x128xf32, #tpu.memory_space<vmem>>) target(%dma_start3A_44 : memref<80x128xf32, #tpu.memory_space<vmem_shared>>) target_semaphore(%run_scoped3A : memref<!tpu.dma_semaphore, #tpu.memory_space<semaphore_mem>>)
      %dma_wait3A = arith.constant 0 : i32
      %dma_wait3A_48 = arith.constant 0 : i32
      %dma_wait3A_49 = tpu.memref_slice %arg10[%dma_wait3A, %dma_wait3A_48] : memref<128x128xf32, #tpu.memory_space<vmem>> -> memref<80x128xf32, #tpu.memory_space<vmem>>
      %dma_wait3A_50 = arith.constant 0 : i32
      %dma_wait3A_51 = tpu.memref_slice %arg11[%add3A_24, %dma_wait3A_50] : memref<10240x128xf32, #tpu.memory_space<vmem_shared>> -> memref<80x128xf32, #tpu.memory_space<vmem_shared>>
      %dma_wait3A_52 = arith.constant 0 : i32
      %dma_wait3A_53 = tpu.memref_slice %arg11[%add3A_24, %dma_wait3A_52] : memref<10240x128xf32, #tpu.memory_space<vmem_shared>> -> memref<80x128xf32, #tpu.memory_space<vmem_shared>>
      %dma_wait3A_54 = arith.constant 0 : i32
      %dma_wait3A_55 = arith.constant 0 : i32
      %dma_wait3A_56 = tpu.memref_slice %arg10[%dma_wait3A_54, %dma_wait3A_55] : memref<128x128xf32, #tpu.memory_space<vmem>> -> memref<80x128xf32, #tpu.memory_space<vmem>>
      tpu.wait_dma2 semaphore(%run_scoped3A : memref<!tpu.dma_semaphore, #tpu.memory_space<semaphore_mem>>) src(%dma_wait3A_56 : memref<80x128xf32, #tpu.memory_space<vmem>>) dst(%dma_wait3A_53 : memref<80x128xf32, #tpu.memory_space<vmem_shared>>)
      tpu.yield
    }) : () -> ()
    %mul3A_25 = arith.constant 80 : i32
    %mul3A_26 = arith.muli %add3A, %mul3A_25 : i32
    "tpu.region"() ({
      %run_scoped3A = tpu.sem_alloc : memref<!tpu.dma_semaphore, #tpu.memory_space<semaphore_mem>>
      %dma_start3A = arith.constant 0 : i32
      %dma_start3A_39 = tpu.memref_slice %arg2[%mul3A_26, %dma_start3A] : memref<2560x128xi32, #tpu.memory_space<hbm>> -> memref<80x128xi32, #tpu.memory_space<hbm>>
      %dma_start3A_40 = arith.constant 0 : i32
      %dma_start3A_41 = tpu.memref_slice %arg2[%mul3A_26, %dma_start3A_40] : memref<2560x128xi32, #tpu.memory_space<hbm>> -> memref<80x128xi32, #tpu.memory_space<hbm>>
      tpu.enqueue_dma source(%dma_start3A_41 : memref<80x128xi32, #tpu.memory_space<hbm>>) target(%arg6 : memref<80x128xi32, #tpu.memory_space<vmem>>) target_semaphore(%run_scoped3A : memref<!tpu.dma_semaphore, #tpu.memory_space<semaphore_mem>>)
      %dma_wait3A = arith.constant 0 : i32
      %dma_wait3A_42 = tpu.memref_slice %arg2[%mul3A_26, %dma_wait3A] : memref<2560x128xi32, #tpu.memory_space<hbm>> -> memref<80x128xi32, #tpu.memory_space<hbm>>
      %dma_wait3A_43 = arith.constant 0 : i32
      %dma_wait3A_44 = tpu.memref_slice %arg2[%mul3A_26, %dma_wait3A_43] : memref<2560x128xi32, #tpu.memory_space<hbm>> -> memref<80x128xi32, #tpu.memory_space<hbm>>
      tpu.wait_dma2 semaphore(%run_scoped3A : memref<!tpu.dma_semaphore, #tpu.memory_space<semaphore_mem>>) src(%dma_wait3A_44 : memref<80x128xi32, #tpu.memory_space<hbm>>) dst(%arg6 : memref<80x128xi32, #tpu.memory_space<vmem>>)
      tpu.yield
    }) : () -> ()
    %mul3A_27 = arith.constant 80 : i32
    %mul3A_28 = arith.muli %add3A, %mul3A_27 : i32
    "tpu.region"() ({
      %run_scoped3A = tpu.sem_alloc : memref<!tpu.dma_semaphore, #tpu.memory_space<semaphore_mem>>
      %dma_start3A = arith.constant 0 : i32
      %dma_start3A_39 = tpu.memref_slice %arg3[%mul3A_28, %dma_start3A] : memref<2560x128xi32, #tpu.memory_space<hbm>> -> memref<80x128xi32, #tpu.memory_space<hbm>>
      %dma_start3A_40 = arith.constant 0 : i32
      %dma_start3A_41 = tpu.memref_slice %arg3[%mul3A_28, %dma_start3A_40] : memref<2560x128xi32, #tpu.memory_space<hbm>> -> memref<80x128xi32, #tpu.memory_space<hbm>>
      tpu.enqueue_dma source(%dma_start3A_41 : memref<80x128xi32, #tpu.memory_space<hbm>>) target(%arg8 : memref<80x128xi32, #tpu.memory_space<vmem>>) target_semaphore(%run_scoped3A : memref<!tpu.dma_semaphore, #tpu.memory_space<semaphore_mem>>)
      %dma_wait3A = arith.constant 0 : i32
      %dma_wait3A_42 = tpu.memref_slice %arg3[%mul3A_28, %dma_wait3A] : memref<2560x128xi32, #tpu.memory_space<hbm>> -> memref<80x128xi32, #tpu.memory_space<hbm>>
      %dma_wait3A_43 = arith.constant 0 : i32
      %dma_wait3A_44 = tpu.memref_slice %arg3[%mul3A_28, %dma_wait3A_43] : memref<2560x128xi32, #tpu.memory_space<hbm>> -> memref<80x128xi32, #tpu.memory_space<hbm>>
      tpu.wait_dma2 semaphore(%run_scoped3A : memref<!tpu.dma_semaphore, #tpu.memory_space<semaphore_mem>>) src(%dma_wait3A_44 : memref<80x128xi32, #tpu.memory_space<hbm>>) dst(%arg8 : memref<80x128xi32, #tpu.memory_space<vmem>>)
      tpu.yield
    }) : () -> ()
    %barrier3A = arith.constant 0 : index
    tpu.barrier barrier_id(%barrier3A)
    %scan3A_29 = arith.constant 0 : i32
    %scan3A_30 = arith.constant 0 : i32
    %scan3A_31 = arith.constant 80 : i32
    %scan3A_32 = arith.addi %scan3A_30, %scan3A_31 : i32
    %scan3A_33 = arith.constant 1 : i32
    scf.for %scan3A_39 = %scan3A_30 to %scan3A_32 step %scan3A_33  : i32 {
      %get3A = arith.index_cast %scan3A_39 : i32 to index
      %get3A_40 = arith.constant 0 : index
      %get3A_41 = tpu.vector_load %arg6[%get3A, %get3A_40] {strides = array<i32>} : memref<80x128xi32, #tpu.memory_space<vmem>>, vector<1x16xi32>,
      %get3A_42 = vector.shape_cast %get3A_41 : vector<1x16xi32> to vector<16xi32>
      %swap3A = arith.constant 0 : index
      %swap3A_43 = tpu.vector_load %arg7[%swap3A] {strides = array<i32>} : memref<128xi32, #tpu.memory_space<vmem>>, vector<16xi32>,
      %swap3A_44 = vector.shape_cast %swap3A_43 : vector<16xi32> to vector<16xi32>
      %swap3A_45 = vector.shape_cast %get3A_42 : vector<16xi32> to vector<16xi32>
      tpu.vector_store %arg7[%swap3A], %swap3A_45 {strides = array<i32>} : memref<128xi32, #tpu.memory_space<vmem>>, vector<16xi32>,
      %get3A_46 = arith.index_cast %scan3A_39 : i32 to index
      %get3A_47 = arith.constant 16 : index
      %get3A_48 = tpu.vector_load %arg6[%get3A_46, %get3A_47] {strides = array<i32>} : memref<80x128xi32, #tpu.memory_space<vmem>>, vector<1x16xi32>,
      %get3A_49 = vector.shape_cast %get3A_48 : vector<1x16xi32> to vector<16xi32>
      %swap3A_50 = arith.constant 16 : index
      %swap3A_51 = tpu.vector_load %arg7[%swap3A_50] {strides = array<i32>} : memref<128xi32, #tpu.memory_space<vmem>>, vector<16xi32>,
      %swap3A_52 = vector.shape_cast %swap3A_51 : vector<16xi32> to vector<16xi32>
      %swap3A_53 = vector.shape_cast %get3A_49 : vector<16xi32> to vector<16xi32>
      tpu.vector_store %arg7[%swap3A_50], %swap3A_53 {strides = array<i32>} : memref<128xi32, #tpu.memory_space<vmem>>, vector<16xi32>,
      %get3A_54 = arith.index_cast %scan3A_39 : i32 to index
      %get3A_55 = arith.constant 32 : index
      %get3A_56 = tpu.vector_load %arg6[%get3A_54, %get3A_55] {strides = array<i32>} : memref<80x128xi32, #tpu.memory_space<vmem>>, vector<1x16xi32>,
      %get3A_57 = vector.shape_cast %get3A_56 : vector<1x16xi32> to vector<16xi32>
      %swap3A_58 = arith.constant 32 : index
      %swap3A_59 = tpu.vector_load %arg7[%swap3A_58] {strides = array<i32>} : memref<128xi32, #tpu.memory_space<vmem>>, vector<16xi32>,
      %swap3A_60 = vector.shape_cast %swap3A_59 : vector<16xi32> to vector<16xi32>
      %swap3A_61 = vector.shape_cast %get3A_57 : vector<16xi32> to vector<16xi32>
      tpu.vector_store %arg7[%swap3A_58], %swap3A_61 {strides = array<i32>} : memref<128xi32, #tpu.memory_space<vmem>>, vector<16xi32>,
      %get3A_62 = arith.index_cast %scan3A_39 : i32 to index
      %get3A_63 = arith.constant 48 : index
      %get3A_64 = tpu.vector_load %arg6[%get3A_62, %get3A_63] {strides = array<i32>} : memref<80x128xi32, #tpu.memory_space<vmem>>, vector<1x16xi32>,
      %get3A_65 = vector.shape_cast %get3A_64 : vector<1x16xi32> to vector<16xi32>
      %swap3A_66 = arith.constant 48 : index
      %swap3A_67 = tpu.vector_load %arg7[%swap3A_66] {strides = array<i32>} : memref<128xi32, #tpu.memory_space<vmem>>, vector<16xi32>,
      %swap3A_68 = vector.shape_cast %swap3A_67 : vector<16xi32> to vector<16xi32>
      %swap3A_69 = vector.shape_cast %get3A_65 : vector<16xi32> to vector<16xi32>
      tpu.vector_store %arg7[%swap3A_66], %swap3A_69 {strides = array<i32>} : memref<128xi32, #tpu.memory_space<vmem>>, vector<16xi32>,
      %get3A_70 = arith.index_cast %scan3A_39 : i32 to index
      %get3A_71 = arith.constant 64 : index
      %get3A_72 = tpu.vector_load %arg6[%get3A_70, %get3A_71] {strides = array<i32>} : memref<80x128xi32, #tpu.memory_space<vmem>>, vector<1x16xi32>,
      %get3A_73 = vector.shape_cast %get3A_72 : vector<1x16xi32> to vector<16xi32>
      %swap3A_74 = arith.constant 64 : index
      %swap3A_75 = tpu.vector_load %arg7[%swap3A_74] {strides = array<i32>} : memref<128xi32, #tpu.memory_space<vmem>>, vector<16xi32>,
      %swap3A_76 = vector.shape_cast %swap3A_75 : vector<16xi32> to vector<16xi32>
      %swap3A_77 = vector.shape_cast %get3A_73 : vector<16xi32> to vector<16xi32>
      tpu.vector_store %arg7[%swap3A_74], %swap3A_77 {strides = array<i32>} : memref<128xi32, #tpu.memory_space<vmem>>, vector<16xi32>,
      %get3A_78 = arith.index_cast %scan3A_39 : i32 to index
      %get3A_79 = arith.constant 80 : index
      %get3A_80 = tpu.vector_load %arg6[%get3A_78, %get3A_79] {strides = array<i32>} : memref<80x128xi32, #tpu.memory_space<vmem>>, vector<1x16xi32>,
      %get3A_81 = vector.shape_cast %get3A_80 : vector<1x16xi32> to vector<16xi32>
      %swap3A_82 = arith.constant 80 : index
      %swap3A_83 = tpu.vector_load %arg7[%swap3A_82] {strides = array<i32>} : memref<128xi32, #tpu.memory_space<vmem>>, vector<16xi32>,
      %swap3A_84 = vector.shape_cast %swap3A_83 : vector<16xi32> to vector<16xi32>
      %swap3A_85 = vector.shape_cast %get3A_81 : vector<16xi32> to vector<16xi32>
      tpu.vector_store %arg7[%swap3A_82], %swap3A_85 {strides = array<i32>} : memref<128xi32, #tpu.memory_space<vmem>>, vector<16xi32>,
      %get3A_86 = arith.index_cast %scan3A_39 : i32 to index
      %get3A_87 = arith.constant 96 : index
      %get3A_88 = tpu.vector_load %arg6[%get3A_86, %get3A_87] {strides = array<i32>} : memref<80x128xi32, #tpu.memory_space<vmem>>, vector<1x16xi32>,
      %get3A_89 = vector.shape_cast %get3A_88 : vector<1x16xi32> to vector<16xi32>
      %swap3A_90 = arith.constant 96 : index
      %swap3A_91 = tpu.vector_load %arg7[%swap3A_90] {strides = array<i32>} : memref<128xi32, #tpu.memory_space<vmem>>, vector<16xi32>,
      %swap3A_92 = vector.shape_cast %swap3A_91 : vector<16xi32> to vector<16xi32>
      %swap3A_93 = vector.shape_cast %get3A_89 : vector<16xi32> to vector<16xi32>
      tpu.vector_store %arg7[%swap3A_90], %swap3A_93 {strides = array<i32>} : memref<128xi32, #tpu.memory_space<vmem>>, vector<16xi32>,
      %get3A_94 = arith.index_cast %scan3A_39 : i32 to index
      %get3A_95 = arith.constant 112 : index
      %get3A_96 = tpu.vector_load %arg6[%get3A_94, %get3A_95] {strides = array<i32>} : memref<80x128xi32, #tpu.memory_space<vmem>>, vector<1x16xi32>,
      %get3A_97 = vector.shape_cast %get3A_96 : vector<1x16xi32> to vector<16xi32>
      %swap3A_98 = arith.constant 112 : index
      %swap3A_99 = tpu.vector_load %arg7[%swap3A_98] {strides = array<i32>} : memref<128xi32, #tpu.memory_space<vmem>>, vector<16xi32>,
      %swap3A_100 = vector.shape_cast %swap3A_99 : vector<16xi32> to vector<16xi32>
      %swap3A_101 = vector.shape_cast %get3A_97 : vector<16xi32> to vector<16xi32>
      tpu.vector_store %arg7[%swap3A_98], %swap3A_101 {strides = array<i32>} : memref<128xi32, #tpu.memory_space<vmem>>, vector<16xi32>,
      %dma_start3A = arith.constant 0 : i32
      %dma_start3A_102 = arith.constant 0 : i32
      %dma_start3A_103 = tpu.memref_slice %arg4[%dma_start3A, %dma_start3A_102] : memref<10240x128xf32, #tpu.memory_space<hbm>> -> memref<10240x128xf32, #tpu.memory_space<hbm>>
      tpu.enqueue_indirect_dma source(%dma_start3A_103 : memref<10240x128xf32, #tpu.memory_space<hbm>>) target(%arg10 : memref<128x128xf32, #tpu.memory_space<vmem>>) offsets(%arg7 : memref<128xi32, #tpu.memory_space<vmem>>) semaphore(%arg12 : memref<!tpu.dma_semaphore, #tpu.memory_space<semaphore_mem>>)
      %dma_wait3A = arith.constant 0 : i32
      %dma_wait3A_104 = arith.constant 0 : i32
      %dma_wait3A_105 = tpu.memref_slice %arg4[%dma_wait3A, %dma_wait3A_104] : memref<10240x128xf32, #tpu.memory_space<hbm>> -> memref<10240x128xf32, #tpu.memory_space<hbm>>
      tpu.wait_indirect_dma semaphore(%arg12 : memref<!tpu.dma_semaphore, #tpu.memory_space<semaphore_mem>>) src(%dma_wait3A_105 : memref<10240x128xf32, #tpu.memory_space<hbm>>) dst(%arg10 : memref<128x128xf32, #tpu.memory_space<vmem>>)
      %get3A_106 = arith.index_cast %scan3A_39 : i32 to index
      %get3A_107 = arith.constant 0 : index
      %get3A_108 = tpu.vector_load %arg8[%get3A_106, %get3A_107] {strides = array<i32>} : memref<80x128xi32, #tpu.memory_space<vmem>>, vector<1x16xi32>,
      %get3A_109 = vector.shape_cast %get3A_108 : vector<1x16xi32> to vector<16xi32>
      %swap3A_110 = arith.constant 0 : index
      %swap3A_111 = tpu.vector_load %arg9[%swap3A_110] {strides = array<i32>} : memref<128xi32, #tpu.memory_space<vmem>>, vector<16xi32>,
      %swap3A_112 = vector.shape_cast %swap3A_111 : vector<16xi32> to vector<16xi32>
      %swap3A_113 = vector.shape_cast %get3A_109 : vector<16xi32> to vector<16xi32>
      tpu.vector_store %arg9[%swap3A_110], %swap3A_113 {strides = array<i32>} : memref<128xi32, #tpu.memory_space<vmem>>, vector<16xi32>,
      %get3A_114 = arith.index_cast %scan3A_39 : i32 to index
      %get3A_115 = arith.constant 16 : index
      %get3A_116 = tpu.vector_load %arg8[%get3A_114, %get3A_115] {strides = array<i32>} : memref<80x128xi32, #tpu.memory_space<vmem>>, vector<1x16xi32>,
      %get3A_117 = vector.shape_cast %get3A_116 : vector<1x16xi32> to vector<16xi32>
      %swap3A_118 = arith.constant 16 : index
      %swap3A_119 = tpu.vector_load %arg9[%swap3A_118] {strides = array<i32>} : memref<128xi32, #tpu.memory_space<vmem>>, vector<16xi32>,
      %swap3A_120 = vector.shape_cast %swap3A_119 : vector<16xi32> to vector<16xi32>
      %swap3A_121 = vector.shape_cast %get3A_117 : vector<16xi32> to vector<16xi32>
      tpu.vector_store %arg9[%swap3A_118], %swap3A_121 {strides = array<i32>} : memref<128xi32, #tpu.memory_space<vmem>>, vector<16xi32>,
      %get3A_122 = arith.index_cast %scan3A_39 : i32 to index
      %get3A_123 = arith.constant 32 : index
      %get3A_124 = tpu.vector_load %arg8[%get3A_122, %get3A_123] {strides = array<i32>} : memref<80x128xi32, #tpu.memory_space<vmem>>, vector<1x16xi32>,
      %get3A_125 = vector.shape_cast %get3A_124 : vector<1x16xi32> to vector<16xi32>
      %swap3A_126 = arith.constant 32 : index
      %swap3A_127 = tpu.vector_load %arg9[%swap3A_126] {strides = array<i32>} : memref<128xi32, #tpu.memory_space<vmem>>, vector<16xi32>,
      %swap3A_128 = vector.shape_cast %swap3A_127 : vector<16xi32> to vector<16xi32>
      %swap3A_129 = vector.shape_cast %get3A_125 : vector<16xi32> to vector<16xi32>
      tpu.vector_store %arg9[%swap3A_126], %swap3A_129 {strides = array<i32>} : memref<128xi32, #tpu.memory_space<vmem>>, vector<16xi32>,
      %get3A_130 = arith.index_cast %scan3A_39 : i32 to index
      %get3A_131 = arith.constant 48 : index
      %get3A_132 = tpu.vector_load %arg8[%get3A_130, %get3A_131] {strides = array<i32>} : memref<80x128xi32, #tpu.memory_space<vmem>>, vector<1x16xi32>,
      %get3A_133 = vector.shape_cast %get3A_132 : vector<1x16xi32> to vector<16xi32>
      %swap3A_134 = arith.constant 48 : index
      %swap3A_135 = tpu.vector_load %arg9[%swap3A_134] {strides = array<i32>} : memref<128xi32, #tpu.memory_space<vmem>>, vector<16xi32>,
      %swap3A_136 = vector.shape_cast %swap3A_135 : vector<16xi32> to vector<16xi32>
      %swap3A_137 = vector.shape_cast %get3A_133 : vector<16xi32> to vector<16xi32>
      tpu.vector_store %arg9[%swap3A_134], %swap3A_137 {strides = array<i32>} : memref<128xi32, #tpu.memory_space<vmem>>, vector<16xi32>,
      %get3A_138 = arith.index_cast %scan3A_39 : i32 to index
      %get3A_139 = arith.constant 64 : index
      %get3A_140 = tpu.vector_load %arg8[%get3A_138, %get3A_139] {strides = array<i32>} : memref<80x128xi32, #tpu.memory_space<vmem>>, vector<1x16xi32>,
      %get3A_141 = vector.shape_cast %get3A_140 : vector<1x16xi32> to vector<16xi32>
      %swap3A_142 = arith.constant 64 : index
      %swap3A_143 = tpu.vector_load %arg9[%swap3A_142] {strides = array<i32>} : memref<128xi32, #tpu.memory_space<vmem>>, vector<16xi32>,
      %swap3A_144 = vector.shape_cast %swap3A_143 : vector<16xi32> to vector<16xi32>
      %swap3A_145 = vector.shape_cast %get3A_141 : vector<16xi32> to vector<16xi32>
      tpu.vector_store %arg9[%swap3A_142], %swap3A_145 {strides = array<i32>} : memref<128xi32, #tpu.memory_space<vmem>>, vector<16xi32>,
      %get3A_146 = arith.index_cast %scan3A_39 : i32 to index
      %get3A_147 = arith.constant 80 : index
      %get3A_148 = tpu.vector_load %arg8[%get3A_146, %get3A_147] {strides = array<i32>} : memref<80x128xi32, #tpu.memory_space<vmem>>, vector<1x16xi32>,
      %get3A_149 = vector.shape_cast %get3A_148 : vector<1x16xi32> to vector<16xi32>
      %swap3A_150 = arith.constant 80 : index
      %swap3A_151 = tpu.vector_load %arg9[%swap3A_150] {strides = array<i32>} : memref<128xi32, #tpu.memory_space<vmem>>, vector<16xi32>,
      %swap3A_152 = vector.shape_cast %swap3A_151 : vector<16xi32> to vector<16xi32>
      %swap3A_153 = vector.shape_cast %get3A_149 : vector<16xi32> to vector<16xi32>
      tpu.vector_store %arg9[%swap3A_150], %swap3A_153 {strides = array<i32>} : memref<128xi32, #tpu.memory_space<vmem>>, vector<16xi32>,
      %get3A_154 = arith.index_cast %scan3A_39 : i32 to index
      %get3A_155 = arith.constant 96 : index
      %get3A_156 = tpu.vector_load %arg8[%get3A_154, %get3A_155] {strides = array<i32>} : memref<80x128xi32, #tpu.memory_space<vmem>>, vector<1x16xi32>,
      %get3A_157 = vector.shape_cast %get3A_156 : vector<1x16xi32> to vector<16xi32>
      %swap3A_158 = arith.constant 96 : index
      %swap3A_159 = tpu.vector_load %arg9[%swap3A_158] {strides = array<i32>} : memref<128xi32, #tpu.memory_space<vmem>>, vector<16xi32>,
      %swap3A_160 = vector.shape_cast %swap3A_159 : vector<16xi32> to vector<16xi32>
      %swap3A_161 = vector.shape_cast %get3A_157 : vector<16xi32> to vector<16xi32>
      tpu.vector_store %arg9[%swap3A_158], %swap3A_161 {strides = array<i32>} : memref<128xi32, #tpu.memory_space<vmem>>, vector<16xi32>,
      %get3A_162 = arith.index_cast %scan3A_39 : i32 to index
      %get3A_163 = arith.constant 112 : index
      %get3A_164 = tpu.vector_load %arg8[%get3A_162, %get3A_163] {strides = array<i32>} : memref<80x128xi32, #tpu.memory_space<vmem>>, vector<1x16xi32>,
      %get3A_165 = vector.shape_cast %get3A_164 : vector<1x16xi32> to vector<16xi32>
      %swap3A_166 = arith.constant 112 : index
      %swap3A_167 = tpu.vector_load %arg9[%swap3A_166] {strides = array<i32>} : memref<128xi32, #tpu.memory_space<vmem>>, vector<16xi32>,
      %swap3A_168 = vector.shape_cast %swap3A_167 : vector<16xi32> to vector<16xi32>
      %swap3A_169 = vector.shape_cast %get3A_165 : vector<16xi32> to vector<16xi32>
      tpu.vector_store %arg9[%swap3A_166], %swap3A_169 {strides = array<i32>} : memref<128xi32, #tpu.memory_space<vmem>>, vector<16xi32>,
      "tpu.region"() ({
        %run_scoped3A = tpu.sem_alloc : memref<!tpu.dma_semaphore, #tpu.memory_space<semaphore_mem>>
        %dma_start3A_170 = arith.constant 0 : i32
        %dma_start3A_171 = arith.constant 0 : i32
        %dma_start3A_172 = tpu.memref_slice %arg11[%dma_start3A_170, %dma_start3A_171] : memref<10240x128xf32, #tpu.memory_space<vmem_shared>> -> memref<10240x128xf32, #tpu.memory_space<vmem_shared>>
        tpu.enqueue_indirect_dma source(%arg10 : memref<128x128xf32, #tpu.memory_space<vmem>>) target(%dma_start3A_172 : memref<10240x128xf32, #tpu.memory_space<vmem_shared>>) offsets(%arg9 : memref<128xi32, #tpu.memory_space<vmem>>) semaphore(%run_scoped3A : memref<!tpu.dma_semaphore, #tpu.memory_space<semaphore_mem>>) {add = true}
        %dma_wait3A_173 = arith.constant 0 : i32
        %dma_wait3A_174 = arith.constant 0 : i32
        %dma_wait3A_175 = tpu.memref_slice %arg11[%dma_wait3A_173, %dma_wait3A_174] : memref<10240x128xf32, #tpu.memory_space<vmem_shared>> -> memref<10240x128xf32, #tpu.memory_space<vmem_shared>>
        tpu.wait_indirect_dma semaphore(%run_scoped3A : memref<!tpu.dma_semaphore, #tpu.memory_space<semaphore_mem>>) src(%arg10 : memref<128x128xf32, #tpu.memory_space<vmem>>) dst(%dma_wait3A_175 : memref<10240x128xf32, #tpu.memory_space<vmem_shared>>)
        tpu.yield
      }) : () -> ()
    }
    %scan3A_34 = arith.constant 80 : i32
    %barrier3A_35 = arith.constant 0 : index
    tpu.barrier barrier_id(%barrier3A_35)
    %mul3A_36 = arith.constant 10240 : i32
    %mul3A_37 = arith.muli %arg0, %mul3A_36 : i32
    %add3A_38 = arith.addi %mul3A_37, %mul3A_8 : i32
    "tpu.region"() ({
      %run_scoped3A = tpu.sem_alloc : memref<!tpu.dma_semaphore, #tpu.memory_space<semaphore_mem>>
      %dma_start3A = arith.constant 0 : i32
      %dma_start3A_39 = tpu.memref_slice %arg5[%add3A_38, %dma_start3A] : memref<20480x128xf32, #tpu.memory_space<hbm>> -> memref<640x128xf32, #tpu.memory_space<hbm>>
      %dma_start3A_40 = arith.constant 0 : i32
      %dma_start3A_41 = tpu.memref_slice %arg11[%mul3A_8, %dma_start3A_40] : memref<10240x128xf32, #tpu.memory_space<vmem_shared>> -> memref<640x128xf32, #tpu.memory_space<vmem_shared>>
      tpu.enqueue_dma source(%dma_start3A_41 : memref<640x128xf32, #tpu.memory_space<vmem_shared>>) target(%dma_start3A_39 : memref<640x128xf32, #tpu.memory_space<hbm>>) target_semaphore(%run_scoped3A : memref<!tpu.dma_semaphore, #tpu.memory_space<semaphore_mem>>)
      %dma_wait3A = arith.constant 0 : i32
      %dma_wait3A_42 = tpu.memref_slice %arg5[%add3A_38, %dma_wait3A] : memref<20480x128xf32, #tpu.memory_space<hbm>> -> memref<640x128xf32, #tpu.memory_space<hbm>>
      %dma_wait3A_43 = arith.constant 0 : i32
      %dma_wait3A_44 = tpu.memref_slice %arg11[%mul3A_8, %dma_wait3A_43] : memref<10240x128xf32, #tpu.memory_space<vmem_shared>> -> memref<640x128xf32, #tpu.memory_space<vmem_shared>>
      tpu.wait_dma2 semaphore(%run_scoped3A : memref<!tpu.dma_semaphore, #tpu.memory_space<semaphore_mem>>) src(%dma_wait3A_44 : memref<640x128xf32, #tpu.memory_space<vmem_shared>>) dst(%dma_wait3A_42 : memref<640x128xf32, #tpu.memory_space<hbm>>)
      tpu.yield
    }) : () -> ()
    return
  }
}

module attributes {stable_mosaic.version = 14 : i64} {
  func.func @body(%arg0: i32, %arg1: memref<1x1000x128xf32, #tpu.memory_space<vmem>>, %arg2: memref<1x1000x128xf32, #tpu.memory_space<vmem>>, %arg3: memref<1000x128xf32, #tpu.memory_space<vmem>>, %arg4: memref<128x128xf32, #tpu.memory_space<vmem>>, %arg5: memref<1000x128xf32, #tpu.memory_space<vmem>>, %arg6: memref<1000x8xf32, #tpu.memory_space<vmem>>) attributes {dimension_semantics = [#tpu.dimension_semantics<arbitrary>], iteration_bounds = array<i64: 10>, scalar_prefetch = 0 : i64, scratch_operands = 0 : i64, tpu.core_type = #tpu.core_type<tc>, window_params = [{transform_indices = @transform_0, window_bounds = array<i64: 1, 1000, 128>}, {transform_indices = @transform_1, window_bounds = array<i64: 1, 1000, 128>}, {transform_indices = @transform_2, window_bounds = array<i64: 1000, 128>}, {pipeline_mode = #tpu.pipeline_mode<synchronous>, transform_indices = @transform_3, window_bounds = array<i64: 128, 128>}, {transform_indices = @transform_4, window_bounds = array<i64: 1000, 128>}, {transform_indices = @transform_5, window_bounds = array<i64: 1000, 8>}]} {
    %get3A = arith.constant 0 : index
    %get3A_0 = arith.constant 0 : index
    %get3A_1 = arith.constant 0 : index
    %get3A_2 = vector.load %arg1[%get3A, %get3A_0, %get3A_1] : memref<1x1000x128xf32, #tpu.memory_space<vmem>>, vector<1x1000x1xf32>
    %get3A_3 = vector.shape_cast %get3A_2 : vector<1x1000x1xf32> to vector<1000x1xf32>
    %get3A_4 = arith.constant 0 : index
    %get3A_5 = arith.constant 0 : index
    %get3A_6 = arith.constant 0 : index
    %get3A_7 = vector.load %arg2[%get3A_4, %get3A_5, %get3A_6] : memref<1x1000x128xf32, #tpu.memory_space<vmem>>, vector<1x1000x1xf32>
    %get3A_8 = vector.shape_cast %get3A_7 : vector<1x1000x1xf32> to vector<1000x1xf32>
    %add3A = arith.addf %get3A_3, %get3A_8 : vector<1000x1xf32>
    %add3A_9 = arith.constant 1.000000e+00 : f32
    %add3A_10 = vector.broadcast %add3A_9 : f32 to vector<1000x1xf32>
    %add3A_11 = arith.addf %add3A, %add3A_10 : vector<1000x1xf32>
    %rsqrt3A = math.rsqrt %add3A_11 : vector<1000x1xf32>
    %get3A_12 = arith.constant 0 : index
    %get3A_13 = arith.constant 0 : index
    %get3A_14 = vector.load %arg3[%get3A_12, %get3A_13] : memref<1000x128xf32, #tpu.memory_space<vmem>>, vector<1000x128xf32>
    %get3A_15 = arith.constant 0 : index
    %get3A_16 = arith.constant 0 : index
    %get3A_17 = vector.load %arg4[%get3A_15, %get3A_16] : memref<128x128xf32, #tpu.memory_space<vmem>>, vector<128x128xf32>
    %dot_general3A = arith.constant dense<0.000000e+00> : vector<1000x128xf32>
    %dot_general3A_18 = tpu.matmul %get3A_14, %get3A_17, %dot_general3A {dimension_numbers = #tpu.dot_dimension_numbers<[1], [0], [0], [1], [0, 0, 1, 1], [], []>, transpose_lhs_hint = false} : vector<1000x128xf32>, vector<128x128xf32>, vector<1000x128xf32> -> vector<1000x128xf32>
    %mul3A = vector.broadcast %rsqrt3A : vector<1000x1xf32> to vector<1000x128xf32>
    %mul3A_19 = arith.mulf %dot_general3A_18, %mul3A : vector<1000x128xf32>
    %swap3A = arith.constant 0 : index
    %swap3A_20 = arith.constant 0 : index
    %swap3A_21 = vector.load %arg5[%swap3A, %swap3A_20] : memref<1000x128xf32, #tpu.memory_space<vmem>>, vector<1000x128xf32>
    tpu.vector_store %arg5[%swap3A, %swap3A_20], %mul3A_19 {strides = array<i32>} : memref<1000x128xf32, #tpu.memory_space<vmem>>, vector<1000x128xf32>,
    %broadcast_in_dim3A = vector.shape_cast %rsqrt3A : vector<1000x1xf32> to vector<1000x1xf32>
    %broadcast_in_dim3A_22 = vector.broadcast %broadcast_in_dim3A : vector<1000x1xf32> to vector<1000x8xf32>
    %swap3A_23 = arith.constant 0 : index
    %swap3A_24 = arith.constant 0 : index
    %swap3A_25 = vector.load %arg6[%swap3A_23, %swap3A_24] : memref<1000x8xf32, #tpu.memory_space<vmem>>, vector<1000x8xf32>
    tpu.vector_store %arg6[%swap3A_23, %swap3A_24], %broadcast_in_dim3A_22 {strides = array<i32>} : memref<1000x8xf32, #tpu.memory_space<vmem>>, vector<1000x8xf32>,
    return
  }
  func.func @transform_0(%arg0: i32) -> (i32, i32, i32) {
    %c0_i32 = arith.constant 0 : i32
    %c0_i32_0 = arith.constant 0 : i32
    %c0_i32_1 = arith.constant 0 : i32
    return %c0_i32, %arg0, %c0_i32_0 : i32, i32, i32
  }
  func.func @transform_1(%arg0: i32) -> (i32, i32, i32) {
    %c1_i32 = arith.constant 1 : i32
    %c0_i32 = arith.constant 0 : i32
    %c0_i32_0 = arith.constant 0 : i32
    return %c1_i32, %arg0, %c0_i32 : i32, i32, i32
  }
  func.func @transform_2(%arg0: i32) -> (i32, i32) {
    %c0_i32 = arith.constant 0 : i32
    %c0_i32_0 = arith.constant 0 : i32
    return %arg0, %c0_i32 : i32, i32
  }
  func.func @transform_3(%arg0: i32) -> (i32, i32) {
    %c0_i32 = arith.constant 0 : i32
    %c0_i32_0 = arith.constant 0 : i32
    %c0_i32_1 = arith.constant 0 : i32
    return %c0_i32, %c0_i32_0 : i32, i32
  }
  func.func @transform_4(%arg0: i32) -> (i32, i32) {
    %c0_i32 = arith.constant 0 : i32
    %c0_i32_0 = arith.constant 0 : i32
    return %arg0, %c0_i32 : i32, i32
  }
  func.func @transform_5(%arg0: i32) -> (i32, i32) {
    %c0_i32 = arith.constant 0 : i32
    %c0_i32_0 = arith.constant 0 : i32
    return %arg0, %c0_i32 : i32, i32
  }
}

module attributes {stable_mosaic.version = 14 : i64} {
  func.func @body(%arg0: i32, %arg1: memref<1x1000x128xf32, #tpu.memory_space<vmem>>, %arg2: memref<1x1000x128xf32, #tpu.memory_space<vmem>>, %arg3: memref<1000x128xf32, #tpu.memory_space<vmem>>, %arg4: memref<1000x8xf32, #tpu.memory_space<vmem>>, %arg5: memref<1x128xf32, #tpu.memory_space<vmem>>, %arg6: memref<128x128xf32, #tpu.memory_space<vmem>>, %arg7: memref<1000x128xf32, #tpu.memory_space<vmem>>) attributes {dimension_semantics = [#tpu.dimension_semantics<arbitrary>], iteration_bounds = array<i64: 10>, scalar_prefetch = 0 : i64, scratch_operands = 0 : i64, tpu.core_type = #tpu.core_type<tc>, window_params = [{transform_indices = @transform_0, window_bounds = array<i64: 1, 1000, 128>}, {transform_indices = @transform_1, window_bounds = array<i64: 1, 1000, 128>}, {transform_indices = @transform_2, window_bounds = array<i64: 1000, 128>}, {transform_indices = @transform_3, window_bounds = array<i64: 1000, 8>}, {pipeline_mode = #tpu.pipeline_mode<synchronous>, transform_indices = @transform_4, window_bounds = array<i64: 1, 128>}, {pipeline_mode = #tpu.pipeline_mode<synchronous>, transform_indices = @transform_5, window_bounds = array<i64: 128, 128>}, {transform_indices = @transform_6, window_bounds = array<i64: 1000, 128>}]} {
    %get3A = arith.constant 0 : index
    %get3A_0 = arith.constant 0 : index
    %get3A_1 = vector.load %arg4[%get3A, %get3A_0] : memref<1000x8xf32, #tpu.memory_space<vmem>>, vector<1000x1xf32>
    %get3A_2 = arith.constant 0 : index
    %get3A_3 = arith.constant 0 : index
    %get3A_4 = arith.constant 0 : index
    %get3A_5 = vector.load %arg1[%get3A_2, %get3A_3, %get3A_4] : memref<1x1000x128xf32, #tpu.memory_space<vmem>>, vector<1x1000x128xf32>
    %get3A_6 = vector.shape_cast %get3A_5 : vector<1x1000x128xf32> to vector<1000x128xf32>
    %get3A_7 = arith.constant 0 : index
    %get3A_8 = arith.constant 0 : index
    %get3A_9 = arith.constant 0 : index
    %get3A_10 = vector.load %arg2[%get3A_7, %get3A_8, %get3A_9] : memref<1x1000x128xf32, #tpu.memory_space<vmem>>, vector<1x1000x128xf32>
    %get3A_11 = vector.shape_cast %get3A_10 : vector<1x1000x128xf32> to vector<1000x128xf32>
    %add3A = arith.addf %get3A_6, %get3A_11 : vector<1000x128xf32>
    %get3A_12 = arith.constant 0 : index
    %get3A_13 = arith.constant 0 : index
    %get3A_14 = vector.load %arg3[%get3A_12, %get3A_13] : memref<1000x128xf32, #tpu.memory_space<vmem>>, vector<1000x128xf32>
    %add3A_15 = arith.addf %add3A, %get3A_14 : vector<1000x128xf32>
    %mul3A = vector.broadcast %get3A_1 : vector<1000x1xf32> to vector<1000x128xf32>
    %mul3A_16 = arith.mulf %add3A_15, %mul3A : vector<1000x128xf32>
    %get3A_17 = arith.constant 0 : index
    %get3A_18 = arith.constant 0 : index
    %get3A_19 = vector.load %arg5[%get3A_17, %get3A_18] : memref<1x128xf32, #tpu.memory_space<vmem>>, vector<1x128xf32>
    %add3A_20 = vector.broadcast %get3A_19 : vector<1x128xf32> to vector<1000x128xf32>
    %add3A_21 = arith.addf %mul3A_16, %add3A_20 : vector<1000x128xf32>
    %max3A = arith.constant 0.000000e+00 : f32
    %max3A_22 = vector.broadcast %max3A : f32 to vector<1000x128xf32>
    %max3A_23 = arith.maximumf %add3A_21, %max3A_22 : vector<1000x128xf32>
    %get3A_24 = arith.constant 0 : index
    %get3A_25 = arith.constant 0 : index
    %get3A_26 = vector.load %arg6[%get3A_24, %get3A_25] : memref<128x128xf32, #tpu.memory_space<vmem>>, vector<128x128xf32>
    %dot_general3A = arith.constant dense<0.000000e+00> : vector<1000x128xf32>
    %dot_general3A_27 = tpu.matmul %max3A_23, %get3A_26, %dot_general3A {dimension_numbers = #tpu.dot_dimension_numbers<[1], [0], [0], [1], [0, 0, 1, 1], [], []>, transpose_lhs_hint = false} : vector<1000x128xf32>, vector<128x128xf32>, vector<1000x128xf32> -> vector<1000x128xf32>
    %mul3A_28 = vector.broadcast %get3A_1 : vector<1000x1xf32> to vector<1000x128xf32>
    %mul3A_29 = arith.mulf %dot_general3A_27, %mul3A_28 : vector<1000x128xf32>
    %swap3A = arith.constant 0 : index
    %swap3A_30 = arith.constant 0 : index
    %swap3A_31 = vector.load %arg7[%swap3A, %swap3A_30] : memref<1000x128xf32, #tpu.memory_space<vmem>>, vector<1000x128xf32>
    tpu.vector_store %arg7[%swap3A, %swap3A_30], %mul3A_29 {strides = array<i32>} : memref<1000x128xf32, #tpu.memory_space<vmem>>, vector<1000x128xf32>,
    return
  }
  func.func @transform_0(%arg0: i32) -> (i32, i32, i32) {
    %c0_i32 = arith.constant 0 : i32
    %c0_i32_0 = arith.constant 0 : i32
    %c0_i32_1 = arith.constant 0 : i32
    return %c0_i32, %arg0, %c0_i32_0 : i32, i32, i32
  }
  func.func @transform_1(%arg0: i32) -> (i32, i32, i32) {
    %c1_i32 = arith.constant 1 : i32
    %c0_i32 = arith.constant 0 : i32
    %c0_i32_0 = arith.constant 0 : i32
    return %c1_i32, %arg0, %c0_i32 : i32, i32, i32
  }
  func.func @transform_2(%arg0: i32) -> (i32, i32) {
    %c0_i32 = arith.constant 0 : i32
    %c0_i32_0 = arith.constant 0 : i32
    return %arg0, %c0_i32 : i32, i32
  }
  func.func @transform_3(%arg0: i32) -> (i32, i32) {
    %c0_i32 = arith.constant 0 : i32
    %c0_i32_0 = arith.constant 0 : i32
    return %arg0, %c0_i32 : i32, i32
  }
  func.func @transform_4(%arg0: i32) -> (i32, i32) {
    %c0_i32 = arith.constant 0 : i32
    %c0_i32_0 = arith.constant 0 : i32
    %c0_i32_1 = arith.constant 0 : i32
    return %c0_i32, %c0_i32_0 : i32, i32
  }
  func.func @transform_5(%arg0: i32) -> (i32, i32) {
    %c0_i32 = arith.constant 0 : i32
    %c0_i32_0 = arith.constant 0 : i32
    %c0_i32_1 = arith.constant 0 : i32
    return %c0_i32, %c0_i32_0 : i32, i32
  }
  func.func @transform_6(%arg0: i32) -> (i32, i32) {
    %c0_i32 = arith.constant 0 : i32
    %c0_i32_0 = arith.constant 0 : i32
    return %arg0, %c0_i32 : i32, i32
  }
}

module attributes {stable_mosaic.version = 14 : i64} {
  func.func @body(%arg0: i32, %arg1: memref<1x1000x128xf32, #tpu.memory_space<vmem>>, %arg2: memref<1x1000x128xf32, #tpu.memory_space<vmem>>, %arg3: memref<1000x128xf32, #tpu.memory_space<vmem>>, %arg4: memref<1000x8xf32, #tpu.memory_space<vmem>>, %arg5: memref<1x128xf32, #tpu.memory_space<vmem>>, %arg6: memref<1x1x1000xi32, #tpu.memory_space<vmem>>, %arg7: memref<16x1xf32, #tpu.memory_space<vmem>>, %arg8: memref<16x1xf32, #tpu.memory_space<vmem>>, %arg9: memref<128x128xf32, #tpu.memory_space<vmem>>, %arg10: memref<1x128xf32, #tpu.memory_space<vmem>>, %arg11: memref<1x128xf32, #tpu.memory_space<vmem>>, %arg12: memref<1x128xf32, #tpu.memory_space<vmem>>, %arg13: memref<128x64xf32, #tpu.memory_space<vmem>>, %arg14: memref<1x64xf32, #tpu.memory_space<vmem>>, %arg15: memref<16x64xf32, #tpu.memory_space<vmem>>, %arg16: memref<16x128xf32, #tpu.memory_space<vmem>>, %arg17: memref<16x128xf32, #tpu.memory_space<vmem>>) attributes {dimension_semantics = [#tpu.dimension_semantics<arbitrary>], iteration_bounds = array<i64: 10>, scalar_prefetch = 0 : i64, scratch_operands = 2 : i64, tpu.core_type = #tpu.core_type<tc>, window_params = [{transform_indices = @transform_0, window_bounds = array<i64: 1, 1000, 128>}, {transform_indices = @transform_1, window_bounds = array<i64: 1, 1000, 128>}, {transform_indices = @transform_2, window_bounds = array<i64: 1000, 128>}, {transform_indices = @transform_3, window_bounds = array<i64: 1000, 8>}, {pipeline_mode = #tpu.pipeline_mode<synchronous>, transform_indices = @transform_4, window_bounds = array<i64: 1, 128>}, {transform_indices = @transform_5, window_bounds = array<i64: 1, 1, 1000>}, {pipeline_mode = #tpu.pipeline_mode<synchronous>, transform_indices = @transform_6, window_bounds = array<i64: 16, 1>}, {pipeline_mode = #tpu.pipeline_mode<synchronous>, transform_indices = @transform_7, window_bounds = array<i64: 16, 1>}, {pipeline_mode = #tpu.pipeline_mode<synchronous>, transform_indices = @transform_8, window_bounds = array<i64: 128, 128>}, {pipeline_mode = #tpu.pipeline_mode<synchronous>, transform_indices = @transform_9, window_bounds = array<i64: 1, 128>}, {pipeline_mode = #tpu.pipeline_mode<synchronous>, transform_indices = @transform_10, window_bounds = array<i64: 1, 128>}, {pipeline_mode = #tpu.pipeline_mode<synchronous>, transform_indices = @transform_11, window_bounds = array<i64: 1, 128>}, {pipeline_mode = #tpu.pipeline_mode<synchronous>, transform_indices = @transform_12, window_bounds = array<i64: 128, 64>}, {pipeline_mode = #tpu.pipeline_mode<synchronous>, transform_indices = @transform_13, window_bounds = array<i64: 1, 64>}, {pipeline_mode = #tpu.pipeline_mode<synchronous>, transform_indices = @transform_14, window_bounds = array<i64: 16, 64>}]} {
    %eq3A = arith.constant 0 : i32
    %eq3A_0 = arith.cmpi eq, %arg0, %eq3A : i32
    %convert_element_type3A = arith.extui %eq3A_0 : i1 to i32
    %cond3A = arith.constant 0 : i32
    %cond3A_1 = arith.cmpi ne, %convert_element_type3A, %cond3A : i32
    scf.if %cond3A_1 {
      %broadcast_in_dim3A_58 = arith.constant 0.000000e+00 : f32
      %broadcast_in_dim3A_59 = vector.broadcast %broadcast_in_dim3A_58 : f32 to vector<16x128xf32>
      %swap3A_60 = arith.constant 0 : index
      %swap3A_61 = arith.constant 0 : index
      %swap3A_62 = vector.load %arg16[%swap3A_60, %swap3A_61] : memref<16x128xf32, #tpu.memory_space<vmem>>, vector<16x128xf32>
      tpu.vector_store %arg16[%swap3A_60, %swap3A_61], %broadcast_in_dim3A_59 {strides = array<i32>} : memref<16x128xf32, #tpu.memory_space<vmem>>, vector<16x128xf32>,
      %broadcast_in_dim3A_63 = arith.constant 0.000000e+00 : f32
      %broadcast_in_dim3A_64 = vector.broadcast %broadcast_in_dim3A_63 : f32 to vector<16x128xf32>
      %swap3A_65 = arith.constant 0 : index
      %swap3A_66 = arith.constant 0 : index
      %swap3A_67 = vector.load %arg17[%swap3A_65, %swap3A_66] : memref<16x128xf32, #tpu.memory_space<vmem>>, vector<16x128xf32>
      tpu.vector_store %arg17[%swap3A_65, %swap3A_66], %broadcast_in_dim3A_64 {strides = array<i32>} : memref<16x128xf32, #tpu.memory_space<vmem>>, vector<16x128xf32>,
    } else {
    }
    %get3A = arith.constant 0 : index
    %get3A_2 = arith.constant 0 : index
    %get3A_3 = arith.constant 0 : index
    %get3A_4 = vector.load %arg1[%get3A, %get3A_2, %get3A_3] : memref<1x1000x128xf32, #tpu.memory_space<vmem>>, vector<1x1000x128xf32>
    %get3A_5 = vector.shape_cast %get3A_4 : vector<1x1000x128xf32> to vector<1000x128xf32>
    %get3A_6 = arith.constant 0 : index
    %get3A_7 = arith.constant 0 : index
    %get3A_8 = arith.constant 0 : index
    %get3A_9 = vector.load %arg2[%get3A_6, %get3A_7, %get3A_8] : memref<1x1000x128xf32, #tpu.memory_space<vmem>>, vector<1x1000x128xf32>
    %get3A_10 = vector.shape_cast %get3A_9 : vector<1x1000x128xf32> to vector<1000x128xf32>
    %add3A = arith.addf %get3A_5, %get3A_10 : vector<1000x128xf32>
    %get3A_11 = arith.constant 0 : index
    %get3A_12 = arith.constant 0 : index
    %get3A_13 = vector.load %arg3[%get3A_11, %get3A_12] : memref<1000x128xf32, #tpu.memory_space<vmem>>, vector<1000x128xf32>
    %add3A_14 = arith.addf %add3A, %get3A_13 : vector<1000x128xf32>
    %get3A_15 = arith.constant 0 : index
    %get3A_16 = arith.constant 0 : index
    %get3A_17 = vector.load %arg4[%get3A_15, %get3A_16] : memref<1000x8xf32, #tpu.memory_space<vmem>>, vector<1000x1xf32>
    %mul3A = vector.broadcast %get3A_17 : vector<1000x1xf32> to vector<1000x128xf32>
    %mul3A_18 = arith.mulf %add3A_14, %mul3A : vector<1000x128xf32>
    %get3A_19 = arith.constant 0 : index
    %get3A_20 = arith.constant 0 : index
    %get3A_21 = vector.load %arg5[%get3A_19, %get3A_20] : memref<1x128xf32, #tpu.memory_space<vmem>>, vector<1x128xf32>
    %add3A_22 = vector.broadcast %get3A_21 : vector<1x128xf32> to vector<1000x128xf32>
    %add3A_23 = arith.addf %mul3A_18, %add3A_22 : vector<1000x128xf32>
    %max3A = arith.constant 0.000000e+00 : f32
    %max3A_24 = vector.broadcast %max3A : f32 to vector<1000x128xf32>
    %max3A_25 = arith.maximumf %add3A_23, %max3A_24 : vector<1000x128xf32>
    %get3A_26 = arith.constant 0 : index
    %get3A_27 = arith.constant 0 : index
    %get3A_28 = arith.constant 0 : index
    %get3A_29 = vector.load %arg6[%get3A_26, %get3A_27, %get3A_28] : memref<1x1x1000xi32, #tpu.memory_space<vmem>>, vector<1x1x1000xi32>
    %get3A_30 = vector.shape_cast %get3A_29 : vector<1x1x1000xi32> to vector<1000xi32>
    %iota3A = tpu.iota {dimensions = array<i32: 1>} : vector<1000x16xi32>
    %broadcast_in_dim3A = vector.shape_cast %get3A_30 : vector<1000xi32> to vector<1000x1xi32>
    %eq3A_31 = vector.broadcast %broadcast_in_dim3A : vector<1000x1xi32> to vector<1000x16xi32>
    %eq3A_32 = arith.cmpi eq, %eq3A_31, %iota3A : vector<1000x16xi32>
    %convert_element_type3A_33 = arith.extui %eq3A_32 : vector<1000x16xi1> to vector<1000x16xi32>
    %convert_element_type3A_34 = arith.sitofp %convert_element_type3A_33 : vector<1000x16xi32> to vector<1000x16xf32>
    %get3A_35 = arith.constant 0 : index
    %get3A_36 = arith.constant 0 : index
    %get3A_37 = vector.load %arg16[%get3A_35, %get3A_36] : memref<16x128xf32, #tpu.memory_space<vmem>>, vector<16x128xf32>
    %dot_general3A = arith.constant dense<0.000000e+00> : vector<16x128xf32>
    %dot_general3A_38 = tpu.matmul %convert_element_type3A_34, %max3A_25, %dot_general3A {dimension_numbers = #tpu.dot_dimension_numbers<[0], [0], [1], [1], [0, 1, 1, 1], [], []>, transpose_lhs_hint = false} : vector<1000x16xf32>, vector<1000x128xf32>, vector<16x128xf32> -> vector<16x128xf32>
    %add3A_39 = arith.addf %get3A_37, %dot_general3A_38 : vector<16x128xf32>
    %swap3A = arith.constant 0 : index
    %swap3A_40 = arith.constant 0 : index
    %swap3A_41 = vector.load %arg16[%swap3A, %swap3A_40] : memref<16x128xf32, #tpu.memory_space<vmem>>, vector<16x128xf32>
    tpu.vector_store %arg16[%swap3A, %swap3A_40], %add3A_39 {strides = array<i32>} : memref<16x128xf32, #tpu.memory_space<vmem>>, vector<16x128xf32>,
    %get3A_42 = arith.constant 0 : index
    %get3A_43 = arith.constant 0 : index
    %get3A_44 = vector.load %arg17[%get3A_42, %get3A_43] : memref<16x128xf32, #tpu.memory_space<vmem>>, vector<16x128xf32>
    %reduce_sum3A = arith.constant dense<0.000000e+00> : vector<16xf32>
    %reduce_sum3A_45 = vector.multi_reduction <add>, %convert_element_type3A_34, %reduce_sum3A [0] : vector<1000x16xf32> to vector<16xf32>
    %broadcast_in_dim3A_46 = vector.shape_cast %reduce_sum3A_45 : vector<16xf32> to vector<16x1xf32>
    %broadcast_in_dim3A_47 = vector.shape_cast %broadcast_in_dim3A_46 : vector<16x1xf32> to vector<16x1xf32>
    %broadcast_in_dim3A_48 = vector.broadcast %broadcast_in_dim3A_47 : vector<16x1xf32> to vector<16x128xf32>
    %add3A_49 = arith.addf %get3A_44, %broadcast_in_dim3A_48 : vector<16x128xf32>
    %swap3A_50 = arith.constant 0 : index
    %swap3A_51 = arith.constant 0 : index
    %swap3A_52 = vector.load %arg17[%swap3A_50, %swap3A_51] : memref<16x128xf32, #tpu.memory_space<vmem>>, vector<16x128xf32>
    tpu.vector_store %arg17[%swap3A_50, %swap3A_51], %add3A_49 {strides = array<i32>} : memref<16x128xf32, #tpu.memory_space<vmem>>, vector<16x128xf32>,
    %eq3A_53 = arith.constant 9 : i32
    %eq3A_54 = arith.cmpi eq, %arg0, %eq3A_53 : i32
    %convert_element_type3A_55 = arith.extui %eq3A_54 : i1 to i32
    %cond3A_56 = arith.constant 0 : i32
    %cond3A_57 = arith.cmpi ne, %convert_element_type3A_55, %cond3A_56 : i32
    scf.if %cond3A_57 {
      %get3A_58 = arith.constant 0 : index
      %get3A_59 = arith.constant 0 : index
      %get3A_60 = vector.load %arg16[%get3A_58, %get3A_59] : memref<16x128xf32, #tpu.memory_space<vmem>>, vector<16x128xf32>
      %get3A_61 = arith.constant 0 : index
      %get3A_62 = arith.constant 0 : index
      %get3A_63 = vector.load %arg17[%get3A_61, %get3A_62] : memref<16x128xf32, #tpu.memory_space<vmem>>, vector<16x128xf32>
      %max3A_64 = arith.constant 1.000000e+00 : f32
      %max3A_65 = vector.broadcast %max3A_64 : f32 to vector<16x128xf32>
      %max3A_66 = arith.maximumf %get3A_63, %max3A_65 : vector<16x128xf32>
      %div3A = arith.divf %get3A_60, %max3A_66 : vector<16x128xf32>
      %get3A_67 = arith.constant 0 : index
      %get3A_68 = arith.constant 0 : index
      %get3A_69 = vector.load %arg9[%get3A_67, %get3A_68] : memref<128x128xf32, #tpu.memory_space<vmem>>, vector<128x128xf32>
      %dot_general3A_70 = arith.constant dense<0.000000e+00> : vector<16x128xf32>
      %dot_general3A_71 = tpu.matmul %div3A, %get3A_69, %dot_general3A_70 {dimension_numbers = #tpu.dot_dimension_numbers<[1], [0], [0], [1], [0, 0, 1, 1], [], []>, transpose_lhs_hint = false} : vector<16x128xf32>, vector<128x128xf32>, vector<16x128xf32> -> vector<16x128xf32>
      %get3A_72 = arith.constant 0 : index
      %get3A_73 = arith.constant 0 : index
      %get3A_74 = vector.load %arg7[%get3A_72, %get3A_73] : memref<16x1xf32, #tpu.memory_space<vmem>>, vector<16x1xf32>
      %get3A_75 = arith.constant 0 : index
      %get3A_76 = arith.constant 0 : index
      %get3A_77 = vector.load %arg10[%get3A_75, %get3A_76] : memref<1x128xf32, #tpu.memory_space<vmem>>, vector<1x128xf32>
      %mul3A_78 = vector.broadcast %get3A_74 : vector<16x1xf32> to vector<16x128xf32>
      %mul3A_79 = vector.broadcast %get3A_77 : vector<1x128xf32> to vector<16x128xf32>
      %mul3A_80 = arith.mulf %mul3A_78, %mul3A_79 : vector<16x128xf32>
      %add3A_81 = arith.addf %dot_general3A_71, %mul3A_80 : vector<16x128xf32>
      %get3A_82 = arith.constant 0 : index
      %get3A_83 = arith.constant 0 : index
      %get3A_84 = vector.load %arg8[%get3A_82, %get3A_83] : memref<16x1xf32, #tpu.memory_space<vmem>>, vector<16x1xf32>
      %get3A_85 = arith.constant 0 : index
      %get3A_86 = arith.constant 0 : index
      %get3A_87 = vector.load %arg11[%get3A_85, %get3A_86] : memref<1x128xf32, #tpu.memory_space<vmem>>, vector<1x128xf32>
      %mul3A_88 = vector.broadcast %get3A_84 : vector<16x1xf32> to vector<16x128xf32>
      %mul3A_89 = vector.broadcast %get3A_87 : vector<1x128xf32> to vector<16x128xf32>
      %mul3A_90 = arith.mulf %mul3A_88, %mul3A_89 : vector<16x128xf32>
      %add3A_91 = arith.addf %add3A_81, %mul3A_90 : vector<16x128xf32>
      %get3A_92 = arith.constant 0 : index
      %get3A_93 = arith.constant 0 : index
      %get3A_94 = vector.load %arg12[%get3A_92, %get3A_93] : memref<1x128xf32, #tpu.memory_space<vmem>>, vector<1x128xf32>
      %add3A_95 = vector.broadcast %get3A_94 : vector<1x128xf32> to vector<16x128xf32>
      %add3A_96 = arith.addf %add3A_91, %add3A_95 : vector<16x128xf32>
      %max3A_97 = arith.constant 0.000000e+00 : f32
      %max3A_98 = vector.broadcast %max3A_97 : f32 to vector<16x128xf32>
      %max3A_99 = arith.maximumf %add3A_96, %max3A_98 : vector<16x128xf32>
      %get3A_100 = arith.constant 0 : index
      %get3A_101 = arith.constant 0 : index
      %get3A_102 = vector.load %arg13[%get3A_100, %get3A_101] : memref<128x64xf32, #tpu.memory_space<vmem>>, vector<128x64xf32>
      %dot_general3A_103 = arith.constant dense<0.000000e+00> : vector<16x64xf32>
      %dot_general3A_104 = tpu.matmul %max3A_99, %get3A_102, %dot_general3A_103 {dimension_numbers = #tpu.dot_dimension_numbers<[1], [0], [0], [1], [0, 0, 1, 1], [], []>, transpose_lhs_hint = false} : vector<16x128xf32>, vector<128x64xf32>, vector<16x64xf32> -> vector<16x64xf32>
      %get3A_105 = arith.constant 0 : index
      %get3A_106 = arith.constant 0 : index
      %get3A_107 = vector.load %arg14[%get3A_105, %get3A_106] : memref<1x64xf32, #tpu.memory_space<vmem>>, vector<1x64xf32>
      %add3A_108 = vector.broadcast %get3A_107 : vector<1x64xf32> to vector<16x64xf32>
      %add3A_109 = arith.addf %dot_general3A_104, %add3A_108 : vector<16x64xf32>
      %swap3A_110 = arith.constant 0 : index
      %swap3A_111 = arith.constant 0 : index
      %swap3A_112 = vector.load %arg15[%swap3A_110, %swap3A_111] : memref<16x64xf32, #tpu.memory_space<vmem>>, vector<16x64xf32>
      tpu.vector_store %arg15[%swap3A_110, %swap3A_111], %add3A_109 {strides = array<i32>} : memref<16x64xf32, #tpu.memory_space<vmem>>, vector<16x64xf32>,
    } else {
    }
    return
  }
  func.func @transform_0(%arg0: i32) -> (i32, i32, i32) {
    %c0_i32 = arith.constant 0 : i32
    %c0_i32_0 = arith.constant 0 : i32
    %c0_i32_1 = arith.constant 0 : i32
    return %c0_i32, %arg0, %c0_i32_0 : i32, i32, i32
  }
  func.func @transform_1(%arg0: i32) -> (i32, i32, i32) {
    %c1_i32 = arith.constant 1 : i32
    %c0_i32 = arith.constant 0 : i32
    %c0_i32_0 = arith.constant 0 : i32
    return %c1_i32, %arg0, %c0_i32 : i32, i32, i32
  }
  func.func @transform_2(%arg0: i32) -> (i32, i32) {
    %c0_i32 = arith.constant 0 : i32
    %c0_i32_0 = arith.constant 0 : i32
    return %arg0, %c0_i32 : i32, i32
  }
  func.func @transform_3(%arg0: i32) -> (i32, i32) {
    %c0_i32 = arith.constant 0 : i32
    %c0_i32_0 = arith.constant 0 : i32
    return %arg0, %c0_i32 : i32, i32
  }
  func.func @transform_4(%arg0: i32) -> (i32, i32) {
    %c0_i32 = arith.constant 0 : i32
    %c0_i32_0 = arith.constant 0 : i32
    %c0_i32_1 = arith.constant 0 : i32
    return %c0_i32, %c0_i32_0 : i32, i32
  }
  func.func @transform_5(%arg0: i32) -> (i32, i32, i32) {
    %c0_i32 = arith.constant 0 : i32
    %c0_i32_0 = arith.constant 0 : i32
    %c0_i32_1 = arith.constant 0 : i32
    return %arg0, %c0_i32, %c0_i32_0 : i32, i32, i32
  }
  func.func @transform_6(%arg0: i32) -> (i32, i32) {
    %c0_i32 = arith.constant 0 : i32
    %c0_i32_0 = arith.constant 0 : i32
    %c0_i32_1 = arith.constant 0 : i32
    return %c0_i32, %c0_i32_0 : i32, i32
  }
  func.func @transform_7(%arg0: i32) -> (i32, i32) {
    %c0_i32 = arith.constant 0 : i32
    %c0_i32_0 = arith.constant 0 : i32
    %c0_i32_1 = arith.constant 0 : i32
    return %c0_i32, %c0_i32_0 : i32, i32
  }
  func.func @transform_8(%arg0: i32) -> (i32, i32) {
    %c0_i32 = arith.constant 0 : i32
    %c0_i32_0 = arith.constant 0 : i32
    %c0_i32_1 = arith.constant 0 : i32
    return %c0_i32, %c0_i32_0 : i32, i32
  }
  func.func @transform_9(%arg0: i32) -> (i32, i32) {
    %c0_i32 = arith.constant 0 : i32
    %c0_i32_0 = arith.constant 0 : i32
    %c0_i32_1 = arith.constant 0 : i32
    return %c0_i32, %c0_i32_0 : i32, i32
  }
  func.func @transform_10(%arg0: i32) -> (i32, i32) {
    %c0_i32 = arith.constant 0 : i32
    %c0_i32_0 = arith.constant 0 : i32
    %c0_i32_1 = arith.constant 0 : i32
    return %c0_i32, %c0_i32_0 : i32, i32
  }
  func.func @transform_11(%arg0: i32) -> (i32, i32) {
    %c0_i32 = arith.constant 0 : i32
    %c0_i32_0 = arith.constant 0 : i32
    %c0_i32_1 = arith.constant 0 : i32
    return %c0_i32, %c0_i32_0 : i32, i32
  }
  func.func @transform_12(%arg0: i32) -> (i32, i32) {
    %c0_i32 = arith.constant 0 : i32
    %c0_i32_0 = arith.constant 0 : i32
    %c0_i32_1 = arith.constant 0 : i32
    return %c0_i32, %c0_i32_0 : i32, i32
  }
  func.func @transform_13(%arg0: i32) -> (i32, i32) {
    %c0_i32 = arith.constant 0 : i32
    %c0_i32_0 = arith.constant 0 : i32
    %c0_i32_1 = arith.constant 0 : i32
    return %c0_i32, %c0_i32_0 : i32, i32
  }
  func.func @transform_14(%arg0: i32) -> (i32, i32) {
    %c0_i32 = arith.constant 0 : i32
    %c0_i32_0 = arith.constant 0 : i32
    %c0_i32_1 = arith.constant 0 : i32
    return %c0_i32, %c0_i32_0 : i32, i32
  }
}

</mosaic_0001>

<sc_bundles>
// kernel: kernel.10.cloned.1.call-start
scs
__scs_entry_jumppad:
0x0: {  	(pc) =	sbr.rel $0x88, $3  }
0x1: {  	(tag) =	ssettag $0x0;
	lr =	simm.s32 $0x1  }
0x2: {  	[smem:$0x3F92] =	sst lr;
	_ =	strace $0xD0000000  }
0x3: {  	_ = 	snop  }
0x4: {  	_ = 	snop  }
0x5: {  	_ = 	snop  }
0x6: {  	_ = 	snop  }
0x7: {  	_ = 	snop  }
__scs_overlays_trampoline_lowered:
0x8: {  	[smem:$0x3FA1] =	sst s0  }
0x9: {  	[smem:$0x3FA2] =	sst s1  }
0xa: {  	[smem:$0x3FA3] =	sst s2  }
0xb: {  	[smem:$0x3FA4] =	sst s3  }
0xc: {  	[smem:$0x3FA5] =	sst s4  }
0xd: {  	[smem:$0x3FA6] =	sst s5  }
0xe: {  	[smem:$0x3FA7] =	sst s6  }
0xf: {  	[smem:$0x3FA8] =	sst s7  }
0x10: {  	[smem:$0x3FA9] =	sst s8  }
0x11: {  	[smem:$0x3FAA] =	sst s9;
	s0 =	simm.s32 @!p0 $0x0  }
0x12: {  	s1 =	sld [smem:$0x3F90];
	s0 =	simm.s32 @p0 $0x1  }
0x13: {  	[smem:$0x3FAB] =	sst s0;
	s0 =	simm.s32 @!p1 $0x0  }
0x14: {  	s2 =	sld [smem:$0x3F8F];
	s0 =	simm.s32 @p1 $0x1  }
0x15: {  	[smem:$0x3FAC] =	sst s0;
	s0 =	simm.s32 @!p2 $0x0  }
0x16: {  	s3 =	sld [smem:$0x3FDB];
	s0 =	simm.s32 @p2 $0x1  }
0x17: {  	s4 =	simm.s32 $0x1BF5;
	[smem:$0x3FAE] =	sst s0  }
0x18: {  	s0 =	sld [smem:$0x3F91];
	_ =	swait.ge [sflag:s4], $0x0  }
0x19: {  	s7 =	sld [smem:$0x3F92]  }
0x1a: {  	s8 =	sadd.s32 $0xFFFFE003, lr  }
0x1b: {  	s9 =	sadd.s32 $0xFFFFFEF7, lr;
	s5 =	simm.s32 $0xFFFFFFFF;
	p2 =	slt.u32 s8, $0xFFFFF086  }
0x1c: {  	p1 =	slt.u32 s9, $0xF7A;
	s5 =	simm.s32 @!p2 $0x0  }
0x1d: {  	s5 =	simm.s32 @p1 $0x1;
	p0 =	seq.s32 s7, s2  }
0x1e: {  	s7 =	smul.u32 @!p0 $0xF7A, s2;
	p2 =	seq.s32 @!p0 s5, $0x0  }
0x1f: {  	s9 =	smul.u32 $0xF7A, s1;
	s8 =	simm.s32 @!p0 $0x1BF5;
	p2 =	por !p2, p0  }
0x20: {  	[sflag:s8] =	ssyncset.s32 @!p0 $0xFFFFF086;
	s6 =	sadd.s32 @!p0 s3, s7;
	s7 =	simm.s32 @!p0 $0x108  }
0x21: {  	s3 =	sadd.s32 s3, s9;
	s6 =	sadd.s32 @!p0 $0x88, s6;
	s7 =	simm.s32 @p2 $0x1082  }
0x22: {  	[simem:s7], [sflag:s8] =	dma.local @!p0 [hbm:s6], $0xF7A  }
0x23: {  	s9 =	sor.u32 $0xD0000000, s2;
	s6 =	simm.s32 $0x108;
	_ =	swait.ge @!p0 [sflag:s8], $0x0  }
0x24: {  	s3 =	sadd.s32 $0x88, s3;
	s6 =	simm.s32 @!p1 $0x1082;
	[sflag:s4] =	ssyncset.s32 $0xFFFFF086  }
0x25: {  	[simem:s6], [sflag:s4] =	dma.local [hbm:s3], $0xF7A  }
0x26: {  	[smem:$0x3F92] =	sst s1;
	(tag) =	ssettag s2;
	_ =	strace s9  }
0x27: {  	s1 =	sld [smem:$0x3FA2]  }
0x28: {  	s2 =	sld [smem:$0x3FA3]  }
0x29: {  	s4 =	sld [smem:$0x3FA5]  }
0x2a: {  	p0 =	seq.s32 s5, $0x0;
	s5 =	sld [smem:$0x3FA6]  }
0x2b: {  	s6 =	sld [smem:$0x3FA7]  }
0x2c: {  	s7 =	sld [smem:$0x3FA8]  }
0x2d: {  	s3 =	simm.s32 $0x108;
	s8 =	sld [smem:$0x3FA9]  }
0x2e: {  	s3 =	simm.s32 @!p0 $0x1082;
	s9 =	sld [smem:$0x3FAA]  }
0x2f: {  	lr =	sadd.s32 s0, s3;
	s0 =	sld [smem:$0x3FA1]  }
0x30: {  	s3 =	sld [smem:$0x3FA4]  }
0x31: {  	[smem:$0x3FAD] =	sst s10  }
0x32: {  	s10 =	sld [smem:$0x3FAB];
	_ =	sdelay $0x3  }
0x33: {  	p0 =	seq.s32 s10, $0x1;
	s10 =	sld [smem:$0x3FAD];
	_ =	sdelay $0x3  }
0x34: {  	[smem:$0x3FAD] =	sst s10  }
0x35: {  	s10 =	sld [smem:$0x3FAC];
	_ =	sdelay $0x3  }
0x36: {  	p1 =	seq.s32 s10, $0x1;
	s10 =	sld [smem:$0x3FAD];
	_ =	sdelay $0x3  }
0x37: {  	[smem:$0x3FAD] =	sst s10  }
0x38: {  	s10 =	sld [smem:$0x3FAE]  }
0x39: {  	_ = 	snop;
	(pc) =	sbr.ind lr, $3  }
0x3a: {  	_ = 	snop  }
0x3b: {  	_ = 	snop  }
0x3c: {  	p2 =	seq.s32 s10, $0x1;
	s10 =	sld [smem:$0x3FAD]  }
0x3d: {  	_ =	shalt  }
0x3e: {  	_ =	shalt  }
0x3f: {  	_ =	shalt  }
0x40: {  	_ =	shalt  }
0x41: {  	_ =	shalt  }
0x42: {  	_ =	shalt  }
0x43: {  	_ =	shalt  }
0x44: {  	_ =	shalt  }
0x45: {  	_ =	shalt  }
0x46: {  	_ =	shalt  }
0x47: {  	_ =	shalt  }
0x48: {  	_ =	shalt  }
0x49: {  	_ =	shalt  }
0x4a: {  	_ =	shalt  }
0x4b: {  	_ =	shalt  }
0x4c: {  	_ =	shalt  }
0x4d: {  	_ =	shalt  }
0x4e: {  	_ =	shalt  }
0x4f: {  	_ =	shalt  }
0x50: {  	_ =	shalt  }
0x51: {  	_ =	shalt  }
0x52: {  	_ =	shalt  }
0x53: {  	_ =	shalt  }
0x54: {  	_ =	shalt  }
0x55: {  	_ =	shalt  }
0x56: {  	_ =	shalt  }
0x57: {  	_ =	shalt  }
0x58: {  	_ =	shalt  }
0x59: {  	_ =	shalt  }
0x5a: {  	_ =	shalt  }
0x5b: {  	_ =	shalt  }
0x5c: {  	_ =	shalt  }
0x5d: {  	_ =	shalt  }
0x5e: {  	_ =	shalt  }
0x5f: {  	_ =	shalt  }
0x60: {  	_ =	shalt  }
0x61: {  	_ =	shalt  }
0x62: {  	_ =	shalt  }
0x63: {  	_ =	shalt  }
0x64: {  	_ =	shalt  }
0x65: {  	_ =	shalt  }
0x66: {  	_ =	shalt  }
0x67: {  	_ =	shalt  }
0x68: {  	_ =	shalt  }
0x69: {  	_ =	shalt  }
0x6a: {  	_ =	shalt  }
0x6b: {  	_ =	shalt  }
0x6c: {  	_ =	shalt  }
0x6d: {  	_ =	shalt  }
0x6e: {  	_ =	shalt  }
0x6f: {  	_ =	shalt  }
0x70: {  	_ =	shalt  }
0x71: {  	_ =	shalt  }
0x72: {  	_ =	shalt  }
0x73: {  	_ =	shalt  }
0x74: {  	_ =	shalt  }
0x75: {  	_ =	shalt  }
0x76: {  	_ =	shalt  }
0x77: {  	_ =	shalt  }
0x78: {  	_ =	shalt  }
0x79: {  	_ =	shalt  }
0x7a: {  	_ =	shalt  }
0x7b: {  	_ =	shalt  }
0x7c: {  	_ =	shalt  }
0x7d: {  	_ =	shalt  }
0x7e: {  	_ =	shalt  }
0x7f: {  	_ =	shalt  }
0x80: {  	_ =	shalt  }
0x81: {  	_ =	shalt  }
0x82: {  	_ =	shalt  }
0x83: {  	_ =	shalt  }
0x84: {  	_ =	shalt  }
0x85: {  	_ =	shalt  }
0x86: {  	_ =	shalt  }
0x87: {  	_ =	shalt  }
.Lfunc_end0:
.L_simem_size_0:
called_computation_lowered:
.L_overlay_start_0:
0x88: {  	s2 =	sld [smem:$0x3FD9]  }
0x89: {  	s3 =	sld [smem:$0x3FFE];
	_ =	sdelay $0x1  }
0x8a: {  	s1 =	srdreg.scid  }
0x8b: {  	s0 =	sand.u32 $0x1, s1  }
0x8c: {  	s16 =	sshll.u32 s0, $0xA;
	s2 =	sadd.s32 s3, s2  }
0x8d: {  	s2 =	sadd.s32 s2, s16  }
0x8e: {  	[smem:$0x3FB9] =	sst s2  }
0x8f: {  	_ = 	snop  }
0x90: {  	(tm) =	ssettm $0x1  }
0x91: {  	s17 =	sld [smem:$0x3FFB];
	_ =	sdelay $0x3  }
0x92: {  	_ =	strace s17  }
0x93: {  	s2 =	sld [smem:$0x3FFC];
	_ =	sdelay $0x3  }
0x94: {  	_ =	strace s2  }
0x95: {  	s2 =	sld [smem:$0x3FFD];
	_ =	sdelay $0x3  }
0x96: {  	_ =	strace s2  }
0x97: {  	_ =	strace $0x8FFFFFFF  }
0x98: {  	s18 =	sld [smem:$0x3FDB];
	_ =	sdelay $0x1  }
0x99: {  	s19 =	simm.s32 $_scs_section_size  }
0x9a: {  	s4 =	simm.s32 $_size__tile_overlayer_lowered;
	s5 =	simm.s32 $_tile_overlayer_lowered  }
0x9b: {  	s22 =	simm.s32 $0x1BFF;
	s21 =	sshll.u32 s5, $0x1;
	s2 =	sadd.s32 s19, s18  }
0x9c: {  	s6 =	simm.s32 $0x0;
	s20 =	sshll.u32 s4, $0x1;
	s4 =	sadd.s32 s21, s2  }
0x9d: {  	[timem:s6], [sflag:s22] =	dma.local [hbm:s4], s20  }
0x9e: {  	_ =	swait.ge [sflag:s22], s20  }
0x9f: {  	s3 =	ssub.s32 $0x0, s20;
	[sflag:s22] =	ssyncset.done $0x0  }
0xa0: {  	[sflag:s22] =	ssyncadd.s32 s3;
	_ =	sdelay $0x1  }
0xa1: {  	s23 =	simm.s32 $0x1B8B  }
0xa2: {  	_ =	swait.ge [sflag:s23], $0x1  }
0xa3: {  	[sflag:s23] =	ssyncset.done $0x0  }
0xa4: {  	s25 =	simm.s32 $0x1B8E;
	s24 =	sld [smem:$0x3FFE];
	[sflag:s23] =	ssyncadd.s32 $0xFFFFFFFF  }
0xa5: {  	s26 =	simm.s32 $execute0_lowered;
	[smem:$0x3FD2] =	sst s25  }
0xa6: {  	s4 =	sshll.u32 s26, $0x1;
	_ =	strace $0x80000046;
	[dreg:$0x1] =	wrdreg $0xFFFFFFFF  }
0xa7: {  	s28 =	simm.s32 $_size_execute0_lowered;
	s2 =	sadd.s32 s2, s4;
	[dreg:$0x0] =	wrdreg $0x0  }
0xa8: {  	s4 =	sshll.u32 s28, $0x1;
	[dreg:$0x2] =	wrdreg s2  }
0xa9: {  	[dreg:$0x3] =	wrdreg s4  }
0xaa: {  	[dreg:$0x4] =	wrdreg $0xC0  }
0xab: {  	_ =	task [dreg:s6], $0x5FFFF  }
0xac: {  	[dreg:$0x1] =	wrdreg $0xFFFFFFFF  }
0xad: {  	[dreg:$0x0] =	wrdreg $0x60  }
0xae: {  	[dreg:$0x2] =	wrdreg s24  }
0xaf: {  	[dreg:$0x3] =	wrdreg $0x68800  }
0xb0: {  	[dreg:$0x4] =	wrdreg $0x9  }
0xb1: {  	_ =	task.clear_ibuf [dreg:s6], $0x5FFFF;
	_ =	strace $0x90000046  }
0xb2: {  	s29 =	simm.s32 $0x9;
	_ =	strace $0x80000048  }
0xb3: {  	_ =	swait.ge [sflag:s29], $0x1  }
0xb4: {  	[sflag:s29] =	ssyncadd.s32 $0xFFFFFFFF  }
0xb5: {  	_ =	strace $0x90000048  }
0xb6: {  	_ =	sfence  }
0xb7: {  	s30 =	sld [smem:$0x0];
	_ =	sdelay $0x2  }
0xb8: {  	s31 =	sshll.u32 s1, $0xD;
	s1 =	sshrl.u32 s1, $0x2  }
0xb9: {  	s3 =	sand.u32 $0x4000, s31;
	s1 =	sadd.s32 s1, s30  }
0xba: {  	s0 =	sor.u32 s3, s0;
	s1 =	sshll.u32 s1, $0x11  }
0xbb: {  	s0 =	sor.u32 s1, s0  }
0xbc: {  	s0 =	sadd.s32 $0x8F2B, s0  }
0xbd: {  	[sflag:s0] =	ssyncadd.remote.s32 $0x1  }
0xbe: {  	_ =	sfence.sel $0xFFFF  }
0xbf: {  	[dreg:$0x0] =	wrdreg $0xFFFFFFFF;
	(pc) =	sbr.abs _section_cstart, $3  }
0xc0: {  	[dreg:$0x1] =	wrdreg $0xFFFFFFFF  }
0xc1: {  	_ =	task.clear_ibuf [dreg:s6], $0x2FFFF;
	_ =	strace $0x9FFFFFFF  }
0xc2: {  	(tm) =	ssettm $0x7FFFFFFF  }
0xc3: {  	_ =	shalt  }
tec
execute0_lowered:
.L_overlay_start_1:
0x0: {  	(tag) =	ssettag $0x1  }
0x1: {  	s5 =	rddreg [dreg:$0x0]  }
0x2: {  	s0 =	srdreg.scid;
	s2 =	rddreg [dreg:$0x1];
	s3 =	simm.s32 $0x0  }
0x3: {  	s15 =	simm.s32 $0x2880;
	s4 =	sand.u32 $0x1, s0;
	s0 =	stileid.u32  }
0x4: {  	s16 =	simm.s32 $0x1;
	s17 =	simm.s32 $0x80;
	s7 =	smul.u32 $0x2800, s0  }
0x5: {  	s18 =	simm.s32 $0x2800;
	[smem:$0x7FF] =	sst s3;
	s8 =	smul.u32 $0x28000, s4  }
0x6: {  	s1 =	sshll.u32 s4, $0x4;
	s9 =	smul.u32 $0x50000, s0;
	s29 =	ssub.s32 $0x2, s4  }
0x7: {  	s19 =	sshll.u32 s0, $0x6;
	s1 =	sor.u32 s0, s1;
	s31 =	sshrl.u32 s29, $0x1  }
0x8: {  	s19 =	sor.u32 $0x1C01, s19;
	s6 =	smul.u32 $0x500, s1;
	s1 =	rddreg [dreg:$0x2]  }
0x9: {  	_ =	strace $0x80000047;
	s28 =	sadd.s32 s7, s8;
	s30 =	sshrl.u32 s9, $0x2  }
0xa: {  	s14 =	ssub.s32 s29, s31;
	s13 =	sadd.s32 s28, s5;
	s4 =	sadd.s32 s30, s2  }
0xb: {  	s14 =	smax.u32 s14, $0x1;
	s12 =	sadd.s32 s6, s5;
	s5 =	sadd.s32 $0x2800, s4  }
0xc: {  	s6 =	sadd.s32 $0x5000, s4;
	s7 =	sadd.s32 $0x7800, s4;
	s8 =	sadd.s32 $0xA000, s4  }
0xd: {  	s9 =	sadd.s32 $0xC800, s4;
	s10 =	sadd.s32 $0xF000, s4;
	s11 =	sadd.s32 $0x11800, s4  }
0xe: {  	v0 =	vimm.f32 $0.0e+00;
	v1 =	vimm.f32 $1.000000000e+00;
	s13 =	sadd.s32 $0xE200, s13;
	s20 =	sshrl.u32 s4, $0x3;
	s12 =	sadd.s32 $0x4200, s12  }
.LBB2_1:
0xf: {  	s21 =	simm.s32 $0x0;
	s22 =	simm.s32 $0x200  }
.LBB2_2:
0x10: {  	p0 =	sne.s32 s22, $0x9E00;
	[tilespmem:s21+$0x28F0] =	vst v0  }
0x11: {  	[tilespmem:s21+$0x2880] =	vst v0  }
0x12: {  	[tilespmem:s21+$0x2890] =	vst v0  }
.Ltmp0:
0x13: {  	[tilespmem:s21+$0x28A0] =	vst v0;
	(pc) =	sbr.rel @p0 .LBB2_2-.Ltmp0, $4  }
0x14: {  	[tilespmem:s21+$0x28B0] =	vst v0  }
0x15: {  	[tilespmem:s21+$0x28C0] =	vst v0  }
0x16: {  	[tilespmem:s21+$0x28D0] =	vst v0  }
0x17: {  	[tilespmem:s21+$0x28E0] =	vst v0;
	s21 =	sshra.s32 s22, $0x2;
	s22 =	sadd.s32 $0x200, s22  }
0x18: {  	[tilespmem:s21+$0x28F0] =	vst v0  }
0x19: {  	[tilespmem:s21+$0x2880] =	vst v0  }
0x1a: {  	[tilespmem:s21+$0x2890] =	vst v0  }
0x1b: {  	[tilespmem:s21+$0x28A0] =	vst v0  }
0x1c: {  	[tilespmem:s21+$0x28B0] =	vst v0  }
0x1d: {  	[tilespmem:s21+$0x28C0] =	vst v0  }
0x1e: {  	[tilespmem:s21+$0x28D0] =	vst v0  }
0x1f: {  	[tilespmem:s21+$0x28E0] =	vst v0  }
0x20: {  	[spmem:s4] =	stream.linear.scatter [tilespmem:s15], [sflag:$0x1], $0x2800, $0x38;
	[tilespmem:$0x1A880] =	vst v63  }
0x21: {  	_ =	swait.ge [sflag:s16], $0x2800  }
0x22: {  	[sflag:s16] =	ssyncset.done $0x0  }
0x23: {  	[sflag:s16] =	ssyncadd.s32 $0xFFFFD800  }
0x24: {  	[spmem:s5] =	stream.linear.scatter [tilespmem:s15], [sflag:$0x1], $0x2800, $0x38;
	[tilespmem:$0x1A880] =	vst v63  }
0x25: {  	_ =	swait.ge [sflag:s16], $0x2800  }
0x26: {  	[sflag:s16] =	ssyncset.done $0x0  }
0x27: {  	[sflag:s16] =	ssyncadd.s32 $0xFFFFD800  }
0x28: {  	[spmem:s6] =	stream.linear.scatter [tilespmem:s15], [sflag:$0x1], $0x2800, $0x38;
	[tilespmem:$0x1A880] =	vst v63  }
0x29: {  	_ =	swait.ge [sflag:s16], $0x2800  }
0x2a: {  	[sflag:s16] =	ssyncset.done $0x0  }
0x2b: {  	[sflag:s16] =	ssyncadd.s32 $0xFFFFD800  }
0x2c: {  	[spmem:s7] =	stream.linear.scatter [tilespmem:s15], [sflag:$0x1], $0x2800, $0x38;
	[tilespmem:$0x1A880] =	vst v63  }
0x2d: {  	_ =	swait.ge [sflag:s16], $0x2800  }
0x2e: {  	[sflag:s16] =	ssyncset.done $0x0  }
0x2f: {  	[sflag:s16] =	ssyncadd.s32 $0xFFFFD800  }
0x30: {  	[spmem:s8] =	stream.linear.scatter [tilespmem:s15], [sflag:$0x1], $0x2800, $0x38;
	[tilespmem:$0x1A880] =	vst v63  }
0x31: {  	_ =	swait.ge [sflag:s16], $0x2800  }
0x32: {  	[sflag:s16] =	ssyncset.done $0x0  }
0x33: {  	[sflag:s16] =	ssyncadd.s32 $0xFFFFD800  }
0x34: {  	[spmem:s9] =	stream.linear.scatter [tilespmem:s15], [sflag:$0x1], $0x2800, $0x38;
	[tilespmem:$0x1A880] =	vst v63  }
0x35: {  	_ =	swait.ge [sflag:s16], $0x2800  }
0x36: {  	[sflag:s16] =	ssyncset.done $0x0  }
0x37: {  	[sflag:s16] =	ssyncadd.s32 $0xFFFFD800  }
0x38: {  	[spmem:s10] =	stream.linear.scatter [tilespmem:s15], [sflag:$0x1], $0x2800, $0x38;
	[tilespmem:$0x1A880] =	vst v63  }
0x39: {  	_ =	swait.ge [sflag:s16], $0x2800  }
0x3a: {  	[sflag:s16] =	ssyncset.done $0x0  }
0x3b: {  	[sflag:s16] =	ssyncadd.s32 $0xFFFFD800  }
0x3c: {  	[spmem:s11] =	stream.linear.scatter [tilespmem:s15], [sflag:$0x1], $0x2800, $0x38;
	[tilespmem:$0x1A880] =	vst v63  }
0x3d: {  	_ =	swait.ge [sflag:s16], $0x2800  }
0x3e: {  	[sflag:s16] =	ssyncset.done $0x0  }
0x3f: {  	s31 =	simm.s32 $0x0;
	[sflag:s16] =	ssyncadd.s32 $0xFFFFD800  }
0x40: {  	[tilespmem:s31], [sflag:$0x1] =	stream.linear.gather [hbm4b:s12+s31], $0x2800, $0x38;
	[tilespmem:$0x1A880] =	vst v63  }
0x41: {  	_ =	swait.ge [sflag:s16], $0x2800  }
0x42: {  	[sflag:s16] =	ssyncset.done $0x0  }
0x43: {  	s21 =	simm.s32 $0x0;
	s22 =	simm.s32 $0x200;
	[sflag:s16] =	ssyncadd.s32 $0xFFFFD800  }
.LBB2_4:
0x44: {  	p0 =	sne.s32 s22, $0xFE00;
	[tilespmem:s21+$0x28F0] =	vst v1  }
0x45: {  	[tilespmem:s21+$0x2880] =	vst v1  }
0x46: {  	[tilespmem:s21+$0x2890] =	vst v1  }
.Ltmp1:
0x47: {  	[tilespmem:s21+$0x28A0] =	vst v1;
	(pc) =	sbr.rel @p0 .LBB2_4-.Ltmp1, $4  }
0x48: {  	[tilespmem:s21+$0x28B0] =	vst v1  }
0x49: {  	[tilespmem:s21+$0x28C0] =	vst v1  }
0x4a: {  	[tilespmem:s21+$0x28D0] =	vst v1  }
0x4b: {  	[tilespmem:s21+$0x28E0] =	vst v1;
	s21 =	sshra.s32 s22, $0x2;
	s22 =	sadd.s32 $0x200, s22  }
0x4c: {  	[tilespmem:s21+$0x28F0] =	vst v1  }
0x4d: {  	[tilespmem:s21+$0x2880] =	vst v1  }
0x4e: {  	[tilespmem:s21+$0x2890] =	vst v1  }
0x4f: {  	[tilespmem:s21+$0x28A0] =	vst v1  }
0x50: {  	[tilespmem:s21+$0x28B0] =	vst v1  }
0x51: {  	[tilespmem:s21+$0x28C0] =	vst v1  }
0x52: {  	[tilespmem:s21+$0x28D0] =	vst v1  }
0x53: {  	[tilespmem:s21+$0x28E0] =	vst v1  }
0x54: {  	s31 =	simm.s32 $0x0;
	[bflag:$0x0] =	sbarrier.arrive $0xFFFF  }
0x55: {  	v2 =	vld [tilespmem:s31+$0x0];
	_ =	sdelay $0x4  }
0x56: {  	[tilespmem:$0x2800] =	vst v2  }
0x57: {  	v2 =	vld [tilespmem:s31+$0x10];
	_ =	sdelay $0x4  }
0x58: {  	[tilespmem:$0x2810] =	vst v2  }
0x59: {  	v2 =	vld [tilespmem:s31+$0x20];
	_ =	sdelay $0x4  }
0x5a: {  	[tilespmem:$0x2820] =	vst v2  }
0x5b: {  	v2 =	vld [tilespmem:s31+$0x30];
	_ =	sdelay $0x4  }
0x5c: {  	[tilespmem:$0x2830] =	vst v2  }
0x5d: {  	v2 =	vld [tilespmem:s31+$0x40];
	_ =	sdelay $0x4  }
0x5e: {  	[tilespmem:$0x2840] =	vst v2  }
0x5f: {  	v2 =	vld [tilespmem:s31+$0x50];
	_ =	sdelay $0x4  }
0x60: {  	[tilespmem:$0x2850] =	vst v2  }
0x61: {  	v2 =	vld [tilespmem:s31+$0x60];
	_ =	sdelay $0x4  }
0x62: {  	[tilespmem:$0x2860] =	vst v2  }
0x63: {  	v2 =	vld [tilespmem:s31+$0x70];
	_ =	sdelay $0x4  }
0x64: {  	[tilespmem:$0x2870] =	vst v2  }
0x65: {  	[spmem:s2] =	stream.indirect.scatter.add.f32 [tilespmem:s15], [sflag:$0x1], $0x80, s18, s17, $0xb8;
	[tilespmem:$0x1A880] =	vst v63  }
0x66: {  	_ =	swait.ge [sflag:s16], $0x4000  }
0x67: {  	s21 =	simm.s32 $0x200;
	s23 =	simm.s32 $0x400;
	[sflag:s16] =	ssyncset.done $0x0  }
.LBB2_6:
0x68: {  	s24 =	sshra.s32 s21, $0x2  }
0x69: {  	[sflag:s16] =	ssyncadd.s32 $0xFFFFC000;
	s21 =	smov.u32 s23;
	s22 =	sadd.s32 $0x200, s23  }
0x6a: {  	p0 =	sne.s32 s23, $0x9E00;
	v2 =	vld [tilespmem:s24+$0x0];
	_ =	sdelay $0x4  }
0x6b: {  	[tilespmem:$0x2800] =	vst v2  }
0x6c: {  	v2 =	vld [tilespmem:s24+$0x10];
	_ =	sdelay $0x4  }
0x6d: {  	[tilespmem:$0x2810] =	vst v2  }
0x6e: {  	v2 =	vld [tilespmem:s24+$0x20];
	_ =	sdelay $0x4  }
0x6f: {  	[tilespmem:$0x2820] =	vst v2  }
0x70: {  	v2 =	vld [tilespmem:s24+$0x30];
	_ =	sdelay $0x4  }
0x71: {  	[tilespmem:$0x2830] =	vst v2  }
0x72: {  	v2 =	vld [tilespmem:s24+$0x40];
	_ =	sdelay $0x4  }
0x73: {  	[tilespmem:$0x2840] =	vst v2  }
0x74: {  	v2 =	vld [tilespmem:s24+$0x50];
	_ =	sdelay $0x4  }
0x75: {  	[tilespmem:$0x2850] =	vst v2  }
0x76: {  	v2 =	vld [tilespmem:s24+$0x60];
	_ =	sdelay $0x4  }
0x77: {  	[tilespmem:$0x2860] =	vst v2  }
0x78: {  	v2 =	vld [tilespmem:s24+$0x70];
	_ =	sdelay $0x3  }
.Ltmp2:
0x79: {  	(pc) =	sbr.rel @p0 .LBB2_6-.Ltmp2, $4  }
0x7a: {  	[tilespmem:$0x2870] =	vst v2  }
0x7b: {  	[spmem:s2] =	stream.indirect.scatter.add.f32 [tilespmem:s15], [sflag:$0x1], $0x80, s18, s17, $0xb8;
	[tilespmem:$0x1A880] =	vst v63  }
0x7c: {  	_ =	swait.ge [sflag:s16], $0x4000  }
0x7d: {  	s23 =	smov.u32 s22;
	[sflag:s16] =	ssyncset.done $0x0  }
0x7e: {  	s21 =	sshra.s32 s21, $0x2;
	[sflag:s16] =	ssyncadd.s32 $0xFFFFC000  }
0x7f: {  	v2 =	vld [tilespmem:s21+$0x0];
	_ =	sdelay $0x4  }
0x80: {  	[tilespmem:$0x2800] =	vst v2  }
0x81: {  	v2 =	vld [tilespmem:s21+$0x10];
	_ =	sdelay $0x4  }
0x82: {  	[tilespmem:$0x2810] =	vst v2  }
0x83: {  	v2 =	vld [tilespmem:s21+$0x20];
	_ =	sdelay $0x4  }
0x84: {  	[tilespmem:$0x2820] =	vst v2  }
0x85: {  	v2 =	vld [tilespmem:s21+$0x30];
	_ =	sdelay $0x4  }
0x86: {  	[tilespmem:$0x2830] =	vst v2  }
0x87: {  	v2 =	vld [tilespmem:s21+$0x40];
	_ =	sdelay $0x4  }
0x88: {  	[tilespmem:$0x2840] =	vst v2  }
0x89: {  	v2 =	vld [tilespmem:s21+$0x50];
	_ =	sdelay $0x4  }
0x8a: {  	[tilespmem:$0x2850] =	vst v2  }
0x8b: {  	v2 =	vld [tilespmem:s21+$0x60];
	_ =	sdelay $0x4  }
0x8c: {  	[tilespmem:$0x2860] =	vst v2  }
0x8d: {  	v2 =	vld [tilespmem:s21+$0x70];
	_ =	sdelay $0x4  }
0x8e: {  	[tilespmem:$0x2870] =	vst v2  }
0x8f: {  	[spmem:s2] =	stream.indirect.scatter.add.f32 [tilespmem:s15], [sflag:$0x1], $0x80, s18, s17, $0xb8;
	[tilespmem:$0x1A880] =	vst v63  }
0x90: {  	_ =	swait.ge [sflag:s16], $0x4000  }
0x91: {  	s3 =	sadd.s32 $0x1, s3;
	[sflag:s16] =	ssyncset.done $0x0  }
0x92: {  	p0 =	sne.s32 s3, s14;
	[sflag:s16] =	ssyncadd.s32 $0xFFFFC000  }
.Ltmp3:
0x93: {  	[bflag:$0x0] =	sbarrier.arrive $0xFFFF;
	(pc) =	sbr.rel @p0 .LBB2_1-.Ltmp3, $4  }
0x94: {  	[hbm:s13], [sflag:s19] =	dma.local [spmem:s20], $0x2800  }
0x95: {  	_ =	swait.ge [sflag:s16], $0x2800  }
0x96: {  	[sflag:s16] =	ssyncset.done $0x0  }
0x97: {  	[sflag:s16] =	ssyncadd.s32 $0xFFFFD800  }
0x98: {  	_ =	sfence.sel $0x180000  }
0x99: {  	[bflag:$0x0] =	sbarrier.arrive $0xFFFF  }
0x9a: {  	p0 =	sne.s32 s0, $0x0;
	_ =	strace $0x90000047  }
0x9b: {  	s0 =	sadd.s32 @!p0 $0x100000, s1;
	[bflag:$0x2] =	sbarrier.arrive $0xFFFF  }
0x9c: {  	[sflag:s0] =	ssyncadd.tile.s32 @!p0 $0x1;
	_ =	shalt  }
.Lfunc_end2:
_tile_overlayer_lowered:
.L_overlay_start_2:
0x9d: {  	(tag) =	ssettag $0x2  }
0x9e: {  	s0 =	rddreg [dreg:$0x0];
	s2 =	stileid.u32  }
0x9f: {  	s1 =	rddreg [dreg:$0x1];
	p0 =	sne.s32 s2, $0x0  }
0xa0: {  	s3 =	rddreg [dreg:$0x2];
	[bflag:$0x3] =	sbarrier.arrive $0xFFFF;
	s2 =	simm.s32 @!p0 $0x1C01  }
0xa1: {  	[timem:s3], [sflag:s2] =	dma.local @!p0 [hbm:s0], s1  }
0xa2: {  	s0 =	simm.s32 @!p0 $0x1  }
0xa3: {  	_ =	swait.ge @!p0 [sflag:s0], s1  }
0xa4: {  	s1 =	ssub.s32 @!p0 $0x0, s1;
	[sflag:s0] =	ssyncset.done @!p0 $0x0  }
0xa5: {  	[sflag:s0] =	ssyncadd.s32 @!p0 s1  }
0xa6: {  	[bflag:$0x3] =	sbarrier.arrive $0xFFFF  }
0xa7: {  	_ =	shalt  }

// kernel: kernel.13.cloned.1.call-start
scs
__scs_entry_jumppad:
0x0: {  	(pc) =	sbr.rel $0x88, $3  }
0x1: {  	(tag) =	ssettag $0x0;
	lr =	simm.s32 $0x1  }
0x2: {  	[smem:$0x3F92] =	sst lr;
	_ =	strace $0xD0000000  }
0x3: {  	_ = 	snop  }
0x4: {  	_ = 	snop  }
0x5: {  	_ = 	snop  }
0x6: {  	_ = 	snop  }
0x7: {  	_ = 	snop  }
__scs_overlays_trampoline_lowered:
0x8: {  	[smem:$0x3FA1] =	sst s0  }
0x9: {  	[smem:$0x3FA2] =	sst s1  }
0xa: {  	[smem:$0x3FA3] =	sst s2  }
0xb: {  	[smem:$0x3FA4] =	sst s3  }
0xc: {  	[smem:$0x3FA5] =	sst s4  }
0xd: {  	[smem:$0x3FA6] =	sst s5  }
0xe: {  	[smem:$0x3FA7] =	sst s6  }
0xf: {  	[smem:$0x3FA8] =	sst s7  }
0x10: {  	[smem:$0x3FA9] =	sst s8  }
0x11: {  	[smem:$0x3FAA] =	sst s9;
	s0 =	simm.s32 @!p0 $0x0  }
0x12: {  	s1 =	sld [smem:$0x3F90];
	s0 =	simm.s32 @p0 $0x1  }
0x13: {  	[smem:$0x3FAB] =	sst s0;
	s0 =	simm.s32 @!p1 $0x0  }
0x14: {  	s2 =	sld [smem:$0x3F8F];
	s0 =	simm.s32 @p1 $0x1  }
0x15: {  	[smem:$0x3FAC] =	sst s0;
	s0 =	simm.s32 @!p2 $0x0  }
0x16: {  	s3 =	sld [smem:$0x3FDB];
	s0 =	simm.s32 @p2 $0x1  }
0x17: {  	s4 =	simm.s32 $0x1BF5;
	[smem:$0x3FAE] =	sst s0  }
0x18: {  	s0 =	sld [smem:$0x3F91];
	_ =	swait.ge [sflag:s4], $0x0  }
0x19: {  	s7 =	sld [smem:$0x3F92]  }
0x1a: {  	s8 =	sadd.s32 $0xFFFFE003, lr  }
0x1b: {  	s9 =	sadd.s32 $0xFFFFFEF7, lr;
	s5 =	simm.s32 $0xFFFFFFFF;
	p2 =	slt.u32 s8, $0xFFFFF086  }
0x1c: {  	p1 =	slt.u32 s9, $0xF7A;
	s5 =	simm.s32 @!p2 $0x0  }
0x1d: {  	s5 =	simm.s32 @p1 $0x1;
	p0 =	seq.s32 s7, s2  }
0x1e: {  	s7 =	smul.u32 @!p0 $0xF7A, s2;
	p2 =	seq.s32 @!p0 s5, $0x0  }
0x1f: {  	s9 =	smul.u32 $0xF7A, s1;
	s8 =	simm.s32 @!p0 $0x1BF5;
	p2 =	por !p2, p0  }
0x20: {  	[sflag:s8] =	ssyncset.s32 @!p0 $0xFFFFF086;
	s6 =	sadd.s32 @!p0 s3, s7;
	s7 =	simm.s32 @!p0 $0x108  }
0x21: {  	s3 =	sadd.s32 s3, s9;
	s6 =	sadd.s32 @!p0 $0x88, s6;
	s7 =	simm.s32 @p2 $0x1082  }
0x22: {  	[simem:s7], [sflag:s8] =	dma.local @!p0 [hbm:s6], $0xF7A  }
0x23: {  	s9 =	sor.u32 $0xD0000000, s2;
	s6 =	simm.s32 $0x108;
	_ =	swait.ge @!p0 [sflag:s8], $0x0  }
0x24: {  	s3 =	sadd.s32 $0x88, s3;
	s6 =	simm.s32 @!p1 $0x1082;
	[sflag:s4] =	ssyncset.s32 $0xFFFFF086  }
0x25: {  	[simem:s6], [sflag:s4] =	dma.local [hbm:s3], $0xF7A  }
0x26: {  	[smem:$0x3F92] =	sst s1;
	(tag) =	ssettag s2;
	_ =	strace s9  }
0x27: {  	s1 =	sld [smem:$0x3FA2]  }
0x28: {  	s2 =	sld [smem:$0x3FA3]  }
0x29: {  	s4 =	sld [smem:$0x3FA5]  }
0x2a: {  	p0 =	seq.s32 s5, $0x0;
	s5 =	sld [smem:$0x3FA6]  }
0x2b: {  	s6 =	sld [smem:$0x3FA7]  }
0x2c: {  	s7 =	sld [smem:$0x3FA8]  }
0x2d: {  	s3 =	simm.s32 $0x108;
	s8 =	sld [smem:$0x3FA9]  }
0x2e: {  	s3 =	simm.s32 @!p0 $0x1082;
	s9 =	sld [smem:$0x3FAA]  }
0x2f: {  	lr =	sadd.s32 s0, s3;
	s0 =	sld [smem:$0x3FA1]  }
0x30: {  	s3 =	sld [smem:$0x3FA4]  }
0x31: {  	[smem:$0x3FAD] =	sst s10  }
0x32: {  	s10 =	sld [smem:$0x3FAB];
	_ =	sdelay $0x3  }
0x33: {  	p0 =	seq.s32 s10, $0x1;
	s10 =	sld [smem:$0x3FAD];
	_ =	sdelay $0x3  }
0x34: {  	[smem:$0x3FAD] =	sst s10  }
0x35: {  	s10 =	sld [smem:$0x3FAC];
	_ =	sdelay $0x3  }
0x36: {  	p1 =	seq.s32 s10, $0x1;
	s10 =	sld [smem:$0x3FAD];
	_ =	sdelay $0x3  }
0x37: {  	[smem:$0x3FAD] =	sst s10  }
0x38: {  	s10 =	sld [smem:$0x3FAE]  }
0x39: {  	_ = 	snop;
	(pc) =	sbr.ind lr, $3  }
0x3a: {  	_ = 	snop  }
0x3b: {  	_ = 	snop  }
0x3c: {  	p2 =	seq.s32 s10, $0x1;
	s10 =	sld [smem:$0x3FAD]  }
0x3d: {  	_ =	shalt  }
0x3e: {  	_ =	shalt  }
0x3f: {  	_ =	shalt  }
0x40: {  	_ =	shalt  }
0x41: {  	_ =	shalt  }
0x42: {  	_ =	shalt  }
0x43: {  	_ =	shalt  }
0x44: {  	_ =	shalt  }
0x45: {  	_ =	shalt  }
0x46: {  	_ =	shalt  }
0x47: {  	_ =	shalt  }
0x48: {  	_ =	shalt  }
0x49: {  	_ =	shalt  }
0x4a: {  	_ =	shalt  }
0x4b: {  	_ =	shalt  }
0x4c: {  	_ =	shalt  }
0x4d: {  	_ =	shalt  }
0x4e: {  	_ =	shalt  }
0x4f: {  	_ =	shalt  }
0x50: {  	_ =	shalt  }
0x51: {  	_ =	shalt  }
0x52: {  	_ =	shalt  }
0x53: {  	_ =	shalt  }
0x54: {  	_ =	shalt  }
0x55: {  	_ =	shalt  }
0x56: {  	_ =	shalt  }
0x57: {  	_ =	shalt  }
0x58: {  	_ =	shalt  }
0x59: {  	_ =	shalt  }
0x5a: {  	_ =	shalt  }
0x5b: {  	_ =	shalt  }
0x5c: {  	_ =	shalt  }
0x5d: {  	_ =	shalt  }
0x5e: {  	_ =	shalt  }
0x5f: {  	_ =	shalt  }
0x60: {  	_ =	shalt  }
0x61: {  	_ =	shalt  }
0x62: {  	_ =	shalt  }
0x63: {  	_ =	shalt  }
0x64: {  	_ =	shalt  }
0x65: {  	_ =	shalt  }
0x66: {  	_ =	shalt  }
0x67: {  	_ =	shalt  }
0x68: {  	_ =	shalt  }
0x69: {  	_ =	shalt  }
0x6a: {  	_ =	shalt  }
0x6b: {  	_ =	shalt  }
0x6c: {  	_ =	shalt  }
0x6d: {  	_ =	shalt  }
0x6e: {  	_ =	shalt  }
0x6f: {  	_ =	shalt  }
0x70: {  	_ =	shalt  }
0x71: {  	_ =	shalt  }
0x72: {  	_ =	shalt  }
0x73: {  	_ =	shalt  }
0x74: {  	_ =	shalt  }
0x75: {  	_ =	shalt  }
0x76: {  	_ =	shalt  }
0x77: {  	_ =	shalt  }
0x78: {  	_ =	shalt  }
0x79: {  	_ =	shalt  }
0x7a: {  	_ =	shalt  }
0x7b: {  	_ =	shalt  }
0x7c: {  	_ =	shalt  }
0x7d: {  	_ =	shalt  }
0x7e: {  	_ =	shalt  }
0x7f: {  	_ =	shalt  }
0x80: {  	_ =	shalt  }
0x81: {  	_ =	shalt  }
0x82: {  	_ =	shalt  }
0x83: {  	_ =	shalt  }
0x84: {  	_ =	shalt  }
0x85: {  	_ =	shalt  }
0x86: {  	_ =	shalt  }
0x87: {  	_ =	shalt  }
.Lfunc_end0:
.L_simem_size_0:
called_computation.1_lowered:
.L_overlay_start_0:
0x88: {  	s2 =	sld [smem:$0x3FD9]  }
0x89: {  	s3 =	sld [smem:$0x3FFE];
	_ =	sdelay $0x1  }
0x8a: {  	s1 =	srdreg.scid  }
0x8b: {  	s0 =	sand.u32 $0x1, s1  }
0x8c: {  	s16 =	sshll.u32 s0, $0xA;
	s2 =	sadd.s32 s3, s2  }
0x8d: {  	s2 =	sadd.s32 s2, s16  }
0x8e: {  	[smem:$0x3FB9] =	sst s2  }
0x8f: {  	_ = 	snop  }
0x90: {  	(tm) =	ssettm $0x1  }
0x91: {  	s17 =	sld [smem:$0x3FFB];
	_ =	sdelay $0x3  }
0x92: {  	_ =	strace s17  }
0x93: {  	s2 =	sld [smem:$0x3FFC];
	_ =	sdelay $0x3  }
0x94: {  	_ =	strace s2  }
0x95: {  	s2 =	sld [smem:$0x3FFD];
	_ =	sdelay $0x3  }
0x96: {  	_ =	strace s2  }
0x97: {  	_ =	strace $0x8FFFFFFF  }
0x98: {  	s18 =	sld [smem:$0x3FDB];
	_ =	sdelay $0x1  }
0x99: {  	s19 =	simm.s32 $_scs_section_size  }
0x9a: {  	s4 =	simm.s32 $_size__tile_overlayer_lowered;
	s5 =	simm.s32 $_tile_overlayer_lowered  }
0x9b: {  	s22 =	simm.s32 $0x1BFF;
	s21 =	sshll.u32 s5, $0x1;
	s2 =	sadd.s32 s19, s18  }
0x9c: {  	s6 =	simm.s32 $0x0;
	s20 =	sshll.u32 s4, $0x1;
	s4 =	sadd.s32 s21, s2  }
0x9d: {  	[timem:s6], [sflag:s22] =	dma.local [hbm:s4], s20  }
0x9e: {  	_ =	swait.ge [sflag:s22], s20  }
0x9f: {  	s3 =	ssub.s32 $0x0, s20;
	[sflag:s22] =	ssyncset.done $0x0  }
0xa0: {  	[sflag:s22] =	ssyncadd.s32 s3;
	_ =	sdelay $0x1  }
0xa1: {  	s23 =	simm.s32 $0x1B8B  }
0xa2: {  	_ =	swait.ge [sflag:s23], $0x1  }
0xa3: {  	[sflag:s23] =	ssyncset.done $0x0  }
0xa4: {  	s25 =	simm.s32 $0x1B8E;
	s24 =	sld [smem:$0x3FFE];
	[sflag:s23] =	ssyncadd.s32 $0xFFFFFFFF  }
0xa5: {  	s26 =	simm.s32 $execute0_lowered;
	[smem:$0x3FD2] =	sst s25  }
0xa6: {  	s4 =	sshll.u32 s26, $0x1;
	_ =	strace $0x80000049;
	[dreg:$0x1] =	wrdreg $0xFFFFFFFF  }
0xa7: {  	s28 =	simm.s32 $_size_execute0_lowered;
	s2 =	sadd.s32 s2, s4;
	[dreg:$0x0] =	wrdreg $0x0  }
0xa8: {  	s4 =	sshll.u32 s28, $0x1;
	[dreg:$0x2] =	wrdreg s2  }
0xa9: {  	[dreg:$0x3] =	wrdreg s4  }
0xaa: {  	[dreg:$0x4] =	wrdreg $0xC0  }
0xab: {  	_ =	task [dreg:s6], $0x5FFFF  }
0xac: {  	[dreg:$0x1] =	wrdreg $0xFFFFFFFF  }
0xad: {  	[dreg:$0x0] =	wrdreg $0x60  }
0xae: {  	[dreg:$0x2] =	wrdreg s24  }
0xaf: {  	[dreg:$0x3] =	wrdreg $0x91000  }
0xb0: {  	[dreg:$0x4] =	wrdreg $0x9  }
0xb1: {  	_ =	task.clear_ibuf [dreg:s6], $0x5FFFF;
	_ =	strace $0x90000049  }
0xb2: {  	s29 =	simm.s32 $0x9;
	_ =	strace $0x8000004B  }
0xb3: {  	_ =	swait.ge [sflag:s29], $0x1  }
0xb4: {  	[sflag:s29] =	ssyncadd.s32 $0xFFFFFFFF  }
0xb5: {  	_ =	strace $0x9000004B  }
0xb6: {  	_ =	sfence  }
0xb7: {  	s30 =	sld [smem:$0x0];
	_ =	sdelay $0x2  }
0xb8: {  	s31 =	sshll.u32 s1, $0xD;
	s1 =	sshrl.u32 s1, $0x2  }
0xb9: {  	s3 =	sand.u32 $0x4000, s31;
	s1 =	sadd.s32 s1, s30  }
0xba: {  	s0 =	sor.u32 s3, s0;
	s1 =	sshll.u32 s1, $0x11  }
0xbb: {  	s0 =	sor.u32 s1, s0  }
0xbc: {  	s0 =	sadd.s32 $0x8F2B, s0  }
0xbd: {  	[sflag:s0] =	ssyncadd.remote.s32 $0x1  }
0xbe: {  	_ =	sfence.sel $0xFFFF  }
0xbf: {  	[dreg:$0x0] =	wrdreg $0xFFFFFFFF;
	(pc) =	sbr.abs _section_cstart, $3  }
0xc0: {  	[dreg:$0x1] =	wrdreg $0xFFFFFFFF  }
0xc1: {  	_ =	task.clear_ibuf [dreg:s6], $0x2FFFF;
	_ =	strace $0x9FFFFFFF  }
0xc2: {  	(tm) =	ssettm $0x7FFFFFFF  }
0xc3: {  	_ =	shalt  }
tec
execute0_lowered:
.L_overlay_start_1:
0x0: {  	(tag) =	ssettag $0x1  }
0x1: {  	s6 =	rddreg [dreg:$0x0]  }
0x2: {  	s0 =	srdreg.scid;
	s2 =	rddreg [dreg:$0x1]  }
0x3: {  	s3 =	simm.s32 $0x0;
	s17 =	simm.s32 $0x5100;
	s18 =	simm.s32 $0x2  }
0x4: {  	s19 =	simm.s32 $0x2880;
	s20 =	simm.s32 $0x80;
	s21 =	simm.s32 $0x2800  }
0x5: {  	s22 =	simm.s32 $0x1;
	s5 =	sand.u32 $0x1, s0;
	s0 =	stileid.u32  }
0x6: {  	s23 =	simm.s32 $0x5080;
	[smem:$0x7FF] =	sst s3;
	s7 =	smul.u32 $0x2800, s0  }
0x7: {  	s1 =	sshll.u32 s5, $0x4;
	s8 =	smul.u32 $0x28000, s5;
	s5 =	ssub.s32 $0x2, s5  }
0x8: {  	s9 =	smul.u32 $0x50000, s0;
	s1 =	sor.u32 s0, s1;
	s31 =	sshrl.u32 s5, $0x1  }
0x9: {  	s4 =	smul.u32 $0x500, s1;
	s1 =	rddreg [dreg:$0x2];
	_ =	strace $0x8000004A  }
0xa: {  	s7 =	sadd.s32 s7, s8;
	s9 =	sshrl.u32 s9, $0x2;
	s16 =	ssub.s32 s5, s31  }
0xb: {  	s15 =	sadd.s32 s7, s6;
	s5 =	sadd.s32 s9, s2;
	s16 =	smax.u32 s16, $0x1  }
0xc: {  	s14 =	sadd.s32 s4, s6;
	s4 =	sadd.s32 $0xE200, s6;
	s6 =	sadd.s32 $0x2800, s5  }
0xd: {  	s7 =	sadd.s32 $0x5000, s5;
	s8 =	sadd.s32 $0x7800, s5;
	s9 =	sadd.s32 $0xA000, s5  }
0xe: {  	s10 =	sadd.s32 $0xC800, s5;
	s11 =	sadd.s32 $0xF000, s5;
	s12 =	sadd.s32 $0x11800, s5  }
0xf: {  	v0 =	vimm.f32 $0.0e+00;
	s15 =	sadd.s32 $0x68200, s15;
	s13 =	sadd.s32 $0x5E200, s14;
	s14 =	sadd.s32 $0x4200, s14  }
.LBB2_1:
0x10: {  	s24 =	simm.s32 $0x0;
	s25 =	simm.s32 $0x200  }
.LBB2_2:
0x11: {  	p0 =	sne.s32 s25, $0x9E00;
	[tilespmem:s24+$0x5170] =	vst v0  }
0x12: {  	[tilespmem:s24+$0x5100] =	vst v0  }
0x13: {  	[tilespmem:s24+$0x5110] =	vst v0  }
.Ltmp0:
0x14: {  	[tilespmem:s24+$0x5120] =	vst v0;
	(pc) =	sbr.rel @p0 .LBB2_2-.Ltmp0, $4  }
0x15: {  	[tilespmem:s24+$0x5130] =	vst v0  }
0x16: {  	[tilespmem:s24+$0x5140] =	vst v0  }
0x17: {  	[tilespmem:s24+$0x5150] =	vst v0  }
0x18: {  	[tilespmem:s24+$0x5160] =	vst v0;
	s24 =	sshra.s32 s25, $0x2;
	s25 =	sadd.s32 $0x200, s25  }
0x19: {  	[tilespmem:s24+$0x5170] =	vst v0  }
0x1a: {  	[tilespmem:s24+$0x5100] =	vst v0  }
0x1b: {  	[tilespmem:s24+$0x5110] =	vst v0  }
0x1c: {  	[tilespmem:s24+$0x5120] =	vst v0  }
0x1d: {  	[tilespmem:s24+$0x5130] =	vst v0  }
0x1e: {  	[tilespmem:s24+$0x5140] =	vst v0  }
0x1f: {  	[tilespmem:s24+$0x5150] =	vst v0  }
0x20: {  	[tilespmem:s24+$0x5160] =	vst v0  }
0x21: {  	[spmem:s5] =	stream.linear.scatter [tilespmem:s17], [sflag:$0x2], $0x2800, $0x38;
	[tilespmem:$0x1D100] =	vst v63  }
0x22: {  	_ =	swait.ge [sflag:s18], $0x2800  }
0x23: {  	[sflag:s18] =	ssyncset.done $0x0  }
0x24: {  	[sflag:s18] =	ssyncadd.s32 $0xFFFFD800  }
0x25: {  	[spmem:s6] =	stream.linear.scatter [tilespmem:s17], [sflag:$0x2], $0x2800, $0x38;
	[tilespmem:$0x1D100] =	vst v63  }
0x26: {  	_ =	swait.ge [sflag:s18], $0x2800  }
0x27: {  	[sflag:s18] =	ssyncset.done $0x0  }
0x28: {  	[sflag:s18] =	ssyncadd.s32 $0xFFFFD800  }
0x29: {  	[spmem:s7] =	stream.linear.scatter [tilespmem:s17], [sflag:$0x2], $0x2800, $0x38;
	[tilespmem:$0x1D100] =	vst v63  }
0x2a: {  	_ =	swait.ge [sflag:s18], $0x2800  }
0x2b: {  	[sflag:s18] =	ssyncset.done $0x0  }
0x2c: {  	[sflag:s18] =	ssyncadd.s32 $0xFFFFD800  }
0x2d: {  	[spmem:s8] =	stream.linear.scatter [tilespmem:s17], [sflag:$0x2], $0x2800, $0x38;
	[tilespmem:$0x1D100] =	vst v63  }
0x2e: {  	_ =	swait.ge [sflag:s18], $0x2800  }
0x2f: {  	[sflag:s18] =	ssyncset.done $0x0  }
0x30: {  	[sflag:s18] =	ssyncadd.s32 $0xFFFFD800  }
0x31: {  	[spmem:s9] =	stream.linear.scatter [tilespmem:s17], [sflag:$0x2], $0x2800, $0x38;
	[tilespmem:$0x1D100] =	vst v63  }
0x32: {  	_ =	swait.ge [sflag:s18], $0x2800  }
0x33: {  	[sflag:s18] =	ssyncset.done $0x0  }
0x34: {  	[sflag:s18] =	ssyncadd.s32 $0xFFFFD800  }
0x35: {  	[spmem:s10] =	stream.linear.scatter [tilespmem:s17], [sflag:$0x2], $0x2800, $0x38;
	[tilespmem:$0x1D100] =	vst v63  }
0x36: {  	_ =	swait.ge [sflag:s18], $0x2800  }
0x37: {  	[sflag:s18] =	ssyncset.done $0x0  }
0x38: {  	[sflag:s18] =	ssyncadd.s32 $0xFFFFD800  }
0x39: {  	[spmem:s11] =	stream.linear.scatter [tilespmem:s17], [sflag:$0x2], $0x2800, $0x38;
	[tilespmem:$0x1D100] =	vst v63  }
0x3a: {  	_ =	swait.ge [sflag:s18], $0x2800  }
0x3b: {  	[sflag:s18] =	ssyncset.done $0x0  }
0x3c: {  	[sflag:s18] =	ssyncadd.s32 $0xFFFFD800  }
0x3d: {  	[spmem:s12] =	stream.linear.scatter [tilespmem:s17], [sflag:$0x2], $0x2800, $0x38;
	[tilespmem:$0x1D100] =	vst v63  }
0x3e: {  	_ =	swait.ge [sflag:s18], $0x2800  }
0x3f: {  	[sflag:s18] =	ssyncset.done $0x0  }
0x40: {  	s30 =	simm.s32 $0x0;
	[sflag:s18] =	ssyncadd.s32 $0xFFFFD800  }
0x41: {  	[tilespmem:s30], [sflag:$0x2] =	stream.linear.gather [hbm4b:s13+s30], $0x2800, $0x38;
	[tilespmem:$0x1D100] =	vst v63  }
0x42: {  	_ =	swait.ge [sflag:s18], $0x2800  }
0x43: {  	[sflag:s18] =	ssyncset.done $0x0  }
0x44: {  	[sflag:s18] =	ssyncadd.s32 $0xFFFFD800  }
0x45: {  	[tilespmem:s19], [sflag:$0x2] =	stream.linear.gather [hbm4b:s14+s30], $0x2800, $0x38;
	[tilespmem:$0x1D100] =	vst v63  }
0x46: {  	_ =	swait.ge [sflag:s18], $0x2800  }
0x47: {  	[sflag:s18] =	ssyncset.done $0x0  }
0x48: {  	[sflag:s18] =	ssyncadd.s32 $0xFFFFD800  }
0x49: {  	s31 =	simm.s32 $0x0;
	[bflag:$0x0] =	sbarrier.arrive $0xFFFF  }
0x4a: {  	v1 =	vld [tilespmem:s31+$0x0];
	_ =	sdelay $0x4  }
0x4b: {  	[tilespmem:$0x2800] =	vst v1  }
0x4c: {  	v1 =	vld [tilespmem:s31+$0x10];
	_ =	sdelay $0x4  }
0x4d: {  	[tilespmem:$0x2810] =	vst v1  }
0x4e: {  	v1 =	vld [tilespmem:s31+$0x20];
	_ =	sdelay $0x4  }
0x4f: {  	[tilespmem:$0x2820] =	vst v1  }
0x50: {  	v1 =	vld [tilespmem:s31+$0x30];
	_ =	sdelay $0x4  }
0x51: {  	[tilespmem:$0x2830] =	vst v1  }
0x52: {  	v1 =	vld [tilespmem:s31+$0x40];
	_ =	sdelay $0x4  }
0x53: {  	[tilespmem:$0x2840] =	vst v1  }
0x54: {  	v1 =	vld [tilespmem:s31+$0x50];
	_ =	sdelay $0x4  }
0x55: {  	[tilespmem:$0x2850] =	vst v1  }
0x56: {  	v1 =	vld [tilespmem:s31+$0x60];
	_ =	sdelay $0x4  }
0x57: {  	[tilespmem:$0x2860] =	vst v1  }
0x58: {  	v1 =	vld [tilespmem:s31+$0x70];
	_ =	sdelay $0x4  }
0x59: {  	[tilespmem:$0x2870] =	vst v1  }
0x5a: {  	[tilespmem:s17], [sflag:$0x1] =	stream.indirect.gather [hbm4b:s4+s20], $0x80, s21, s20, $0xb8;
	[tilespmem:$0x1D100] =	vst v63  }
0x5b: {  	_ =	swait.ge [sflag:s22], $0x4000  }
0x5c: {  	[sflag:s22] =	ssyncset.done $0x0  }
0x5d: {  	[sflag:s22] =	ssyncadd.s32 $0xFFFFC000  }
0x5e: {  	v1 =	vld [tilespmem:s31+$0x2880];
	_ =	sdelay $0x4  }
0x5f: {  	[tilespmem:$0x5080] =	vst v1  }
0x60: {  	v1 =	vld [tilespmem:s31+$0x2890];
	_ =	sdelay $0x4  }
0x61: {  	[tilespmem:$0x5090] =	vst v1  }
0x62: {  	v1 =	vld [tilespmem:s31+$0x28A0];
	_ =	sdelay $0x4  }
0x63: {  	[tilespmem:$0x50A0] =	vst v1  }
0x64: {  	v1 =	vld [tilespmem:s31+$0x28B0];
	_ =	sdelay $0x4  }
0x65: {  	[tilespmem:$0x50B0] =	vst v1  }
0x66: {  	v1 =	vld [tilespmem:s31+$0x28C0];
	_ =	sdelay $0x4  }
0x67: {  	[tilespmem:$0x50C0] =	vst v1  }
0x68: {  	v1 =	vld [tilespmem:s31+$0x28D0];
	_ =	sdelay $0x4  }
0x69: {  	[tilespmem:$0x50D0] =	vst v1  }
0x6a: {  	v1 =	vld [tilespmem:s31+$0x28E0];
	_ =	sdelay $0x4  }
0x6b: {  	[tilespmem:$0x50E0] =	vst v1  }
0x6c: {  	v1 =	vld [tilespmem:s31+$0x28F0];
	_ =	sdelay $0x4  }
0x6d: {  	[tilespmem:$0x50F0] =	vst v1  }
0x6e: {  	[spmem:s2] =	stream.indirect.scatter.add.f32 [tilespmem:s17], [sflag:$0x2], $0x80, s23, s20, $0xb8;
	[tilespmem:$0x1D100] =	vst v63  }
0x6f: {  	_ =	swait.ge [sflag:s18], $0x4000  }
0x70: {  	s24 =	simm.s32 $0x200;
	s28 =	simm.s32 $0x400;
	[sflag:s18] =	ssyncset.done $0x0  }
.LBB2_4:
0x71: {  	s26 =	sshra.s32 s24, $0x2  }
0x72: {  	[sflag:s18] =	ssyncadd.s32 $0xFFFFC000;
	s24 =	smov.u32 s28;
	s25 =	sadd.s32 $0x200, s28  }
0x73: {  	p0 =	sne.s32 s28, $0x9E00;
	v1 =	vld [tilespmem:s26+$0x0];
	_ =	sdelay $0x4  }
0x74: {  	[tilespmem:$0x2800] =	vst v1  }
0x75: {  	v1 =	vld [tilespmem:s26+$0x10];
	_ =	sdelay $0x4  }
0x76: {  	[tilespmem:$0x2810] =	vst v1  }
0x77: {  	v1 =	vld [tilespmem:s26+$0x20];
	_ =	sdelay $0x4  }
0x78: {  	[tilespmem:$0x2820] =	vst v1  }
0x79: {  	v1 =	vld [tilespmem:s26+$0x30];
	_ =	sdelay $0x4  }
0x7a: {  	[tilespmem:$0x2830] =	vst v1  }
0x7b: {  	v1 =	vld [tilespmem:s26+$0x40];
	_ =	sdelay $0x4  }
0x7c: {  	[tilespmem:$0x2840] =	vst v1  }
0x7d: {  	v1 =	vld [tilespmem:s26+$0x50];
	_ =	sdelay $0x4  }
0x7e: {  	[tilespmem:$0x2850] =	vst v1  }
0x7f: {  	v1 =	vld [tilespmem:s26+$0x60];
	_ =	sdelay $0x4  }
0x80: {  	[tilespmem:$0x2860] =	vst v1  }
0x81: {  	v1 =	vld [tilespmem:s26+$0x70];
	_ =	sdelay $0x4  }
0x82: {  	[tilespmem:$0x2870] =	vst v1  }
0x83: {  	[tilespmem:s17], [sflag:$0x1] =	stream.indirect.gather [hbm4b:s4+s20], $0x80, s21, s20, $0xb8;
	[tilespmem:$0x1D100] =	vst v63  }
0x84: {  	_ =	swait.ge [sflag:s22], $0x4000  }
0x85: {  	[sflag:s22] =	ssyncset.done $0x0  }
0x86: {  	[sflag:s22] =	ssyncadd.s32 $0xFFFFC000  }
0x87: {  	v1 =	vld [tilespmem:s26+$0x2880];
	_ =	sdelay $0x4  }
0x88: {  	[tilespmem:$0x5080] =	vst v1  }
0x89: {  	v1 =	vld [tilespmem:s26+$0x2890];
	_ =	sdelay $0x4  }
0x8a: {  	[tilespmem:$0x5090] =	vst v1  }
0x8b: {  	v1 =	vld [tilespmem:s26+$0x28A0];
	_ =	sdelay $0x4  }
0x8c: {  	[tilespmem:$0x50A0] =	vst v1  }
0x8d: {  	v1 =	vld [tilespmem:s26+$0x28B0];
	_ =	sdelay $0x4  }
0x8e: {  	[tilespmem:$0x50B0] =	vst v1  }
0x8f: {  	v1 =	vld [tilespmem:s26+$0x28C0];
	_ =	sdelay $0x4  }
0x90: {  	[tilespmem:$0x50C0] =	vst v1  }
0x91: {  	v1 =	vld [tilespmem:s26+$0x28D0];
	_ =	sdelay $0x4  }
0x92: {  	[tilespmem:$0x50D0] =	vst v1  }
0x93: {  	v1 =	vld [tilespmem:s26+$0x28E0];
	_ =	sdelay $0x4  }
0x94: {  	[tilespmem:$0x50E0] =	vst v1  }
0x95: {  	v1 =	vld [tilespmem:s26+$0x28F0];
	_ =	sdelay $0x3  }
.Ltmp1:
0x96: {  	(pc) =	sbr.rel @p0 .LBB2_4-.Ltmp1, $4  }
0x97: {  	[tilespmem:$0x50F0] =	vst v1  }
0x98: {  	[spmem:s2] =	stream.indirect.scatter.add.f32 [tilespmem:s17], [sflag:$0x2], $0x80, s23, s20, $0xb8;
	[tilespmem:$0x1D100] =	vst v63  }
0x99: {  	_ =	swait.ge [sflag:s18], $0x4000  }
0x9a: {  	s28 =	smov.u32 s25;
	[sflag:s18] =	ssyncset.done $0x0  }
0x9b: {  	s24 =	sshra.s32 s24, $0x2;
	[sflag:s18] =	ssyncadd.s32 $0xFFFFC000  }
0x9c: {  	v1 =	vld [tilespmem:s24+$0x0];
	_ =	sdelay $0x4  }
0x9d: {  	[tilespmem:$0x2800] =	vst v1  }
0x9e: {  	v1 =	vld [tilespmem:s24+$0x10];
	_ =	sdelay $0x4  }
0x9f: {  	[tilespmem:$0x2810] =	vst v1  }
0xa0: {  	v1 =	vld [tilespmem:s24+$0x20];
	_ =	sdelay $0x4  }
0xa1: {  	[tilespmem:$0x2820] =	vst v1  }
0xa2: {  	v1 =	vld [tilespmem:s24+$0x30];
	_ =	sdelay $0x4  }
0xa3: {  	[tilespmem:$0x2830] =	vst v1  }
0xa4: {  	v1 =	vld [tilespmem:s24+$0x40];
	_ =	sdelay $0x4  }
0xa5: {  	[tilespmem:$0x2840] =	vst v1  }
0xa6: {  	v1 =	vld [tilespmem:s24+$0x50];
	_ =	sdelay $0x4  }
0xa7: {  	[tilespmem:$0x2850] =	vst v1  }
0xa8: {  	v1 =	vld [tilespmem:s24+$0x60];
	_ =	sdelay $0x4  }
0xa9: {  	[tilespmem:$0x2860] =	vst v1  }
0xaa: {  	v1 =	vld [tilespmem:s24+$0x70];
	_ =	sdelay $0x4  }
0xab: {  	[tilespmem:$0x2870] =	vst v1  }
0xac: {  	[tilespmem:s17], [sflag:$0x1] =	stream.indirect.gather [hbm4b:s4+s20], $0x80, s21, s20, $0xb8;
	[tilespmem:$0x1D100] =	vst v63  }
0xad: {  	_ =	swait.ge [sflag:s22], $0x4000  }
0xae: {  	[sflag:s22] =	ssyncset.done $0x0  }
0xaf: {  	[sflag:s22] =	ssyncadd.s32 $0xFFFFC000  }
0xb0: {  	v1 =	vld [tilespmem:s24+$0x2880];
	_ =	sdelay $0x4  }
0xb1: {  	[tilespmem:$0x5080] =	vst v1  }
0xb2: {  	v1 =	vld [tilespmem:s24+$0x2890];
	_ =	sdelay $0x4  }
0xb3: {  	[tilespmem:$0x5090] =	vst v1  }
0xb4: {  	v1 =	vld [tilespmem:s24+$0x28A0];
	_ =	sdelay $0x4  }
0xb5: {  	[tilespmem:$0x50A0] =	vst v1  }
0xb6: {  	v1 =	vld [tilespmem:s24+$0x28B0];
	_ =	sdelay $0x4  }
0xb7: {  	[tilespmem:$0x50B0] =	vst v1  }
0xb8: {  	v1 =	vld [tilespmem:s24+$0x28C0];
	_ =	sdelay $0x4  }
0xb9: {  	[tilespmem:$0x50C0] =	vst v1  }
0xba: {  	v1 =	vld [tilespmem:s24+$0x28D0];
	_ =	sdelay $0x4  }
0xbb: {  	[tilespmem:$0x50D0] =	vst v1  }
0xbc: {  	v1 =	vld [tilespmem:s24+$0x28E0];
	_ =	sdelay $0x4  }
0xbd: {  	[tilespmem:$0x50E0] =	vst v1  }
0xbe: {  	v1 =	vld [tilespmem:s24+$0x28F0];
	_ =	sdelay $0x4  }
0xbf: {  	[tilespmem:$0x50F0] =	vst v1  }
0xc0: {  	[spmem:s2] =	stream.indirect.scatter.add.f32 [tilespmem:s17], [sflag:$0x2], $0x80, s23, s20, $0xb8;
	[tilespmem:$0x1D100] =	vst v63  }
0xc1: {  	_ =	swait.ge [sflag:s18], $0x4000  }
0xc2: {  	s31 =	sshll.u32 s0, $0x6;
	s3 =	sadd.s32 $0x1, s3;
	[sflag:s18] =	ssyncset.done $0x0  }
0xc3: {  	s25 =	sshrl.u32 s5, $0x3;
	p0 =	sne.s32 s3, s16;
	[sflag:s18] =	ssyncadd.s32 $0xFFFFC000  }
.Ltmp2:
0xc4: {  	s24 =	sor.u32 $0x1C02, s31;
	[bflag:$0x0] =	sbarrier.arrive $0xFFFF;
	(pc) =	sbr.rel @p0 .LBB2_1-.Ltmp2, $4  }
0xc5: {  	[hbm:s15], [sflag:s24] =	dma.local [spmem:s25], $0x2800  }
0xc6: {  	_ =	swait.ge [sflag:s18], $0x2800  }
0xc7: {  	[sflag:s18] =	ssyncset.done $0x0  }
0xc8: {  	[sflag:s18] =	ssyncadd.s32 $0xFFFFD800  }
0xc9: {  	_ =	sfence.sel $0x180000  }
0xca: {  	[bflag:$0x0] =	sbarrier.arrive $0xFFFF  }
0xcb: {  	p0 =	sne.s32 s0, $0x0;
	_ =	strace $0x9000004A  }
0xcc: {  	s0 =	sadd.s32 @!p0 $0x100000, s1;
	[bflag:$0x2] =	sbarrier.arrive $0xFFFF  }
0xcd: {  	[sflag:s0] =	ssyncadd.tile.s32 @!p0 $0x1;
	_ =	shalt  }
.Lfunc_end2:
_tile_overlayer_lowered:
.L_overlay_start_2:
0xce: {  	(tag) =	ssettag $0x2  }
0xcf: {  	s0 =	rddreg [dreg:$0x0];
	s2 =	stileid.u32  }
0xd0: {  	s1 =	rddreg [dreg:$0x1];
	p0 =	sne.s32 s2, $0x0  }
0xd1: {  	s3 =	rddreg [dreg:$0x2];
	[bflag:$0x3] =	sbarrier.arrive $0xFFFF;
	s2 =	simm.s32 @!p0 $0x1C02  }
0xd2: {  	[timem:s3], [sflag:s2] =	dma.local @!p0 [hbm:s0], s1  }
0xd3: {  	s0 =	simm.s32 @!p0 $0x2  }
0xd4: {  	_ =	swait.ge @!p0 [sflag:s0], s1  }
0xd5: {  	s1 =	ssub.s32 @!p0 $0x0, s1;
	[sflag:s0] =	ssyncset.done @!p0 $0x0  }
0xd6: {  	[sflag:s0] =	ssyncadd.s32 @!p0 s1  }
0xd7: {  	[bflag:$0x3] =	sbarrier.arrive $0xFFFF  }
0xd8: {  	_ =	shalt  }

// kernel: kernel.16.cloned.1.call-start
scs
__scs_entry_jumppad:
0x0: {  	(pc) =	sbr.rel $0x88, $3  }
0x1: {  	(tag) =	ssettag $0x0;
	lr =	simm.s32 $0x1  }
0x2: {  	[smem:$0x3F92] =	sst lr;
	_ =	strace $0xD0000000  }
0x3: {  	_ = 	snop  }
0x4: {  	_ = 	snop  }
0x5: {  	_ = 	snop  }
0x6: {  	_ = 	snop  }
0x7: {  	_ = 	snop  }
__scs_overlays_trampoline_lowered:
0x8: {  	[smem:$0x3FA1] =	sst s0  }
0x9: {  	[smem:$0x3FA2] =	sst s1  }
0xa: {  	[smem:$0x3FA3] =	sst s2  }
0xb: {  	[smem:$0x3FA4] =	sst s3  }
0xc: {  	[smem:$0x3FA5] =	sst s4  }
0xd: {  	[smem:$0x3FA6] =	sst s5  }
0xe: {  	[smem:$0x3FA7] =	sst s6  }
0xf: {  	[smem:$0x3FA8] =	sst s7  }
0x10: {  	[smem:$0x3FA9] =	sst s8  }
0x11: {  	[smem:$0x3FAA] =	sst s9;
	s0 =	simm.s32 @!p0 $0x0  }
0x12: {  	s1 =	sld [smem:$0x3F90];
	s0 =	simm.s32 @p0 $0x1  }
0x13: {  	[smem:$0x3FAB] =	sst s0;
	s0 =	simm.s32 @!p1 $0x0  }
0x14: {  	s2 =	sld [smem:$0x3F8F];
	s0 =	simm.s32 @p1 $0x1  }
0x15: {  	[smem:$0x3FAC] =	sst s0;
	s0 =	simm.s32 @!p2 $0x0  }
0x16: {  	s3 =	sld [smem:$0x3FDB];
	s0 =	simm.s32 @p2 $0x1  }
0x17: {  	s4 =	simm.s32 $0x1BF5;
	[smem:$0x3FAE] =	sst s0  }
0x18: {  	s0 =	sld [smem:$0x3F91];
	_ =	swait.ge [sflag:s4], $0x0  }
0x19: {  	s7 =	sld [smem:$0x3F92]  }
0x1a: {  	s8 =	sadd.s32 $0xFFFFE003, lr  }
0x1b: {  	s9 =	sadd.s32 $0xFFFFFEF7, lr;
	s5 =	simm.s32 $0xFFFFFFFF;
	p2 =	slt.u32 s8, $0xFFFFF086  }
0x1c: {  	p1 =	slt.u32 s9, $0xF7A;
	s5 =	simm.s32 @!p2 $0x0  }
0x1d: {  	s5 =	simm.s32 @p1 $0x1;
	p0 =	seq.s32 s7, s2  }
0x1e: {  	s7 =	smul.u32 @!p0 $0xF7A, s2;
	p2 =	seq.s32 @!p0 s5, $0x0  }
0x1f: {  	s9 =	smul.u32 $0xF7A, s1;
	s8 =	simm.s32 @!p0 $0x1BF5;
	p2 =	por !p2, p0  }
0x20: {  	[sflag:s8] =	ssyncset.s32 @!p0 $0xFFFFF086;
	s6 =	sadd.s32 @!p0 s3, s7;
	s7 =	simm.s32 @!p0 $0x108  }
0x21: {  	s3 =	sadd.s32 s3, s9;
	s6 =	sadd.s32 @!p0 $0x88, s6;
	s7 =	simm.s32 @p2 $0x1082  }
0x22: {  	[simem:s7], [sflag:s8] =	dma.local @!p0 [hbm:s6], $0xF7A  }
0x23: {  	s9 =	sor.u32 $0xD0000000, s2;
	s6 =	simm.s32 $0x108;
	_ =	swait.ge @!p0 [sflag:s8], $0x0  }
0x24: {  	s3 =	sadd.s32 $0x88, s3;
	s6 =	simm.s32 @!p1 $0x1082;
	[sflag:s4] =	ssyncset.s32 $0xFFFFF086  }
0x25: {  	[simem:s6], [sflag:s4] =	dma.local [hbm:s3], $0xF7A  }
0x26: {  	[smem:$0x3F92] =	sst s1;
	(tag) =	ssettag s2;
	_ =	strace s9  }
0x27: {  	s1 =	sld [smem:$0x3FA2]  }
0x28: {  	s2 =	sld [smem:$0x3FA3]  }
0x29: {  	s4 =	sld [smem:$0x3FA5]  }
0x2a: {  	p0 =	seq.s32 s5, $0x0;
	s5 =	sld [smem:$0x3FA6]  }
0x2b: {  	s6 =	sld [smem:$0x3FA7]  }
0x2c: {  	s7 =	sld [smem:$0x3FA8]  }
0x2d: {  	s3 =	simm.s32 $0x108;
	s8 =	sld [smem:$0x3FA9]  }
0x2e: {  	s3 =	simm.s32 @!p0 $0x1082;
	s9 =	sld [smem:$0x3FAA]  }
0x2f: {  	lr =	sadd.s32 s0, s3;
	s0 =	sld [smem:$0x3FA1]  }
0x30: {  	s3 =	sld [smem:$0x3FA4]  }
0x31: {  	[smem:$0x3FAD] =	sst s10  }
0x32: {  	s10 =	sld [smem:$0x3FAB];
	_ =	sdelay $0x3  }
0x33: {  	p0 =	seq.s32 s10, $0x1;
	s10 =	sld [smem:$0x3FAD];
	_ =	sdelay $0x3  }
0x34: {  	[smem:$0x3FAD] =	sst s10  }
0x35: {  	s10 =	sld [smem:$0x3FAC];
	_ =	sdelay $0x3  }
0x36: {  	p1 =	seq.s32 s10, $0x1;
	s10 =	sld [smem:$0x3FAD];
	_ =	sdelay $0x3  }
0x37: {  	[smem:$0x3FAD] =	sst s10  }
0x38: {  	s10 =	sld [smem:$0x3FAE]  }
0x39: {  	_ = 	snop;
	(pc) =	sbr.ind lr, $3  }
0x3a: {  	_ = 	snop  }
0x3b: {  	_ = 	snop  }
0x3c: {  	p2 =	seq.s32 s10, $0x1;
	s10 =	sld [smem:$0x3FAD]  }
0x3d: {  	_ =	shalt  }
0x3e: {  	_ =	shalt  }
0x3f: {  	_ =	shalt  }
0x40: {  	_ =	shalt  }
0x41: {  	_ =	shalt  }
0x42: {  	_ =	shalt  }
0x43: {  	_ =	shalt  }
0x44: {  	_ =	shalt  }
0x45: {  	_ =	shalt  }
0x46: {  	_ =	shalt  }
0x47: {  	_ =	shalt  }
0x48: {  	_ =	shalt  }
0x49: {  	_ =	shalt  }
0x4a: {  	_ =	shalt  }
0x4b: {  	_ =	shalt  }
0x4c: {  	_ =	shalt  }
0x4d: {  	_ =	shalt  }
0x4e: {  	_ =	shalt  }
0x4f: {  	_ =	shalt  }
0x50: {  	_ =	shalt  }
0x51: {  	_ =	shalt  }
0x52: {  	_ =	shalt  }
0x53: {  	_ =	shalt  }
0x54: {  	_ =	shalt  }
0x55: {  	_ =	shalt  }
0x56: {  	_ =	shalt  }
0x57: {  	_ =	shalt  }
0x58: {  	_ =	shalt  }
0x59: {  	_ =	shalt  }
0x5a: {  	_ =	shalt  }
0x5b: {  	_ =	shalt  }
0x5c: {  	_ =	shalt  }
0x5d: {  	_ =	shalt  }
0x5e: {  	_ =	shalt  }
0x5f: {  	_ =	shalt  }
0x60: {  	_ =	shalt  }
0x61: {  	_ =	shalt  }
0x62: {  	_ =	shalt  }
0x63: {  	_ =	shalt  }
0x64: {  	_ =	shalt  }
0x65: {  	_ =	shalt  }
0x66: {  	_ =	shalt  }
0x67: {  	_ =	shalt  }
0x68: {  	_ =	shalt  }
0x69: {  	_ =	shalt  }
0x6a: {  	_ =	shalt  }
0x6b: {  	_ =	shalt  }
0x6c: {  	_ =	shalt  }
0x6d: {  	_ =	shalt  }
0x6e: {  	_ =	shalt  }
0x6f: {  	_ =	shalt  }
0x70: {  	_ =	shalt  }
0x71: {  	_ =	shalt  }
0x72: {  	_ =	shalt  }
0x73: {  	_ =	shalt  }
0x74: {  	_ =	shalt  }
0x75: {  	_ =	shalt  }
0x76: {  	_ =	shalt  }
0x77: {  	_ =	shalt  }
0x78: {  	_ =	shalt  }
0x79: {  	_ =	shalt  }
0x7a: {  	_ =	shalt  }
0x7b: {  	_ =	shalt  }
0x7c: {  	_ =	shalt  }
0x7d: {  	_ =	shalt  }
0x7e: {  	_ =	shalt  }
0x7f: {  	_ =	shalt  }
0x80: {  	_ =	shalt  }
0x81: {  	_ =	shalt  }
0x82: {  	_ =	shalt  }
0x83: {  	_ =	shalt  }
0x84: {  	_ =	shalt  }
0x85: {  	_ =	shalt  }
0x86: {  	_ =	shalt  }
0x87: {  	_ =	shalt  }
.Lfunc_end0:
.L_simem_size_0:
called_computation.2_lowered:
.L_overlay_start_0:
0x88: {  	s2 =	sld [smem:$0x3FD9]  }
0x89: {  	s3 =	sld [smem:$0x3FFE];
	_ =	sdelay $0x1  }
0x8a: {  	s1 =	srdreg.scid  }
0x8b: {  	s0 =	sand.u32 $0x1, s1  }
0x8c: {  	s16 =	sshll.u32 s0, $0xA;
	s2 =	sadd.s32 s3, s2  }
0x8d: {  	s2 =	sadd.s32 s2, s16  }
0x8e: {  	[smem:$0x3FB9] =	sst s2  }
0x8f: {  	_ = 	snop  }
0x90: {  	(tm) =	ssettm $0x1  }
0x91: {  	s17 =	sld [smem:$0x3FFB];
	_ =	sdelay $0x3  }
0x92: {  	_ =	strace s17  }
0x93: {  	s2 =	sld [smem:$0x3FFC];
	_ =	sdelay $0x3  }
0x94: {  	_ =	strace s2  }
0x95: {  	s2 =	sld [smem:$0x3FFD];
	_ =	sdelay $0x3  }
0x96: {  	_ =	strace s2  }
0x97: {  	_ =	strace $0x8FFFFFFF  }
0x98: {  	s18 =	sld [smem:$0x3FDB];
	_ =	sdelay $0x1  }
0x99: {  	s19 =	simm.s32 $_scs_section_size  }
0x9a: {  	s4 =	simm.s32 $_size__tile_overlayer_lowered;
	s5 =	simm.s32 $_tile_overlayer_lowered  }
0x9b: {  	s22 =	simm.s32 $0x1BFF;
	s21 =	sshll.u32 s5, $0x1;
	s2 =	sadd.s32 s19, s18  }
0x9c: {  	s6 =	simm.s32 $0x0;
	s20 =	sshll.u32 s4, $0x1;
	s4 =	sadd.s32 s21, s2  }
0x9d: {  	[timem:s6], [sflag:s22] =	dma.local [hbm:s4], s20  }
0x9e: {  	_ =	swait.ge [sflag:s22], s20  }
0x9f: {  	s3 =	ssub.s32 $0x0, s20;
	[sflag:s22] =	ssyncset.done $0x0  }
0xa0: {  	[sflag:s22] =	ssyncadd.s32 s3;
	_ =	sdelay $0x1  }
0xa1: {  	s23 =	simm.s32 $0x1B8B  }
0xa2: {  	_ =	swait.ge [sflag:s23], $0x1  }
0xa3: {  	[sflag:s23] =	ssyncset.done $0x0  }
0xa4: {  	s25 =	simm.s32 $0x1B8E;
	s24 =	sld [smem:$0x3FFE];
	[sflag:s23] =	ssyncadd.s32 $0xFFFFFFFF  }
0xa5: {  	s26 =	simm.s32 $execute0_lowered;
	[smem:$0x3FD2] =	sst s25  }
0xa6: {  	s4 =	sshll.u32 s26, $0x1;
	_ =	strace $0x8000004C;
	[dreg:$0x1] =	wrdreg $0xFFFFFFFF  }
0xa7: {  	s28 =	simm.s32 $_size_execute0_lowered;
	s2 =	sadd.s32 s2, s4;
	[dreg:$0x0] =	wrdreg $0x0  }
0xa8: {  	s4 =	sshll.u32 s28, $0x1;
	[dreg:$0x2] =	wrdreg s2  }
0xa9: {  	[dreg:$0x3] =	wrdreg s4  }
0xaa: {  	[dreg:$0x4] =	wrdreg $0xC0  }
0xab: {  	_ =	task [dreg:s6], $0x5FFFF  }
0xac: {  	[dreg:$0x1] =	wrdreg $0xFFFFFFFF  }
0xad: {  	[dreg:$0x0] =	wrdreg $0x60  }
0xae: {  	[dreg:$0x2] =	wrdreg s24  }
0xaf: {  	[dreg:$0x3] =	wrdreg $0x91000  }
0xb0: {  	[dreg:$0x4] =	wrdreg $0x9  }
0xb1: {  	_ =	task.clear_ibuf [dreg:s6], $0x5FFFF;
	_ =	strace $0x9000004C  }
0xb2: {  	s29 =	simm.s32 $0x9;
	_ =	strace $0x8000004E  }
0xb3: {  	_ =	swait.ge [sflag:s29], $0x1  }
0xb4: {  	[sflag:s29] =	ssyncadd.s32 $0xFFFFFFFF  }
0xb5: {  	_ =	strace $0x9000004E  }
0xb6: {  	_ =	sfence  }
0xb7: {  	s30 =	sld [smem:$0x0];
	_ =	sdelay $0x2  }
0xb8: {  	s31 =	sshll.u32 s1, $0xD;
	s1 =	sshrl.u32 s1, $0x2  }
0xb9: {  	s3 =	sand.u32 $0x4000, s31;
	s1 =	sadd.s32 s1, s30  }
0xba: {  	s0 =	sor.u32 s3, s0;
	s1 =	sshll.u32 s1, $0x11  }
0xbb: {  	s0 =	sor.u32 s1, s0  }
0xbc: {  	s0 =	sadd.s32 $0x8F2B, s0  }
0xbd: {  	[sflag:s0] =	ssyncadd.remote.s32 $0x1  }
0xbe: {  	_ =	sfence.sel $0xFFFF  }
0xbf: {  	[dreg:$0x0] =	wrdreg $0xFFFFFFFF;
	(pc) =	sbr.abs _section_cstart, $3  }
0xc0: {  	[dreg:$0x1] =	wrdreg $0xFFFFFFFF  }
0xc1: {  	_ =	task.clear_ibuf [dreg:s6], $0x2FFFF;
	_ =	strace $0x9FFFFFFF  }
0xc2: {  	(tm) =	ssettm $0x7FFFFFFF  }
0xc3: {  	_ =	shalt  }
tec
execute0_lowered:
.L_overlay_start_1:
0x0: {  	(tag) =	ssettag $0x1  }
0x1: {  	s6 =	rddreg [dreg:$0x0]  }
0x2: {  	s0 =	srdreg.scid;
	s2 =	rddreg [dreg:$0x1]  }
0x3: {  	s3 =	simm.s32 $0x0;
	s17 =	simm.s32 $0x5100;
	s18 =	simm.s32 $0x2  }
0x4: {  	s19 =	simm.s32 $0x2880;
	s20 =	simm.s32 $0x80;
	s21 =	simm.s32 $0x2800  }
0x5: {  	s22 =	simm.s32 $0x1;
	s5 =	sand.u32 $0x1, s0;
	s0 =	stileid.u32  }
0x6: {  	s23 =	simm.s32 $0x5080;
	[smem:$0x7FF] =	sst s3;
	s7 =	smul.u32 $0x2800, s0  }
0x7: {  	s1 =	sshll.u32 s5, $0x4;
	s8 =	smul.u32 $0x28000, s5;
	s5 =	ssub.s32 $0x2, s5  }
0x8: {  	s9 =	smul.u32 $0x50000, s0;
	s1 =	sor.u32 s0, s1;
	s31 =	sshrl.u32 s5, $0x1  }
0x9: {  	s4 =	smul.u32 $0x500, s1;
	s1 =	rddreg [dreg:$0x2];
	_ =	strace $0x8000004D  }
0xa: {  	s7 =	sadd.s32 s7, s8;
	s9 =	sshrl.u32 s9, $0x2;
	s16 =	ssub.s32 s5, s31  }
0xb: {  	s15 =	sadd.s32 s7, s6;
	s5 =	sadd.s32 s9, s2;
	s16 =	smax.u32 s16, $0x1  }
0xc: {  	s14 =	sadd.s32 s4, s6;
	s4 =	sadd.s32 $0xE200, s6;
	s6 =	sadd.s32 $0x2800, s5  }
0xd: {  	s7 =	sadd.s32 $0x5000, s5;
	s8 =	sadd.s32 $0x7800, s5;
	s9 =	sadd.s32 $0xA000, s5  }
0xe: {  	s10 =	sadd.s32 $0xC800, s5;
	s11 =	sadd.s32 $0xF000, s5;
	s12 =	sadd.s32 $0x11800, s5  }
0xf: {  	v0 =	vimm.f32 $0.0e+00;
	s15 =	sadd.s32 $0x68200, s15;
	s13 =	sadd.s32 $0x5E200, s14;
	s14 =	sadd.s32 $0x4200, s14  }
.LBB2_1:
0x10: {  	s24 =	simm.s32 $0x0;
	s25 =	simm.s32 $0x200  }
.LBB2_2:
0x11: {  	p0 =	sne.s32 s25, $0x9E00;
	[tilespmem:s24+$0x5170] =	vst v0  }
0x12: {  	[tilespmem:s24+$0x5100] =	vst v0  }
0x13: {  	[tilespmem:s24+$0x5110] =	vst v0  }
.Ltmp0:
0x14: {  	[tilespmem:s24+$0x5120] =	vst v0;
	(pc) =	sbr.rel @p0 .LBB2_2-.Ltmp0, $4  }
0x15: {  	[tilespmem:s24+$0x5130] =	vst v0  }
0x16: {  	[tilespmem:s24+$0x5140] =	vst v0  }
0x17: {  	[tilespmem:s24+$0x5150] =	vst v0  }
0x18: {  	[tilespmem:s24+$0x5160] =	vst v0;
	s24 =	sshra.s32 s25, $0x2;
	s25 =	sadd.s32 $0x200, s25  }
0x19: {  	[tilespmem:s24+$0x5170] =	vst v0  }
0x1a: {  	[tilespmem:s24+$0x5100] =	vst v0  }
0x1b: {  	[tilespmem:s24+$0x5110] =	vst v0  }
0x1c: {  	[tilespmem:s24+$0x5120] =	vst v0  }
0x1d: {  	[tilespmem:s24+$0x5130] =	vst v0  }
0x1e: {  	[tilespmem:s24+$0x5140] =	vst v0  }
0x1f: {  	[tilespmem:s24+$0x5150] =	vst v0  }
0x20: {  	[tilespmem:s24+$0x5160] =	vst v0  }
0x21: {  	[spmem:s5] =	stream.linear.scatter [tilespmem:s17], [sflag:$0x2], $0x2800, $0x38;
	[tilespmem:$0x1D100] =	vst v63  }
0x22: {  	_ =	swait.ge [sflag:s18], $0x2800  }
0x23: {  	[sflag:s18] =	ssyncset.done $0x0  }
0x24: {  	[sflag:s18] =	ssyncadd.s32 $0xFFFFD800  }
0x25: {  	[spmem:s6] =	stream.linear.scatter [tilespmem:s17], [sflag:$0x2], $0x2800, $0x38;
	[tilespmem:$0x1D100] =	vst v63  }
0x26: {  	_ =	swait.ge [sflag:s18], $0x2800  }
0x27: {  	[sflag:s18] =	ssyncset.done $0x0  }
0x28: {  	[sflag:s18] =	ssyncadd.s32 $0xFFFFD800  }
0x29: {  	[spmem:s7] =	stream.linear.scatter [tilespmem:s17], [sflag:$0x2], $0x2800, $0x38;
	[tilespmem:$0x1D100] =	vst v63  }
0x2a: {  	_ =	swait.ge [sflag:s18], $0x2800  }
0x2b: {  	[sflag:s18] =	ssyncset.done $0x0  }
0x2c: {  	[sflag:s18] =	ssyncadd.s32 $0xFFFFD800  }
0x2d: {  	[spmem:s8] =	stream.linear.scatter [tilespmem:s17], [sflag:$0x2], $0x2800, $0x38;
	[tilespmem:$0x1D100] =	vst v63  }
0x2e: {  	_ =	swait.ge [sflag:s18], $0x2800  }
0x2f: {  	[sflag:s18] =	ssyncset.done $0x0  }
0x30: {  	[sflag:s18] =	ssyncadd.s32 $0xFFFFD800  }
0x31: {  	[spmem:s9] =	stream.linear.scatter [tilespmem:s17], [sflag:$0x2], $0x2800, $0x38;
	[tilespmem:$0x1D100] =	vst v63  }
0x32: {  	_ =	swait.ge [sflag:s18], $0x2800  }
0x33: {  	[sflag:s18] =	ssyncset.done $0x0  }
0x34: {  	[sflag:s18] =	ssyncadd.s32 $0xFFFFD800  }
0x35: {  	[spmem:s10] =	stream.linear.scatter [tilespmem:s17], [sflag:$0x2], $0x2800, $0x38;
	[tilespmem:$0x1D100] =	vst v63  }
0x36: {  	_ =	swait.ge [sflag:s18], $0x2800  }
0x37: {  	[sflag:s18] =	ssyncset.done $0x0  }
0x38: {  	[sflag:s18] =	ssyncadd.s32 $0xFFFFD800  }
0x39: {  	[spmem:s11] =	stream.linear.scatter [tilespmem:s17], [sflag:$0x2], $0x2800, $0x38;
	[tilespmem:$0x1D100] =	vst v63  }
0x3a: {  	_ =	swait.ge [sflag:s18], $0x2800  }
0x3b: {  	[sflag:s18] =	ssyncset.done $0x0  }
0x3c: {  	[sflag:s18] =	ssyncadd.s32 $0xFFFFD800  }
0x3d: {  	[spmem:s12] =	stream.linear.scatter [tilespmem:s17], [sflag:$0x2], $0x2800, $0x38;
	[tilespmem:$0x1D100] =	vst v63  }
0x3e: {  	_ =	swait.ge [sflag:s18], $0x2800  }
0x3f: {  	[sflag:s18] =	ssyncset.done $0x0  }
0x40: {  	s30 =	simm.s32 $0x0;
	[sflag:s18] =	ssyncadd.s32 $0xFFFFD800  }
0x41: {  	[tilespmem:s30], [sflag:$0x2] =	stream.linear.gather [hbm4b:s13+s30], $0x2800, $0x38;
	[tilespmem:$0x1D100] =	vst v63  }
0x42: {  	_ =	swait.ge [sflag:s18], $0x2800  }
0x43: {  	[sflag:s18] =	ssyncset.done $0x0  }
0x44: {  	[sflag:s18] =	ssyncadd.s32 $0xFFFFD800  }
0x45: {  	[tilespmem:s19], [sflag:$0x2] =	stream.linear.gather [hbm4b:s14+s30], $0x2800, $0x38;
	[tilespmem:$0x1D100] =	vst v63  }
0x46: {  	_ =	swait.ge [sflag:s18], $0x2800  }
0x47: {  	[sflag:s18] =	ssyncset.done $0x0  }
0x48: {  	[sflag:s18] =	ssyncadd.s32 $0xFFFFD800  }
0x49: {  	s31 =	simm.s32 $0x0;
	[bflag:$0x0] =	sbarrier.arrive $0xFFFF  }
0x4a: {  	v1 =	vld [tilespmem:s31+$0x0];
	_ =	sdelay $0x4  }
0x4b: {  	[tilespmem:$0x2800] =	vst v1  }
0x4c: {  	v1 =	vld [tilespmem:s31+$0x10];
	_ =	sdelay $0x4  }
0x4d: {  	[tilespmem:$0x2810] =	vst v1  }
0x4e: {  	v1 =	vld [tilespmem:s31+$0x20];
	_ =	sdelay $0x4  }
0x4f: {  	[tilespmem:$0x2820] =	vst v1  }
0x50: {  	v1 =	vld [tilespmem:s31+$0x30];
	_ =	sdelay $0x4  }
0x51: {  	[tilespmem:$0x2830] =	vst v1  }
0x52: {  	v1 =	vld [tilespmem:s31+$0x40];
	_ =	sdelay $0x4  }
0x53: {  	[tilespmem:$0x2840] =	vst v1  }
0x54: {  	v1 =	vld [tilespmem:s31+$0x50];
	_ =	sdelay $0x4  }
0x55: {  	[tilespmem:$0x2850] =	vst v1  }
0x56: {  	v1 =	vld [tilespmem:s31+$0x60];
	_ =	sdelay $0x4  }
0x57: {  	[tilespmem:$0x2860] =	vst v1  }
0x58: {  	v1 =	vld [tilespmem:s31+$0x70];
	_ =	sdelay $0x4  }
0x59: {  	[tilespmem:$0x2870] =	vst v1  }
0x5a: {  	[tilespmem:s17], [sflag:$0x1] =	stream.indirect.gather [hbm4b:s4+s20], $0x80, s21, s20, $0xb8;
	[tilespmem:$0x1D100] =	vst v63  }
0x5b: {  	_ =	swait.ge [sflag:s22], $0x4000  }
0x5c: {  	[sflag:s22] =	ssyncset.done $0x0  }
0x5d: {  	[sflag:s22] =	ssyncadd.s32 $0xFFFFC000  }
0x5e: {  	v1 =	vld [tilespmem:s31+$0x2880];
	_ =	sdelay $0x4  }
0x5f: {  	[tilespmem:$0x5080] =	vst v1  }
0x60: {  	v1 =	vld [tilespmem:s31+$0x2890];
	_ =	sdelay $0x4  }
0x61: {  	[tilespmem:$0x5090] =	vst v1  }
0x62: {  	v1 =	vld [tilespmem:s31+$0x28A0];
	_ =	sdelay $0x4  }
0x63: {  	[tilespmem:$0x50A0] =	vst v1  }
0x64: {  	v1 =	vld [tilespmem:s31+$0x28B0];
	_ =	sdelay $0x4  }
0x65: {  	[tilespmem:$0x50B0] =	vst v1  }
0x66: {  	v1 =	vld [tilespmem:s31+$0x28C0];
	_ =	sdelay $0x4  }
0x67: {  	[tilespmem:$0x50C0] =	vst v1  }
0x68: {  	v1 =	vld [tilespmem:s31+$0x28D0];
	_ =	sdelay $0x4  }
0x69: {  	[tilespmem:$0x50D0] =	vst v1  }
0x6a: {  	v1 =	vld [tilespmem:s31+$0x28E0];
	_ =	sdelay $0x4  }
0x6b: {  	[tilespmem:$0x50E0] =	vst v1  }
0x6c: {  	v1 =	vld [tilespmem:s31+$0x28F0];
	_ =	sdelay $0x4  }
0x6d: {  	[tilespmem:$0x50F0] =	vst v1  }
0x6e: {  	[spmem:s2] =	stream.indirect.scatter.add.f32 [tilespmem:s17], [sflag:$0x2], $0x80, s23, s20, $0xb8;
	[tilespmem:$0x1D100] =	vst v63  }
0x6f: {  	_ =	swait.ge [sflag:s18], $0x4000  }
0x70: {  	s24 =	simm.s32 $0x200;
	s28 =	simm.s32 $0x400;
	[sflag:s18] =	ssyncset.done $0x0  }
.LBB2_4:
0x71: {  	s26 =	sshra.s32 s24, $0x2  }
0x72: {  	[sflag:s18] =	ssyncadd.s32 $0xFFFFC000;
	s24 =	smov.u32 s28;
	s25 =	sadd.s32 $0x200, s28  }
0x73: {  	p0 =	sne.s32 s28, $0x9E00;
	v1 =	vld [tilespmem:s26+$0x0];
	_ =	sdelay $0x4  }
0x74: {  	[tilespmem:$0x2800] =	vst v1  }
0x75: {  	v1 =	vld [tilespmem:s26+$0x10];
	_ =	sdelay $0x4  }
0x76: {  	[tilespmem:$0x2810] =	vst v1  }
0x77: {  	v1 =	vld [tilespmem:s26+$0x20];
	_ =	sdelay $0x4  }
0x78: {  	[tilespmem:$0x2820] =	vst v1  }
0x79: {  	v1 =	vld [tilespmem:s26+$0x30];
	_ =	sdelay $0x4  }
0x7a: {  	[tilespmem:$0x2830] =	vst v1  }
0x7b: {  	v1 =	vld [tilespmem:s26+$0x40];
	_ =	sdelay $0x4  }
0x7c: {  	[tilespmem:$0x2840] =	vst v1  }
0x7d: {  	v1 =	vld [tilespmem:s26+$0x50];
	_ =	sdelay $0x4  }
0x7e: {  	[tilespmem:$0x2850] =	vst v1  }
0x7f: {  	v1 =	vld [tilespmem:s26+$0x60];
	_ =	sdelay $0x4  }
0x80: {  	[tilespmem:$0x2860] =	vst v1  }
0x81: {  	v1 =	vld [tilespmem:s26+$0x70];
	_ =	sdelay $0x4  }
0x82: {  	[tilespmem:$0x2870] =	vst v1  }
0x83: {  	[tilespmem:s17], [sflag:$0x1] =	stream.indirect.gather [hbm4b:s4+s20], $0x80, s21, s20, $0xb8;
	[tilespmem:$0x1D100] =	vst v63  }
0x84: {  	_ =	swait.ge [sflag:s22], $0x4000  }
0x85: {  	[sflag:s22] =	ssyncset.done $0x0  }
0x86: {  	[sflag:s22] =	ssyncadd.s32 $0xFFFFC000  }
0x87: {  	v1 =	vld [tilespmem:s26+$0x2880];
	_ =	sdelay $0x4  }
0x88: {  	[tilespmem:$0x5080] =	vst v1  }
0x89: {  	v1 =	vld [tilespmem:s26+$0x2890];
	_ =	sdelay $0x4  }
0x8a: {  	[tilespmem:$0x5090] =	vst v1  }
0x8b: {  	v1 =	vld [tilespmem:s26+$0x28A0];
	_ =	sdelay $0x4  }
0x8c: {  	[tilespmem:$0x50A0] =	vst v1  }
0x8d: {  	v1 =	vld [tilespmem:s26+$0x28B0];
	_ =	sdelay $0x4  }
0x8e: {  	[tilespmem:$0x50B0] =	vst v1  }
0x8f: {  	v1 =	vld [tilespmem:s26+$0x28C0];
	_ =	sdelay $0x4  }
0x90: {  	[tilespmem:$0x50C0] =	vst v1  }
0x91: {  	v1 =	vld [tilespmem:s26+$0x28D0];
	_ =	sdelay $0x4  }
0x92: {  	[tilespmem:$0x50D0] =	vst v1  }
0x93: {  	v1 =	vld [tilespmem:s26+$0x28E0];
	_ =	sdelay $0x4  }
0x94: {  	[tilespmem:$0x50E0] =	vst v1  }
0x95: {  	v1 =	vld [tilespmem:s26+$0x28F0];
	_ =	sdelay $0x3  }
.Ltmp1:
0x96: {  	(pc) =	sbr.rel @p0 .LBB2_4-.Ltmp1, $4  }
0x97: {  	[tilespmem:$0x50F0] =	vst v1  }
0x98: {  	[spmem:s2] =	stream.indirect.scatter.add.f32 [tilespmem:s17], [sflag:$0x2], $0x80, s23, s20, $0xb8;
	[tilespmem:$0x1D100] =	vst v63  }
0x99: {  	_ =	swait.ge [sflag:s18], $0x4000  }
0x9a: {  	s28 =	smov.u32 s25;
	[sflag:s18] =	ssyncset.done $0x0  }
0x9b: {  	s24 =	sshra.s32 s24, $0x2;
	[sflag:s18] =	ssyncadd.s32 $0xFFFFC000  }
0x9c: {  	v1 =	vld [tilespmem:s24+$0x0];
	_ =	sdelay $0x4  }
0x9d: {  	[tilespmem:$0x2800] =	vst v1  }
0x9e: {  	v1 =	vld [tilespmem:s24+$0x10];
	_ =	sdelay $0x4  }
0x9f: {  	[tilespmem:$0x2810] =	vst v1  }
0xa0: {  	v1 =	vld [tilespmem:s24+$0x20];
	_ =	sdelay $0x4  }
0xa1: {  	[tilespmem:$0x2820] =	vst v1  }
0xa2: {  	v1 =	vld [tilespmem:s24+$0x30];
	_ =	sdelay $0x4  }
0xa3: {  	[tilespmem:$0x2830] =	vst v1  }
0xa4: {  	v1 =	vld [tilespmem:s24+$0x40];
	_ =	sdelay $0x4  }
0xa5: {  	[tilespmem:$0x2840] =	vst v1  }
0xa6: {  	v1 =	vld [tilespmem:s24+$0x50];
	_ =	sdelay $0x4  }
0xa7: {  	[tilespmem:$0x2850] =	vst v1  }
0xa8: {  	v1 =	vld [tilespmem:s24+$0x60];
	_ =	sdelay $0x4  }
0xa9: {  	[tilespmem:$0x2860] =	vst v1  }
0xaa: {  	v1 =	vld [tilespmem:s24+$0x70];
	_ =	sdelay $0x4  }
0xab: {  	[tilespmem:$0x2870] =	vst v1  }
0xac: {  	[tilespmem:s17], [sflag:$0x1] =	stream.indirect.gather [hbm4b:s4+s20], $0x80, s21, s20, $0xb8;
	[tilespmem:$0x1D100] =	vst v63  }
0xad: {  	_ =	swait.ge [sflag:s22], $0x4000  }
0xae: {  	[sflag:s22] =	ssyncset.done $0x0  }
0xaf: {  	[sflag:s22] =	ssyncadd.s32 $0xFFFFC000  }
0xb0: {  	v1 =	vld [tilespmem:s24+$0x2880];
	_ =	sdelay $0x4  }
0xb1: {  	[tilespmem:$0x5080] =	vst v1  }
0xb2: {  	v1 =	vld [tilespmem:s24+$0x2890];
	_ =	sdelay $0x4  }
0xb3: {  	[tilespmem:$0x5090] =	vst v1  }
0xb4: {  	v1 =	vld [tilespmem:s24+$0x28A0];
	_ =	sdelay $0x4  }
0xb5: {  	[tilespmem:$0x50A0] =	vst v1  }
0xb6: {  	v1 =	vld [tilespmem:s24+$0x28B0];
	_ =	sdelay $0x4  }
0xb7: {  	[tilespmem:$0x50B0] =	vst v1  }
0xb8: {  	v1 =	vld [tilespmem:s24+$0x28C0];
	_ =	sdelay $0x4  }
0xb9: {  	[tilespmem:$0x50C0] =	vst v1  }
0xba: {  	v1 =	vld [tilespmem:s24+$0x28D0];
	_ =	sdelay $0x4  }
0xbb: {  	[tilespmem:$0x50D0] =	vst v1  }
0xbc: {  	v1 =	vld [tilespmem:s24+$0x28E0];
	_ =	sdelay $0x4  }
0xbd: {  	[tilespmem:$0x50E0] =	vst v1  }
0xbe: {  	v1 =	vld [tilespmem:s24+$0x28F0];
	_ =	sdelay $0x4  }
0xbf: {  	[tilespmem:$0x50F0] =	vst v1  }
0xc0: {  	[spmem:s2] =	stream.indirect.scatter.add.f32 [tilespmem:s17], [sflag:$0x2], $0x80, s23, s20, $0xb8;
	[tilespmem:$0x1D100] =	vst v63  }
0xc1: {  	_ =	swait.ge [sflag:s18], $0x4000  }
0xc2: {  	s31 =	sshll.u32 s0, $0x6;
	s3 =	sadd.s32 $0x1, s3;
	[sflag:s18] =	ssyncset.done $0x0  }
0xc3: {  	s25 =	sshrl.u32 s5, $0x3;
	p0 =	sne.s32 s3, s16;
	[sflag:s18] =	ssyncadd.s32 $0xFFFFC000  }
.Ltmp2:
0xc4: {  	s24 =	sor.u32 $0x1C02, s31;
	[bflag:$0x0] =	sbarrier.arrive $0xFFFF;
	(pc) =	sbr.rel @p0 .LBB2_1-.Ltmp2, $4  }
0xc5: {  	[hbm:s15], [sflag:s24] =	dma.local [spmem:s25], $0x2800  }
0xc6: {  	_ =	swait.ge [sflag:s18], $0x2800  }
0xc7: {  	[sflag:s18] =	ssyncset.done $0x0  }
0xc8: {  	[sflag:s18] =	ssyncadd.s32 $0xFFFFD800  }
0xc9: {  	_ =	sfence.sel $0x180000  }
0xca: {  	[bflag:$0x0] =	sbarrier.arrive $0xFFFF  }
0xcb: {  	p0 =	sne.s32 s0, $0x0;
	_ =	strace $0x9000004D  }
0xcc: {  	s0 =	sadd.s32 @!p0 $0x100000, s1;
	[bflag:$0x2] =	sbarrier.arrive $0xFFFF  }
0xcd: {  	[sflag:s0] =	ssyncadd.tile.s32 @!p0 $0x1;
	_ =	shalt  }
.Lfunc_end2:
_tile_overlayer_lowered:
.L_overlay_start_2:
0xce: {  	(tag) =	ssettag $0x2  }
0xcf: {  	s0 =	rddreg [dreg:$0x0];
	s2 =	stileid.u32  }
0xd0: {  	s1 =	rddreg [dreg:$0x1];
	p0 =	sne.s32 s2, $0x0  }
0xd1: {  	s3 =	rddreg [dreg:$0x2];
	[bflag:$0x3] =	sbarrier.arrive $0xFFFF;
	s2 =	simm.s32 @!p0 $0x1C02  }
0xd2: {  	[timem:s3], [sflag:s2] =	dma.local @!p0 [hbm:s0], s1  }
0xd3: {  	s0 =	simm.s32 @!p0 $0x2  }
0xd4: {  	_ =	swait.ge @!p0 [sflag:s0], s1  }
0xd5: {  	s1 =	ssub.s32 @!p0 $0x0, s1;
	[sflag:s0] =	ssyncset.done @!p0 $0x0  }
0xd6: {  	[sflag:s0] =	ssyncadd.s32 @!p0 s1  }
0xd7: {  	[bflag:$0x3] =	sbarrier.arrive $0xFFFF  }
0xd8: {  	_ =	shalt  }

// kernel: kernel.19.cloned.1.call-start
scs
__scs_entry_jumppad:
0x0: {  	(pc) =	sbr.rel $0x88, $3  }
0x1: {  	(tag) =	ssettag $0x0;
	lr =	simm.s32 $0x1  }
0x2: {  	[smem:$0x3F92] =	sst lr;
	_ =	strace $0xD0000000  }
0x3: {  	_ = 	snop  }
0x4: {  	_ = 	snop  }
0x5: {  	_ = 	snop  }
0x6: {  	_ = 	snop  }
0x7: {  	_ = 	snop  }
__scs_overlays_trampoline_lowered:
0x8: {  	[smem:$0x3FA1] =	sst s0  }
0x9: {  	[smem:$0x3FA2] =	sst s1  }
0xa: {  	[smem:$0x3FA3] =	sst s2  }
0xb: {  	[smem:$0x3FA4] =	sst s3  }
0xc: {  	[smem:$0x3FA5] =	sst s4  }
0xd: {  	[smem:$0x3FA6] =	sst s5  }
0xe: {  	[smem:$0x3FA7] =	sst s6  }
0xf: {  	[smem:$0x3FA8] =	sst s7  }
0x10: {  	[smem:$0x3FA9] =	sst s8  }
0x11: {  	[smem:$0x3FAA] =	sst s9;
	s0 =	simm.s32 @!p0 $0x0  }
0x12: {  	s1 =	sld [smem:$0x3F90];
	s0 =	simm.s32 @p0 $0x1  }
0x13: {  	[smem:$0x3FAB] =	sst s0;
	s0 =	simm.s32 @!p1 $0x0  }
0x14: {  	s2 =	sld [smem:$0x3F8F];
	s0 =	simm.s32 @p1 $0x1  }
0x15: {  	[smem:$0x3FAC] =	sst s0;
	s0 =	simm.s32 @!p2 $0x0  }
0x16: {  	s3 =	sld [smem:$0x3FDB];
	s0 =	simm.s32 @p2 $0x1  }
0x17: {  	s4 =	simm.s32 $0x1BF5;
	[smem:$0x3FAE] =	sst s0  }
0x18: {  	s0 =	sld [smem:$0x3F91];
	_ =	swait.ge [sflag:s4], $0x0  }
0x19: {  	s7 =	sld [smem:$0x3F92]  }
0x1a: {  	s8 =	sadd.s32 $0xFFFFE003, lr  }
0x1b: {  	s9 =	sadd.s32 $0xFFFFFEF7, lr;
	s5 =	simm.s32 $0xFFFFFFFF;
	p2 =	slt.u32 s8, $0xFFFFF086  }
0x1c: {  	p1 =	slt.u32 s9, $0xF7A;
	s5 =	simm.s32 @!p2 $0x0  }
0x1d: {  	s5 =	simm.s32 @p1 $0x1;
	p0 =	seq.s32 s7, s2  }
0x1e: {  	s7 =	smul.u32 @!p0 $0xF7A, s2;
	p2 =	seq.s32 @!p0 s5, $0x0  }
0x1f: {  	s9 =	smul.u32 $0xF7A, s1;
	s8 =	simm.s32 @!p0 $0x1BF5;
	p2 =	por !p2, p0  }
0x20: {  	[sflag:s8] =	ssyncset.s32 @!p0 $0xFFFFF086;
	s6 =	sadd.s32 @!p0 s3, s7;
	s7 =	simm.s32 @!p0 $0x108  }
0x21: {  	s3 =	sadd.s32 s3, s9;
	s6 =	sadd.s32 @!p0 $0x88, s6;
	s7 =	simm.s32 @p2 $0x1082  }
0x22: {  	[simem:s7], [sflag:s8] =	dma.local @!p0 [hbm:s6], $0xF7A  }
0x23: {  	s9 =	sor.u32 $0xD0000000, s2;
	s6 =	simm.s32 $0x108;
	_ =	swait.ge @!p0 [sflag:s8], $0x0  }
0x24: {  	s3 =	sadd.s32 $0x88, s3;
	s6 =	simm.s32 @!p1 $0x1082;
	[sflag:s4] =	ssyncset.s32 $0xFFFFF086  }
0x25: {  	[simem:s6], [sflag:s4] =	dma.local [hbm:s3], $0xF7A  }
0x26: {  	[smem:$0x3F92] =	sst s1;
	(tag) =	ssettag s2;
	_ =	strace s9  }
0x27: {  	s1 =	sld [smem:$0x3FA2]  }
0x28: {  	s2 =	sld [smem:$0x3FA3]  }
0x29: {  	s4 =	sld [smem:$0x3FA5]  }
0x2a: {  	p0 =	seq.s32 s5, $0x0;
	s5 =	sld [smem:$0x3FA6]  }
0x2b: {  	s6 =	sld [smem:$0x3FA7]  }
0x2c: {  	s7 =	sld [smem:$0x3FA8]  }
0x2d: {  	s3 =	simm.s32 $0x108;
	s8 =	sld [smem:$0x3FA9]  }
0x2e: {  	s3 =	simm.s32 @!p0 $0x1082;
	s9 =	sld [smem:$0x3FAA]  }
0x2f: {  	lr =	sadd.s32 s0, s3;
	s0 =	sld [smem:$0x3FA1]  }
0x30: {  	s3 =	sld [smem:$0x3FA4]  }
0x31: {  	[smem:$0x3FAD] =	sst s10  }
0x32: {  	s10 =	sld [smem:$0x3FAB];
	_ =	sdelay $0x3  }
0x33: {  	p0 =	seq.s32 s10, $0x1;
	s10 =	sld [smem:$0x3FAD];
	_ =	sdelay $0x3  }
0x34: {  	[smem:$0x3FAD] =	sst s10  }
0x35: {  	s10 =	sld [smem:$0x3FAC];
	_ =	sdelay $0x3  }
0x36: {  	p1 =	seq.s32 s10, $0x1;
	s10 =	sld [smem:$0x3FAD];
	_ =	sdelay $0x3  }
0x37: {  	[smem:$0x3FAD] =	sst s10  }
0x38: {  	s10 =	sld [smem:$0x3FAE]  }
0x39: {  	_ = 	snop;
	(pc) =	sbr.ind lr, $3  }
0x3a: {  	_ = 	snop  }
0x3b: {  	_ = 	snop  }
0x3c: {  	p2 =	seq.s32 s10, $0x1;
	s10 =	sld [smem:$0x3FAD]  }
0x3d: {  	_ =	shalt  }
0x3e: {  	_ =	shalt  }
0x3f: {  	_ =	shalt  }
0x40: {  	_ =	shalt  }
0x41: {  	_ =	shalt  }
0x42: {  	_ =	shalt  }
0x43: {  	_ =	shalt  }
0x44: {  	_ =	shalt  }
0x45: {  	_ =	shalt  }
0x46: {  	_ =	shalt  }
0x47: {  	_ =	shalt  }
0x48: {  	_ =	shalt  }
0x49: {  	_ =	shalt  }
0x4a: {  	_ =	shalt  }
0x4b: {  	_ =	shalt  }
0x4c: {  	_ =	shalt  }
0x4d: {  	_ =	shalt  }
0x4e: {  	_ =	shalt  }
0x4f: {  	_ =	shalt  }
0x50: {  	_ =	shalt  }
0x51: {  	_ =	shalt  }
0x52: {  	_ =	shalt  }
0x53: {  	_ =	shalt  }
0x54: {  	_ =	shalt  }
0x55: {  	_ =	shalt  }
0x56: {  	_ =	shalt  }
0x57: {  	_ =	shalt  }
0x58: {  	_ =	shalt  }
0x59: {  	_ =	shalt  }
0x5a: {  	_ =	shalt  }
0x5b: {  	_ =	shalt  }
0x5c: {  	_ =	shalt  }
0x5d: {  	_ =	shalt  }
0x5e: {  	_ =	shalt  }
0x5f: {  	_ =	shalt  }
0x60: {  	_ =	shalt  }
0x61: {  	_ =	shalt  }
0x62: {  	_ =	shalt  }
0x63: {  	_ =	shalt  }
0x64: {  	_ =	shalt  }
0x65: {  	_ =	shalt  }
0x66: {  	_ =	shalt  }
0x67: {  	_ =	shalt  }
0x68: {  	_ =	shalt  }
0x69: {  	_ =	shalt  }
0x6a: {  	_ =	shalt  }
0x6b: {  	_ =	shalt  }
0x6c: {  	_ =	shalt  }
0x6d: {  	_ =	shalt  }
0x6e: {  	_ =	shalt  }
0x6f: {  	_ =	shalt  }
0x70: {  	_ =	shalt  }
0x71: {  	_ =	shalt  }
0x72: {  	_ =	shalt  }
0x73: {  	_ =	shalt  }
0x74: {  	_ =	shalt  }
0x75: {  	_ =	shalt  }
0x76: {  	_ =	shalt  }
0x77: {  	_ =	shalt  }
0x78: {  	_ =	shalt  }
0x79: {  	_ =	shalt  }
0x7a: {  	_ =	shalt  }
0x7b: {  	_ =	shalt  }
0x7c: {  	_ =	shalt  }
0x7d: {  	_ =	shalt  }
0x7e: {  	_ =	shalt  }
0x7f: {  	_ =	shalt  }
0x80: {  	_ =	shalt  }
0x81: {  	_ =	shalt  }
0x82: {  	_ =	shalt  }
0x83: {  	_ =	shalt  }
0x84: {  	_ =	shalt  }
0x85: {  	_ =	shalt  }
0x86: {  	_ =	shalt  }
0x87: {  	_ =	shalt  }
.Lfunc_end0:
.L_simem_size_0:
called_computation.3_lowered:
.L_overlay_start_0:
0x88: {  	s2 =	sld [smem:$0x3FD9]  }
0x89: {  	s3 =	sld [smem:$0x3FFE];
	_ =	sdelay $0x1  }
0x8a: {  	s1 =	srdreg.scid  }
0x8b: {  	s0 =	sand.u32 $0x1, s1  }
0x8c: {  	s16 =	sshll.u32 s0, $0xA;
	s2 =	sadd.s32 s3, s2  }
0x8d: {  	s2 =	sadd.s32 s2, s16  }
0x8e: {  	[smem:$0x3FB9] =	sst s2  }
0x8f: {  	_ = 	snop  }
0x90: {  	(tm) =	ssettm $0x1  }
0x91: {  	s17 =	sld [smem:$0x3FFB];
	_ =	sdelay $0x3  }
0x92: {  	_ =	strace s17  }
0x93: {  	s2 =	sld [smem:$0x3FFC];
	_ =	sdelay $0x3  }
0x94: {  	_ =	strace s2  }
0x95: {  	s2 =	sld [smem:$0x3FFD];
	_ =	sdelay $0x3  }
0x96: {  	_ =	strace s2  }
0x97: {  	_ =	strace $0x8FFFFFFF  }
0x98: {  	s18 =	sld [smem:$0x3FDB];
	_ =	sdelay $0x1  }
0x99: {  	s19 =	simm.s32 $_scs_section_size  }
0x9a: {  	s4 =	simm.s32 $_size__tile_overlayer_lowered;
	s5 =	simm.s32 $_tile_overlayer_lowered  }
0x9b: {  	s22 =	simm.s32 $0x1BFF;
	s21 =	sshll.u32 s5, $0x1;
	s2 =	sadd.s32 s19, s18  }
0x9c: {  	s6 =	simm.s32 $0x0;
	s20 =	sshll.u32 s4, $0x1;
	s4 =	sadd.s32 s21, s2  }
0x9d: {  	[timem:s6], [sflag:s22] =	dma.local [hbm:s4], s20  }
0x9e: {  	_ =	swait.ge [sflag:s22], s20  }
0x9f: {  	s3 =	ssub.s32 $0x0, s20;
	[sflag:s22] =	ssyncset.done $0x0  }
0xa0: {  	[sflag:s22] =	ssyncadd.s32 s3;
	_ =	sdelay $0x1  }
0xa1: {  	s23 =	simm.s32 $0x1B8B  }
0xa2: {  	_ =	swait.ge [sflag:s23], $0x1  }
0xa3: {  	[sflag:s23] =	ssyncset.done $0x0  }
0xa4: {  	s25 =	simm.s32 $0x1B8E;
	s24 =	sld [smem:$0x3FFE];
	[sflag:s23] =	ssyncadd.s32 $0xFFFFFFFF  }
0xa5: {  	s26 =	simm.s32 $execute0_lowered;
	[smem:$0x3FD2] =	sst s25  }
0xa6: {  	s4 =	sshll.u32 s26, $0x1;
	_ =	strace $0x8000004F;
	[dreg:$0x1] =	wrdreg $0xFFFFFFFF  }
0xa7: {  	s28 =	simm.s32 $_size_execute0_lowered;
	s2 =	sadd.s32 s2, s4;
	[dreg:$0x0] =	wrdreg $0x0  }
0xa8: {  	s4 =	sshll.u32 s28, $0x1;
	[dreg:$0x2] =	wrdreg s2  }
0xa9: {  	[dreg:$0x3] =	wrdreg s4  }
0xaa: {  	[dreg:$0x4] =	wrdreg $0xC0  }
0xab: {  	_ =	task [dreg:s6], $0x5FFFF  }
0xac: {  	[dreg:$0x1] =	wrdreg $0xFFFFFFFF  }
0xad: {  	[dreg:$0x0] =	wrdreg $0x60  }
0xae: {  	[dreg:$0x2] =	wrdreg s24  }
0xaf: {  	[dreg:$0x3] =	wrdreg $0x91000  }
0xb0: {  	[dreg:$0x4] =	wrdreg $0x9  }
0xb1: {  	_ =	task.clear_ibuf [dreg:s6], $0x5FFFF;
	_ =	strace $0x9000004F  }
0xb2: {  	s29 =	simm.s32 $0x9;
	_ =	strace $0x80000051  }
0xb3: {  	_ =	swait.ge [sflag:s29], $0x1  }
0xb4: {  	[sflag:s29] =	ssyncadd.s32 $0xFFFFFFFF  }
0xb5: {  	_ =	strace $0x90000051  }
0xb6: {  	_ =	sfence  }
0xb7: {  	s30 =	sld [smem:$0x0];
	_ =	sdelay $0x2  }
0xb8: {  	s31 =	sshll.u32 s1, $0xD;
	s1 =	sshrl.u32 s1, $0x2  }
0xb9: {  	s3 =	sand.u32 $0x4000, s31;
	s1 =	sadd.s32 s1, s30  }
0xba: {  	s0 =	sor.u32 s3, s0;
	s1 =	sshll.u32 s1, $0x11  }
0xbb: {  	s0 =	sor.u32 s1, s0  }
0xbc: {  	s0 =	sadd.s32 $0x8F2B, s0  }
0xbd: {  	[sflag:s0] =	ssyncadd.remote.s32 $0x1  }
0xbe: {  	_ =	sfence.sel $0xFFFF  }
0xbf: {  	[dreg:$0x0] =	wrdreg $0xFFFFFFFF;
	(pc) =	sbr.abs _section_cstart, $3  }
0xc0: {  	[dreg:$0x1] =	wrdreg $0xFFFFFFFF  }
0xc1: {  	_ =	task.clear_ibuf [dreg:s6], $0x2FFFF;
	_ =	strace $0x9FFFFFFF  }
0xc2: {  	(tm) =	ssettm $0x7FFFFFFF  }
0xc3: {  	_ =	shalt  }
tec
execute0_lowered:
.L_overlay_start_1:
0x0: {  	(tag) =	ssettag $0x1  }
0x1: {  	s6 =	rddreg [dreg:$0x0]  }
0x2: {  	s0 =	srdreg.scid;
	s2 =	rddreg [dreg:$0x1]  }
0x3: {  	s3 =	simm.s32 $0x0;
	s17 =	simm.s32 $0x5100;
	s18 =	simm.s32 $0x2  }
0x4: {  	s19 =	simm.s32 $0x2880;
	s20 =	simm.s32 $0x80;
	s21 =	simm.s32 $0x2800  }
0x5: {  	s22 =	simm.s32 $0x1;
	s5 =	sand.u32 $0x1, s0;
	s0 =	stileid.u32  }
0x6: {  	s23 =	simm.s32 $0x5080;
	[smem:$0x7FF] =	sst s3;
	s7 =	smul.u32 $0x2800, s0  }
0x7: {  	s1 =	sshll.u32 s5, $0x4;
	s8 =	smul.u32 $0x28000, s5;
	s5 =	ssub.s32 $0x2, s5  }
0x8: {  	s9 =	smul.u32 $0x50000, s0;
	s1 =	sor.u32 s0, s1;
	s31 =	sshrl.u32 s5, $0x1  }
0x9: {  	s4 =	smul.u32 $0x500, s1;
	s1 =	rddreg [dreg:$0x2];
	_ =	strace $0x80000050  }
0xa: {  	s7 =	sadd.s32 s7, s8;
	s9 =	sshrl.u32 s9, $0x2;
	s16 =	ssub.s32 s5, s31  }
0xb: {  	s15 =	sadd.s32 s7, s6;
	s5 =	sadd.s32 s9, s2;
	s16 =	smax.u32 s16, $0x1  }
0xc: {  	s14 =	sadd.s32 s4, s6;
	s4 =	sadd.s32 $0xE200, s6;
	s6 =	sadd.s32 $0x2800, s5  }
0xd: {  	s7 =	sadd.s32 $0x5000, s5;
	s8 =	sadd.s32 $0x7800, s5;
	s9 =	sadd.s32 $0xA000, s5  }
0xe: {  	s10 =	sadd.s32 $0xC800, s5;
	s11 =	sadd.s32 $0xF000, s5;
	s12 =	sadd.s32 $0x11800, s5  }
0xf: {  	v0 =	vimm.f32 $0.0e+00;
	s15 =	sadd.s32 $0x68200, s15;
	s13 =	sadd.s32 $0x5E200, s14;
	s14 =	sadd.s32 $0x4200, s14  }
.LBB2_1:
0x10: {  	s24 =	simm.s32 $0x0;
	s25 =	simm.s32 $0x200  }
.LBB2_2:
0x11: {  	p0 =	sne.s32 s25, $0x9E00;
	[tilespmem:s24+$0x5170] =	vst v0  }
0x12: {  	[tilespmem:s24+$0x5100] =	vst v0  }
0x13: {  	[tilespmem:s24+$0x5110] =	vst v0  }
.Ltmp0:
0x14: {  	[tilespmem:s24+$0x5120] =	vst v0;
	(pc) =	sbr.rel @p0 .LBB2_2-.Ltmp0, $4  }
0x15: {  	[tilespmem:s24+$0x5130] =	vst v0  }
0x16: {  	[tilespmem:s24+$0x5140] =	vst v0  }
0x17: {  	[tilespmem:s24+$0x5150] =	vst v0  }
0x18: {  	[tilespmem:s24+$0x5160] =	vst v0;
	s24 =	sshra.s32 s25, $0x2;
	s25 =	sadd.s32 $0x200, s25  }
0x19: {  	[tilespmem:s24+$0x5170] =	vst v0  }
0x1a: {  	[tilespmem:s24+$0x5100] =	vst v0  }
0x1b: {  	[tilespmem:s24+$0x5110] =	vst v0  }
0x1c: {  	[tilespmem:s24+$0x5120] =	vst v0  }
0x1d: {  	[tilespmem:s24+$0x5130] =	vst v0  }
0x1e: {  	[tilespmem:s24+$0x5140] =	vst v0  }
0x1f: {  	[tilespmem:s24+$0x5150] =	vst v0  }
0x20: {  	[tilespmem:s24+$0x5160] =	vst v0  }
0x21: {  	[spmem:s5] =	stream.linear.scatter [tilespmem:s17], [sflag:$0x2], $0x2800, $0x38;
	[tilespmem:$0x1D100] =	vst v63  }
0x22: {  	_ =	swait.ge [sflag:s18], $0x2800  }
0x23: {  	[sflag:s18] =	ssyncset.done $0x0  }
0x24: {  	[sflag:s18] =	ssyncadd.s32 $0xFFFFD800  }
0x25: {  	[spmem:s6] =	stream.linear.scatter [tilespmem:s17], [sflag:$0x2], $0x2800, $0x38;
	[tilespmem:$0x1D100] =	vst v63  }
0x26: {  	_ =	swait.ge [sflag:s18], $0x2800  }
0x27: {  	[sflag:s18] =	ssyncset.done $0x0  }
0x28: {  	[sflag:s18] =	ssyncadd.s32 $0xFFFFD800  }
0x29: {  	[spmem:s7] =	stream.linear.scatter [tilespmem:s17], [sflag:$0x2], $0x2800, $0x38;
	[tilespmem:$0x1D100] =	vst v63  }
0x2a: {  	_ =	swait.ge [sflag:s18], $0x2800  }
0x2b: {  	[sflag:s18] =	ssyncset.done $0x0  }
0x2c: {  	[sflag:s18] =	ssyncadd.s32 $0xFFFFD800  }
0x2d: {  	[spmem:s8] =	stream.linear.scatter [tilespmem:s17], [sflag:$0x2], $0x2800, $0x38;
	[tilespmem:$0x1D100] =	vst v63  }
0x2e: {  	_ =	swait.ge [sflag:s18], $0x2800  }
0x2f: {  	[sflag:s18] =	ssyncset.done $0x0  }
0x30: {  	[sflag:s18] =	ssyncadd.s32 $0xFFFFD800  }
0x31: {  	[spmem:s9] =	stream.linear.scatter [tilespmem:s17], [sflag:$0x2], $0x2800, $0x38;
	[tilespmem:$0x1D100] =	vst v63  }
0x32: {  	_ =	swait.ge [sflag:s18], $0x2800  }
0x33: {  	[sflag:s18] =	ssyncset.done $0x0  }
0x34: {  	[sflag:s18] =	ssyncadd.s32 $0xFFFFD800  }
0x35: {  	[spmem:s10] =	stream.linear.scatter [tilespmem:s17], [sflag:$0x2], $0x2800, $0x38;
	[tilespmem:$0x1D100] =	vst v63  }
0x36: {  	_ =	swait.ge [sflag:s18], $0x2800  }
0x37: {  	[sflag:s18] =	ssyncset.done $0x0  }
0x38: {  	[sflag:s18] =	ssyncadd.s32 $0xFFFFD800  }
0x39: {  	[spmem:s11] =	stream.linear.scatter [tilespmem:s17], [sflag:$0x2], $0x2800, $0x38;
	[tilespmem:$0x1D100] =	vst v63  }
0x3a: {  	_ =	swait.ge [sflag:s18], $0x2800  }
0x3b: {  	[sflag:s18] =	ssyncset.done $0x0  }
0x3c: {  	[sflag:s18] =	ssyncadd.s32 $0xFFFFD800  }
0x3d: {  	[spmem:s12] =	stream.linear.scatter [tilespmem:s17], [sflag:$0x2], $0x2800, $0x38;
	[tilespmem:$0x1D100] =	vst v63  }
0x3e: {  	_ =	swait.ge [sflag:s18], $0x2800  }
0x3f: {  	[sflag:s18] =	ssyncset.done $0x0  }
0x40: {  	s30 =	simm.s32 $0x0;
	[sflag:s18] =	ssyncadd.s32 $0xFFFFD800  }
0x41: {  	[tilespmem:s30], [sflag:$0x2] =	stream.linear.gather [hbm4b:s13+s30], $0x2800, $0x38;
	[tilespmem:$0x1D100] =	vst v63  }
0x42: {  	_ =	swait.ge [sflag:s18], $0x2800  }
0x43: {  	[sflag:s18] =	ssyncset.done $0x0  }
0x44: {  	[sflag:s18] =	ssyncadd.s32 $0xFFFFD800  }
0x45: {  	[tilespmem:s19], [sflag:$0x2] =	stream.linear.gather [hbm4b:s14+s30], $0x2800, $0x38;
	[tilespmem:$0x1D100] =	vst v63  }
0x46: {  	_ =	swait.ge [sflag:s18], $0x2800  }
0x47: {  	[sflag:s18] =	ssyncset.done $0x0  }
0x48: {  	[sflag:s18] =	ssyncadd.s32 $0xFFFFD800  }
0x49: {  	s31 =	simm.s32 $0x0;
	[bflag:$0x0] =	sbarrier.arrive $0xFFFF  }
0x4a: {  	v1 =	vld [tilespmem:s31+$0x0];
	_ =	sdelay $0x4  }
0x4b: {  	[tilespmem:$0x2800] =	vst v1  }
0x4c: {  	v1 =	vld [tilespmem:s31+$0x10];
	_ =	sdelay $0x4  }
0x4d: {  	[tilespmem:$0x2810] =	vst v1  }
0x4e: {  	v1 =	vld [tilespmem:s31+$0x20];
	_ =	sdelay $0x4  }
0x4f: {  	[tilespmem:$0x2820] =	vst v1  }
0x50: {  	v1 =	vld [tilespmem:s31+$0x30];
	_ =	sdelay $0x4  }
0x51: {  	[tilespmem:$0x2830] =	vst v1  }
0x52: {  	v1 =	vld [tilespmem:s31+$0x40];
	_ =	sdelay $0x4  }
0x53: {  	[tilespmem:$0x2840] =	vst v1  }
0x54: {  	v1 =	vld [tilespmem:s31+$0x50];
	_ =	sdelay $0x4  }
0x55: {  	[tilespmem:$0x2850] =	vst v1  }
0x56: {  	v1 =	vld [tilespmem:s31+$0x60];
	_ =	sdelay $0x4  }
0x57: {  	[tilespmem:$0x2860] =	vst v1  }
0x58: {  	v1 =	vld [tilespmem:s31+$0x70];
	_ =	sdelay $0x4  }
0x59: {  	[tilespmem:$0x2870] =	vst v1  }
0x5a: {  	[tilespmem:s17], [sflag:$0x1] =	stream.indirect.gather [hbm4b:s4+s20], $0x80, s21, s20, $0xb8;
	[tilespmem:$0x1D100] =	vst v63  }
0x5b: {  	_ =	swait.ge [sflag:s22], $0x4000  }
0x5c: {  	[sflag:s22] =	ssyncset.done $0x0  }
0x5d: {  	[sflag:s22] =	ssyncadd.s32 $0xFFFFC000  }
0x5e: {  	v1 =	vld [tilespmem:s31+$0x2880];
	_ =	sdelay $0x4  }
0x5f: {  	[tilespmem:$0x5080] =	vst v1  }
0x60: {  	v1 =	vld [tilespmem:s31+$0x2890];
	_ =	sdelay $0x4  }
0x61: {  	[tilespmem:$0x5090] =	vst v1  }
0x62: {  	v1 =	vld [tilespmem:s31+$0x28A0];
	_ =	sdelay $0x4  }
0x63: {  	[tilespmem:$0x50A0] =	vst v1  }
0x64: {  	v1 =	vld [tilespmem:s31+$0x28B0];
	_ =	sdelay $0x4  }
0x65: {  	[tilespmem:$0x50B0] =	vst v1  }
0x66: {  	v1 =	vld [tilespmem:s31+$0x28C0];
	_ =	sdelay $0x4  }
0x67: {  	[tilespmem:$0x50C0] =	vst v1  }
0x68: {  	v1 =	vld [tilespmem:s31+$0x28D0];
	_ =	sdelay $0x4  }
0x69: {  	[tilespmem:$0x50D0] =	vst v1  }
0x6a: {  	v1 =	vld [tilespmem:s31+$0x28E0];
	_ =	sdelay $0x4  }
0x6b: {  	[tilespmem:$0x50E0] =	vst v1  }
0x6c: {  	v1 =	vld [tilespmem:s31+$0x28F0];
	_ =	sdelay $0x4  }
0x6d: {  	[tilespmem:$0x50F0] =	vst v1  }
0x6e: {  	[spmem:s2] =	stream.indirect.scatter.add.f32 [tilespmem:s17], [sflag:$0x2], $0x80, s23, s20, $0xb8;
	[tilespmem:$0x1D100] =	vst v63  }
0x6f: {  	_ =	swait.ge [sflag:s18], $0x4000  }
0x70: {  	s24 =	simm.s32 $0x200;
	s28 =	simm.s32 $0x400;
	[sflag:s18] =	ssyncset.done $0x0  }
.LBB2_4:
0x71: {  	s26 =	sshra.s32 s24, $0x2  }
0x72: {  	[sflag:s18] =	ssyncadd.s32 $0xFFFFC000;
	s24 =	smov.u32 s28;
	s25 =	sadd.s32 $0x200, s28  }
0x73: {  	p0 =	sne.s32 s28, $0x9E00;
	v1 =	vld [tilespmem:s26+$0x0];
	_ =	sdelay $0x4  }
0x74: {  	[tilespmem:$0x2800] =	vst v1  }
0x75: {  	v1 =	vld [tilespmem:s26+$0x10];
	_ =	sdelay $0x4  }
0x76: {  	[tilespmem:$0x2810] =	vst v1  }
0x77: {  	v1 =	vld [tilespmem:s26+$0x20];
	_ =	sdelay $0x4  }
0x78: {  	[tilespmem:$0x2820] =	vst v1  }
0x79: {  	v1 =	vld [tilespmem:s26+$0x30];
	_ =	sdelay $0x4  }
0x7a: {  	[tilespmem:$0x2830] =	vst v1  }
0x7b: {  	v1 =	vld [tilespmem:s26+$0x40];
	_ =	sdelay $0x4  }
0x7c: {  	[tilespmem:$0x2840] =	vst v1  }
0x7d: {  	v1 =	vld [tilespmem:s26+$0x50];
	_ =	sdelay $0x4  }
0x7e: {  	[tilespmem:$0x2850] =	vst v1  }
0x7f: {  	v1 =	vld [tilespmem:s26+$0x60];
	_ =	sdelay $0x4  }
0x80: {  	[tilespmem:$0x2860] =	vst v1  }
0x81: {  	v1 =	vld [tilespmem:s26+$0x70];
	_ =	sdelay $0x4  }
0x82: {  	[tilespmem:$0x2870] =	vst v1  }
0x83: {  	[tilespmem:s17], [sflag:$0x1] =	stream.indirect.gather [hbm4b:s4+s20], $0x80, s21, s20, $0xb8;
	[tilespmem:$0x1D100] =	vst v63  }
0x84: {  	_ =	swait.ge [sflag:s22], $0x4000  }
0x85: {  	[sflag:s22] =	ssyncset.done $0x0  }
0x86: {  	[sflag:s22] =	ssyncadd.s32 $0xFFFFC000  }
0x87: {  	v1 =	vld [tilespmem:s26+$0x2880];
	_ =	sdelay $0x4  }
0x88: {  	[tilespmem:$0x5080] =	vst v1  }
0x89: {  	v1 =	vld [tilespmem:s26+$0x2890];
	_ =	sdelay $0x4  }
0x8a: {  	[tilespmem:$0x5090] =	vst v1  }
0x8b: {  	v1 =	vld [tilespmem:s26+$0x28A0];
	_ =	sdelay $0x4  }
0x8c: {  	[tilespmem:$0x50A0] =	vst v1  }
0x8d: {  	v1 =	vld [tilespmem:s26+$0x28B0];
	_ =	sdelay $0x4  }
0x8e: {  	[tilespmem:$0x50B0] =	vst v1  }
0x8f: {  	v1 =	vld [tilespmem:s26+$0x28C0];
	_ =	sdelay $0x4  }
0x90: {  	[tilespmem:$0x50C0] =	vst v1  }
0x91: {  	v1 =	vld [tilespmem:s26+$0x28D0];
	_ =	sdelay $0x4  }
0x92: {  	[tilespmem:$0x50D0] =	vst v1  }
0x93: {  	v1 =	vld [tilespmem:s26+$0x28E0];
	_ =	sdelay $0x4  }
0x94: {  	[tilespmem:$0x50E0] =	vst v1  }
0x95: {  	v1 =	vld [tilespmem:s26+$0x28F0];
	_ =	sdelay $0x3  }
.Ltmp1:
0x96: {  	(pc) =	sbr.rel @p0 .LBB2_4-.Ltmp1, $4  }
0x97: {  	[tilespmem:$0x50F0] =	vst v1  }
0x98: {  	[spmem:s2] =	stream.indirect.scatter.add.f32 [tilespmem:s17], [sflag:$0x2], $0x80, s23, s20, $0xb8;
	[tilespmem:$0x1D100] =	vst v63  }
0x99: {  	_ =	swait.ge [sflag:s18], $0x4000  }
0x9a: {  	s28 =	smov.u32 s25;
	[sflag:s18] =	ssyncset.done $0x0  }
0x9b: {  	s24 =	sshra.s32 s24, $0x2;
	[sflag:s18] =	ssyncadd.s32 $0xFFFFC000  }
0x9c: {  	v1 =	vld [tilespmem:s24+$0x0];
	_ =	sdelay $0x4  }
0x9d: {  	[tilespmem:$0x2800] =	vst v1  }
0x9e: {  	v1 =	vld [tilespmem:s24+$0x10];
	_ =	sdelay $0x4  }
0x9f: {  	[tilespmem:$0x2810] =	vst v1  }
0xa0: {  	v1 =	vld [tilespmem:s24+$0x20];
	_ =	sdelay $0x4  }
0xa1: {  	[tilespmem:$0x2820] =	vst v1  }
0xa2: {  	v1 =	vld [tilespmem:s24+$0x30];
	_ =	sdelay $0x4  }
0xa3: {  	[tilespmem:$0x2830] =	vst v1  }
0xa4: {  	v1 =	vld [tilespmem:s24+$0x40];
	_ =	sdelay $0x4  }
0xa5: {  	[tilespmem:$0x2840] =	vst v1  }
0xa6: {  	v1 =	vld [tilespmem:s24+$0x50];
	_ =	sdelay $0x4  }
0xa7: {  	[tilespmem:$0x2850] =	vst v1  }
0xa8: {  	v1 =	vld [tilespmem:s24+$0x60];
	_ =	sdelay $0x4  }
0xa9: {  	[tilespmem:$0x2860] =	vst v1  }
0xaa: {  	v1 =	vld [tilespmem:s24+$0x70];
	_ =	sdelay $0x4  }
0xab: {  	[tilespmem:$0x2870] =	vst v1  }
0xac: {  	[tilespmem:s17], [sflag:$0x1] =	stream.indirect.gather [hbm4b:s4+s20], $0x80, s21, s20, $0xb8;
	[tilespmem:$0x1D100] =	vst v63  }
0xad: {  	_ =	swait.ge [sflag:s22], $0x4000  }
0xae: {  	[sflag:s22] =	ssyncset.done $0x0  }
0xaf: {  	[sflag:s22] =	ssyncadd.s32 $0xFFFFC000  }
0xb0: {  	v1 =	vld [tilespmem:s24+$0x2880];
	_ =	sdelay $0x4  }
0xb1: {  	[tilespmem:$0x5080] =	vst v1  }
0xb2: {  	v1 =	vld [tilespmem:s24+$0x2890];
	_ =	sdelay $0x4  }
0xb3: {  	[tilespmem:$0x5090] =	vst v1  }
0xb4: {  	v1 =	vld [tilespmem:s24+$0x28A0];
	_ =	sdelay $0x4  }
0xb5: {  	[tilespmem:$0x50A0] =	vst v1  }
0xb6: {  	v1 =	vld [tilespmem:s24+$0x28B0];
	_ =	sdelay $0x4  }
0xb7: {  	[tilespmem:$0x50B0] =	vst v1  }
0xb8: {  	v1 =	vld [tilespmem:s24+$0x28C0];
	_ =	sdelay $0x4  }
0xb9: {  	[tilespmem:$0x50C0] =	vst v1  }
0xba: {  	v1 =	vld [tilespmem:s24+$0x28D0];
	_ =	sdelay $0x4  }
0xbb: {  	[tilespmem:$0x50D0] =	vst v1  }
0xbc: {  	v1 =	vld [tilespmem:s24+$0x28E0];
	_ =	sdelay $0x4  }
0xbd: {  	[tilespmem:$0x50E0] =	vst v1  }
0xbe: {  	v1 =	vld [tilespmem:s24+$0x28F0];
	_ =	sdelay $0x4  }
0xbf: {  	[tilespmem:$0x50F0] =	vst v1  }
0xc0: {  	[spmem:s2] =	stream.indirect.scatter.add.f32 [tilespmem:s17], [sflag:$0x2], $0x80, s23, s20, $0xb8;
	[tilespmem:$0x1D100] =	vst v63  }
0xc1: {  	_ =	swait.ge [sflag:s18], $0x4000  }
0xc2: {  	s31 =	sshll.u32 s0, $0x6;
	s3 =	sadd.s32 $0x1, s3;
	[sflag:s18] =	ssyncset.done $0x0  }
0xc3: {  	s25 =	sshrl.u32 s5, $0x3;
	p0 =	sne.s32 s3, s16;
	[sflag:s18] =	ssyncadd.s32 $0xFFFFC000  }
.Ltmp2:
0xc4: {  	s24 =	sor.u32 $0x1C02, s31;
	[bflag:$0x0] =	sbarrier.arrive $0xFFFF;
	(pc) =	sbr.rel @p0 .LBB2_1-.Ltmp2, $4  }
0xc5: {  	[hbm:s15], [sflag:s24] =	dma.local [spmem:s25], $0x2800  }
0xc6: {  	_ =	swait.ge [sflag:s18], $0x2800  }
0xc7: {  	[sflag:s18] =	ssyncset.done $0x0  }
0xc8: {  	[sflag:s18] =	ssyncadd.s32 $0xFFFFD800  }
0xc9: {  	_ =	sfence.sel $0x180000  }
0xca: {  	[bflag:$0x0] =	sbarrier.arrive $0xFFFF  }
0xcb: {  	p0 =	sne.s32 s0, $0x0;
	_ =	strace $0x90000050  }
0xcc: {  	s0 =	sadd.s32 @!p0 $0x100000, s1;
	[bflag:$0x2] =	sbarrier.arrive $0xFFFF  }
0xcd: {  	[sflag:s0] =	ssyncadd.tile.s32 @!p0 $0x1;
	_ =	shalt  }
.Lfunc_end2:
_tile_overlayer_lowered:
.L_overlay_start_2:
0xce: {  	(tag) =	ssettag $0x2  }
0xcf: {  	s0 =	rddreg [dreg:$0x0];
	s2 =	stileid.u32  }
0xd0: {  	s1 =	rddreg [dreg:$0x1];
	p0 =	sne.s32 s2, $0x0  }
0xd1: {  	s3 =	rddreg [dreg:$0x2];
	[bflag:$0x3] =	sbarrier.arrive $0xFFFF;
	s2 =	simm.s32 @!p0 $0x1C02  }
0xd2: {  	[timem:s3], [sflag:s2] =	dma.local @!p0 [hbm:s0], s1  }
0xd3: {  	s0 =	simm.s32 @!p0 $0x2  }
0xd4: {  	_ =	swait.ge @!p0 [sflag:s0], s1  }
0xd5: {  	s1 =	ssub.s32 @!p0 $0x0, s1;
	[sflag:s0] =	ssyncset.done @!p0 $0x0  }
0xd6: {  	[sflag:s0] =	ssyncadd.s32 @!p0 s1  }
0xd7: {  	[bflag:$0x3] =	sbarrier.arrive $0xFFFF  }
0xd8: {  	_ =	shalt  }

</sc_bundles>
